<compile_context>
chip_gen: v7x
topology: tpu7x:2x2x1
jax: 0.10.2.dev20260603
libtpu: 0.0.44.dev20260713+nightly
codegen_flags: <defaults>
</compile_context>

<pallas_src>
import functools
import math

import jax
import jax.numpy as jnp
from jax import lax
from jax.experimental import pallas as pl
from jax.experimental.pallas import tpu as pltpu
from jax.experimental.pallas import tpu_sc as plsc

V = 100000
B = 128
W = 200
PW = 256
PENALTY = 1.05
MAX_ID = V - 1
LN_P = math.log(PENALTY)

NC = 2
NS = 16
NW = NC * NS
ROWS_PER_W = B // NW

VB = 2048
GRID = (V + VB - 1) // VB


def _transpose_body(x_ref, o_ref):
    o_ref[...] = x_ref[...].T


def _counts_body(ids_ref, c_ref):
    ids = ids_ref[...]
    acc = jnp.zeros((B, W), jnp.float32)
    for k0 in range(0, W, 8):
        chunk = ids[:, k0:k0 + 8]
        eq = chunk[:, :, None] == ids[:, None, :]
        acc = acc + jnp.sum(eq.astype(jnp.float32), axis=1)
    cnt = jnp.where(ids >= MAX_ID, 0.0, acc)
    c_ref[:, :W] = cnt
    c_ref[:, W:] = jnp.zeros((B, PW - W), jnp.float32)


def _sc_penalty_body(mflat, ids_hbm, counts_hbm, out_ref,
                     ids_v, gidx_v, sidx_v, g_v, val_v, c_v, sem):
    wid = lax.axis_index("s") * NC + lax.axis_index("c")
    lane = lax.iota(jnp.int32, 16)
    for r in range(ROWS_PER_W):
        b = wid * ROWS_PER_W + r
        pltpu.sync_copy(ids_hbm.at[pl.ds(b * W, W)], ids_v.at[pl.ds(0, W)])
        pltpu.sync_copy(counts_hbm.at[pl.ds(b * PW, PW)], c_v)
        tail = ids_v[pl.ds(192, 16)]
        ids_v[pl.ds(192, 16)] = jnp.where(lane < W - 192, tail, MAX_ID)
        for q in range(13, PW // 16):
            ids_v[pl.ds(q * 16, 16)] = jnp.full((16,), MAX_ID, jnp.int32)
        for j in range(PW // 16):
            t = ids_v[pl.ds(j * 16, 16)]
            gidx_v[j // 8, pl.ds((j % 8) * 16, 16)] = t * B + b
            sidx_v[j // 8, pl.ds((j % 8) * 16, 16)] = b * V + t
        cp0 = pltpu.async_copy(mflat.at[gidx_v.at[0]], g_v.at[0], sem)
        cp1 = pltpu.async_copy(mflat.at[gidx_v.at[1]], g_v.at[1], sem)
        cp0.wait()
        cp1.wait()
        for j in range(PW // 16):
            g = g_v[j // 8, pl.ds((j % 8) * 16, 16)]
            c = c_v[pl.ds(j * 16, 16)]
            a = jnp.exp(c * LN_P)
            val_v[j // 8, pl.ds((j % 8) * 16, 16)] = jnp.where(
                g < 0, g * a, g / a)
        sc0 = pltpu.async_copy(val_v.at[0], out_ref.at[sidx_v.at[0]], sem)
        sc1 = pltpu.async_copy(val_v.at[1], out_ref.at[sidx_v.at[1]], sem)
        sc0.wait()
        sc1.wait()


@functools.cache
def _sc_penalty():
    return functools.partial(
        pl.kernel,
        mesh=plsc.VectorSubcoreMesh(
            core_axis_name="c", subcore_axis_name="s",
            num_cores=NC, num_subcores=NS),
        scratch_types=[
            pltpu.VMEM((PW,), jnp.int32),
            pltpu.VMEM((2, 128), jnp.int32),
            pltpu.VMEM((2, 128), jnp.int32),
            pltpu.VMEM((2, 128), jnp.float32),
            pltpu.VMEM((2, 128), jnp.float32),
            pltpu.VMEM((PW,), jnp.float32),
            pltpu.SemaphoreType.DMA,
        ],
    )(_sc_penalty_body)


def kernel(m_logits, input_ids, valid_len):
    start = jnp.maximum(valid_len - W, 0)
    ids = lax.dynamic_slice_in_dim(input_ids, start, W, axis=1)

    out_t = pl.pallas_call(
        _transpose_body,
        grid=(GRID,),
        in_specs=[pl.BlockSpec((VB, B), lambda i: (i, 0))],
        out_specs=pl.BlockSpec((B, VB), lambda i: (0, i)),
        out_shape=jax.ShapeDtypeStruct((B, V), jnp.float32),
    )(m_logits)

    counts = pl.pallas_call(
        _counts_body,
        in_specs=[pl.BlockSpec((B, W), lambda: (0, 0))],
        out_specs=pl.BlockSpec((B, PW), lambda: (0, 0)),
        out_shape=jax.ShapeDtypeStruct((B, PW), jnp.float32),
    )(ids)

    out_ref = jax.new_ref(out_t.reshape(B * V))
    _sc_penalty()(m_logits.reshape(V * B), ids.reshape(B * W),
                  counts.reshape(B * PW), out_ref)
    return out_ref[...].reshape(B, V)

# --- scband reference (transcript-rebuilt; emitter-appended) ---
"""Pipeline reference for scband-ttssample-head-code-part-42691974922572 (READ-ONLY COPY).

The authoritative reference and input builder live on the scoring server;
editing this copy changes nothing except your own understanding.
"""

import jax, jax.numpy as jnp
import numpy as np

VOCAB = 100000
WINDOW = 200
PENALTY = 1.05
MAX_INPUT_IDS = VOCAB - 1  # vacab_size - 1
BATCH = 128
SEQ = 2048


def setup_inputs(seed: int = 0) -> dict:
    key = jax.random.key(seed)
    k1, k2 = jax.random.split(key)
    m_logits = jax.random.normal(k1, (VOCAB, BATCH), dtype=jnp.float32)
    input_ids = jax.random.randint(k2, (BATCH, SEQ), 0, VOCAB, dtype=jnp.int32)
    return {"m_logits": m_logits, "input_ids": input_ids, "valid_len": SEQ}


def reference(m_logits, input_ids, valid_len):
    # m_logits.transpose(0, 1): [V, B] -> [B, V]
    scores = m_logits.T
    B, V = scores.shape
    # CustomRepetitionPenaltyLogitsProcessorRepeat:
    # look at the last `past_window` valid tokens of each sequence
    start = jnp.maximum(valid_len - WINDOW, 0)
    ids = jax.lax.dynamic_slice_in_dim(input_ids, start, WINDOW, axis=1)  # [B, W]
    # freq = F.one_hot(ids, V).sum(1)  -- implemented as equivalent scatter-add
    freq = jnp.zeros((B, V), dtype=scores.dtype)
    freq = freq.at[jnp.arange(B)[:, None], ids].add(1.0)
    # tokens >= max_input_ids (e.g. EOS code) are not penalized
    freq = freq.at[:, MAX_INPUT_IDS:].set(0.0)
    alpha = jnp.power(jnp.float32(PENALTY), freq)
    scores = jnp.where(scores < 0, scores * alpha, scores / alpha)
    return scores

if __name__ == "__main__":
    import jax
    _d = setup_inputs()
    print(jax.jit(kernel)(*tuple(_d.values())))

</pallas_src>

<mosaic_0001>
#map = affine_map<(d0, d1) -> (0)>
module attributes {stable_mosaic.version = 14 : i64} {
  func.func @new_body(%arg0: i32, %arg1: i32, %arg2: memref<12800000xf32, #tpu.memory_space<hbm>>, %arg3: memref<25600xi32, #tpu.memory_space<hbm>>, %arg4: memref<32768xf32, #tpu.memory_space<hbm>>, %arg5: memref<12800000xf32, #tpu.memory_space<hbm>>, %arg6: memref<12800000xf32, #tpu.memory_space<hbm>>, %arg7: memref<256xi32, #tpu.memory_space<vmem>>, %arg8: memref<2x128xi32, #tpu.memory_space<vmem>>, %arg9: memref<2x128xi32, #tpu.memory_space<vmem>>, %arg10: memref<2x128xf32, #tpu.memory_space<vmem>>, %arg11: memref<2x128xf32, #tpu.memory_space<vmem>>, %arg12: memref<256xf32, #tpu.memory_space<vmem>>, %arg13: memref<!tpu.dma_semaphore, #tpu.memory_space<semaphore_mem>>) attributes {dimension_semantics = [#tpu.dimension_semantics<core_parallel>, #tpu.dimension_semantics<subcore_parallel>], iteration_bounds = array<i64: 2, 16>, scalar_prefetch = 0 : i64, scratch_operands = 7 : i64, tpu.core_type = #tpu.core_type<sc_vector_subcore>, window_params = [{transform_indices = #map}, {transform_indices = #map}, {transform_indices = #map}, {transform_indices = #map}, {transform_indices = #map}]} {
    %mul3A = arith.constant 2 : i32
    %mul3A_0 = arith.muli %arg1, %mul3A : i32
    %add3A = arith.addi %mul3A_0, %arg0 : i32
    %iota3A = tpu.iota {dimensions = array<i32: 0>} : vector<16xi32>
    %mul3A_1 = arith.constant 4 : i32
    %mul3A_2 = arith.muli %add3A, %mul3A_1 : i32
    %add3A_3 = arith.constant 0 : i32
    %add3A_4 = arith.addi %mul3A_2, %add3A_3 : i32
    %mul3A_5 = arith.constant 200 : i32
    %mul3A_6 = arith.muli %add3A_4, %mul3A_5 : i32
    "tpu.region"() ({
      %run_scoped3A = tpu.sem_alloc : memref<!tpu.dma_semaphore, #tpu.memory_space<semaphore_mem>>
      %dma_start3A_3539 = arith.constant 0 : i32
      %dma_start3A_3540 = tpu.memref_slice %arg7[%dma_start3A_3539] : memref<256xi32, #tpu.memory_space<vmem>> -> memref<200xi32, #tpu.memory_space<vmem>>
      %dma_start3A_3541 = tpu.memref_slice %arg3[%mul3A_6] : memref<25600xi32, #tpu.memory_space<hbm>> -> memref<200xi32, #tpu.memory_space<hbm>>
      %dma_start3A_3542 = arith.constant 0 : i32
      %dma_start3A_3543 = tpu.memref_slice %arg7[%dma_start3A_3542] : memref<256xi32, #tpu.memory_space<vmem>> -> memref<200xi32, #tpu.memory_space<vmem>>
      %dma_start3A_3544 = tpu.memref_slice %arg3[%mul3A_6] : memref<25600xi32, #tpu.memory_space<hbm>> -> memref<200xi32, #tpu.memory_space<hbm>>
      tpu.enqueue_dma source(%dma_start3A_3544 : memref<200xi32, #tpu.memory_space<hbm>>) target(%dma_start3A_3543 : memref<200xi32, #tpu.memory_space<vmem>>) target_semaphore(%run_scoped3A : memref<!tpu.dma_semaphore, #tpu.memory_space<semaphore_mem>>)
      %dma_wait3A_3545 = arith.constant 0 : i32
      %dma_wait3A_3546 = tpu.memref_slice %arg7[%dma_wait3A_3545] : memref<256xi32, #tpu.memory_space<vmem>> -> memref<200xi32, #tpu.memory_space<vmem>>
      %dma_wait3A_3547 = tpu.memref_slice %arg3[%mul3A_6] : memref<25600xi32, #tpu.memory_space<hbm>> -> memref<200xi32, #tpu.memory_space<hbm>>
      %dma_wait3A_3548 = arith.constant 0 : i32
      %dma_wait3A_3549 = tpu.memref_slice %arg7[%dma_wait3A_3548] : memref<256xi32, #tpu.memory_space<vmem>> -> memref<200xi32, #tpu.memory_space<vmem>>
      %dma_wait3A_3550 = tpu.memref_slice %arg3[%mul3A_6] : memref<25600xi32, #tpu.memory_space<hbm>> -> memref<200xi32, #tpu.memory_space<hbm>>
      tpu.wait_dma2 semaphore(%run_scoped3A : memref<!tpu.dma_semaphore, #tpu.memory_space<semaphore_mem>>) src(%dma_wait3A_3550 : memref<200xi32, #tpu.memory_space<hbm>>) dst(%dma_wait3A_3549 : memref<200xi32, #tpu.memory_space<vmem>>)
      tpu.yield
    }) : () -> ()
    %mul3A_7 = arith.constant 256 : i32
    %mul3A_8 = arith.muli %add3A_4, %mul3A_7 : i32
    "tpu.region"() ({
      %run_scoped3A = tpu.sem_alloc : memref<!tpu.dma_semaphore, #tpu.memory_space<semaphore_mem>>
      %dma_start3A_3539 = tpu.memref_slice %arg4[%mul3A_8] : memref<32768xf32, #tpu.memory_space<hbm>> -> memref<256xf32, #tpu.memory_space<hbm>>
      %dma_start3A_3540 = tpu.memref_slice %arg4[%mul3A_8] : memref<32768xf32, #tpu.memory_space<hbm>> -> memref<256xf32, #tpu.memory_space<hbm>>
      tpu.enqueue_dma source(%dma_start3A_3540 : memref<256xf32, #tpu.memory_space<hbm>>) target(%arg12 : memref<256xf32, #tpu.memory_space<vmem>>) target_semaphore(%run_scoped3A : memref<!tpu.dma_semaphore, #tpu.memory_space<semaphore_mem>>)
      %dma_wait3A_3541 = tpu.memref_slice %arg4[%mul3A_8] : memref<32768xf32, #tpu.memory_space<hbm>> -> memref<256xf32, #tpu.memory_space<hbm>>
      %dma_wait3A_3542 = tpu.memref_slice %arg4[%mul3A_8] : memref<32768xf32, #tpu.memory_space<hbm>> -> memref<256xf32, #tpu.memory_space<hbm>>
      tpu.wait_dma2 semaphore(%run_scoped3A : memref<!tpu.dma_semaphore, #tpu.memory_space<semaphore_mem>>) src(%dma_wait3A_3542 : memref<256xf32, #tpu.memory_space<hbm>>) dst(%arg12 : memref<256xf32, #tpu.memory_space<vmem>>)
      tpu.yield
    }) : () -> ()
    %get3A = arith.constant 192 : index
    %get3A_9 = tpu.vector_load %arg7[%get3A] {strides = array<i32>} : memref<256xi32, #tpu.memory_space<vmem>>, vector<16xi32>,
    %get3A_10 = vector.shape_cast %get3A_9 : vector<16xi32> to vector<16xi32>
    %lt3A = arith.constant 8 : i32
    %lt3A_11 = vector.broadcast %lt3A : i32 to vector<16xi32>
    %lt3A_12 = arith.cmpi slt, %iota3A, %lt3A_11 : vector<16xi32>
    %jit3A = arith.constant 99999 : i32
    %broadcast_in_dim3A = vector.broadcast %jit3A : i32 to vector<16xi32>
    %select_n3A = arith.select %lt3A_12, %get3A_10, %broadcast_in_dim3A : vector<16xi1>, vector<16xi32>
    %swap3A = arith.constant 192 : index
    %swap3A_13 = tpu.vector_load %arg7[%swap3A] {strides = array<i32>} : memref<256xi32, #tpu.memory_space<vmem>>, vector<16xi32>,
    %swap3A_14 = vector.shape_cast %swap3A_13 : vector<16xi32> to vector<16xi32>
    %swap3A_15 = vector.shape_cast %select_n3A : vector<16xi32> to vector<16xi32>
    tpu.vector_store %arg7[%swap3A], %swap3A_15 {strides = array<i32>} : memref<256xi32, #tpu.memory_space<vmem>>, vector<16xi32>,
    %broadcast_in_dim3A_16 = arith.constant 99999 : i32
    %broadcast_in_dim3A_17 = vector.broadcast %broadcast_in_dim3A_16 : i32 to vector<16xi32>
    %swap3A_18 = arith.constant 208 : index
    %swap3A_19 = tpu.vector_load %arg7[%swap3A_18] {strides = array<i32>} : memref<256xi32, #tpu.memory_space<vmem>>, vector<16xi32>,
    %swap3A_20 = vector.shape_cast %swap3A_19 : vector<16xi32> to vector<16xi32>
    %swap3A_21 = vector.shape_cast %broadcast_in_dim3A_17 : vector<16xi32> to vector<16xi32>
    tpu.vector_store %arg7[%swap3A_18], %swap3A_21 {strides = array<i32>} : memref<256xi32, #tpu.memory_space<vmem>>, vector<16xi32>,
    %broadcast_in_dim3A_22 = arith.constant 99999 : i32
    %broadcast_in_dim3A_23 = vector.broadcast %broadcast_in_dim3A_22 : i32 to vector<16xi32>
    %swap3A_24 = arith.constant 224 : index
    %swap3A_25 = tpu.vector_load %arg7[%swap3A_24] {strides = array<i32>} : memref<256xi32, #tpu.memory_space<vmem>>, vector<16xi32>,
    %swap3A_26 = vector.shape_cast %swap3A_25 : vector<16xi32> to vector<16xi32>
    %swap3A_27 = vector.shape_cast %broadcast_in_dim3A_23 : vector<16xi32> to vector<16xi32>
    tpu.vector_store %arg7[%swap3A_24], %swap3A_27 {strides = array<i32>} : memref<256xi32, #tpu.memory_space<vmem>>, vector<16xi32>,
    %broadcast_in_dim3A_28 = arith.constant 99999 : i32
    %broadcast_in_dim3A_29 = vector.broadcast %broadcast_in_dim3A_28 : i32 to vector<16xi32>
    %swap3A_30 = arith.constant 240 : index
    %swap3A_31 = tpu.vector_load %arg7[%swap3A_30] {strides = array<i32>} : memref<256xi32, #tpu.memory_space<vmem>>, vector<16xi32>,
    %swap3A_32 = vector.shape_cast %swap3A_31 : vector<16xi32> to vector<16xi32>
    %swap3A_33 = vector.shape_cast %broadcast_in_dim3A_29 : vector<16xi32> to vector<16xi32>
    tpu.vector_store %arg7[%swap3A_30], %swap3A_33 {strides = array<i32>} : memref<256xi32, #tpu.memory_space<vmem>>, vector<16xi32>,
    %get3A_34 = arith.constant 0 : index
    %get3A_35 = tpu.vector_load %arg7[%get3A_34] {strides = array<i32>} : memref<256xi32, #tpu.memory_space<vmem>>, vector<16xi32>,
    %get3A_36 = vector.shape_cast %get3A_35 : vector<16xi32> to vector<16xi32>
    %mul3A_37 = arith.constant 128 : i32
    %mul3A_38 = vector.broadcast %mul3A_37 : i32 to vector<16xi32>
    %mul3A_39 = arith.muli %get3A_36, %mul3A_38 : vector<16xi32>
    %add3A_40 = vector.broadcast %add3A_4 : i32 to vector<16xi32>
    %add3A_41 = arith.addi %mul3A_39, %add3A_40 : vector<16xi32>
    %swap3A_42 = arith.constant 0 : i32
    %swap3A_43 = arith.index_cast %swap3A_42 : i32 to index
    %swap3A_44 = arith.constant 0 : index
    %swap3A_45 = tpu.vector_load %arg8[%swap3A_43, %swap3A_44] {strides = array<i32>} : memref<2x128xi32, #tpu.memory_space<vmem>>, vector<1x16xi32>,
    %swap3A_46 = vector.shape_cast %swap3A_45 : vector<1x16xi32> to vector<16xi32>
    %swap3A_47 = vector.shape_cast %add3A_41 : vector<16xi32> to vector<1x16xi32>
    tpu.vector_store %arg8[%swap3A_43, %swap3A_44], %swap3A_47 {strides = array<i32>} : memref<2x128xi32, #tpu.memory_space<vmem>>, vector<1x16xi32>,
    %mul3A_48 = arith.constant 100000 : i32
    %mul3A_49 = arith.muli %add3A_4, %mul3A_48 : i32
    %add3A_50 = vector.broadcast %mul3A_49 : i32 to vector<16xi32>
    %add3A_51 = arith.addi %add3A_50, %get3A_36 : vector<16xi32>
    %swap3A_52 = arith.constant 0 : i32
    %swap3A_53 = arith.index_cast %swap3A_52 : i32 to index
    %swap3A_54 = arith.constant 0 : index
    %swap3A_55 = tpu.vector_load %arg9[%swap3A_53, %swap3A_54] {strides = array<i32>} : memref<2x128xi32, #tpu.memory_space<vmem>>, vector<1x16xi32>,
    %swap3A_56 = vector.shape_cast %swap3A_55 : vector<1x16xi32> to vector<16xi32>
    %swap3A_57 = vector.shape_cast %add3A_51 : vector<16xi32> to vector<1x16xi32>
    tpu.vector_store %arg9[%swap3A_53, %swap3A_54], %swap3A_57 {strides = array<i32>} : memref<2x128xi32, #tpu.memory_space<vmem>>, vector<1x16xi32>,
    %get3A_58 = arith.constant 16 : index
    %get3A_59 = tpu.vector_load %arg7[%get3A_58] {strides = array<i32>} : memref<256xi32, #tpu.memory_space<vmem>>, vector<16xi32>,
    %get3A_60 = vector.shape_cast %get3A_59 : vector<16xi32> to vector<16xi32>
    %mul3A_61 = arith.constant 128 : i32
    %mul3A_62 = vector.broadcast %mul3A_61 : i32 to vector<16xi32>
    %mul3A_63 = arith.muli %get3A_60, %mul3A_62 : vector<16xi32>
    %add3A_64 = vector.broadcast %add3A_4 : i32 to vector<16xi32>
    %add3A_65 = arith.addi %mul3A_63, %add3A_64 : vector<16xi32>
    %swap3A_66 = arith.constant 0 : i32
    %swap3A_67 = arith.index_cast %swap3A_66 : i32 to index
    %swap3A_68 = arith.constant 16 : index
    %swap3A_69 = tpu.vector_load %arg8[%swap3A_67, %swap3A_68] {strides = array<i32>} : memref<2x128xi32, #tpu.memory_space<vmem>>, vector<1x16xi32>,
    %swap3A_70 = vector.shape_cast %swap3A_69 : vector<1x16xi32> to vector<16xi32>
    %swap3A_71 = vector.shape_cast %add3A_65 : vector<16xi32> to vector<1x16xi32>
    tpu.vector_store %arg8[%swap3A_67, %swap3A_68], %swap3A_71 {strides = array<i32>} : memref<2x128xi32, #tpu.memory_space<vmem>>, vector<1x16xi32>,
    %mul3A_72 = arith.constant 100000 : i32
    %mul3A_73 = arith.muli %add3A_4, %mul3A_72 : i32
    %add3A_74 = vector.broadcast %mul3A_73 : i32 to vector<16xi32>
    %add3A_75 = arith.addi %add3A_74, %get3A_60 : vector<16xi32>
    %swap3A_76 = arith.constant 0 : i32
    %swap3A_77 = arith.index_cast %swap3A_76 : i32 to index
    %swap3A_78 = arith.constant 16 : index
    %swap3A_79 = tpu.vector_load %arg9[%swap3A_77, %swap3A_78] {strides = array<i32>} : memref<2x128xi32, #tpu.memory_space<vmem>>, vector<1x16xi32>,
    %swap3A_80 = vector.shape_cast %swap3A_79 : vector<1x16xi32> to vector<16xi32>
    %swap3A_81 = vector.shape_cast %add3A_75 : vector<16xi32> to vector<1x16xi32>
    tpu.vector_store %arg9[%swap3A_77, %swap3A_78], %swap3A_81 {strides = array<i32>} : memref<2x128xi32, #tpu.memory_space<vmem>>, vector<1x16xi32>,
    %get3A_82 = arith.constant 32 : index
    %get3A_83 = tpu.vector_load %arg7[%get3A_82] {strides = array<i32>} : memref<256xi32, #tpu.memory_space<vmem>>, vector<16xi32>,
    %get3A_84 = vector.shape_cast %get3A_83 : vector<16xi32> to vector<16xi32>
    %mul3A_85 = arith.constant 128 : i32
    %mul3A_86 = vector.broadcast %mul3A_85 : i32 to vector<16xi32>
    %mul3A_87 = arith.muli %get3A_84, %mul3A_86 : vector<16xi32>
    %add3A_88 = vector.broadcast %add3A_4 : i32 to vector<16xi32>
    %add3A_89 = arith.addi %mul3A_87, %add3A_88 : vector<16xi32>
    %swap3A_90 = arith.constant 0 : i32
    %swap3A_91 = arith.index_cast %swap3A_90 : i32 to index
    %swap3A_92 = arith.constant 32 : index
    %swap3A_93 = tpu.vector_load %arg8[%swap3A_91, %swap3A_92] {strides = array<i32>} : memref<2x128xi32, #tpu.memory_space<vmem>>, vector<1x16xi32>,
    %swap3A_94 = vector.shape_cast %swap3A_93 : vector<1x16xi32> to vector<16xi32>
    %swap3A_95 = vector.shape_cast %add3A_89 : vector<16xi32> to vector<1x16xi32>
    tpu.vector_store %arg8[%swap3A_91, %swap3A_92], %swap3A_95 {strides = array<i32>} : memref<2x128xi32, #tpu.memory_space<vmem>>, vector<1x16xi32>,
    %mul3A_96 = arith.constant 100000 : i32
    %mul3A_97 = arith.muli %add3A_4, %mul3A_96 : i32
    %add3A_98 = vector.broadcast %mul3A_97 : i32 to vector<16xi32>
    %add3A_99 = arith.addi %add3A_98, %get3A_84 : vector<16xi32>
    %swap3A_100 = arith.constant 0 : i32
    %swap3A_101 = arith.index_cast %swap3A_100 : i32 to index
    %swap3A_102 = arith.constant 32 : index
    %swap3A_103 = tpu.vector_load %arg9[%swap3A_101, %swap3A_102] {strides = array<i32>} : memref<2x128xi32, #tpu.memory_space<vmem>>, vector<1x16xi32>,
    %swap3A_104 = vector.shape_cast %swap3A_103 : vector<1x16xi32> to vector<16xi32>
    %swap3A_105 = vector.shape_cast %add3A_99 : vector<16xi32> to vector<1x16xi32>
    tpu.vector_store %arg9[%swap3A_101, %swap3A_102], %swap3A_105 {strides = array<i32>} : memref<2x128xi32, #tpu.memory_space<vmem>>, vector<1x16xi32>,
    %get3A_106 = arith.constant 48 : index
    %get3A_107 = tpu.vector_load %arg7[%get3A_106] {strides = array<i32>} : memref<256xi32, #tpu.memory_space<vmem>>, vector<16xi32>,
    %get3A_108 = vector.shape_cast %get3A_107 : vector<16xi32> to vector<16xi32>
    %mul3A_109 = arith.constant 128 : i32
    %mul3A_110 = vector.broadcast %mul3A_109 : i32 to vector<16xi32>
    %mul3A_111 = arith.muli %get3A_108, %mul3A_110 : vector<16xi32>
    %add3A_112 = vector.broadcast %add3A_4 : i32 to vector<16xi32>
    %add3A_113 = arith.addi %mul3A_111, %add3A_112 : vector<16xi32>
    %swap3A_114 = arith.constant 0 : i32
    %swap3A_115 = arith.index_cast %swap3A_114 : i32 to index
    %swap3A_116 = arith.constant 48 : index
    %swap3A_117 = tpu.vector_load %arg8[%swap3A_115, %swap3A_116] {strides = array<i32>} : memref<2x128xi32, #tpu.memory_space<vmem>>, vector<1x16xi32>,
    %swap3A_118 = vector.shape_cast %swap3A_117 : vector<1x16xi32> to vector<16xi32>
    %swap3A_119 = vector.shape_cast %add3A_113 : vector<16xi32> to vector<1x16xi32>
    tpu.vector_store %arg8[%swap3A_115, %swap3A_116], %swap3A_119 {strides = array<i32>} : memref<2x128xi32, #tpu.memory_space<vmem>>, vector<1x16xi32>,
    %mul3A_120 = arith.constant 100000 : i32
    %mul3A_121 = arith.muli %add3A_4, %mul3A_120 : i32
    %add3A_122 = vector.broadcast %mul3A_121 : i32 to vector<16xi32>
    %add3A_123 = arith.addi %add3A_122, %get3A_108 : vector<16xi32>
    %swap3A_124 = arith.constant 0 : i32
    %swap3A_125 = arith.index_cast %swap3A_124 : i32 to index
    %swap3A_126 = arith.constant 48 : index
    %swap3A_127 = tpu.vector_load %arg9[%swap3A_125, %swap3A_126] {strides = array<i32>} : memref<2x128xi32, #tpu.memory_space<vmem>>, vector<1x16xi32>,
    %swap3A_128 = vector.shape_cast %swap3A_127 : vector<1x16xi32> to vector<16xi32>
    %swap3A_129 = vector.shape_cast %add3A_123 : vector<16xi32> to vector<1x16xi32>
    tpu.vector_store %arg9[%swap3A_125, %swap3A_126], %swap3A_129 {strides = array<i32>} : memref<2x128xi32, #tpu.memory_space<vmem>>, vector<1x16xi32>,
    %get3A_130 = arith.constant 64 : index
    %get3A_131 = tpu.vector_load %arg7[%get3A_130] {strides = array<i32>} : memref<256xi32, #tpu.memory_space<vmem>>, vector<16xi32>,
    %get3A_132 = vector.shape_cast %get3A_131 : vector<16xi32> to vector<16xi32>
    %mul3A_133 = arith.constant 128 : i32
    %mul3A_134 = vector.broadcast %mul3A_133 : i32 to vector<16xi32>
    %mul3A_135 = arith.muli %get3A_132, %mul3A_134 : vector<16xi32>
    %add3A_136 = vector.broadcast %add3A_4 : i32 to vector<16xi32>
    %add3A_137 = arith.addi %mul3A_135, %add3A_136 : vector<16xi32>
    %swap3A_138 = arith.constant 0 : i32
    %swap3A_139 = arith.index_cast %swap3A_138 : i32 to index
    %swap3A_140 = arith.constant 64 : index
    %swap3A_141 = tpu.vector_load %arg8[%swap3A_139, %swap3A_140] {strides = array<i32>} : memref<2x128xi32, #tpu.memory_space<vmem>>, vector<1x16xi32>,
    %swap3A_142 = vector.shape_cast %swap3A_141 : vector<1x16xi32> to vector<16xi32>
    %swap3A_143 = vector.shape_cast %add3A_137 : vector<16xi32> to vector<1x16xi32>
    tpu.vector_store %arg8[%swap3A_139, %swap3A_140], %swap3A_143 {strides = array<i32>} : memref<2x128xi32, #tpu.memory_space<vmem>>, vector<1x16xi32>,
    %mul3A_144 = arith.constant 100000 : i32
    %mul3A_145 = arith.muli %add3A_4, %mul3A_144 : i32
    %add3A_146 = vector.broadcast %mul3A_145 : i32 to vector<16xi32>
    %add3A_147 = arith.addi %add3A_146, %get3A_132 : vector<16xi32>
    %swap3A_148 = arith.constant 0 : i32
    %swap3A_149 = arith.index_cast %swap3A_148 : i32 to index
    %swap3A_150 = arith.constant 64 : index
    %swap3A_151 = tpu.vector_load %arg9[%swap3A_149, %swap3A_150] {strides = array<i32>} : memref<2x128xi32, #tpu.memory_space<vmem>>, vector<1x16xi32>,
    %swap3A_152 = vector.shape_cast %swap3A_151 : vector<1x16xi32> to vector<16xi32>
    %swap3A_153 = vector.shape_cast %add3A_147 : vector<16xi32> to vector<1x16xi32>
    tpu.vector_store %arg9[%swap3A_149, %swap3A_150], %swap3A_153 {strides = array<i32>} : memref<2x128xi32, #tpu.memory_space<vmem>>, vector<1x16xi32>,
    %get3A_154 = arith.constant 80 : index
    %get3A_155 = tpu.vector_load %arg7[%get3A_154] {strides = array<i32>} : memref<256xi32, #tpu.memory_space<vmem>>, vector<16xi32>,
    %get3A_156 = vector.shape_cast %get3A_155 : vector<16xi32> to vector<16xi32>
    %mul3A_157 = arith.constant 128 : i32
    %mul3A_158 = vector.broadcast %mul3A_157 : i32 to vector<16xi32>
    %mul3A_159 = arith.muli %get3A_156, %mul3A_158 : vector<16xi32>
    %add3A_160 = vector.broadcast %add3A_4 : i32 to vector<16xi32>
    %add3A_161 = arith.addi %mul3A_159, %add3A_160 : vector<16xi32>
    %swap3A_162 = arith.constant 0 : i32
    %swap3A_163 = arith.index_cast %swap3A_162 : i32 to index
    %swap3A_164 = arith.constant 80 : index
    %swap3A_165 = tpu.vector_load %arg8[%swap3A_163, %swap3A_164] {strides = array<i32>} : memref<2x128xi32, #tpu.memory_space<vmem>>, vector<1x16xi32>,
    %swap3A_166 = vector.shape_cast %swap3A_165 : vector<1x16xi32> to vector<16xi32>
    %swap3A_167 = vector.shape_cast %add3A_161 : vector<16xi32> to vector<1x16xi32>
    tpu.vector_store %arg8[%swap3A_163, %swap3A_164], %swap3A_167 {strides = array<i32>} : memref<2x128xi32, #tpu.memory_space<vmem>>, vector<1x16xi32>,
    %mul3A_168 = arith.constant 100000 : i32
    %mul3A_169 = arith.muli %add3A_4, %mul3A_168 : i32
    %add3A_170 = vector.broadcast %mul3A_169 : i32 to vector<16xi32>
    %add3A_171 = arith.addi %add3A_170, %get3A_156 : vector<16xi32>
    %swap3A_172 = arith.constant 0 : i32
    %swap3A_173 = arith.index_cast %swap3A_172 : i32 to index
    %swap3A_174 = arith.constant 80 : index
    %swap3A_175 = tpu.vector_load %arg9[%swap3A_173, %swap3A_174] {strides = array<i32>} : memref<2x128xi32, #tpu.memory_space<vmem>>, vector<1x16xi32>,
    %swap3A_176 = vector.shape_cast %swap3A_175 : vector<1x16xi32> to vector<16xi32>
    %swap3A_177 = vector.shape_cast %add3A_171 : vector<16xi32> to vector<1x16xi32>
    tpu.vector_store %arg9[%swap3A_173, %swap3A_174], %swap3A_177 {strides = array<i32>} : memref<2x128xi32, #tpu.memory_space<vmem>>, vector<1x16xi32>,
    %get3A_178 = arith.constant 96 : index
    %get3A_179 = tpu.vector_load %arg7[%get3A_178] {strides = array<i32>} : memref<256xi32, #tpu.memory_space<vmem>>, vector<16xi32>,
    %get3A_180 = vector.shape_cast %get3A_179 : vector<16xi32> to vector<16xi32>
    %mul3A_181 = arith.constant 128 : i32
    %mul3A_182 = vector.broadcast %mul3A_181 : i32 to vector<16xi32>
    %mul3A_183 = arith.muli %get3A_180, %mul3A_182 : vector<16xi32>
    %add3A_184 = vector.broadcast %add3A_4 : i32 to vector<16xi32>
    %add3A_185 = arith.addi %mul3A_183, %add3A_184 : vector<16xi32>
    %swap3A_186 = arith.constant 0 : i32
    %swap3A_187 = arith.index_cast %swap3A_186 : i32 to index
    %swap3A_188 = arith.constant 96 : index
    %swap3A_189 = tpu.vector_load %arg8[%swap3A_187, %swap3A_188] {strides = array<i32>} : memref<2x128xi32, #tpu.memory_space<vmem>>, vector<1x16xi32>,
    %swap3A_190 = vector.shape_cast %swap3A_189 : vector<1x16xi32> to vector<16xi32>
    %swap3A_191 = vector.shape_cast %add3A_185 : vector<16xi32> to vector<1x16xi32>
    tpu.vector_store %arg8[%swap3A_187, %swap3A_188], %swap3A_191 {strides = array<i32>} : memref<2x128xi32, #tpu.memory_space<vmem>>, vector<1x16xi32>,
    %mul3A_192 = arith.constant 100000 : i32
    %mul3A_193 = arith.muli %add3A_4, %mul3A_192 : i32
    %add3A_194 = vector.broadcast %mul3A_193 : i32 to vector<16xi32>
    %add3A_195 = arith.addi %add3A_194, %get3A_180 : vector<16xi32>
    %swap3A_196 = arith.constant 0 : i32
    %swap3A_197 = arith.index_cast %swap3A_196 : i32 to index
    %swap3A_198 = arith.constant 96 : index
    %swap3A_199 = tpu.vector_load %arg9[%swap3A_197, %swap3A_198] {strides = array<i32>} : memref<2x128xi32, #tpu.memory_space<vmem>>, vector<1x16xi32>,
    %swap3A_200 = vector.shape_cast %swap3A_199 : vector<1x16xi32> to vector<16xi32>
    %swap3A_201 = vector.shape_cast %add3A_195 : vector<16xi32> to vector<1x16xi32>
    tpu.vector_store %arg9[%swap3A_197, %swap3A_198], %swap3A_201 {strides = array<i32>} : memref<2x128xi32, #tpu.memory_space<vmem>>, vector<1x16xi32>,
    %get3A_202 = arith.constant 112 : index
    %get3A_203 = tpu.vector_load %arg7[%get3A_202] {strides = array<i32>} : memref<256xi32, #tpu.memory_space<vmem>>, vector<16xi32>,
    %get3A_204 = vector.shape_cast %get3A_203 : vector<16xi32> to vector<16xi32>
    %mul3A_205 = arith.constant 128 : i32
    %mul3A_206 = vector.broadcast %mul3A_205 : i32 to vector<16xi32>
    %mul3A_207 = arith.muli %get3A_204, %mul3A_206 : vector<16xi32>
    %add3A_208 = vector.broadcast %add3A_4 : i32 to vector<16xi32>
    %add3A_209 = arith.addi %mul3A_207, %add3A_208 : vector<16xi32>
    %swap3A_210 = arith.constant 0 : i32
    %swap3A_211 = arith.index_cast %swap3A_210 : i32 to index
    %swap3A_212 = arith.constant 112 : index
    %swap3A_213 = tpu.vector_load %arg8[%swap3A_211, %swap3A_212] {strides = array<i32>} : memref<2x128xi32, #tpu.memory_space<vmem>>, vector<1x16xi32>,
    %swap3A_214 = vector.shape_cast %swap3A_213 : vector<1x16xi32> to vector<16xi32>
    %swap3A_215 = vector.shape_cast %add3A_209 : vector<16xi32> to vector<1x16xi32>
    tpu.vector_store %arg8[%swap3A_211, %swap3A_212], %swap3A_215 {strides = array<i32>} : memref<2x128xi32, #tpu.memory_space<vmem>>, vector<1x16xi32>,
    %mul3A_216 = arith.constant 100000 : i32
    %mul3A_217 = arith.muli %add3A_4, %mul3A_216 : i32
    %add3A_218 = vector.broadcast %mul3A_217 : i32 to vector<16xi32>
    %add3A_219 = arith.addi %add3A_218, %get3A_204 : vector<16xi32>
    %swap3A_220 = arith.constant 0 : i32
    %swap3A_221 = arith.index_cast %swap3A_220 : i32 to index
    %swap3A_222 = arith.constant 112 : index
    %swap3A_223 = tpu.vector_load %arg9[%swap3A_221, %swap3A_222] {strides = array<i32>} : memref<2x128xi32, #tpu.memory_space<vmem>>, vector<1x16xi32>,
    %swap3A_224 = vector.shape_cast %swap3A_223 : vector<1x16xi32> to vector<16xi32>
    %swap3A_225 = vector.shape_cast %add3A_219 : vector<16xi32> to vector<1x16xi32>
    tpu.vector_store %arg9[%swap3A_221, %swap3A_222], %swap3A_225 {strides = array<i32>} : memref<2x128xi32, #tpu.memory_space<vmem>>, vector<1x16xi32>,
    %get3A_226 = arith.constant 128 : index
    %get3A_227 = tpu.vector_load %arg7[%get3A_226] {strides = array<i32>} : memref<256xi32, #tpu.memory_space<vmem>>, vector<16xi32>,
    %get3A_228 = vector.shape_cast %get3A_227 : vector<16xi32> to vector<16xi32>
    %mul3A_229 = arith.constant 128 : i32
    %mul3A_230 = vector.broadcast %mul3A_229 : i32 to vector<16xi32>
    %mul3A_231 = arith.muli %get3A_228, %mul3A_230 : vector<16xi32>
    %add3A_232 = vector.broadcast %add3A_4 : i32 to vector<16xi32>
    %add3A_233 = arith.addi %mul3A_231, %add3A_232 : vector<16xi32>
    %swap3A_234 = arith.constant 1 : i32
    %swap3A_235 = arith.index_cast %swap3A_234 : i32 to index
    %swap3A_236 = arith.constant 0 : index
    %swap3A_237 = tpu.vector_load %arg8[%swap3A_235, %swap3A_236] {strides = array<i32>} : memref<2x128xi32, #tpu.memory_space<vmem>>, vector<1x16xi32>,
    %swap3A_238 = vector.shape_cast %swap3A_237 : vector<1x16xi32> to vector<16xi32>
    %swap3A_239 = vector.shape_cast %add3A_233 : vector<16xi32> to vector<1x16xi32>
    tpu.vector_store %arg8[%swap3A_235, %swap3A_236], %swap3A_239 {strides = array<i32>} : memref<2x128xi32, #tpu.memory_space<vmem>>, vector<1x16xi32>,
    %mul3A_240 = arith.constant 100000 : i32
    %mul3A_241 = arith.muli %add3A_4, %mul3A_240 : i32
    %add3A_242 = vector.broadcast %mul3A_241 : i32 to vector<16xi32>
    %add3A_243 = arith.addi %add3A_242, %get3A_228 : vector<16xi32>
    %swap3A_244 = arith.constant 1 : i32
    %swap3A_245 = arith.index_cast %swap3A_244 : i32 to index
    %swap3A_246 = arith.constant 0 : index
    %swap3A_247 = tpu.vector_load %arg9[%swap3A_245, %swap3A_246] {strides = array<i32>} : memref<2x128xi32, #tpu.memory_space<vmem>>, vector<1x16xi32>,
    %swap3A_248 = vector.shape_cast %swap3A_247 : vector<1x16xi32> to vector<16xi32>
    %swap3A_249 = vector.shape_cast %add3A_243 : vector<16xi32> to vector<1x16xi32>
    tpu.vector_store %arg9[%swap3A_245, %swap3A_246], %swap3A_249 {strides = array<i32>} : memref<2x128xi32, #tpu.memory_space<vmem>>, vector<1x16xi32>,
    %get3A_250 = arith.constant 144 : index
    %get3A_251 = tpu.vector_load %arg7[%get3A_250] {strides = array<i32>} : memref<256xi32, #tpu.memory_space<vmem>>, vector<16xi32>,
    %get3A_252 = vector.shape_cast %get3A_251 : vector<16xi32> to vector<16xi32>
    %mul3A_253 = arith.constant 128 : i32
    %mul3A_254 = vector.broadcast %mul3A_253 : i32 to vector<16xi32>
    %mul3A_255 = arith.muli %get3A_252, %mul3A_254 : vector<16xi32>
    %add3A_256 = vector.broadcast %add3A_4 : i32 to vector<16xi32>
    %add3A_257 = arith.addi %mul3A_255, %add3A_256 : vector<16xi32>
    %swap3A_258 = arith.constant 1 : i32
    %swap3A_259 = arith.index_cast %swap3A_258 : i32 to index
    %swap3A_260 = arith.constant 16 : index
    %swap3A_261 = tpu.vector_load %arg8[%swap3A_259, %swap3A_260] {strides = array<i32>} : memref<2x128xi32, #tpu.memory_space<vmem>>, vector<1x16xi32>,
    %swap3A_262 = vector.shape_cast %swap3A_261 : vector<1x16xi32> to vector<16xi32>
    %swap3A_263 = vector.shape_cast %add3A_257 : vector<16xi32> to vector<1x16xi32>
    tpu.vector_store %arg8[%swap3A_259, %swap3A_260], %swap3A_263 {strides = array<i32>} : memref<2x128xi32, #tpu.memory_space<vmem>>, vector<1x16xi32>,
    %mul3A_264 = arith.constant 100000 : i32
    %mul3A_265 = arith.muli %add3A_4, %mul3A_264 : i32
    %add3A_266 = vector.broadcast %mul3A_265 : i32 to vector<16xi32>
    %add3A_267 = arith.addi %add3A_266, %get3A_252 : vector<16xi32>
    %swap3A_268 = arith.constant 1 : i32
    %swap3A_269 = arith.index_cast %swap3A_268 : i32 to index
    %swap3A_270 = arith.constant 16 : index
    %swap3A_271 = tpu.vector_load %arg9[%swap3A_269, %swap3A_270] {strides = array<i32>} : memref<2x128xi32, #tpu.memory_space<vmem>>, vector<1x16xi32>,
    %swap3A_272 = vector.shape_cast %swap3A_271 : vector<1x16xi32> to vector<16xi32>
    %swap3A_273 = vector.shape_cast %add3A_267 : vector<16xi32> to vector<1x16xi32>
    tpu.vector_store %arg9[%swap3A_269, %swap3A_270], %swap3A_273 {strides = array<i32>} : memref<2x128xi32, #tpu.memory_space<vmem>>, vector<1x16xi32>,
    %get3A_274 = arith.constant 160 : index
    %get3A_275 = tpu.vector_load %arg7[%get3A_274] {strides = array<i32>} : memref<256xi32, #tpu.memory_space<vmem>>, vector<16xi32>,
    %get3A_276 = vector.shape_cast %get3A_275 : vector<16xi32> to vector<16xi32>
    %mul3A_277 = arith.constant 128 : i32
    %mul3A_278 = vector.broadcast %mul3A_277 : i32 to vector<16xi32>
    %mul3A_279 = arith.muli %get3A_276, %mul3A_278 : vector<16xi32>
    %add3A_280 = vector.broadcast %add3A_4 : i32 to vector<16xi32>
    %add3A_281 = arith.addi %mul3A_279, %add3A_280 : vector<16xi32>
    %swap3A_282 = arith.constant 1 : i32
    %swap3A_283 = arith.index_cast %swap3A_282 : i32 to index
    %swap3A_284 = arith.constant 32 : index
    %swap3A_285 = tpu.vector_load %arg8[%swap3A_283, %swap3A_284] {strides = array<i32>} : memref<2x128xi32, #tpu.memory_space<vmem>>, vector<1x16xi32>,
    %swap3A_286 = vector.shape_cast %swap3A_285 : vector<1x16xi32> to vector<16xi32>
    %swap3A_287 = vector.shape_cast %add3A_281 : vector<16xi32> to vector<1x16xi32>
    tpu.vector_store %arg8[%swap3A_283, %swap3A_284], %swap3A_287 {strides = array<i32>} : memref<2x128xi32, #tpu.memory_space<vmem>>, vector<1x16xi32>,
    %mul3A_288 = arith.constant 100000 : i32
    %mul3A_289 = arith.muli %add3A_4, %mul3A_288 : i32
    %add3A_290 = vector.broadcast %mul3A_289 : i32 to vector<16xi32>
    %add3A_291 = arith.addi %add3A_290, %get3A_276 : vector<16xi32>
    %swap3A_292 = arith.constant 1 : i32
    %swap3A_293 = arith.index_cast %swap3A_292 : i32 to index
    %swap3A_294 = arith.constant 32 : index
    %swap3A_295 = tpu.vector_load %arg9[%swap3A_293, %swap3A_294] {strides = array<i32>} : memref<2x128xi32, #tpu.memory_space<vmem>>, vector<1x16xi32>,
    %swap3A_296 = vector.shape_cast %swap3A_295 : vector<1x16xi32> to vector<16xi32>
    %swap3A_297 = vector.shape_cast %add3A_291 : vector<16xi32> to vector<1x16xi32>
    tpu.vector_store %arg9[%swap3A_293, %swap3A_294], %swap3A_297 {strides = array<i32>} : memref<2x128xi32, #tpu.memory_space<vmem>>, vector<1x16xi32>,
    %get3A_298 = arith.constant 176 : index
    %get3A_299 = tpu.vector_load %arg7[%get3A_298] {strides = array<i32>} : memref<256xi32, #tpu.memory_space<vmem>>, vector<16xi32>,
    %get3A_300 = vector.shape_cast %get3A_299 : vector<16xi32> to vector<16xi32>
    %mul3A_301 = arith.constant 128 : i32
    %mul3A_302 = vector.broadcast %mul3A_301 : i32 to vector<16xi32>
    %mul3A_303 = arith.muli %get3A_300, %mul3A_302 : vector<16xi32>
    %add3A_304 = vector.broadcast %add3A_4 : i32 to vector<16xi32>
    %add3A_305 = arith.addi %mul3A_303, %add3A_304 : vector<16xi32>
    %swap3A_306 = arith.constant 1 : i32
    %swap3A_307 = arith.index_cast %swap3A_306 : i32 to index
    %swap3A_308 = arith.constant 48 : index
    %swap3A_309 = tpu.vector_load %arg8[%swap3A_307, %swap3A_308] {strides = array<i32>} : memref<2x128xi32, #tpu.memory_space<vmem>>, vector<1x16xi32>,
    %swap3A_310 = vector.shape_cast %swap3A_309 : vector<1x16xi32> to vector<16xi32>
    %swap3A_311 = vector.shape_cast %add3A_305 : vector<16xi32> to vector<1x16xi32>
    tpu.vector_store %arg8[%swap3A_307, %swap3A_308], %swap3A_311 {strides = array<i32>} : memref<2x128xi32, #tpu.memory_space<vmem>>, vector<1x16xi32>,
    %mul3A_312 = arith.constant 100000 : i32
    %mul3A_313 = arith.muli %add3A_4, %mul3A_312 : i32
    %add3A_314 = vector.broadcast %mul3A_313 : i32 to vector<16xi32>
    %add3A_315 = arith.addi %add3A_314, %get3A_300 : vector<16xi32>
    %swap3A_316 = arith.constant 1 : i32
    %swap3A_317 = arith.index_cast %swap3A_316 : i32 to index
    %swap3A_318 = arith.constant 48 : index
    %swap3A_319 = tpu.vector_load %arg9[%swap3A_317, %swap3A_318] {strides = array<i32>} : memref<2x128xi32, #tpu.memory_space<vmem>>, vector<1x16xi32>,
    %swap3A_320 = vector.shape_cast %swap3A_319 : vector<1x16xi32> to vector<16xi32>
    %swap3A_321 = vector.shape_cast %add3A_315 : vector<16xi32> to vector<1x16xi32>
    tpu.vector_store %arg9[%swap3A_317, %swap3A_318], %swap3A_321 {strides = array<i32>} : memref<2x128xi32, #tpu.memory_space<vmem>>, vector<1x16xi32>,
    %get3A_322 = arith.constant 192 : index
    %get3A_323 = tpu.vector_load %arg7[%get3A_322] {strides = array<i32>} : memref<256xi32, #tpu.memory_space<vmem>>, vector<16xi32>,
    %get3A_324 = vector.shape_cast %get3A_323 : vector<16xi32> to vector<16xi32>
    %mul3A_325 = arith.constant 128 : i32
    %mul3A_326 = vector.broadcast %mul3A_325 : i32 to vector<16xi32>
    %mul3A_327 = arith.muli %get3A_324, %mul3A_326 : vector<16xi32>
    %add3A_328 = vector.broadcast %add3A_4 : i32 to vector<16xi32>
    %add3A_329 = arith.addi %mul3A_327, %add3A_328 : vector<16xi32>
    %swap3A_330 = arith.constant 1 : i32
    %swap3A_331 = arith.index_cast %swap3A_330 : i32 to index
    %swap3A_332 = arith.constant 64 : index
    %swap3A_333 = tpu.vector_load %arg8[%swap3A_331, %swap3A_332] {strides = array<i32>} : memref<2x128xi32, #tpu.memory_space<vmem>>, vector<1x16xi32>,
    %swap3A_334 = vector.shape_cast %swap3A_333 : vector<1x16xi32> to vector<16xi32>
    %swap3A_335 = vector.shape_cast %add3A_329 : vector<16xi32> to vector<1x16xi32>
    tpu.vector_store %arg8[%swap3A_331, %swap3A_332], %swap3A_335 {strides = array<i32>} : memref<2x128xi32, #tpu.memory_space<vmem>>, vector<1x16xi32>,
    %mul3A_336 = arith.constant 100000 : i32
    %mul3A_337 = arith.muli %add3A_4, %mul3A_336 : i32
    %add3A_338 = vector.broadcast %mul3A_337 : i32 to vector<16xi32>
    %add3A_339 = arith.addi %add3A_338, %get3A_324 : vector<16xi32>
    %swap3A_340 = arith.constant 1 : i32
    %swap3A_341 = arith.index_cast %swap3A_340 : i32 to index
    %swap3A_342 = arith.constant 64 : index
    %swap3A_343 = tpu.vector_load %arg9[%swap3A_341, %swap3A_342] {strides = array<i32>} : memref<2x128xi32, #tpu.memory_space<vmem>>, vector<1x16xi32>,
    %swap3A_344 = vector.shape_cast %swap3A_343 : vector<1x16xi32> to vector<16xi32>
    %swap3A_345 = vector.shape_cast %add3A_339 : vector<16xi32> to vector<1x16xi32>
    tpu.vector_store %arg9[%swap3A_341, %swap3A_342], %swap3A_345 {strides = array<i32>} : memref<2x128xi32, #tpu.memory_space<vmem>>, vector<1x16xi32>,
    %get3A_346 = arith.constant 208 : index
    %get3A_347 = tpu.vector_load %arg7[%get3A_346] {strides = array<i32>} : memref<256xi32, #tpu.memory_space<vmem>>, vector<16xi32>,
    %get3A_348 = vector.shape_cast %get3A_347 : vector<16xi32> to vector<16xi32>
    %mul3A_349 = arith.constant 128 : i32
    %mul3A_350 = vector.broadcast %mul3A_349 : i32 to vector<16xi32>
    %mul3A_351 = arith.muli %get3A_348, %mul3A_350 : vector<16xi32>
    %add3A_352 = vector.broadcast %add3A_4 : i32 to vector<16xi32>
    %add3A_353 = arith.addi %mul3A_351, %add3A_352 : vector<16xi32>
    %swap3A_354 = arith.constant 1 : i32
    %swap3A_355 = arith.index_cast %swap3A_354 : i32 to index
    %swap3A_356 = arith.constant 80 : index
    %swap3A_357 = tpu.vector_load %arg8[%swap3A_355, %swap3A_356] {strides = array<i32>} : memref<2x128xi32, #tpu.memory_space<vmem>>, vector<1x16xi32>,
    %swap3A_358 = vector.shape_cast %swap3A_357 : vector<1x16xi32> to vector<16xi32>
    %swap3A_359 = vector.shape_cast %add3A_353 : vector<16xi32> to vector<1x16xi32>
    tpu.vector_store %arg8[%swap3A_355, %swap3A_356], %swap3A_359 {strides = array<i32>} : memref<2x128xi32, #tpu.memory_space<vmem>>, vector<1x16xi32>,
    %mul3A_360 = arith.constant 100000 : i32
    %mul3A_361 = arith.muli %add3A_4, %mul3A_360 : i32
    %add3A_362 = vector.broadcast %mul3A_361 : i32 to vector<16xi32>
    %add3A_363 = arith.addi %add3A_362, %get3A_348 : vector<16xi32>
    %swap3A_364 = arith.constant 1 : i32
    %swap3A_365 = arith.index_cast %swap3A_364 : i32 to index
    %swap3A_366 = arith.constant 80 : index
    %swap3A_367 = tpu.vector_load %arg9[%swap3A_365, %swap3A_366] {strides = array<i32>} : memref<2x128xi32, #tpu.memory_space<vmem>>, vector<1x16xi32>,
    %swap3A_368 = vector.shape_cast %swap3A_367 : vector<1x16xi32> to vector<16xi32>
    %swap3A_369 = vector.shape_cast %add3A_363 : vector<16xi32> to vector<1x16xi32>
    tpu.vector_store %arg9[%swap3A_365, %swap3A_366], %swap3A_369 {strides = array<i32>} : memref<2x128xi32, #tpu.memory_space<vmem>>, vector<1x16xi32>,
    %get3A_370 = arith.constant 224 : index
    %get3A_371 = tpu.vector_load %arg7[%get3A_370] {strides = array<i32>} : memref<256xi32, #tpu.memory_space<vmem>>, vector<16xi32>,
    %get3A_372 = vector.shape_cast %get3A_371 : vector<16xi32> to vector<16xi32>
    %mul3A_373 = arith.constant 128 : i32
    %mul3A_374 = vector.broadcast %mul3A_373 : i32 to vector<16xi32>
    %mul3A_375 = arith.muli %get3A_372, %mul3A_374 : vector<16xi32>
    %add3A_376 = vector.broadcast %add3A_4 : i32 to vector<16xi32>
    %add3A_377 = arith.addi %mul3A_375, %add3A_376 : vector<16xi32>
    %swap3A_378 = arith.constant 1 : i32
    %swap3A_379 = arith.index_cast %swap3A_378 : i32 to index
    %swap3A_380 = arith.constant 96 : index
    %swap3A_381 = tpu.vector_load %arg8[%swap3A_379, %swap3A_380] {strides = array<i32>} : memref<2x128xi32, #tpu.memory_space<vmem>>, vector<1x16xi32>,
    %swap3A_382 = vector.shape_cast %swap3A_381 : vector<1x16xi32> to vector<16xi32>
    %swap3A_383 = vector.shape_cast %add3A_377 : vector<16xi32> to vector<1x16xi32>
    tpu.vector_store %arg8[%swap3A_379, %swap3A_380], %swap3A_383 {strides = array<i32>} : memref<2x128xi32, #tpu.memory_space<vmem>>, vector<1x16xi32>,
    %mul3A_384 = arith.constant 100000 : i32
    %mul3A_385 = arith.muli %add3A_4, %mul3A_384 : i32
    %add3A_386 = vector.broadcast %mul3A_385 : i32 to vector<16xi32>
    %add3A_387 = arith.addi %add3A_386, %get3A_372 : vector<16xi32>
    %swap3A_388 = arith.constant 1 : i32
    %swap3A_389 = arith.index_cast %swap3A_388 : i32 to index
    %swap3A_390 = arith.constant 96 : index
    %swap3A_391 = tpu.vector_load %arg9[%swap3A_389, %swap3A_390] {strides = array<i32>} : memref<2x128xi32, #tpu.memory_space<vmem>>, vector<1x16xi32>,
    %swap3A_392 = vector.shape_cast %swap3A_391 : vector<1x16xi32> to vector<16xi32>
    %swap3A_393 = vector.shape_cast %add3A_387 : vector<16xi32> to vector<1x16xi32>
    tpu.vector_store %arg9[%swap3A_389, %swap3A_390], %swap3A_393 {strides = array<i32>} : memref<2x128xi32, #tpu.memory_space<vmem>>, vector<1x16xi32>,
    %get3A_394 = arith.constant 240 : index
    %get3A_395 = tpu.vector_load %arg7[%get3A_394] {strides = array<i32>} : memref<256xi32, #tpu.memory_space<vmem>>, vector<16xi32>,
    %get3A_396 = vector.shape_cast %get3A_395 : vector<16xi32> to vector<16xi32>
    %mul3A_397 = arith.constant 128 : i32
    %mul3A_398 = vector.broadcast %mul3A_397 : i32 to vector<16xi32>
    %mul3A_399 = arith.muli %get3A_396, %mul3A_398 : vector<16xi32>
    %add3A_400 = vector.broadcast %add3A_4 : i32 to vector<16xi32>
    %add3A_401 = arith.addi %mul3A_399, %add3A_400 : vector<16xi32>
    %swap3A_402 = arith.constant 1 : i32
    %swap3A_403 = arith.index_cast %swap3A_402 : i32 to index
    %swap3A_404 = arith.constant 112 : index
    %swap3A_405 = tpu.vector_load %arg8[%swap3A_403, %swap3A_404] {strides = array<i32>} : memref<2x128xi32, #tpu.memory_space<vmem>>, vector<1x16xi32>,
    %swap3A_406 = vector.shape_cast %swap3A_405 : vector<1x16xi32> to vector<16xi32>
    %swap3A_407 = vector.shape_cast %add3A_401 : vector<16xi32> to vector<1x16xi32>
    tpu.vector_store %arg8[%swap3A_403, %swap3A_404], %swap3A_407 {strides = array<i32>} : memref<2x128xi32, #tpu.memory_space<vmem>>, vector<1x16xi32>,
    %mul3A_408 = arith.constant 100000 : i32
    %mul3A_409 = arith.muli %add3A_4, %mul3A_408 : i32
    %add3A_410 = vector.broadcast %mul3A_409 : i32 to vector<16xi32>
    %add3A_411 = arith.addi %add3A_410, %get3A_396 : vector<16xi32>
    %swap3A_412 = arith.constant 1 : i32
    %swap3A_413 = arith.index_cast %swap3A_412 : i32 to index
    %swap3A_414 = arith.constant 112 : index
    %swap3A_415 = tpu.vector_load %arg9[%swap3A_413, %swap3A_414] {strides = array<i32>} : memref<2x128xi32, #tpu.memory_space<vmem>>, vector<1x16xi32>,
    %swap3A_416 = vector.shape_cast %swap3A_415 : vector<1x16xi32> to vector<16xi32>
    %swap3A_417 = vector.shape_cast %add3A_411 : vector<16xi32> to vector<1x16xi32>
    tpu.vector_store %arg9[%swap3A_413, %swap3A_414], %swap3A_417 {strides = array<i32>} : memref<2x128xi32, #tpu.memory_space<vmem>>, vector<1x16xi32>,
    %dma_start3A = arith.constant 0 : i32
    %dma_start3A_418 = arith.constant 0 : i32
    %dma_start3A_419 = arith.constant 0 : i32
    %dma_start3A_420 = tpu.memref_slice %arg10[%dma_start3A_418, %dma_start3A_419] : memref<2x128xf32, #tpu.memory_space<vmem>> -> memref<1x128xf32, #tpu.memory_space<vmem>>
    %dma_start3A_421 = tpu.memref_squeeze %dma_start3A_420 : memref<1x128xf32, #tpu.memory_space<vmem>> -> memref<128xf32, #tpu.memory_space<vmem>>
    %dma_start3A_422 = arith.constant 0 : i32
    %dma_start3A_423 = tpu.memref_slice %arg8[%dma_start3A, %dma_start3A_422] : memref<2x128xi32, #tpu.memory_space<vmem>> -> memref<1x128xi32, #tpu.memory_space<vmem>>
    %dma_start3A_424 = tpu.memref_squeeze %dma_start3A_423 : memref<1x128xi32, #tpu.memory_space<vmem>> -> memref<128xi32, #tpu.memory_space<vmem>>
    %dma_start3A_425 = arith.constant 0 : i32
    %dma_start3A_426 = tpu.memref_slice %arg2[%dma_start3A_425] : memref<12800000xf32, #tpu.memory_space<hbm>> -> memref<12800000xf32, #tpu.memory_space<hbm>>
    tpu.enqueue_indirect_dma source(%dma_start3A_426 : memref<12800000xf32, #tpu.memory_space<hbm>>) target(%dma_start3A_421 : memref<128xf32, #tpu.memory_space<vmem>>) offsets(%dma_start3A_424 : memref<128xi32, #tpu.memory_space<vmem>>) semaphore(%arg13 : memref<!tpu.dma_semaphore, #tpu.memory_space<semaphore_mem>>)
    %dma_start3A_427 = arith.constant 1 : i32
    %dma_start3A_428 = arith.constant 1 : i32
    %dma_start3A_429 = arith.constant 0 : i32
    %dma_start3A_430 = tpu.memref_slice %arg10[%dma_start3A_428, %dma_start3A_429] : memref<2x128xf32, #tpu.memory_space<vmem>> -> memref<1x128xf32, #tpu.memory_space<vmem>>
    %dma_start3A_431 = tpu.memref_squeeze %dma_start3A_430 : memref<1x128xf32, #tpu.memory_space<vmem>> -> memref<128xf32, #tpu.memory_space<vmem>>
    %dma_start3A_432 = arith.constant 0 : i32
    %dma_start3A_433 = tpu.memref_slice %arg8[%dma_start3A_427, %dma_start3A_432] : memref<2x128xi32, #tpu.memory_space<vmem>> -> memref<1x128xi32, #tpu.memory_space<vmem>>
    %dma_start3A_434 = tpu.memref_squeeze %dma_start3A_433 : memref<1x128xi32, #tpu.memory_space<vmem>> -> memref<128xi32, #tpu.memory_space<vmem>>
    %dma_start3A_435 = arith.constant 0 : i32
    %dma_start3A_436 = tpu.memref_slice %arg2[%dma_start3A_435] : memref<12800000xf32, #tpu.memory_space<hbm>> -> memref<12800000xf32, #tpu.memory_space<hbm>>
    tpu.enqueue_indirect_dma source(%dma_start3A_436 : memref<12800000xf32, #tpu.memory_space<hbm>>) target(%dma_start3A_431 : memref<128xf32, #tpu.memory_space<vmem>>) offsets(%dma_start3A_434 : memref<128xi32, #tpu.memory_space<vmem>>) semaphore(%arg13 : memref<!tpu.dma_semaphore, #tpu.memory_space<semaphore_mem>>)
    %dma_wait3A = arith.constant 0 : i32
    %dma_wait3A_437 = arith.constant 0 : i32
    %dma_wait3A_438 = arith.constant 0 : i32
    %dma_wait3A_439 = tpu.memref_slice %arg10[%dma_wait3A_437, %dma_wait3A_438] : memref<2x128xf32, #tpu.memory_space<vmem>> -> memref<1x128xf32, #tpu.memory_space<vmem>>
    %dma_wait3A_440 = tpu.memref_squeeze %dma_wait3A_439 : memref<1x128xf32, #tpu.memory_space<vmem>> -> memref<128xf32, #tpu.memory_space<vmem>>
    %dma_wait3A_441 = arith.constant 0 : i32
    %dma_wait3A_442 = tpu.memref_slice %arg8[%dma_wait3A, %dma_wait3A_441] : memref<2x128xi32, #tpu.memory_space<vmem>> -> memref<1x128xi32, #tpu.memory_space<vmem>>
    %dma_wait3A_443 = tpu.memref_squeeze %dma_wait3A_442 : memref<1x128xi32, #tpu.memory_space<vmem>> -> memref<128xi32, #tpu.memory_space<vmem>>
    %dma_wait3A_444 = arith.constant 0 : i32
    %dma_wait3A_445 = tpu.memref_slice %arg2[%dma_wait3A_444] : memref<12800000xf32, #tpu.memory_space<hbm>> -> memref<12800000xf32, #tpu.memory_space<hbm>>
    tpu.wait_indirect_dma semaphore(%arg13 : memref<!tpu.dma_semaphore, #tpu.memory_space<semaphore_mem>>) src(%dma_wait3A_445 : memref<12800000xf32, #tpu.memory_space<hbm>>) dst(%dma_wait3A_440 : memref<128xf32, #tpu.memory_space<vmem>>)
    %dma_wait3A_446 = arith.constant 1 : i32
    %dma_wait3A_447 = arith.constant 1 : i32
    %dma_wait3A_448 = arith.constant 0 : i32
    %dma_wait3A_449 = tpu.memref_slice %arg10[%dma_wait3A_447, %dma_wait3A_448] : memref<2x128xf32, #tpu.memory_space<vmem>> -> memref<1x128xf32, #tpu.memory_space<vmem>>
    %dma_wait3A_450 = tpu.memref_squeeze %dma_wait3A_449 : memref<1x128xf32, #tpu.memory_space<vmem>> -> memref<128xf32, #tpu.memory_space<vmem>>
    %dma_wait3A_451 = arith.constant 0 : i32
    %dma_wait3A_452 = tpu.memref_slice %arg8[%dma_wait3A_446, %dma_wait3A_451] : memref<2x128xi32, #tpu.memory_space<vmem>> -> memref<1x128xi32, #tpu.memory_space<vmem>>
    %dma_wait3A_453 = tpu.memref_squeeze %dma_wait3A_452 : memref<1x128xi32, #tpu.memory_space<vmem>> -> memref<128xi32, #tpu.memory_space<vmem>>
    %dma_wait3A_454 = arith.constant 0 : i32
    %dma_wait3A_455 = tpu.memref_slice %arg2[%dma_wait3A_454] : memref<12800000xf32, #tpu.memory_space<hbm>> -> memref<12800000xf32, #tpu.memory_space<hbm>>
    tpu.wait_indirect_dma semaphore(%arg13 : memref<!tpu.dma_semaphore, #tpu.memory_space<semaphore_mem>>) src(%dma_wait3A_455 : memref<12800000xf32, #tpu.memory_space<hbm>>) dst(%dma_wait3A_450 : memref<128xf32, #tpu.memory_space<vmem>>)
    %get3A_456 = arith.constant 0 : i32
    %get3A_457 = arith.index_cast %get3A_456 : i32 to index
    %get3A_458 = arith.constant 0 : index
    %get3A_459 = tpu.vector_load %arg10[%get3A_457, %get3A_458] {strides = array<i32>} : memref<2x128xf32, #tpu.memory_space<vmem>>, vector<1x16xf32>,
    %get3A_460 = vector.shape_cast %get3A_459 : vector<1x16xf32> to vector<16xf32>
    %get3A_461 = arith.constant 0 : index
    %get3A_462 = tpu.vector_load %arg12[%get3A_461] {strides = array<i32>} : memref<256xf32, #tpu.memory_space<vmem>>, vector<16xf32>,
    %get3A_463 = vector.shape_cast %get3A_462 : vector<16xf32> to vector<16xf32>
    %mul3A_464 = arith.constant 0.0487901643 : f32
    %mul3A_465 = vector.broadcast %mul3A_464 : f32 to vector<16xf32>
    %mul3A_466 = arith.mulf %get3A_463, %mul3A_465 : vector<16xf32>
    %exp3A = math.exp %mul3A_466 : vector<16xf32>
    %lt3A_467 = arith.constant 0.000000e+00 : f32
    %lt3A_468 = vector.broadcast %lt3A_467 : f32 to vector<16xf32>
    %lt3A_469 = arith.cmpf olt, %get3A_460, %lt3A_468 : vector<16xf32>
    %mul3A_470 = arith.mulf %get3A_460, %exp3A : vector<16xf32>
    %div3A = arith.divf %get3A_460, %exp3A : vector<16xf32>
    %select_n3A_471 = arith.select %lt3A_469, %mul3A_470, %div3A : vector<16xi1>, vector<16xf32>
    %swap3A_472 = arith.constant 0 : i32
    %swap3A_473 = arith.index_cast %swap3A_472 : i32 to index
    %swap3A_474 = arith.constant 0 : index
    %swap3A_475 = tpu.vector_load %arg11[%swap3A_473, %swap3A_474] {strides = array<i32>} : memref<2x128xf32, #tpu.memory_space<vmem>>, vector<1x16xf32>,
    %swap3A_476 = vector.shape_cast %swap3A_475 : vector<1x16xf32> to vector<16xf32>
    %swap3A_477 = vector.shape_cast %select_n3A_471 : vector<16xf32> to vector<1x16xf32>
    tpu.vector_store %arg11[%swap3A_473, %swap3A_474], %swap3A_477 {strides = array<i32>} : memref<2x128xf32, #tpu.memory_space<vmem>>, vector<1x16xf32>,
    %get3A_478 = arith.constant 0 : i32
    %get3A_479 = arith.index_cast %get3A_478 : i32 to index
    %get3A_480 = arith.constant 16 : index
    %get3A_481 = tpu.vector_load %arg10[%get3A_479, %get3A_480] {strides = array<i32>} : memref<2x128xf32, #tpu.memory_space<vmem>>, vector<1x16xf32>,
    %get3A_482 = vector.shape_cast %get3A_481 : vector<1x16xf32> to vector<16xf32>
    %get3A_483 = arith.constant 16 : index
    %get3A_484 = tpu.vector_load %arg12[%get3A_483] {strides = array<i32>} : memref<256xf32, #tpu.memory_space<vmem>>, vector<16xf32>,
    %get3A_485 = vector.shape_cast %get3A_484 : vector<16xf32> to vector<16xf32>
    %mul3A_486 = arith.constant 0.0487901643 : f32
    %mul3A_487 = vector.broadcast %mul3A_486 : f32 to vector<16xf32>
    %mul3A_488 = arith.mulf %get3A_485, %mul3A_487 : vector<16xf32>
    %exp3A_489 = math.exp %mul3A_488 : vector<16xf32>
    %lt3A_490 = arith.constant 0.000000e+00 : f32
    %lt3A_491 = vector.broadcast %lt3A_490 : f32 to vector<16xf32>
    %lt3A_492 = arith.cmpf olt, %get3A_482, %lt3A_491 : vector<16xf32>
    %mul3A_493 = arith.mulf %get3A_482, %exp3A_489 : vector<16xf32>
    %div3A_494 = arith.divf %get3A_482, %exp3A_489 : vector<16xf32>
    %select_n3A_495 = arith.select %lt3A_492, %mul3A_493, %div3A_494 : vector<16xi1>, vector<16xf32>
    %swap3A_496 = arith.constant 0 : i32
    %swap3A_497 = arith.index_cast %swap3A_496 : i32 to index
    %swap3A_498 = arith.constant 16 : index
    %swap3A_499 = tpu.vector_load %arg11[%swap3A_497, %swap3A_498] {strides = array<i32>} : memref<2x128xf32, #tpu.memory_space<vmem>>, vector<1x16xf32>,
    %swap3A_500 = vector.shape_cast %swap3A_499 : vector<1x16xf32> to vector<16xf32>
    %swap3A_501 = vector.shape_cast %select_n3A_495 : vector<16xf32> to vector<1x16xf32>
    tpu.vector_store %arg11[%swap3A_497, %swap3A_498], %swap3A_501 {strides = array<i32>} : memref<2x128xf32, #tpu.memory_space<vmem>>, vector<1x16xf32>,
    %get3A_502 = arith.constant 0 : i32
    %get3A_503 = arith.index_cast %get3A_502 : i32 to index
    %get3A_504 = arith.constant 32 : index
    %get3A_505 = tpu.vector_load %arg10[%get3A_503, %get3A_504] {strides = array<i32>} : memref<2x128xf32, #tpu.memory_space<vmem>>, vector<1x16xf32>,
    %get3A_506 = vector.shape_cast %get3A_505 : vector<1x16xf32> to vector<16xf32>
    %get3A_507 = arith.constant 32 : index
    %get3A_508 = tpu.vector_load %arg12[%get3A_507] {strides = array<i32>} : memref<256xf32, #tpu.memory_space<vmem>>, vector<16xf32>,
    %get3A_509 = vector.shape_cast %get3A_508 : vector<16xf32> to vector<16xf32>
    %mul3A_510 = arith.constant 0.0487901643 : f32
    %mul3A_511 = vector.broadcast %mul3A_510 : f32 to vector<16xf32>
    %mul3A_512 = arith.mulf %get3A_509, %mul3A_511 : vector<16xf32>
    %exp3A_513 = math.exp %mul3A_512 : vector<16xf32>
    %lt3A_514 = arith.constant 0.000000e+00 : f32
    %lt3A_515 = vector.broadcast %lt3A_514 : f32 to vector<16xf32>
    %lt3A_516 = arith.cmpf olt, %get3A_506, %lt3A_515 : vector<16xf32>
    %mul3A_517 = arith.mulf %get3A_506, %exp3A_513 : vector<16xf32>
    %div3A_518 = arith.divf %get3A_506, %exp3A_513 : vector<16xf32>
    %select_n3A_519 = arith.select %lt3A_516, %mul3A_517, %div3A_518 : vector<16xi1>, vector<16xf32>
    %swap3A_520 = arith.constant 0 : i32
    %swap3A_521 = arith.index_cast %swap3A_520 : i32 to index
    %swap3A_522 = arith.constant 32 : index
    %swap3A_523 = tpu.vector_load %arg11[%swap3A_521, %swap3A_522] {strides = array<i32>} : memref<2x128xf32, #tpu.memory_space<vmem>>, vector<1x16xf32>,
    %swap3A_524 = vector.shape_cast %swap3A_523 : vector<1x16xf32> to vector<16xf32>
    %swap3A_525 = vector.shape_cast %select_n3A_519 : vector<16xf32> to vector<1x16xf32>
    tpu.vector_store %arg11[%swap3A_521, %swap3A_522], %swap3A_525 {strides = array<i32>} : memref<2x128xf32, #tpu.memory_space<vmem>>, vector<1x16xf32>,
    %get3A_526 = arith.constant 0 : i32
    %get3A_527 = arith.index_cast %get3A_526 : i32 to index
    %get3A_528 = arith.constant 48 : index
    %get3A_529 = tpu.vector_load %arg10[%get3A_527, %get3A_528] {strides = array<i32>} : memref<2x128xf32, #tpu.memory_space<vmem>>, vector<1x16xf32>,
    %get3A_530 = vector.shape_cast %get3A_529 : vector<1x16xf32> to vector<16xf32>
    %get3A_531 = arith.constant 48 : index
    %get3A_532 = tpu.vector_load %arg12[%get3A_531] {strides = array<i32>} : memref<256xf32, #tpu.memory_space<vmem>>, vector<16xf32>,
    %get3A_533 = vector.shape_cast %get3A_532 : vector<16xf32> to vector<16xf32>
    %mul3A_534 = arith.constant 0.0487901643 : f32
    %mul3A_535 = vector.broadcast %mul3A_534 : f32 to vector<16xf32>
    %mul3A_536 = arith.mulf %get3A_533, %mul3A_535 : vector<16xf32>
    %exp3A_537 = math.exp %mul3A_536 : vector<16xf32>
    %lt3A_538 = arith.constant 0.000000e+00 : f32
    %lt3A_539 = vector.broadcast %lt3A_538 : f32 to vector<16xf32>
    %lt3A_540 = arith.cmpf olt, %get3A_530, %lt3A_539 : vector<16xf32>
    %mul3A_541 = arith.mulf %get3A_530, %exp3A_537 : vector<16xf32>
    %div3A_542 = arith.divf %get3A_530, %exp3A_537 : vector<16xf32>
    %select_n3A_543 = arith.select %lt3A_540, %mul3A_541, %div3A_542 : vector<16xi1>, vector<16xf32>
    %swap3A_544 = arith.constant 0 : i32
    %swap3A_545 = arith.index_cast %swap3A_544 : i32 to index
    %swap3A_546 = arith.constant 48 : index
    %swap3A_547 = tpu.vector_load %arg11[%swap3A_545, %swap3A_546] {strides = array<i32>} : memref<2x128xf32, #tpu.memory_space<vmem>>, vector<1x16xf32>,
    %swap3A_548 = vector.shape_cast %swap3A_547 : vector<1x16xf32> to vector<16xf32>
    %swap3A_549 = vector.shape_cast %select_n3A_543 : vector<16xf32> to vector<1x16xf32>
    tpu.vector_store %arg11[%swap3A_545, %swap3A_546], %swap3A_549 {strides = array<i32>} : memref<2x128xf32, #tpu.memory_space<vmem>>, vector<1x16xf32>,
    %get3A_550 = arith.constant 0 : i32
    %get3A_551 = arith.index_cast %get3A_550 : i32 to index
    %get3A_552 = arith.constant 64 : index
    %get3A_553 = tpu.vector_load %arg10[%get3A_551, %get3A_552] {strides = array<i32>} : memref<2x128xf32, #tpu.memory_space<vmem>>, vector<1x16xf32>,
    %get3A_554 = vector.shape_cast %get3A_553 : vector<1x16xf32> to vector<16xf32>
    %get3A_555 = arith.constant 64 : index
    %get3A_556 = tpu.vector_load %arg12[%get3A_555] {strides = array<i32>} : memref<256xf32, #tpu.memory_space<vmem>>, vector<16xf32>,
    %get3A_557 = vector.shape_cast %get3A_556 : vector<16xf32> to vector<16xf32>
    %mul3A_558 = arith.constant 0.0487901643 : f32
    %mul3A_559 = vector.broadcast %mul3A_558 : f32 to vector<16xf32>
    %mul3A_560 = arith.mulf %get3A_557, %mul3A_559 : vector<16xf32>
    %exp3A_561 = math.exp %mul3A_560 : vector<16xf32>
    %lt3A_562 = arith.constant 0.000000e+00 : f32
    %lt3A_563 = vector.broadcast %lt3A_562 : f32 to vector<16xf32>
    %lt3A_564 = arith.cmpf olt, %get3A_554, %lt3A_563 : vector<16xf32>
    %mul3A_565 = arith.mulf %get3A_554, %exp3A_561 : vector<16xf32>
    %div3A_566 = arith.divf %get3A_554, %exp3A_561 : vector<16xf32>
    %select_n3A_567 = arith.select %lt3A_564, %mul3A_565, %div3A_566 : vector<16xi1>, vector<16xf32>
    %swap3A_568 = arith.constant 0 : i32
    %swap3A_569 = arith.index_cast %swap3A_568 : i32 to index
    %swap3A_570 = arith.constant 64 : index
    %swap3A_571 = tpu.vector_load %arg11[%swap3A_569, %swap3A_570] {strides = array<i32>} : memref<2x128xf32, #tpu.memory_space<vmem>>, vector<1x16xf32>,
    %swap3A_572 = vector.shape_cast %swap3A_571 : vector<1x16xf32> to vector<16xf32>
    %swap3A_573 = vector.shape_cast %select_n3A_567 : vector<16xf32> to vector<1x16xf32>
    tpu.vector_store %arg11[%swap3A_569, %swap3A_570], %swap3A_573 {strides = array<i32>} : memref<2x128xf32, #tpu.memory_space<vmem>>, vector<1x16xf32>,
    %get3A_574 = arith.constant 0 : i32
    %get3A_575 = arith.index_cast %get3A_574 : i32 to index
    %get3A_576 = arith.constant 80 : index
    %get3A_577 = tpu.vector_load %arg10[%get3A_575, %get3A_576] {strides = array<i32>} : memref<2x128xf32, #tpu.memory_space<vmem>>, vector<1x16xf32>,
    %get3A_578 = vector.shape_cast %get3A_577 : vector<1x16xf32> to vector<16xf32>
    %get3A_579 = arith.constant 80 : index
    %get3A_580 = tpu.vector_load %arg12[%get3A_579] {strides = array<i32>} : memref<256xf32, #tpu.memory_space<vmem>>, vector<16xf32>,
    %get3A_581 = vector.shape_cast %get3A_580 : vector<16xf32> to vector<16xf32>
    %mul3A_582 = arith.constant 0.0487901643 : f32
    %mul3A_583 = vector.broadcast %mul3A_582 : f32 to vector<16xf32>
    %mul3A_584 = arith.mulf %get3A_581, %mul3A_583 : vector<16xf32>
    %exp3A_585 = math.exp %mul3A_584 : vector<16xf32>
    %lt3A_586 = arith.constant 0.000000e+00 : f32
    %lt3A_587 = vector.broadcast %lt3A_586 : f32 to vector<16xf32>
    %lt3A_588 = arith.cmpf olt, %get3A_578, %lt3A_587 : vector<16xf32>
    %mul3A_589 = arith.mulf %get3A_578, %exp3A_585 : vector<16xf32>
    %div3A_590 = arith.divf %get3A_578, %exp3A_585 : vector<16xf32>
    %select_n3A_591 = arith.select %lt3A_588, %mul3A_589, %div3A_590 : vector<16xi1>, vector<16xf32>
    %swap3A_592 = arith.constant 0 : i32
    %swap3A_593 = arith.index_cast %swap3A_592 : i32 to index
    %swap3A_594 = arith.constant 80 : index
    %swap3A_595 = tpu.vector_load %arg11[%swap3A_593, %swap3A_594] {strides = array<i32>} : memref<2x128xf32, #tpu.memory_space<vmem>>, vector<1x16xf32>,
    %swap3A_596 = vector.shape_cast %swap3A_595 : vector<1x16xf32> to vector<16xf32>
    %swap3A_597 = vector.shape_cast %select_n3A_591 : vector<16xf32> to vector<1x16xf32>
    tpu.vector_store %arg11[%swap3A_593, %swap3A_594], %swap3A_597 {strides = array<i32>} : memref<2x128xf32, #tpu.memory_space<vmem>>, vector<1x16xf32>,
    %get3A_598 = arith.constant 0 : i32
    %get3A_599 = arith.index_cast %get3A_598 : i32 to index
    %get3A_600 = arith.constant 96 : index
    %get3A_601 = tpu.vector_load %arg10[%get3A_599, %get3A_600] {strides = array<i32>} : memref<2x128xf32, #tpu.memory_space<vmem>>, vector<1x16xf32>,
    %get3A_602 = vector.shape_cast %get3A_601 : vector<1x16xf32> to vector<16xf32>
    %get3A_603 = arith.constant 96 : index
    %get3A_604 = tpu.vector_load %arg12[%get3A_603] {strides = array<i32>} : memref<256xf32, #tpu.memory_space<vmem>>, vector<16xf32>,
    %get3A_605 = vector.shape_cast %get3A_604 : vector<16xf32> to vector<16xf32>
    %mul3A_606 = arith.constant 0.0487901643 : f32
    %mul3A_607 = vector.broadcast %mul3A_606 : f32 to vector<16xf32>
    %mul3A_608 = arith.mulf %get3A_605, %mul3A_607 : vector<16xf32>
    %exp3A_609 = math.exp %mul3A_608 : vector<16xf32>
    %lt3A_610 = arith.constant 0.000000e+00 : f32
    %lt3A_611 = vector.broadcast %lt3A_610 : f32 to vector<16xf32>
    %lt3A_612 = arith.cmpf olt, %get3A_602, %lt3A_611 : vector<16xf32>
    %mul3A_613 = arith.mulf %get3A_602, %exp3A_609 : vector<16xf32>
    %div3A_614 = arith.divf %get3A_602, %exp3A_609 : vector<16xf32>
    %select_n3A_615 = arith.select %lt3A_612, %mul3A_613, %div3A_614 : vector<16xi1>, vector<16xf32>
    %swap3A_616 = arith.constant 0 : i32
    %swap3A_617 = arith.index_cast %swap3A_616 : i32 to index
    %swap3A_618 = arith.constant 96 : index
    %swap3A_619 = tpu.vector_load %arg11[%swap3A_617, %swap3A_618] {strides = array<i32>} : memref<2x128xf32, #tpu.memory_space<vmem>>, vector<1x16xf32>,
    %swap3A_620 = vector.shape_cast %swap3A_619 : vector<1x16xf32> to vector<16xf32>
    %swap3A_621 = vector.shape_cast %select_n3A_615 : vector<16xf32> to vector<1x16xf32>
    tpu.vector_store %arg11[%swap3A_617, %swap3A_618], %swap3A_621 {strides = array<i32>} : memref<2x128xf32, #tpu.memory_space<vmem>>, vector<1x16xf32>,
    %get3A_622 = arith.constant 0 : i32
    %get3A_623 = arith.index_cast %get3A_622 : i32 to index
    %get3A_624 = arith.constant 112 : index
    %get3A_625 = tpu.vector_load %arg10[%get3A_623, %get3A_624] {strides = array<i32>} : memref<2x128xf32, #tpu.memory_space<vmem>>, vector<1x16xf32>,
    %get3A_626 = vector.shape_cast %get3A_625 : vector<1x16xf32> to vector<16xf32>
    %get3A_627 = arith.constant 112 : index
    %get3A_628 = tpu.vector_load %arg12[%get3A_627] {strides = array<i32>} : memref<256xf32, #tpu.memory_space<vmem>>, vector<16xf32>,
    %get3A_629 = vector.shape_cast %get3A_628 : vector<16xf32> to vector<16xf32>
    %mul3A_630 = arith.constant 0.0487901643 : f32
    %mul3A_631 = vector.broadcast %mul3A_630 : f32 to vector<16xf32>
    %mul3A_632 = arith.mulf %get3A_629, %mul3A_631 : vector<16xf32>
    %exp3A_633 = math.exp %mul3A_632 : vector<16xf32>
    %lt3A_634 = arith.constant 0.000000e+00 : f32
    %lt3A_635 = vector.broadcast %lt3A_634 : f32 to vector<16xf32>
    %lt3A_636 = arith.cmpf olt, %get3A_626, %lt3A_635 : vector<16xf32>
    %mul3A_637 = arith.mulf %get3A_626, %exp3A_633 : vector<16xf32>
    %div3A_638 = arith.divf %get3A_626, %exp3A_633 : vector<16xf32>
    %select_n3A_639 = arith.select %lt3A_636, %mul3A_637, %div3A_638 : vector<16xi1>, vector<16xf32>
    %swap3A_640 = arith.constant 0 : i32
    %swap3A_641 = arith.index_cast %swap3A_640 : i32 to index
    %swap3A_642 = arith.constant 112 : index
    %swap3A_643 = tpu.vector_load %arg11[%swap3A_641, %swap3A_642] {strides = array<i32>} : memref<2x128xf32, #tpu.memory_space<vmem>>, vector<1x16xf32>,
    %swap3A_644 = vector.shape_cast %swap3A_643 : vector<1x16xf32> to vector<16xf32>
    %swap3A_645 = vector.shape_cast %select_n3A_639 : vector<16xf32> to vector<1x16xf32>
    tpu.vector_store %arg11[%swap3A_641, %swap3A_642], %swap3A_645 {strides = array<i32>} : memref<2x128xf32, #tpu.memory_space<vmem>>, vector<1x16xf32>,
    %get3A_646 = arith.constant 1 : i32
    %get3A_647 = arith.index_cast %get3A_646 : i32 to index
    %get3A_648 = arith.constant 0 : index
    %get3A_649 = tpu.vector_load %arg10[%get3A_647, %get3A_648] {strides = array<i32>} : memref<2x128xf32, #tpu.memory_space<vmem>>, vector<1x16xf32>,
    %get3A_650 = vector.shape_cast %get3A_649 : vector<1x16xf32> to vector<16xf32>
    %get3A_651 = arith.constant 128 : index
    %get3A_652 = tpu.vector_load %arg12[%get3A_651] {strides = array<i32>} : memref<256xf32, #tpu.memory_space<vmem>>, vector<16xf32>,
    %get3A_653 = vector.shape_cast %get3A_652 : vector<16xf32> to vector<16xf32>
    %mul3A_654 = arith.constant 0.0487901643 : f32
    %mul3A_655 = vector.broadcast %mul3A_654 : f32 to vector<16xf32>
    %mul3A_656 = arith.mulf %get3A_653, %mul3A_655 : vector<16xf32>
    %exp3A_657 = math.exp %mul3A_656 : vector<16xf32>
    %lt3A_658 = arith.constant 0.000000e+00 : f32
    %lt3A_659 = vector.broadcast %lt3A_658 : f32 to vector<16xf32>
    %lt3A_660 = arith.cmpf olt, %get3A_650, %lt3A_659 : vector<16xf32>
    %mul3A_661 = arith.mulf %get3A_650, %exp3A_657 : vector<16xf32>
    %div3A_662 = arith.divf %get3A_650, %exp3A_657 : vector<16xf32>
    %select_n3A_663 = arith.select %lt3A_660, %mul3A_661, %div3A_662 : vector<16xi1>, vector<16xf32>
    %swap3A_664 = arith.constant 1 : i32
    %swap3A_665 = arith.index_cast %swap3A_664 : i32 to index
    %swap3A_666 = arith.constant 0 : index
    %swap3A_667 = tpu.vector_load %arg11[%swap3A_665, %swap3A_666] {strides = array<i32>} : memref<2x128xf32, #tpu.memory_space<vmem>>, vector<1x16xf32>,
    %swap3A_668 = vector.shape_cast %swap3A_667 : vector<1x16xf32> to vector<16xf32>
    %swap3A_669 = vector.shape_cast %select_n3A_663 : vector<16xf32> to vector<1x16xf32>
    tpu.vector_store %arg11[%swap3A_665, %swap3A_666], %swap3A_669 {strides = array<i32>} : memref<2x128xf32, #tpu.memory_space<vmem>>, vector<1x16xf32>,
    %get3A_670 = arith.constant 1 : i32
    %get3A_671 = arith.index_cast %get3A_670 : i32 to index
    %get3A_672 = arith.constant 16 : index
    %get3A_673 = tpu.vector_load %arg10[%get3A_671, %get3A_672] {strides = array<i32>} : memref<2x128xf32, #tpu.memory_space<vmem>>, vector<1x16xf32>,
    %get3A_674 = vector.shape_cast %get3A_673 : vector<1x16xf32> to vector<16xf32>
    %get3A_675 = arith.constant 144 : index
    %get3A_676 = tpu.vector_load %arg12[%get3A_675] {strides = array<i32>} : memref<256xf32, #tpu.memory_space<vmem>>, vector<16xf32>,
    %get3A_677 = vector.shape_cast %get3A_676 : vector<16xf32> to vector<16xf32>
    %mul3A_678 = arith.constant 0.0487901643 : f32
    %mul3A_679 = vector.broadcast %mul3A_678 : f32 to vector<16xf32>
    %mul3A_680 = arith.mulf %get3A_677, %mul3A_679 : vector<16xf32>
    %exp3A_681 = math.exp %mul3A_680 : vector<16xf32>
    %lt3A_682 = arith.constant 0.000000e+00 : f32
    %lt3A_683 = vector.broadcast %lt3A_682 : f32 to vector<16xf32>
    %lt3A_684 = arith.cmpf olt, %get3A_674, %lt3A_683 : vector<16xf32>
    %mul3A_685 = arith.mulf %get3A_674, %exp3A_681 : vector<16xf32>
    %div3A_686 = arith.divf %get3A_674, %exp3A_681 : vector<16xf32>
    %select_n3A_687 = arith.select %lt3A_684, %mul3A_685, %div3A_686 : vector<16xi1>, vector<16xf32>
    %swap3A_688 = arith.constant 1 : i32
    %swap3A_689 = arith.index_cast %swap3A_688 : i32 to index
    %swap3A_690 = arith.constant 16 : index
    %swap3A_691 = tpu.vector_load %arg11[%swap3A_689, %swap3A_690] {strides = array<i32>} : memref<2x128xf32, #tpu.memory_space<vmem>>, vector<1x16xf32>,
    %swap3A_692 = vector.shape_cast %swap3A_691 : vector<1x16xf32> to vector<16xf32>
    %swap3A_693 = vector.shape_cast %select_n3A_687 : vector<16xf32> to vector<1x16xf32>
    tpu.vector_store %arg11[%swap3A_689, %swap3A_690], %swap3A_693 {strides = array<i32>} : memref<2x128xf32, #tpu.memory_space<vmem>>, vector<1x16xf32>,
    %get3A_694 = arith.constant 1 : i32
    %get3A_695 = arith.index_cast %get3A_694 : i32 to index
    %get3A_696 = arith.constant 32 : index
    %get3A_697 = tpu.vector_load %arg10[%get3A_695, %get3A_696] {strides = array<i32>} : memref<2x128xf32, #tpu.memory_space<vmem>>, vector<1x16xf32>,
    %get3A_698 = vector.shape_cast %get3A_697 : vector<1x16xf32> to vector<16xf32>
    %get3A_699 = arith.constant 160 : index
    %get3A_700 = tpu.vector_load %arg12[%get3A_699] {strides = array<i32>} : memref<256xf32, #tpu.memory_space<vmem>>, vector<16xf32>,
    %get3A_701 = vector.shape_cast %get3A_700 : vector<16xf32> to vector<16xf32>
    %mul3A_702 = arith.constant 0.0487901643 : f32
    %mul3A_703 = vector.broadcast %mul3A_702 : f32 to vector<16xf32>
    %mul3A_704 = arith.mulf %get3A_701, %mul3A_703 : vector<16xf32>
    %exp3A_705 = math.exp %mul3A_704 : vector<16xf32>
    %lt3A_706 = arith.constant 0.000000e+00 : f32
    %lt3A_707 = vector.broadcast %lt3A_706 : f32 to vector<16xf32>
    %lt3A_708 = arith.cmpf olt, %get3A_698, %lt3A_707 : vector<16xf32>
    %mul3A_709 = arith.mulf %get3A_698, %exp3A_705 : vector<16xf32>
    %div3A_710 = arith.divf %get3A_698, %exp3A_705 : vector<16xf32>
    %select_n3A_711 = arith.select %lt3A_708, %mul3A_709, %div3A_710 : vector<16xi1>, vector<16xf32>
    %swap3A_712 = arith.constant 1 : i32
    %swap3A_713 = arith.index_cast %swap3A_712 : i32 to index
    %swap3A_714 = arith.constant 32 : index
    %swap3A_715 = tpu.vector_load %arg11[%swap3A_713, %swap3A_714] {strides = array<i32>} : memref<2x128xf32, #tpu.memory_space<vmem>>, vector<1x16xf32>,
    %swap3A_716 = vector.shape_cast %swap3A_715 : vector<1x16xf32> to vector<16xf32>
    %swap3A_717 = vector.shape_cast %select_n3A_711 : vector<16xf32> to vector<1x16xf32>
    tpu.vector_store %arg11[%swap3A_713, %swap3A_714], %swap3A_717 {strides = array<i32>} : memref<2x128xf32, #tpu.memory_space<vmem>>, vector<1x16xf32>,
    %get3A_718 = arith.constant 1 : i32
    %get3A_719 = arith.index_cast %get3A_718 : i32 to index
    %get3A_720 = arith.constant 48 : index
    %get3A_721 = tpu.vector_load %arg10[%get3A_719, %get3A_720] {strides = array<i32>} : memref<2x128xf32, #tpu.memory_space<vmem>>, vector<1x16xf32>,
    %get3A_722 = vector.shape_cast %get3A_721 : vector<1x16xf32> to vector<16xf32>
    %get3A_723 = arith.constant 176 : index
    %get3A_724 = tpu.vector_load %arg12[%get3A_723] {strides = array<i32>} : memref<256xf32, #tpu.memory_space<vmem>>, vector<16xf32>,
    %get3A_725 = vector.shape_cast %get3A_724 : vector<16xf32> to vector<16xf32>
    %mul3A_726 = arith.constant 0.0487901643 : f32
    %mul3A_727 = vector.broadcast %mul3A_726 : f32 to vector<16xf32>
    %mul3A_728 = arith.mulf %get3A_725, %mul3A_727 : vector<16xf32>
    %exp3A_729 = math.exp %mul3A_728 : vector<16xf32>
    %lt3A_730 = arith.constant 0.000000e+00 : f32
    %lt3A_731 = vector.broadcast %lt3A_730 : f32 to vector<16xf32>
    %lt3A_732 = arith.cmpf olt, %get3A_722, %lt3A_731 : vector<16xf32>
    %mul3A_733 = arith.mulf %get3A_722, %exp3A_729 : vector<16xf32>
    %div3A_734 = arith.divf %get3A_722, %exp3A_729 : vector<16xf32>
    %select_n3A_735 = arith.select %lt3A_732, %mul3A_733, %div3A_734 : vector<16xi1>, vector<16xf32>
    %swap3A_736 = arith.constant 1 : i32
    %swap3A_737 = arith.index_cast %swap3A_736 : i32 to index
    %swap3A_738 = arith.constant 48 : index
    %swap3A_739 = tpu.vector_load %arg11[%swap3A_737, %swap3A_738] {strides = array<i32>} : memref<2x128xf32, #tpu.memory_space<vmem>>, vector<1x16xf32>,
    %swap3A_740 = vector.shape_cast %swap3A_739 : vector<1x16xf32> to vector<16xf32>
    %swap3A_741 = vector.shape_cast %select_n3A_735 : vector<16xf32> to vector<1x16xf32>
    tpu.vector_store %arg11[%swap3A_737, %swap3A_738], %swap3A_741 {strides = array<i32>} : memref<2x128xf32, #tpu.memory_space<vmem>>, vector<1x16xf32>,
    %get3A_742 = arith.constant 1 : i32
    %get3A_743 = arith.index_cast %get3A_742 : i32 to index
    %get3A_744 = arith.constant 64 : index
    %get3A_745 = tpu.vector_load %arg10[%get3A_743, %get3A_744] {strides = array<i32>} : memref<2x128xf32, #tpu.memory_space<vmem>>, vector<1x16xf32>,
    %get3A_746 = vector.shape_cast %get3A_745 : vector<1x16xf32> to vector<16xf32>
    %get3A_747 = arith.constant 192 : index
    %get3A_748 = tpu.vector_load %arg12[%get3A_747] {strides = array<i32>} : memref<256xf32, #tpu.memory_space<vmem>>, vector<16xf32>,
    %get3A_749 = vector.shape_cast %get3A_748 : vector<16xf32> to vector<16xf32>
    %mul3A_750 = arith.constant 0.0487901643 : f32
    %mul3A_751 = vector.broadcast %mul3A_750 : f32 to vector<16xf32>
    %mul3A_752 = arith.mulf %get3A_749, %mul3A_751 : vector<16xf32>
    %exp3A_753 = math.exp %mul3A_752 : vector<16xf32>
    %lt3A_754 = arith.constant 0.000000e+00 : f32
    %lt3A_755 = vector.broadcast %lt3A_754 : f32 to vector<16xf32>
    %lt3A_756 = arith.cmpf olt, %get3A_746, %lt3A_755 : vector<16xf32>
    %mul3A_757 = arith.mulf %get3A_746, %exp3A_753 : vector<16xf32>
    %div3A_758 = arith.divf %get3A_746, %exp3A_753 : vector<16xf32>
    %select_n3A_759 = arith.select %lt3A_756, %mul3A_757, %div3A_758 : vector<16xi1>, vector<16xf32>
    %swap3A_760 = arith.constant 1 : i32
    %swap3A_761 = arith.index_cast %swap3A_760 : i32 to index
    %swap3A_762 = arith.constant 64 : index
    %swap3A_763 = tpu.vector_load %arg11[%swap3A_761, %swap3A_762] {strides = array<i32>} : memref<2x128xf32, #tpu.memory_space<vmem>>, vector<1x16xf32>,
    %swap3A_764 = vector.shape_cast %swap3A_763 : vector<1x16xf32> to vector<16xf32>
    %swap3A_765 = vector.shape_cast %select_n3A_759 : vector<16xf32> to vector<1x16xf32>
    tpu.vector_store %arg11[%swap3A_761, %swap3A_762], %swap3A_765 {strides = array<i32>} : memref<2x128xf32, #tpu.memory_space<vmem>>, vector<1x16xf32>,
    %get3A_766 = arith.constant 1 : i32
    %get3A_767 = arith.index_cast %get3A_766 : i32 to index
    %get3A_768 = arith.constant 80 : index
    %get3A_769 = tpu.vector_load %arg10[%get3A_767, %get3A_768] {strides = array<i32>} : memref<2x128xf32, #tpu.memory_space<vmem>>, vector<1x16xf32>,
    %get3A_770 = vector.shape_cast %get3A_769 : vector<1x16xf32> to vector<16xf32>
    %get3A_771 = arith.constant 208 : index
    %get3A_772 = tpu.vector_load %arg12[%get3A_771] {strides = array<i32>} : memref<256xf32, #tpu.memory_space<vmem>>, vector<16xf32>,
    %get3A_773 = vector.shape_cast %get3A_772 : vector<16xf32> to vector<16xf32>
    %mul3A_774 = arith.constant 0.0487901643 : f32
    %mul3A_775 = vector.broadcast %mul3A_774 : f32 to vector<16xf32>
    %mul3A_776 = arith.mulf %get3A_773, %mul3A_775 : vector<16xf32>
    %exp3A_777 = math.exp %mul3A_776 : vector<16xf32>
    %lt3A_778 = arith.constant 0.000000e+00 : f32
    %lt3A_779 = vector.broadcast %lt3A_778 : f32 to vector<16xf32>
    %lt3A_780 = arith.cmpf olt, %get3A_770, %lt3A_779 : vector<16xf32>
    %mul3A_781 = arith.mulf %get3A_770, %exp3A_777 : vector<16xf32>
    %div3A_782 = arith.divf %get3A_770, %exp3A_777 : vector<16xf32>
    %select_n3A_783 = arith.select %lt3A_780, %mul3A_781, %div3A_782 : vector<16xi1>, vector<16xf32>
    %swap3A_784 = arith.constant 1 : i32
    %swap3A_785 = arith.index_cast %swap3A_784 : i32 to index
    %swap3A_786 = arith.constant 80 : index
    %swap3A_787 = tpu.vector_load %arg11[%swap3A_785, %swap3A_786] {strides = array<i32>} : memref<2x128xf32, #tpu.memory_space<vmem>>, vector<1x16xf32>,
    %swap3A_788 = vector.shape_cast %swap3A_787 : vector<1x16xf32> to vector<16xf32>
    %swap3A_789 = vector.shape_cast %select_n3A_783 : vector<16xf32> to vector<1x16xf32>
    tpu.vector_store %arg11[%swap3A_785, %swap3A_786], %swap3A_789 {strides = array<i32>} : memref<2x128xf32, #tpu.memory_space<vmem>>, vector<1x16xf32>,
    %get3A_790 = arith.constant 1 : i32
    %get3A_791 = arith.index_cast %get3A_790 : i32 to index
    %get3A_792 = arith.constant 96 : index
    %get3A_793 = tpu.vector_load %arg10[%get3A_791, %get3A_792] {strides = array<i32>} : memref<2x128xf32, #tpu.memory_space<vmem>>, vector<1x16xf32>,
    %get3A_794 = vector.shape_cast %get3A_793 : vector<1x16xf32> to vector<16xf32>
    %get3A_795 = arith.constant 224 : index
    %get3A_796 = tpu.vector_load %arg12[%get3A_795] {strides = array<i32>} : memref<256xf32, #tpu.memory_space<vmem>>, vector<16xf32>,
    %get3A_797 = vector.shape_cast %get3A_796 : vector<16xf32> to vector<16xf32>
    %mul3A_798 = arith.constant 0.0487901643 : f32
    %mul3A_799 = vector.broadcast %mul3A_798 : f32 to vector<16xf32>
    %mul3A_800 = arith.mulf %get3A_797, %mul3A_799 : vector<16xf32>
    %exp3A_801 = math.exp %mul3A_800 : vector<16xf32>
    %lt3A_802 = arith.constant 0.000000e+00 : f32
    %lt3A_803 = vector.broadcast %lt3A_802 : f32 to vector<16xf32>
    %lt3A_804 = arith.cmpf olt, %get3A_794, %lt3A_803 : vector<16xf32>
    %mul3A_805 = arith.mulf %get3A_794, %exp3A_801 : vector<16xf32>
    %div3A_806 = arith.divf %get3A_794, %exp3A_801 : vector<16xf32>
    %select_n3A_807 = arith.select %lt3A_804, %mul3A_805, %div3A_806 : vector<16xi1>, vector<16xf32>
    %swap3A_808 = arith.constant 1 : i32
    %swap3A_809 = arith.index_cast %swap3A_808 : i32 to index
    %swap3A_810 = arith.constant 96 : index
    %swap3A_811 = tpu.vector_load %arg11[%swap3A_809, %swap3A_810] {strides = array<i32>} : memref<2x128xf32, #tpu.memory_space<vmem>>, vector<1x16xf32>,
    %swap3A_812 = vector.shape_cast %swap3A_811 : vector<1x16xf32> to vector<16xf32>
    %swap3A_813 = vector.shape_cast %select_n3A_807 : vector<16xf32> to vector<1x16xf32>
    tpu.vector_store %arg11[%swap3A_809, %swap3A_810], %swap3A_813 {strides = array<i32>} : memref<2x128xf32, #tpu.memory_space<vmem>>, vector<1x16xf32>,
    %get3A_814 = arith.constant 1 : i32
    %get3A_815 = arith.index_cast %get3A_814 : i32 to index
    %get3A_816 = arith.constant 112 : index
    %get3A_817 = tpu.vector_load %arg10[%get3A_815, %get3A_816] {strides = array<i32>} : memref<2x128xf32, #tpu.memory_space<vmem>>, vector<1x16xf32>,
    %get3A_818 = vector.shape_cast %get3A_817 : vector<1x16xf32> to vector<16xf32>
    %get3A_819 = arith.constant 240 : index
    %get3A_820 = tpu.vector_load %arg12[%get3A_819] {strides = array<i32>} : memref<256xf32, #tpu.memory_space<vmem>>, vector<16xf32>,
    %get3A_821 = vector.shape_cast %get3A_820 : vector<16xf32> to vector<16xf32>
    %mul3A_822 = arith.constant 0.0487901643 : f32
    %mul3A_823 = vector.broadcast %mul3A_822 : f32 to vector<16xf32>
    %mul3A_824 = arith.mulf %get3A_821, %mul3A_823 : vector<16xf32>
    %exp3A_825 = math.exp %mul3A_824 : vector<16xf32>
    %lt3A_826 = arith.constant 0.000000e+00 : f32
    %lt3A_827 = vector.broadcast %lt3A_826 : f32 to vector<16xf32>
    %lt3A_828 = arith.cmpf olt, %get3A_818, %lt3A_827 : vector<16xf32>
    %mul3A_829 = arith.mulf %get3A_818, %exp3A_825 : vector<16xf32>
    %div3A_830 = arith.divf %get3A_818, %exp3A_825 : vector<16xf32>
    %select_n3A_831 = arith.select %lt3A_828, %mul3A_829, %div3A_830 : vector<16xi1>, vector<16xf32>
    %swap3A_832 = arith.constant 1 : i32
    %swap3A_833 = arith.index_cast %swap3A_832 : i32 to index
    %swap3A_834 = arith.constant 112 : index
    %swap3A_835 = tpu.vector_load %arg11[%swap3A_833, %swap3A_834] {strides = array<i32>} : memref<2x128xf32, #tpu.memory_space<vmem>>, vector<1x16xf32>,
    %swap3A_836 = vector.shape_cast %swap3A_835 : vector<1x16xf32> to vector<16xf32>
    %swap3A_837 = vector.shape_cast %select_n3A_831 : vector<16xf32> to vector<1x16xf32>
    tpu.vector_store %arg11[%swap3A_833, %swap3A_834], %swap3A_837 {strides = array<i32>} : memref<2x128xf32, #tpu.memory_space<vmem>>, vector<1x16xf32>,
    %dma_start3A_838 = arith.constant 0 : i32
    %dma_start3A_839 = arith.constant 0 : i32
    %dma_start3A_840 = arith.constant 0 : i32
    %dma_start3A_841 = tpu.memref_slice %arg11[%dma_start3A_838, %dma_start3A_840] : memref<2x128xf32, #tpu.memory_space<vmem>> -> memref<1x128xf32, #tpu.memory_space<vmem>>
    %dma_start3A_842 = tpu.memref_squeeze %dma_start3A_841 : memref<1x128xf32, #tpu.memory_space<vmem>> -> memref<128xf32, #tpu.memory_space<vmem>>
    %dma_start3A_843 = arith.constant 0 : i32
    %dma_start3A_844 = tpu.memref_slice %arg9[%dma_start3A_839, %dma_start3A_843] : memref<2x128xi32, #tpu.memory_space<vmem>> -> memref<1x128xi32, #tpu.memory_space<vmem>>
    %dma_start3A_845 = tpu.memref_squeeze %dma_start3A_844 : memref<1x128xi32, #tpu.memory_space<vmem>> -> memref<128xi32, #tpu.memory_space<vmem>>
    %dma_start3A_846 = arith.constant 0 : i32
    %dma_start3A_847 = tpu.memref_slice %arg5[%dma_start3A_846] : memref<12800000xf32, #tpu.memory_space<hbm>> -> memref<12800000xf32, #tpu.memory_space<hbm>>
    tpu.enqueue_indirect_dma source(%dma_start3A_842 : memref<128xf32, #tpu.memory_space<vmem>>) target(%dma_start3A_847 : memref<12800000xf32, #tpu.memory_space<hbm>>) offsets(%dma_start3A_845 : memref<128xi32, #tpu.memory_space<vmem>>) semaphore(%arg13 : memref<!tpu.dma_semaphore, #tpu.memory_space<semaphore_mem>>)
    %dma_start3A_848 = arith.constant 1 : i32
    %dma_start3A_849 = arith.constant 1 : i32
    %dma_start3A_850 = arith.constant 0 : i32
    %dma_start3A_851 = tpu.memref_slice %arg11[%dma_start3A_848, %dma_start3A_850] : memref<2x128xf32, #tpu.memory_space<vmem>> -> memref<1x128xf32, #tpu.memory_space<vmem>>
    %dma_start3A_852 = tpu.memref_squeeze %dma_start3A_851 : memref<1x128xf32, #tpu.memory_space<vmem>> -> memref<128xf32, #tpu.memory_space<vmem>>
    %dma_start3A_853 = arith.constant 0 : i32
    %dma_start3A_854 = tpu.memref_slice %arg9[%dma_start3A_849, %dma_start3A_853] : memref<2x128xi32, #tpu.memory_space<vmem>> -> memref<1x128xi32, #tpu.memory_space<vmem>>
    %dma_start3A_855 = tpu.memref_squeeze %dma_start3A_854 : memref<1x128xi32, #tpu.memory_space<vmem>> -> memref<128xi32, #tpu.memory_space<vmem>>
    %dma_start3A_856 = arith.constant 0 : i32
    %dma_start3A_857 = tpu.memref_slice %arg5[%dma_start3A_856] : memref<12800000xf32, #tpu.memory_space<hbm>> -> memref<12800000xf32, #tpu.memory_space<hbm>>
    tpu.enqueue_indirect_dma source(%dma_start3A_852 : memref<128xf32, #tpu.memory_space<vmem>>) target(%dma_start3A_857 : memref<12800000xf32, #tpu.memory_space<hbm>>) offsets(%dma_start3A_855 : memref<128xi32, #tpu.memory_space<vmem>>) semaphore(%arg13 : memref<!tpu.dma_semaphore, #tpu.memory_space<semaphore_mem>>)
    %dma_wait3A_858 = arith.constant 0 : i32
    %dma_wait3A_859 = arith.constant 0 : i32
    %dma_wait3A_860 = arith.constant 0 : i32
    %dma_wait3A_861 = tpu.memref_slice %arg11[%dma_wait3A_858, %dma_wait3A_860] : memref<2x128xf32, #tpu.memory_space<vmem>> -> memref<1x128xf32, #tpu.memory_space<vmem>>
    %dma_wait3A_862 = tpu.memref_squeeze %dma_wait3A_861 : memref<1x128xf32, #tpu.memory_space<vmem>> -> memref<128xf32, #tpu.memory_space<vmem>>
    %dma_wait3A_863 = arith.constant 0 : i32
    %dma_wait3A_864 = tpu.memref_slice %arg9[%dma_wait3A_859, %dma_wait3A_863] : memref<2x128xi32, #tpu.memory_space<vmem>> -> memref<1x128xi32, #tpu.memory_space<vmem>>
    %dma_wait3A_865 = tpu.memref_squeeze %dma_wait3A_864 : memref<1x128xi32, #tpu.memory_space<vmem>> -> memref<128xi32, #tpu.memory_space<vmem>>
    %dma_wait3A_866 = arith.constant 0 : i32
    %dma_wait3A_867 = tpu.memref_slice %arg5[%dma_wait3A_866] : memref<12800000xf32, #tpu.memory_space<hbm>> -> memref<12800000xf32, #tpu.memory_space<hbm>>
    tpu.wait_indirect_dma semaphore(%arg13 : memref<!tpu.dma_semaphore, #tpu.memory_space<semaphore_mem>>) src(%dma_wait3A_862 : memref<128xf32, #tpu.memory_space<vmem>>) dst(%dma_wait3A_867 : memref<12800000xf32, #tpu.memory_space<hbm>>)
    %dma_wait3A_868 = arith.constant 1 : i32
    %dma_wait3A_869 = arith.constant 1 : i32
    %dma_wait3A_870 = arith.constant 0 : i32
    %dma_wait3A_871 = tpu.memref_slice %arg11[%dma_wait3A_868, %dma_wait3A_870] : memref<2x128xf32, #tpu.memory_space<vmem>> -> memref<1x128xf32, #tpu.memory_space<vmem>>
    %dma_wait3A_872 = tpu.memref_squeeze %dma_wait3A_871 : memref<1x128xf32, #tpu.memory_space<vmem>> -> memref<128xf32, #tpu.memory_space<vmem>>
    %dma_wait3A_873 = arith.constant 0 : i32
    %dma_wait3A_874 = tpu.memref_slice %arg9[%dma_wait3A_869, %dma_wait3A_873] : memref<2x128xi32, #tpu.memory_space<vmem>> -> memref<1x128xi32, #tpu.memory_space<vmem>>
    %dma_wait3A_875 = tpu.memref_squeeze %dma_wait3A_874 : memref<1x128xi32, #tpu.memory_space<vmem>> -> memref<128xi32, #tpu.memory_space<vmem>>
    %dma_wait3A_876 = arith.constant 0 : i32
    %dma_wait3A_877 = tpu.memref_slice %arg5[%dma_wait3A_876] : memref<12800000xf32, #tpu.memory_space<hbm>> -> memref<12800000xf32, #tpu.memory_space<hbm>>
    tpu.wait_indirect_dma semaphore(%arg13 : memref<!tpu.dma_semaphore, #tpu.memory_space<semaphore_mem>>) src(%dma_wait3A_872 : memref<128xf32, #tpu.memory_space<vmem>>) dst(%dma_wait3A_877 : memref<12800000xf32, #tpu.memory_space<hbm>>)
    %mul3A_878 = arith.constant 4 : i32
    %mul3A_879 = arith.muli %add3A, %mul3A_878 : i32
    %add3A_880 = arith.constant 1 : i32
    %add3A_881 = arith.addi %mul3A_879, %add3A_880 : i32
    %mul3A_882 = arith.constant 200 : i32
    %mul3A_883 = arith.muli %add3A_881, %mul3A_882 : i32
    "tpu.region"() ({
      %run_scoped3A = tpu.sem_alloc : memref<!tpu.dma_semaphore, #tpu.memory_space<semaphore_mem>>
      %dma_start3A_3539 = arith.constant 0 : i32
      %dma_start3A_3540 = tpu.memref_slice %arg7[%dma_start3A_3539] : memref<256xi32, #tpu.memory_space<vmem>> -> memref<200xi32, #tpu.memory_space<vmem>>
      %dma_start3A_3541 = tpu.memref_slice %arg3[%mul3A_883] : memref<25600xi32, #tpu.memory_space<hbm>> -> memref<200xi32, #tpu.memory_space<hbm>>
      %dma_start3A_3542 = arith.constant 0 : i32
      %dma_start3A_3543 = tpu.memref_slice %arg7[%dma_start3A_3542] : memref<256xi32, #tpu.memory_space<vmem>> -> memref<200xi32, #tpu.memory_space<vmem>>
      %dma_start3A_3544 = tpu.memref_slice %arg3[%mul3A_883] : memref<25600xi32, #tpu.memory_space<hbm>> -> memref<200xi32, #tpu.memory_space<hbm>>
      tpu.enqueue_dma source(%dma_start3A_3544 : memref<200xi32, #tpu.memory_space<hbm>>) target(%dma_start3A_3543 : memref<200xi32, #tpu.memory_space<vmem>>) target_semaphore(%run_scoped3A : memref<!tpu.dma_semaphore, #tpu.memory_space<semaphore_mem>>)
      %dma_wait3A_3545 = arith.constant 0 : i32
      %dma_wait3A_3546 = tpu.memref_slice %arg7[%dma_wait3A_3545] : memref<256xi32, #tpu.memory_space<vmem>> -> memref<200xi32, #tpu.memory_space<vmem>>
      %dma_wait3A_3547 = tpu.memref_slice %arg3[%mul3A_883] : memref<25600xi32, #tpu.memory_space<hbm>> -> memref<200xi32, #tpu.memory_space<hbm>>
      %dma_wait3A_3548 = arith.constant 0 : i32
      %dma_wait3A_3549 = tpu.memref_slice %arg7[%dma_wait3A_3548] : memref<256xi32, #tpu.memory_space<vmem>> -> memref<200xi32, #tpu.memory_space<vmem>>
      %dma_wait3A_3550 = tpu.memref_slice %arg3[%mul3A_883] : memref<25600xi32, #tpu.memory_space<hbm>> -> memref<200xi32, #tpu.memory_space<hbm>>
      tpu.wait_dma2 semaphore(%run_scoped3A : memref<!tpu.dma_semaphore, #tpu.memory_space<semaphore_mem>>) src(%dma_wait3A_3550 : memref<200xi32, #tpu.memory_space<hbm>>) dst(%dma_wait3A_3549 : memref<200xi32, #tpu.memory_space<vmem>>)
      tpu.yield
    }) : () -> ()
    %mul3A_884 = arith.constant 256 : i32
    %mul3A_885 = arith.muli %add3A_881, %mul3A_884 : i32
    "tpu.region"() ({
      %run_scoped3A = tpu.sem_alloc : memref<!tpu.dma_semaphore, #tpu.memory_space<semaphore_mem>>
      %dma_start3A_3539 = tpu.memref_slice %arg4[%mul3A_885] : memref<32768xf32, #tpu.memory_space<hbm>> -> memref<256xf32, #tpu.memory_space<hbm>>
      %dma_start3A_3540 = tpu.memref_slice %arg4[%mul3A_885] : memref<32768xf32, #tpu.memory_space<hbm>> -> memref<256xf32, #tpu.memory_space<hbm>>
      tpu.enqueue_dma source(%dma_start3A_3540 : memref<256xf32, #tpu.memory_space<hbm>>) target(%arg12 : memref<256xf32, #tpu.memory_space<vmem>>) target_semaphore(%run_scoped3A : memref<!tpu.dma_semaphore, #tpu.memory_space<semaphore_mem>>)
      %dma_wait3A_3541 = tpu.memref_slice %arg4[%mul3A_885] : memref<32768xf32, #tpu.memory_space<hbm>> -> memref<256xf32, #tpu.memory_space<hbm>>
      %dma_wait3A_3542 = tpu.memref_slice %arg4[%mul3A_885] : memref<32768xf32, #tpu.memory_space<hbm>> -> memref<256xf32, #tpu.memory_space<hbm>>
      tpu.wait_dma2 semaphore(%run_scoped3A : memref<!tpu.dma_semaphore, #tpu.memory_space<semaphore_mem>>) src(%dma_wait3A_3542 : memref<256xf32, #tpu.memory_space<hbm>>) dst(%arg12 : memref<256xf32, #tpu.memory_space<vmem>>)
      tpu.yield
    }) : () -> ()
    %get3A_886 = arith.constant 192 : index
    %get3A_887 = tpu.vector_load %arg7[%get3A_886] {strides = array<i32>} : memref<256xi32, #tpu.memory_space<vmem>>, vector<16xi32>,
    %get3A_888 = vector.shape_cast %get3A_887 : vector<16xi32> to vector<16xi32>
    %lt3A_889 = arith.constant 8 : i32
    %lt3A_890 = vector.broadcast %lt3A_889 : i32 to vector<16xi32>
    %lt3A_891 = arith.cmpi slt, %iota3A, %lt3A_890 : vector<16xi32>
    %jit3A_892 = arith.constant 99999 : i32
    %broadcast_in_dim3A_893 = vector.broadcast %jit3A_892 : i32 to vector<16xi32>
    %select_n3A_894 = arith.select %lt3A_891, %get3A_888, %broadcast_in_dim3A_893 : vector<16xi1>, vector<16xi32>
    %swap3A_895 = arith.constant 192 : index
    %swap3A_896 = tpu.vector_load %arg7[%swap3A_895] {strides = array<i32>} : memref<256xi32, #tpu.memory_space<vmem>>, vector<16xi32>,
    %swap3A_897 = vector.shape_cast %swap3A_896 : vector<16xi32> to vector<16xi32>
    %swap3A_898 = vector.shape_cast %select_n3A_894 : vector<16xi32> to vector<16xi32>
    tpu.vector_store %arg7[%swap3A_895], %swap3A_898 {strides = array<i32>} : memref<256xi32, #tpu.memory_space<vmem>>, vector<16xi32>,
    %broadcast_in_dim3A_899 = arith.constant 99999 : i32
    %broadcast_in_dim3A_900 = vector.broadcast %broadcast_in_dim3A_899 : i32 to vector<16xi32>
    %swap3A_901 = arith.constant 208 : index
    %swap3A_902 = tpu.vector_load %arg7[%swap3A_901] {strides = array<i32>} : memref<256xi32, #tpu.memory_space<vmem>>, vector<16xi32>,
    %swap3A_903 = vector.shape_cast %swap3A_902 : vector<16xi32> to vector<16xi32>
    %swap3A_904 = vector.shape_cast %broadcast_in_dim3A_900 : vector<16xi32> to vector<16xi32>
    tpu.vector_store %arg7[%swap3A_901], %swap3A_904 {strides = array<i32>} : memref<256xi32, #tpu.memory_space<vmem>>, vector<16xi32>,
    %broadcast_in_dim3A_905 = arith.constant 99999 : i32
    %broadcast_in_dim3A_906 = vector.broadcast %broadcast_in_dim3A_905 : i32 to vector<16xi32>
    %swap3A_907 = arith.constant 224 : index
    %swap3A_908 = tpu.vector_load %arg7[%swap3A_907] {strides = array<i32>} : memref<256xi32, #tpu.memory_space<vmem>>, vector<16xi32>,
    %swap3A_909 = vector.shape_cast %swap3A_908 : vector<16xi32> to vector<16xi32>
    %swap3A_910 = vector.shape_cast %broadcast_in_dim3A_906 : vector<16xi32> to vector<16xi32>
    tpu.vector_store %arg7[%swap3A_907], %swap3A_910 {strides = array<i32>} : memref<256xi32, #tpu.memory_space<vmem>>, vector<16xi32>,
    %broadcast_in_dim3A_911 = arith.constant 99999 : i32
    %broadcast_in_dim3A_912 = vector.broadcast %broadcast_in_dim3A_911 : i32 to vector<16xi32>
    %swap3A_913 = arith.constant 240 : index
    %swap3A_914 = tpu.vector_load %arg7[%swap3A_913] {strides = array<i32>} : memref<256xi32, #tpu.memory_space<vmem>>, vector<16xi32>,
    %swap3A_915 = vector.shape_cast %swap3A_914 : vector<16xi32> to vector<16xi32>
    %swap3A_916 = vector.shape_cast %broadcast_in_dim3A_912 : vector<16xi32> to vector<16xi32>
    tpu.vector_store %arg7[%swap3A_913], %swap3A_916 {strides = array<i32>} : memref<256xi32, #tpu.memory_space<vmem>>, vector<16xi32>,
    %get3A_917 = arith.constant 0 : index
    %get3A_918 = tpu.vector_load %arg7[%get3A_917] {strides = array<i32>} : memref<256xi32, #tpu.memory_space<vmem>>, vector<16xi32>,
    %get3A_919 = vector.shape_cast %get3A_918 : vector<16xi32> to vector<16xi32>
    %mul3A_920 = arith.constant 128 : i32
    %mul3A_921 = vector.broadcast %mul3A_920 : i32 to vector<16xi32>
    %mul3A_922 = arith.muli %get3A_919, %mul3A_921 : vector<16xi32>
    %add3A_923 = vector.broadcast %add3A_881 : i32 to vector<16xi32>
    %add3A_924 = arith.addi %mul3A_922, %add3A_923 : vector<16xi32>
    %swap3A_925 = arith.constant 0 : i32
    %swap3A_926 = arith.index_cast %swap3A_925 : i32 to index
    %swap3A_927 = arith.constant 0 : index
    %swap3A_928 = tpu.vector_load %arg8[%swap3A_926, %swap3A_927] {strides = array<i32>} : memref<2x128xi32, #tpu.memory_space<vmem>>, vector<1x16xi32>,
    %swap3A_929 = vector.shape_cast %swap3A_928 : vector<1x16xi32> to vector<16xi32>
    %swap3A_930 = vector.shape_cast %add3A_924 : vector<16xi32> to vector<1x16xi32>
    tpu.vector_store %arg8[%swap3A_926, %swap3A_927], %swap3A_930 {strides = array<i32>} : memref<2x128xi32, #tpu.memory_space<vmem>>, vector<1x16xi32>,
    %mul3A_931 = arith.constant 100000 : i32
    %mul3A_932 = arith.muli %add3A_881, %mul3A_931 : i32
    %add3A_933 = vector.broadcast %mul3A_932 : i32 to vector<16xi32>
    %add3A_934 = arith.addi %add3A_933, %get3A_919 : vector<16xi32>
    %swap3A_935 = arith.constant 0 : i32
    %swap3A_936 = arith.index_cast %swap3A_935 : i32 to index
    %swap3A_937 = arith.constant 0 : index
    %swap3A_938 = tpu.vector_load %arg9[%swap3A_936, %swap3A_937] {strides = array<i32>} : memref<2x128xi32, #tpu.memory_space<vmem>>, vector<1x16xi32>,
    %swap3A_939 = vector.shape_cast %swap3A_938 : vector<1x16xi32> to vector<16xi32>
    %swap3A_940 = vector.shape_cast %add3A_934 : vector<16xi32> to vector<1x16xi32>
    tpu.vector_store %arg9[%swap3A_936, %swap3A_937], %swap3A_940 {strides = array<i32>} : memref<2x128xi32, #tpu.memory_space<vmem>>, vector<1x16xi32>,
    %get3A_941 = arith.constant 16 : index
    %get3A_942 = tpu.vector_load %arg7[%get3A_941] {strides = array<i32>} : memref<256xi32, #tpu.memory_space<vmem>>, vector<16xi32>,
    %get3A_943 = vector.shape_cast %get3A_942 : vector<16xi32> to vector<16xi32>
    %mul3A_944 = arith.constant 128 : i32
    %mul3A_945 = vector.broadcast %mul3A_944 : i32 to vector<16xi32>
    %mul3A_946 = arith.muli %get3A_943, %mul3A_945 : vector<16xi32>
    %add3A_947 = vector.broadcast %add3A_881 : i32 to vector<16xi32>
    %add3A_948 = arith.addi %mul3A_946, %add3A_947 : vector<16xi32>
    %swap3A_949 = arith.constant 0 : i32
    %swap3A_950 = arith.index_cast %swap3A_949 : i32 to index
    %swap3A_951 = arith.constant 16 : index
    %swap3A_952 = tpu.vector_load %arg8[%swap3A_950, %swap3A_951] {strides = array<i32>} : memref<2x128xi32, #tpu.memory_space<vmem>>, vector<1x16xi32>,
    %swap3A_953 = vector.shape_cast %swap3A_952 : vector<1x16xi32> to vector<16xi32>
    %swap3A_954 = vector.shape_cast %add3A_948 : vector<16xi32> to vector<1x16xi32>
    tpu.vector_store %arg8[%swap3A_950, %swap3A_951], %swap3A_954 {strides = array<i32>} : memref<2x128xi32, #tpu.memory_space<vmem>>, vector<1x16xi32>,
    %mul3A_955 = arith.constant 100000 : i32
    %mul3A_956 = arith.muli %add3A_881, %mul3A_955 : i32
    %add3A_957 = vector.broadcast %mul3A_956 : i32 to vector<16xi32>
    %add3A_958 = arith.addi %add3A_957, %get3A_943 : vector<16xi32>
    %swap3A_959 = arith.constant 0 : i32
    %swap3A_960 = arith.index_cast %swap3A_959 : i32 to index
    %swap3A_961 = arith.constant 16 : index
    %swap3A_962 = tpu.vector_load %arg9[%swap3A_960, %swap3A_961] {strides = array<i32>} : memref<2x128xi32, #tpu.memory_space<vmem>>, vector<1x16xi32>,
    %swap3A_963 = vector.shape_cast %swap3A_962 : vector<1x16xi32> to vector<16xi32>
    %swap3A_964 = vector.shape_cast %add3A_958 : vector<16xi32> to vector<1x16xi32>
    tpu.vector_store %arg9[%swap3A_960, %swap3A_961], %swap3A_964 {strides = array<i32>} : memref<2x128xi32, #tpu.memory_space<vmem>>, vector<1x16xi32>,
    %get3A_965 = arith.constant 32 : index
    %get3A_966 = tpu.vector_load %arg7[%get3A_965] {strides = array<i32>} : memref<256xi32, #tpu.memory_space<vmem>>, vector<16xi32>,
    %get3A_967 = vector.shape_cast %get3A_966 : vector<16xi32> to vector<16xi32>
    %mul3A_968 = arith.constant 128 : i32
    %mul3A_969 = vector.broadcast %mul3A_968 : i32 to vector<16xi32>
    %mul3A_970 = arith.muli %get3A_967, %mul3A_969 : vector<16xi32>
    %add3A_971 = vector.broadcast %add3A_881 : i32 to vector<16xi32>
    %add3A_972 = arith.addi %mul3A_970, %add3A_971 : vector<16xi32>
    %swap3A_973 = arith.constant 0 : i32
    %swap3A_974 = arith.index_cast %swap3A_973 : i32 to index
    %swap3A_975 = arith.constant 32 : index
    %swap3A_976 = tpu.vector_load %arg8[%swap3A_974, %swap3A_975] {strides = array<i32>} : memref<2x128xi32, #tpu.memory_space<vmem>>, vector<1x16xi32>,
    %swap3A_977 = vector.shape_cast %swap3A_976 : vector<1x16xi32> to vector<16xi32>
    %swap3A_978 = vector.shape_cast %add3A_972 : vector<16xi32> to vector<1x16xi32>
    tpu.vector_store %arg8[%swap3A_974, %swap3A_975], %swap3A_978 {strides = array<i32>} : memref<2x128xi32, #tpu.memory_space<vmem>>, vector<1x16xi32>,
    %mul3A_979 = arith.constant 100000 : i32
    %mul3A_980 = arith.muli %add3A_881, %mul3A_979 : i32
    %add3A_981 = vector.broadcast %mul3A_980 : i32 to vector<16xi32>
    %add3A_982 = arith.addi %add3A_981, %get3A_967 : vector<16xi32>
    %swap3A_983 = arith.constant 0 : i32
    %swap3A_984 = arith.index_cast %swap3A_983 : i32 to index
    %swap3A_985 = arith.constant 32 : index
    %swap3A_986 = tpu.vector_load %arg9[%swap3A_984, %swap3A_985] {strides = array<i32>} : memref<2x128xi32, #tpu.memory_space<vmem>>, vector<1x16xi32>,
    %swap3A_987 = vector.shape_cast %swap3A_986 : vector<1x16xi32> to vector<16xi32>
    %swap3A_988 = vector.shape_cast %add3A_982 : vector<16xi32> to vector<1x16xi32>
    tpu.vector_store %arg9[%swap3A_984, %swap3A_985], %swap3A_988 {strides = array<i32>} : memref<2x128xi32, #tpu.memory_space<vmem>>, vector<1x16xi32>,
    %get3A_989 = arith.constant 48 : index
    %get3A_990 = tpu.vector_load %arg7[%get3A_989] {strides = array<i32>} : memref<256xi32, #tpu.memory_space<vmem>>, vector<16xi32>,
    %get3A_991 = vector.shape_cast %get3A_990 : vector<16xi32> to vector<16xi32>
    %mul3A_992 = arith.constant 128 : i32
    %mul3A_993 = vector.broadcast %mul3A_992 : i32 to vector<16xi32>
    %mul3A_994 = arith.muli %get3A_991, %mul3A_993 : vector<16xi32>
    %add3A_995 = vector.broadcast %add3A_881 : i32 to vector<16xi32>
    %add3A_996 = arith.addi %mul3A_994, %add3A_995 : vector<16xi32>
    %swap3A_997 = arith.constant 0 : i32
    %swap3A_998 = arith.index_cast %swap3A_997 : i32 to index
    %swap3A_999 = arith.constant 48 : index
    %swap3A_1000 = tpu.vector_load %arg8[%swap3A_998, %swap3A_999] {strides = array<i32>} : memref<2x128xi32, #tpu.memory_space<vmem>>, vector<1x16xi32>,
    %swap3A_1001 = vector.shape_cast %swap3A_1000 : vector<1x16xi32> to vector<16xi32>
    %swap3A_1002 = vector.shape_cast %add3A_996 : vector<16xi32> to vector<1x16xi32>
    tpu.vector_store %arg8[%swap3A_998, %swap3A_999], %swap3A_1002 {strides = array<i32>} : memref<2x128xi32, #tpu.memory_space<vmem>>, vector<1x16xi32>,
    %mul3A_1003 = arith.constant 100000 : i32
    %mul3A_1004 = arith.muli %add3A_881, %mul3A_1003 : i32
    %add3A_1005 = vector.broadcast %mul3A_1004 : i32 to vector<16xi32>
    %add3A_1006 = arith.addi %add3A_1005, %get3A_991 : vector<16xi32>
    %swap3A_1007 = arith.constant 0 : i32
    %swap3A_1008 = arith.index_cast %swap3A_1007 : i32 to index
    %swap3A_1009 = arith.constant 48 : index
    %swap3A_1010 = tpu.vector_load %arg9[%swap3A_1008, %swap3A_1009] {strides = array<i32>} : memref<2x128xi32, #tpu.memory_space<vmem>>, vector<1x16xi32>,
    %swap3A_1011 = vector.shape_cast %swap3A_1010 : vector<1x16xi32> to vector<16xi32>
    %swap3A_1012 = vector.shape_cast %add3A_1006 : vector<16xi32> to vector<1x16xi32>
    tpu.vector_store %arg9[%swap3A_1008, %swap3A_1009], %swap3A_1012 {strides = array<i32>} : memref<2x128xi32, #tpu.memory_space<vmem>>, vector<1x16xi32>,
    %get3A_1013 = arith.constant 64 : index
    %get3A_1014 = tpu.vector_load %arg7[%get3A_1013] {strides = array<i32>} : memref<256xi32, #tpu.memory_space<vmem>>, vector<16xi32>,
    %get3A_1015 = vector.shape_cast %get3A_1014 : vector<16xi32> to vector<16xi32>
    %mul3A_1016 = arith.constant 128 : i32
    %mul3A_1017 = vector.broadcast %mul3A_1016 : i32 to vector<16xi32>
    %mul3A_1018 = arith.muli %get3A_1015, %mul3A_1017 : vector<16xi32>
    %add3A_1019 = vector.broadcast %add3A_881 : i32 to vector<16xi32>
    %add3A_1020 = arith.addi %mul3A_1018, %add3A_1019 : vector<16xi32>
    %swap3A_1021 = arith.constant 0 : i32
    %swap3A_1022 = arith.index_cast %swap3A_1021 : i32 to index
    %swap3A_1023 = arith.constant 64 : index
    %swap3A_1024 = tpu.vector_load %arg8[%swap3A_1022, %swap3A_1023] {strides = array<i32>} : memref<2x128xi32, #tpu.memory_space<vmem>>, vector<1x16xi32>,
    %swap3A_1025 = vector.shape_cast %swap3A_1024 : vector<1x16xi32> to vector<16xi32>
    %swap3A_1026 = vector.shape_cast %add3A_1020 : vector<16xi32> to vector<1x16xi32>
    tpu.vector_store %arg8[%swap3A_1022, %swap3A_1023], %swap3A_1026 {strides = array<i32>} : memref<2x128xi32, #tpu.memory_space<vmem>>, vector<1x16xi32>,
    %mul3A_1027 = arith.constant 100000 : i32
    %mul3A_1028 = arith.muli %add3A_881, %mul3A_1027 : i32
    %add3A_1029 = vector.broadcast %mul3A_1028 : i32 to vector<16xi32>
    %add3A_1030 = arith.addi %add3A_1029, %get3A_1015 : vector<16xi32>
    %swap3A_1031 = arith.constant 0 : i32
    %swap3A_1032 = arith.index_cast %swap3A_1031 : i32 to index
    %swap3A_1033 = arith.constant 64 : index
    %swap3A_1034 = tpu.vector_load %arg9[%swap3A_1032, %swap3A_1033] {strides = array<i32>} : memref<2x128xi32, #tpu.memory_space<vmem>>, vector<1x16xi32>,
    %swap3A_1035 = vector.shape_cast %swap3A_1034 : vector<1x16xi32> to vector<16xi32>
    %swap3A_1036 = vector.shape_cast %add3A_1030 : vector<16xi32> to vector<1x16xi32>
    tpu.vector_store %arg9[%swap3A_1032, %swap3A_1033], %swap3A_1036 {strides = array<i32>} : memref<2x128xi32, #tpu.memory_space<vmem>>, vector<1x16xi32>,
    %get3A_1037 = arith.constant 80 : index
    %get3A_1038 = tpu.vector_load %arg7[%get3A_1037] {strides = array<i32>} : memref<256xi32, #tpu.memory_space<vmem>>, vector<16xi32>,
    %get3A_1039 = vector.shape_cast %get3A_1038 : vector<16xi32> to vector<16xi32>
    %mul3A_1040 = arith.constant 128 : i32
    %mul3A_1041 = vector.broadcast %mul3A_1040 : i32 to vector<16xi32>
    %mul3A_1042 = arith.muli %get3A_1039, %mul3A_1041 : vector<16xi32>
    %add3A_1043 = vector.broadcast %add3A_881 : i32 to vector<16xi32>
    %add3A_1044 = arith.addi %mul3A_1042, %add3A_1043 : vector<16xi32>
    %swap3A_1045 = arith.constant 0 : i32
    %swap3A_1046 = arith.index_cast %swap3A_1045 : i32 to index
    %swap3A_1047 = arith.constant 80 : index
    %swap3A_1048 = tpu.vector_load %arg8[%swap3A_1046, %swap3A_1047] {strides = array<i32>} : memref<2x128xi32, #tpu.memory_space<vmem>>, vector<1x16xi32>,
    %swap3A_1049 = vector.shape_cast %swap3A_1048 : vector<1x16xi32> to vector<16xi32>
    %swap3A_1050 = vector.shape_cast %add3A_1044 : vector<16xi32> to vector<1x16xi32>
    tpu.vector_store %arg8[%swap3A_1046, %swap3A_1047], %swap3A_1050 {strides = array<i32>} : memref<2x128xi32, #tpu.memory_space<vmem>>, vector<1x16xi32>,
    %mul3A_1051 = arith.constant 100000 : i32
    %mul3A_1052 = arith.muli %add3A_881, %mul3A_1051 : i32
    %add3A_1053 = vector.broadcast %mul3A_1052 : i32 to vector<16xi32>
    %add3A_1054 = arith.addi %add3A_1053, %get3A_1039 : vector<16xi32>
    %swap3A_1055 = arith.constant 0 : i32
    %swap3A_1056 = arith.index_cast %swap3A_1055 : i32 to index
    %swap3A_1057 = arith.constant 80 : index
    %swap3A_1058 = tpu.vector_load %arg9[%swap3A_1056, %swap3A_1057] {strides = array<i32>} : memref<2x128xi32, #tpu.memory_space<vmem>>, vector<1x16xi32>,
    %swap3A_1059 = vector.shape_cast %swap3A_1058 : vector<1x16xi32> to vector<16xi32>
    %swap3A_1060 = vector.shape_cast %add3A_1054 : vector<16xi32> to vector<1x16xi32>
    tpu.vector_store %arg9[%swap3A_1056, %swap3A_1057], %swap3A_1060 {strides = array<i32>} : memref<2x128xi32, #tpu.memory_space<vmem>>, vector<1x16xi32>,
    %get3A_1061 = arith.constant 96 : index
    %get3A_1062 = tpu.vector_load %arg7[%get3A_1061] {strides = array<i32>} : memref<256xi32, #tpu.memory_space<vmem>>, vector<16xi32>,
    %get3A_1063 = vector.shape_cast %get3A_1062 : vector<16xi32> to vector<16xi32>
    %mul3A_1064 = arith.constant 128 : i32
    %mul3A_1065 = vector.broadcast %mul3A_1064 : i32 to vector<16xi32>
    %mul3A_1066 = arith.muli %get3A_1063, %mul3A_1065 : vector<16xi32>
    %add3A_1067 = vector.broadcast %add3A_881 : i32 to vector<16xi32>
    %add3A_1068 = arith.addi %mul3A_1066, %add3A_1067 : vector<16xi32>
    %swap3A_1069 = arith.constant 0 : i32
    %swap3A_1070 = arith.index_cast %swap3A_1069 : i32 to index
    %swap3A_1071 = arith.constant 96 : index
    %swap3A_1072 = tpu.vector_load %arg8[%swap3A_1070, %swap3A_1071] {strides = array<i32>} : memref<2x128xi32, #tpu.memory_space<vmem>>, vector<1x16xi32>,
    %swap3A_1073 = vector.shape_cast %swap3A_1072 : vector<1x16xi32> to vector<16xi32>
    %swap3A_1074 = vector.shape_cast %add3A_1068 : vector<16xi32> to vector<1x16xi32>
    tpu.vector_store %arg8[%swap3A_1070, %swap3A_1071], %swap3A_1074 {strides = array<i32>} : memref<2x128xi32, #tpu.memory_space<vmem>>, vector<1x16xi32>,
    %mul3A_1075 = arith.constant 100000 : i32
    %mul3A_1076 = arith.muli %add3A_881, %mul3A_1075 : i32
    %add3A_1077 = vector.broadcast %mul3A_1076 : i32 to vector<16xi32>
    %add3A_1078 = arith.addi %add3A_1077, %get3A_1063 : vector<16xi32>
    %swap3A_1079 = arith.constant 0 : i32
    %swap3A_1080 = arith.index_cast %swap3A_1079 : i32 to index
    %swap3A_1081 = arith.constant 96 : index
    %swap3A_1082 = tpu.vector_load %arg9[%swap3A_1080, %swap3A_1081] {strides = array<i32>} : memref<2x128xi32, #tpu.memory_space<vmem>>, vector<1x16xi32>,
    %swap3A_1083 = vector.shape_cast %swap3A_1082 : vector<1x16xi32> to vector<16xi32>
    %swap3A_1084 = vector.shape_cast %add3A_1078 : vector<16xi32> to vector<1x16xi32>
    tpu.vector_store %arg9[%swap3A_1080, %swap3A_1081], %swap3A_1084 {strides = array<i32>} : memref<2x128xi32, #tpu.memory_space<vmem>>, vector<1x16xi32>,
    %get3A_1085 = arith.constant 112 : index
    %get3A_1086 = tpu.vector_load %arg7[%get3A_1085] {strides = array<i32>} : memref<256xi32, #tpu.memory_space<vmem>>, vector<16xi32>,
    %get3A_1087 = vector.shape_cast %get3A_1086 : vector<16xi32> to vector<16xi32>
    %mul3A_1088 = arith.constant 128 : i32
    %mul3A_1089 = vector.broadcast %mul3A_1088 : i32 to vector<16xi32>
    %mul3A_1090 = arith.muli %get3A_1087, %mul3A_1089 : vector<16xi32>
    %add3A_1091 = vector.broadcast %add3A_881 : i32 to vector<16xi32>
    %add3A_1092 = arith.addi %mul3A_1090, %add3A_1091 : vector<16xi32>
    %swap3A_1093 = arith.constant 0 : i32
    %swap3A_1094 = arith.index_cast %swap3A_1093 : i32 to index
    %swap3A_1095 = arith.constant 112 : index
    %swap3A_1096 = tpu.vector_load %arg8[%swap3A_1094, %swap3A_1095] {strides = array<i32>} : memref<2x128xi32, #tpu.memory_space<vmem>>, vector<1x16xi32>,
    %swap3A_1097 = vector.shape_cast %swap3A_1096 : vector<1x16xi32> to vector<16xi32>
    %swap3A_1098 = vector.shape_cast %add3A_1092 : vector<16xi32> to vector<1x16xi32>
    tpu.vector_store %arg8[%swap3A_1094, %swap3A_1095], %swap3A_1098 {strides = array<i32>} : memref<2x128xi32, #tpu.memory_space<vmem>>, vector<1x16xi32>,
    %mul3A_1099 = arith.constant 100000 : i32
    %mul3A_1100 = arith.muli %add3A_881, %mul3A_1099 : i32
    %add3A_1101 = vector.broadcast %mul3A_1100 : i32 to vector<16xi32>
    %add3A_1102 = arith.addi %add3A_1101, %get3A_1087 : vector<16xi32>
    %swap3A_1103 = arith.constant 0 : i32
    %swap3A_1104 = arith.index_cast %swap3A_1103 : i32 to index
    %swap3A_1105 = arith.constant 112 : index
    %swap3A_1106 = tpu.vector_load %arg9[%swap3A_1104, %swap3A_1105] {strides = array<i32>} : memref<2x128xi32, #tpu.memory_space<vmem>>, vector<1x16xi32>,
    %swap3A_1107 = vector.shape_cast %swap3A_1106 : vector<1x16xi32> to vector<16xi32>
    %swap3A_1108 = vector.shape_cast %add3A_1102 : vector<16xi32> to vector<1x16xi32>
    tpu.vector_store %arg9[%swap3A_1104, %swap3A_1105], %swap3A_1108 {strides = array<i32>} : memref<2x128xi32, #tpu.memory_space<vmem>>, vector<1x16xi32>,
    %get3A_1109 = arith.constant 128 : index
    %get3A_1110 = tpu.vector_load %arg7[%get3A_1109] {strides = array<i32>} : memref<256xi32, #tpu.memory_space<vmem>>, vector<16xi32>,
    %get3A_1111 = vector.shape_cast %get3A_1110 : vector<16xi32> to vector<16xi32>
    %mul3A_1112 = arith.constant 128 : i32
    %mul3A_1113 = vector.broadcast %mul3A_1112 : i32 to vector<16xi32>
    %mul3A_1114 = arith.muli %get3A_1111, %mul3A_1113 : vector<16xi32>
    %add3A_1115 = vector.broadcast %add3A_881 : i32 to vector<16xi32>
    %add3A_1116 = arith.addi %mul3A_1114, %add3A_1115 : vector<16xi32>
    %swap3A_1117 = arith.constant 1 : i32
    %swap3A_1118 = arith.index_cast %swap3A_1117 : i32 to index
    %swap3A_1119 = arith.constant 0 : index
    %swap3A_1120 = tpu.vector_load %arg8[%swap3A_1118, %swap3A_1119] {strides = array<i32>} : memref<2x128xi32, #tpu.memory_space<vmem>>, vector<1x16xi32>,
    %swap3A_1121 = vector.shape_cast %swap3A_1120 : vector<1x16xi32> to vector<16xi32>
    %swap3A_1122 = vector.shape_cast %add3A_1116 : vector<16xi32> to vector<1x16xi32>
    tpu.vector_store %arg8[%swap3A_1118, %swap3A_1119], %swap3A_1122 {strides = array<i32>} : memref<2x128xi32, #tpu.memory_space<vmem>>, vector<1x16xi32>,
    %mul3A_1123 = arith.constant 100000 : i32
    %mul3A_1124 = arith.muli %add3A_881, %mul3A_1123 : i32
    %add3A_1125 = vector.broadcast %mul3A_1124 : i32 to vector<16xi32>
    %add3A_1126 = arith.addi %add3A_1125, %get3A_1111 : vector<16xi32>
    %swap3A_1127 = arith.constant 1 : i32
    %swap3A_1128 = arith.index_cast %swap3A_1127 : i32 to index
    %swap3A_1129 = arith.constant 0 : index
    %swap3A_1130 = tpu.vector_load %arg9[%swap3A_1128, %swap3A_1129] {strides = array<i32>} : memref<2x128xi32, #tpu.memory_space<vmem>>, vector<1x16xi32>,
    %swap3A_1131 = vector.shape_cast %swap3A_1130 : vector<1x16xi32> to vector<16xi32>
    %swap3A_1132 = vector.shape_cast %add3A_1126 : vector<16xi32> to vector<1x16xi32>
    tpu.vector_store %arg9[%swap3A_1128, %swap3A_1129], %swap3A_1132 {strides = array<i32>} : memref<2x128xi32, #tpu.memory_space<vmem>>, vector<1x16xi32>,
    %get3A_1133 = arith.constant 144 : index
    %get3A_1134 = tpu.vector_load %arg7[%get3A_1133] {strides = array<i32>} : memref<256xi32, #tpu.memory_space<vmem>>, vector<16xi32>,
    %get3A_1135 = vector.shape_cast %get3A_1134 : vector<16xi32> to vector<16xi32>
    %mul3A_1136 = arith.constant 128 : i32
    %mul3A_1137 = vector.broadcast %mul3A_1136 : i32 to vector<16xi32>
    %mul3A_1138 = arith.muli %get3A_1135, %mul3A_1137 : vector<16xi32>
    %add3A_1139 = vector.broadcast %add3A_881 : i32 to vector<16xi32>
    %add3A_1140 = arith.addi %mul3A_1138, %add3A_1139 : vector<16xi32>
    %swap3A_1141 = arith.constant 1 : i32
    %swap3A_1142 = arith.index_cast %swap3A_1141 : i32 to index
    %swap3A_1143 = arith.constant 16 : index
    %swap3A_1144 = tpu.vector_load %arg8[%swap3A_1142, %swap3A_1143] {strides = array<i32>} : memref<2x128xi32, #tpu.memory_space<vmem>>, vector<1x16xi32>,
    %swap3A_1145 = vector.shape_cast %swap3A_1144 : vector<1x16xi32> to vector<16xi32>
    %swap3A_1146 = vector.shape_cast %add3A_1140 : vector<16xi32> to vector<1x16xi32>
    tpu.vector_store %arg8[%swap3A_1142, %swap3A_1143], %swap3A_1146 {strides = array<i32>} : memref<2x128xi32, #tpu.memory_space<vmem>>, vector<1x16xi32>,
    %mul3A_1147 = arith.constant 100000 : i32
    %mul3A_1148 = arith.muli %add3A_881, %mul3A_1147 : i32
    %add3A_1149 = vector.broadcast %mul3A_1148 : i32 to vector<16xi32>
    %add3A_1150 = arith.addi %add3A_1149, %get3A_1135 : vector<16xi32>
    %swap3A_1151 = arith.constant 1 : i32
    %swap3A_1152 = arith.index_cast %swap3A_1151 : i32 to index
    %swap3A_1153 = arith.constant 16 : index
    %swap3A_1154 = tpu.vector_load %arg9[%swap3A_1152, %swap3A_1153] {strides = array<i32>} : memref<2x128xi32, #tpu.memory_space<vmem>>, vector<1x16xi32>,
    %swap3A_1155 = vector.shape_cast %swap3A_1154 : vector<1x16xi32> to vector<16xi32>
    %swap3A_1156 = vector.shape_cast %add3A_1150 : vector<16xi32> to vector<1x16xi32>
    tpu.vector_store %arg9[%swap3A_1152, %swap3A_1153], %swap3A_1156 {strides = array<i32>} : memref<2x128xi32, #tpu.memory_space<vmem>>, vector<1x16xi32>,
    %get3A_1157 = arith.constant 160 : index
    %get3A_1158 = tpu.vector_load %arg7[%get3A_1157] {strides = array<i32>} : memref<256xi32, #tpu.memory_space<vmem>>, vector<16xi32>,
    %get3A_1159 = vector.shape_cast %get3A_1158 : vector<16xi32> to vector<16xi32>
    %mul3A_1160 = arith.constant 128 : i32
    %mul3A_1161 = vector.broadcast %mul3A_1160 : i32 to vector<16xi32>
    %mul3A_1162 = arith.muli %get3A_1159, %mul3A_1161 : vector<16xi32>
    %add3A_1163 = vector.broadcast %add3A_881 : i32 to vector<16xi32>
    %add3A_1164 = arith.addi %mul3A_1162, %add3A_1163 : vector<16xi32>
    %swap3A_1165 = arith.constant 1 : i32
    %swap3A_1166 = arith.index_cast %swap3A_1165 : i32 to index
    %swap3A_1167 = arith.constant 32 : index
    %swap3A_1168 = tpu.vector_load %arg8[%swap3A_1166, %swap3A_1167] {strides = array<i32>} : memref<2x128xi32, #tpu.memory_space<vmem>>, vector<1x16xi32>,
    %swap3A_1169 = vector.shape_cast %swap3A_1168 : vector<1x16xi32> to vector<16xi32>
    %swap3A_1170 = vector.shape_cast %add3A_1164 : vector<16xi32> to vector<1x16xi32>
    tpu.vector_store %arg8[%swap3A_1166, %swap3A_1167], %swap3A_1170 {strides = array<i32>} : memref<2x128xi32, #tpu.memory_space<vmem>>, vector<1x16xi32>,
    %mul3A_1171 = arith.constant 100000 : i32
    %mul3A_1172 = arith.muli %add3A_881, %mul3A_1171 : i32
    %add3A_1173 = vector.broadcast %mul3A_1172 : i32 to vector<16xi32>
    %add3A_1174 = arith.addi %add3A_1173, %get3A_1159 : vector<16xi32>
    %swap3A_1175 = arith.constant 1 : i32
    %swap3A_1176 = arith.index_cast %swap3A_1175 : i32 to index
    %swap3A_1177 = arith.constant 32 : index
    %swap3A_1178 = tpu.vector_load %arg9[%swap3A_1176, %swap3A_1177] {strides = array<i32>} : memref<2x128xi32, #tpu.memory_space<vmem>>, vector<1x16xi32>,
    %swap3A_1179 = vector.shape_cast %swap3A_1178 : vector<1x16xi32> to vector<16xi32>
    %swap3A_1180 = vector.shape_cast %add3A_1174 : vector<16xi32> to vector<1x16xi32>
    tpu.vector_store %arg9[%swap3A_1176, %swap3A_1177], %swap3A_1180 {strides = array<i32>} : memref<2x128xi32, #tpu.memory_space<vmem>>, vector<1x16xi32>,
    %get3A_1181 = arith.constant 176 : index
    %get3A_1182 = tpu.vector_load %arg7[%get3A_1181] {strides = array<i32>} : memref<256xi32, #tpu.memory_space<vmem>>, vector<16xi32>,
    %get3A_1183 = vector.shape_cast %get3A_1182 : vector<16xi32> to vector<16xi32>
    %mul3A_1184 = arith.constant 128 : i32
    %mul3A_1185 = vector.broadcast %mul3A_1184 : i32 to vector<16xi32>
    %mul3A_1186 = arith.muli %get3A_1183, %mul3A_1185 : vector<16xi32>
    %add3A_1187 = vector.broadcast %add3A_881 : i32 to vector<16xi32>
    %add3A_1188 = arith.addi %mul3A_1186, %add3A_1187 : vector<16xi32>
    %swap3A_1189 = arith.constant 1 : i32
    %swap3A_1190 = arith.index_cast %swap3A_1189 : i32 to index
    %swap3A_1191 = arith.constant 48 : index
    %swap3A_1192 = tpu.vector_load %arg8[%swap3A_1190, %swap3A_1191] {strides = array<i32>} : memref<2x128xi32, #tpu.memory_space<vmem>>, vector<1x16xi32>,
    %swap3A_1193 = vector.shape_cast %swap3A_1192 : vector<1x16xi32> to vector<16xi32>
    %swap3A_1194 = vector.shape_cast %add3A_1188 : vector<16xi32> to vector<1x16xi32>
    tpu.vector_store %arg8[%swap3A_1190, %swap3A_1191], %swap3A_1194 {strides = array<i32>} : memref<2x128xi32, #tpu.memory_space<vmem>>, vector<1x16xi32>,
    %mul3A_1195 = arith.constant 100000 : i32
    %mul3A_1196 = arith.muli %add3A_881, %mul3A_1195 : i32
    %add3A_1197 = vector.broadcast %mul3A_1196 : i32 to vector<16xi32>
    %add3A_1198 = arith.addi %add3A_1197, %get3A_1183 : vector<16xi32>
    %swap3A_1199 = arith.constant 1 : i32
    %swap3A_1200 = arith.index_cast %swap3A_1199 : i32 to index
    %swap3A_1201 = arith.constant 48 : index
    %swap3A_1202 = tpu.vector_load %arg9[%swap3A_1200, %swap3A_1201] {strides = array<i32>} : memref<2x128xi32, #tpu.memory_space<vmem>>, vector<1x16xi32>,
    %swap3A_1203 = vector.shape_cast %swap3A_1202 : vector<1x16xi32> to vector<16xi32>
    %swap3A_1204 = vector.shape_cast %add3A_1198 : vector<16xi32> to vector<1x16xi32>
    tpu.vector_store %arg9[%swap3A_1200, %swap3A_1201], %swap3A_1204 {strides = array<i32>} : memref<2x128xi32, #tpu.memory_space<vmem>>, vector<1x16xi32>,
    %get3A_1205 = arith.constant 192 : index
    %get3A_1206 = tpu.vector_load %arg7[%get3A_1205] {strides = array<i32>} : memref<256xi32, #tpu.memory_space<vmem>>, vector<16xi32>,
    %get3A_1207 = vector.shape_cast %get3A_1206 : vector<16xi32> to vector<16xi32>
    %mul3A_1208 = arith.constant 128 : i32
    %mul3A_1209 = vector.broadcast %mul3A_1208 : i32 to vector<16xi32>
    %mul3A_1210 = arith.muli %get3A_1207, %mul3A_1209 : vector<16xi32>
    %add3A_1211 = vector.broadcast %add3A_881 : i32 to vector<16xi32>
    %add3A_1212 = arith.addi %mul3A_1210, %add3A_1211 : vector<16xi32>
    %swap3A_1213 = arith.constant 1 : i32
    %swap3A_1214 = arith.index_cast %swap3A_1213 : i32 to index
    %swap3A_1215 = arith.constant 64 : index
    %swap3A_1216 = tpu.vector_load %arg8[%swap3A_1214, %swap3A_1215] {strides = array<i32>} : memref<2x128xi32, #tpu.memory_space<vmem>>, vector<1x16xi32>,
    %swap3A_1217 = vector.shape_cast %swap3A_1216 : vector<1x16xi32> to vector<16xi32>
    %swap3A_1218 = vector.shape_cast %add3A_1212 : vector<16xi32> to vector<1x16xi32>
    tpu.vector_store %arg8[%swap3A_1214, %swap3A_1215], %swap3A_1218 {strides = array<i32>} : memref<2x128xi32, #tpu.memory_space<vmem>>, vector<1x16xi32>,
    %mul3A_1219 = arith.constant 100000 : i32
    %mul3A_1220 = arith.muli %add3A_881, %mul3A_1219 : i32
    %add3A_1221 = vector.broadcast %mul3A_1220 : i32 to vector<16xi32>
    %add3A_1222 = arith.addi %add3A_1221, %get3A_1207 : vector<16xi32>
    %swap3A_1223 = arith.constant 1 : i32
    %swap3A_1224 = arith.index_cast %swap3A_1223 : i32 to index
    %swap3A_1225 = arith.constant 64 : index
    %swap3A_1226 = tpu.vector_load %arg9[%swap3A_1224, %swap3A_1225] {strides = array<i32>} : memref<2x128xi32, #tpu.memory_space<vmem>>, vector<1x16xi32>,
    %swap3A_1227 = vector.shape_cast %swap3A_1226 : vector<1x16xi32> to vector<16xi32>
    %swap3A_1228 = vector.shape_cast %add3A_1222 : vector<16xi32> to vector<1x16xi32>
    tpu.vector_store %arg9[%swap3A_1224, %swap3A_1225], %swap3A_1228 {strides = array<i32>} : memref<2x128xi32, #tpu.memory_space<vmem>>, vector<1x16xi32>,
    %get3A_1229 = arith.constant 208 : index
    %get3A_1230 = tpu.vector_load %arg7[%get3A_1229] {strides = array<i32>} : memref<256xi32, #tpu.memory_space<vmem>>, vector<16xi32>,
    %get3A_1231 = vector.shape_cast %get3A_1230 : vector<16xi32> to vector<16xi32>
    %mul3A_1232 = arith.constant 128 : i32
    %mul3A_1233 = vector.broadcast %mul3A_1232 : i32 to vector<16xi32>
    %mul3A_1234 = arith.muli %get3A_1231, %mul3A_1233 : vector<16xi32>
    %add3A_1235 = vector.broadcast %add3A_881 : i32 to vector<16xi32>
    %add3A_1236 = arith.addi %mul3A_1234, %add3A_1235 : vector<16xi32>
    %swap3A_1237 = arith.constant 1 : i32
    %swap3A_1238 = arith.index_cast %swap3A_1237 : i32 to index
    %swap3A_1239 = arith.constant 80 : index
    %swap3A_1240 = tpu.vector_load %arg8[%swap3A_1238, %swap3A_1239] {strides = array<i32>} : memref<2x128xi32, #tpu.memory_space<vmem>>, vector<1x16xi32>,
    %swap3A_1241 = vector.shape_cast %swap3A_1240 : vector<1x16xi32> to vector<16xi32>
    %swap3A_1242 = vector.shape_cast %add3A_1236 : vector<16xi32> to vector<1x16xi32>
    tpu.vector_store %arg8[%swap3A_1238, %swap3A_1239], %swap3A_1242 {strides = array<i32>} : memref<2x128xi32, #tpu.memory_space<vmem>>, vector<1x16xi32>,
    %mul3A_1243 = arith.constant 100000 : i32
    %mul3A_1244 = arith.muli %add3A_881, %mul3A_1243 : i32
    %add3A_1245 = vector.broadcast %mul3A_1244 : i32 to vector<16xi32>
    %add3A_1246 = arith.addi %add3A_1245, %get3A_1231 : vector<16xi32>
    %swap3A_1247 = arith.constant 1 : i32
    %swap3A_1248 = arith.index_cast %swap3A_1247 : i32 to index
    %swap3A_1249 = arith.constant 80 : index
    %swap3A_1250 = tpu.vector_load %arg9[%swap3A_1248, %swap3A_1249] {strides = array<i32>} : memref<2x128xi32, #tpu.memory_space<vmem>>, vector<1x16xi32>,
    %swap3A_1251 = vector.shape_cast %swap3A_1250 : vector<1x16xi32> to vector<16xi32>
    %swap3A_1252 = vector.shape_cast %add3A_1246 : vector<16xi32> to vector<1x16xi32>
    tpu.vector_store %arg9[%swap3A_1248, %swap3A_1249], %swap3A_1252 {strides = array<i32>} : memref<2x128xi32, #tpu.memory_space<vmem>>, vector<1x16xi32>,
    %get3A_1253 = arith.constant 224 : index
    %get3A_1254 = tpu.vector_load %arg7[%get3A_1253] {strides = array<i32>} : memref<256xi32, #tpu.memory_space<vmem>>, vector<16xi32>,
    %get3A_1255 = vector.shape_cast %get3A_1254 : vector<16xi32> to vector<16xi32>
    %mul3A_1256 = arith.constant 128 : i32
    %mul3A_1257 = vector.broadcast %mul3A_1256 : i32 to vector<16xi32>
    %mul3A_1258 = arith.muli %get3A_1255, %mul3A_1257 : vector<16xi32>
    %add3A_1259 = vector.broadcast %add3A_881 : i32 to vector<16xi32>
    %add3A_1260 = arith.addi %mul3A_1258, %add3A_1259 : vector<16xi32>
    %swap3A_1261 = arith.constant 1 : i32
    %swap3A_1262 = arith.index_cast %swap3A_1261 : i32 to index
    %swap3A_1263 = arith.constant 96 : index
    %swap3A_1264 = tpu.vector_load %arg8[%swap3A_1262, %swap3A_1263] {strides = array<i32>} : memref<2x128xi32, #tpu.memory_space<vmem>>, vector<1x16xi32>,
    %swap3A_1265 = vector.shape_cast %swap3A_1264 : vector<1x16xi32> to vector<16xi32>
    %swap3A_1266 = vector.shape_cast %add3A_1260 : vector<16xi32> to vector<1x16xi32>
    tpu.vector_store %arg8[%swap3A_1262, %swap3A_1263], %swap3A_1266 {strides = array<i32>} : memref<2x128xi32, #tpu.memory_space<vmem>>, vector<1x16xi32>,
    %mul3A_1267 = arith.constant 100000 : i32
    %mul3A_1268 = arith.muli %add3A_881, %mul3A_1267 : i32
    %add3A_1269 = vector.broadcast %mul3A_1268 : i32 to vector<16xi32>
    %add3A_1270 = arith.addi %add3A_1269, %get3A_1255 : vector<16xi32>
    %swap3A_1271 = arith.constant 1 : i32
    %swap3A_1272 = arith.index_cast %swap3A_1271 : i32 to index
    %swap3A_1273 = arith.constant 96 : index
    %swap3A_1274 = tpu.vector_load %arg9[%swap3A_1272, %swap3A_1273] {strides = array<i32>} : memref<2x128xi32, #tpu.memory_space<vmem>>, vector<1x16xi32>,
    %swap3A_1275 = vector.shape_cast %swap3A_1274 : vector<1x16xi32> to vector<16xi32>
    %swap3A_1276 = vector.shape_cast %add3A_1270 : vector<16xi32> to vector<1x16xi32>
    tpu.vector_store %arg9[%swap3A_1272, %swap3A_1273], %swap3A_1276 {strides = array<i32>} : memref<2x128xi32, #tpu.memory_space<vmem>>, vector<1x16xi32>,
    %get3A_1277 = arith.constant 240 : index
    %get3A_1278 = tpu.vector_load %arg7[%get3A_1277] {strides = array<i32>} : memref<256xi32, #tpu.memory_space<vmem>>, vector<16xi32>,
    %get3A_1279 = vector.shape_cast %get3A_1278 : vector<16xi32> to vector<16xi32>
    %mul3A_1280 = arith.constant 128 : i32
    %mul3A_1281 = vector.broadcast %mul3A_1280 : i32 to vector<16xi32>
    %mul3A_1282 = arith.muli %get3A_1279, %mul3A_1281 : vector<16xi32>
    %add3A_1283 = vector.broadcast %add3A_881 : i32 to vector<16xi32>
    %add3A_1284 = arith.addi %mul3A_1282, %add3A_1283 : vector<16xi32>
    %swap3A_1285 = arith.constant 1 : i32
    %swap3A_1286 = arith.index_cast %swap3A_1285 : i32 to index
    %swap3A_1287 = arith.constant 112 : index
    %swap3A_1288 = tpu.vector_load %arg8[%swap3A_1286, %swap3A_1287] {strides = array<i32>} : memref<2x128xi32, #tpu.memory_space<vmem>>, vector<1x16xi32>,
    %swap3A_1289 = vector.shape_cast %swap3A_1288 : vector<1x16xi32> to vector<16xi32>
    %swap3A_1290 = vector.shape_cast %add3A_1284 : vector<16xi32> to vector<1x16xi32>
    tpu.vector_store %arg8[%swap3A_1286, %swap3A_1287], %swap3A_1290 {strides = array<i32>} : memref<2x128xi32, #tpu.memory_space<vmem>>, vector<1x16xi32>,
    %mul3A_1291 = arith.constant 100000 : i32
    %mul3A_1292 = arith.muli %add3A_881, %mul3A_1291 : i32
    %add3A_1293 = vector.broadcast %mul3A_1292 : i32 to vector<16xi32>
    %add3A_1294 = arith.addi %add3A_1293, %get3A_1279 : vector<16xi32>
    %swap3A_1295 = arith.constant 1 : i32
    %swap3A_1296 = arith.index_cast %swap3A_1295 : i32 to index
    %swap3A_1297 = arith.constant 112 : index
    %swap3A_1298 = tpu.vector_load %arg9[%swap3A_1296, %swap3A_1297] {strides = array<i32>} : memref<2x128xi32, #tpu.memory_space<vmem>>, vector<1x16xi32>,
    %swap3A_1299 = vector.shape_cast %swap3A_1298 : vector<1x16xi32> to vector<16xi32>
    %swap3A_1300 = vector.shape_cast %add3A_1294 : vector<16xi32> to vector<1x16xi32>
    tpu.vector_store %arg9[%swap3A_1296, %swap3A_1297], %swap3A_1300 {strides = array<i32>} : memref<2x128xi32, #tpu.memory_space<vmem>>, vector<1x16xi32>,
    %dma_start3A_1301 = arith.constant 0 : i32
    %dma_start3A_1302 = arith.constant 0 : i32
    %dma_start3A_1303 = arith.constant 0 : i32
    %dma_start3A_1304 = tpu.memref_slice %arg10[%dma_start3A_1302, %dma_start3A_1303] : memref<2x128xf32, #tpu.memory_space<vmem>> -> memref<1x128xf32, #tpu.memory_space<vmem>>
    %dma_start3A_1305 = tpu.memref_squeeze %dma_start3A_1304 : memref<1x128xf32, #tpu.memory_space<vmem>> -> memref<128xf32, #tpu.memory_space<vmem>>
    %dma_start3A_1306 = arith.constant 0 : i32
    %dma_start3A_1307 = tpu.memref_slice %arg8[%dma_start3A_1301, %dma_start3A_1306] : memref<2x128xi32, #tpu.memory_space<vmem>> -> memref<1x128xi32, #tpu.memory_space<vmem>>
    %dma_start3A_1308 = tpu.memref_squeeze %dma_start3A_1307 : memref<1x128xi32, #tpu.memory_space<vmem>> -> memref<128xi32, #tpu.memory_space<vmem>>
    %dma_start3A_1309 = arith.constant 0 : i32
    %dma_start3A_1310 = tpu.memref_slice %arg2[%dma_start3A_1309] : memref<12800000xf32, #tpu.memory_space<hbm>> -> memref<12800000xf32, #tpu.memory_space<hbm>>
    tpu.enqueue_indirect_dma source(%dma_start3A_1310 : memref<12800000xf32, #tpu.memory_space<hbm>>) target(%dma_start3A_1305 : memref<128xf32, #tpu.memory_space<vmem>>) offsets(%dma_start3A_1308 : memref<128xi32, #tpu.memory_space<vmem>>) semaphore(%arg13 : memref<!tpu.dma_semaphore, #tpu.memory_space<semaphore_mem>>)
    %dma_start3A_1311 = arith.constant 1 : i32
    %dma_start3A_1312 = arith.constant 1 : i32
    %dma_start3A_1313 = arith.constant 0 : i32
    %dma_start3A_1314 = tpu.memref_slice %arg10[%dma_start3A_1312, %dma_start3A_1313] : memref<2x128xf32, #tpu.memory_space<vmem>> -> memref<1x128xf32, #tpu.memory_space<vmem>>
    %dma_start3A_1315 = tpu.memref_squeeze %dma_start3A_1314 : memref<1x128xf32, #tpu.memory_space<vmem>> -> memref<128xf32, #tpu.memory_space<vmem>>
    %dma_start3A_1316 = arith.constant 0 : i32
    %dma_start3A_1317 = tpu.memref_slice %arg8[%dma_start3A_1311, %dma_start3A_1316] : memref<2x128xi32, #tpu.memory_space<vmem>> -> memref<1x128xi32, #tpu.memory_space<vmem>>
    %dma_start3A_1318 = tpu.memref_squeeze %dma_start3A_1317 : memref<1x128xi32, #tpu.memory_space<vmem>> -> memref<128xi32, #tpu.memory_space<vmem>>
    %dma_start3A_1319 = arith.constant 0 : i32
    %dma_start3A_1320 = tpu.memref_slice %arg2[%dma_start3A_1319] : memref<12800000xf32, #tpu.memory_space<hbm>> -> memref<12800000xf32, #tpu.memory_space<hbm>>
    tpu.enqueue_indirect_dma source(%dma_start3A_1320 : memref<12800000xf32, #tpu.memory_space<hbm>>) target(%dma_start3A_1315 : memref<128xf32, #tpu.memory_space<vmem>>) offsets(%dma_start3A_1318 : memref<128xi32, #tpu.memory_space<vmem>>) semaphore(%arg13 : memref<!tpu.dma_semaphore, #tpu.memory_space<semaphore_mem>>)
    %dma_wait3A_1321 = arith.constant 0 : i32
    %dma_wait3A_1322 = arith.constant 0 : i32
    %dma_wait3A_1323 = arith.constant 0 : i32
    %dma_wait3A_1324 = tpu.memref_slice %arg10[%dma_wait3A_1322, %dma_wait3A_1323] : memref<2x128xf32, #tpu.memory_space<vmem>> -> memref<1x128xf32, #tpu.memory_space<vmem>>
    %dma_wait3A_1325 = tpu.memref_squeeze %dma_wait3A_1324 : memref<1x128xf32, #tpu.memory_space<vmem>> -> memref<128xf32, #tpu.memory_space<vmem>>
    %dma_wait3A_1326 = arith.constant 0 : i32
    %dma_wait3A_1327 = tpu.memref_slice %arg8[%dma_wait3A_1321, %dma_wait3A_1326] : memref<2x128xi32, #tpu.memory_space<vmem>> -> memref<1x128xi32, #tpu.memory_space<vmem>>
    %dma_wait3A_1328 = tpu.memref_squeeze %dma_wait3A_1327 : memref<1x128xi32, #tpu.memory_space<vmem>> -> memref<128xi32, #tpu.memory_space<vmem>>
    %dma_wait3A_1329 = arith.constant 0 : i32
    %dma_wait3A_1330 = tpu.memref_slice %arg2[%dma_wait3A_1329] : memref<12800000xf32, #tpu.memory_space<hbm>> -> memref<12800000xf32, #tpu.memory_space<hbm>>
    tpu.wait_indirect_dma semaphore(%arg13 : memref<!tpu.dma_semaphore, #tpu.memory_space<semaphore_mem>>) src(%dma_wait3A_1330 : memref<12800000xf32, #tpu.memory_space<hbm>>) dst(%dma_wait3A_1325 : memref<128xf32, #tpu.memory_space<vmem>>)
    %dma_wait3A_1331 = arith.constant 1 : i32
    %dma_wait3A_1332 = arith.constant 1 : i32
    %dma_wait3A_1333 = arith.constant 0 : i32
    %dma_wait3A_1334 = tpu.memref_slice %arg10[%dma_wait3A_1332, %dma_wait3A_1333] : memref<2x128xf32, #tpu.memory_space<vmem>> -> memref<1x128xf32, #tpu.memory_space<vmem>>
    %dma_wait3A_1335 = tpu.memref_squeeze %dma_wait3A_1334 : memref<1x128xf32, #tpu.memory_space<vmem>> -> memref<128xf32, #tpu.memory_space<vmem>>
    %dma_wait3A_1336 = arith.constant 0 : i32
    %dma_wait3A_1337 = tpu.memref_slice %arg8[%dma_wait3A_1331, %dma_wait3A_1336] : memref<2x128xi32, #tpu.memory_space<vmem>> -> memref<1x128xi32, #tpu.memory_space<vmem>>
    %dma_wait3A_1338 = tpu.memref_squeeze %dma_wait3A_1337 : memref<1x128xi32, #tpu.memory_space<vmem>> -> memref<128xi32, #tpu.memory_space<vmem>>
    %dma_wait3A_1339 = arith.constant 0 : i32
    %dma_wait3A_1340 = tpu.memref_slice %arg2[%dma_wait3A_1339] : memref<12800000xf32, #tpu.memory_space<hbm>> -> memref<12800000xf32, #tpu.memory_space<hbm>>
    tpu.wait_indirect_dma semaphore(%arg13 : memref<!tpu.dma_semaphore, #tpu.memory_space<semaphore_mem>>) src(%dma_wait3A_1340 : memref<12800000xf32, #tpu.memory_space<hbm>>) dst(%dma_wait3A_1335 : memref<128xf32, #tpu.memory_space<vmem>>)
    %get3A_1341 = arith.constant 0 : i32
    %get3A_1342 = arith.index_cast %get3A_1341 : i32 to index
    %get3A_1343 = arith.constant 0 : index
    %get3A_1344 = tpu.vector_load %arg10[%get3A_1342, %get3A_1343] {strides = array<i32>} : memref<2x128xf32, #tpu.memory_space<vmem>>, vector<1x16xf32>,
    %get3A_1345 = vector.shape_cast %get3A_1344 : vector<1x16xf32> to vector<16xf32>
    %get3A_1346 = arith.constant 0 : index
    %get3A_1347 = tpu.vector_load %arg12[%get3A_1346] {strides = array<i32>} : memref<256xf32, #tpu.memory_space<vmem>>, vector<16xf32>,
    %get3A_1348 = vector.shape_cast %get3A_1347 : vector<16xf32> to vector<16xf32>
    %mul3A_1349 = arith.constant 0.0487901643 : f32
    %mul3A_1350 = vector.broadcast %mul3A_1349 : f32 to vector<16xf32>
    %mul3A_1351 = arith.mulf %get3A_1348, %mul3A_1350 : vector<16xf32>
    %exp3A_1352 = math.exp %mul3A_1351 : vector<16xf32>
    %lt3A_1353 = arith.constant 0.000000e+00 : f32
    %lt3A_1354 = vector.broadcast %lt3A_1353 : f32 to vector<16xf32>
    %lt3A_1355 = arith.cmpf olt, %get3A_1345, %lt3A_1354 : vector<16xf32>
    %mul3A_1356 = arith.mulf %get3A_1345, %exp3A_1352 : vector<16xf32>
    %div3A_1357 = arith.divf %get3A_1345, %exp3A_1352 : vector<16xf32>
    %select_n3A_1358 = arith.select %lt3A_1355, %mul3A_1356, %div3A_1357 : vector<16xi1>, vector<16xf32>
    %swap3A_1359 = arith.constant 0 : i32
    %swap3A_1360 = arith.index_cast %swap3A_1359 : i32 to index
    %swap3A_1361 = arith.constant 0 : index
    %swap3A_1362 = tpu.vector_load %arg11[%swap3A_1360, %swap3A_1361] {strides = array<i32>} : memref<2x128xf32, #tpu.memory_space<vmem>>, vector<1x16xf32>,
    %swap3A_1363 = vector.shape_cast %swap3A_1362 : vector<1x16xf32> to vector<16xf32>
    %swap3A_1364 = vector.shape_cast %select_n3A_1358 : vector<16xf32> to vector<1x16xf32>
    tpu.vector_store %arg11[%swap3A_1360, %swap3A_1361], %swap3A_1364 {strides = array<i32>} : memref<2x128xf32, #tpu.memory_space<vmem>>, vector<1x16xf32>,
    %get3A_1365 = arith.constant 0 : i32
    %get3A_1366 = arith.index_cast %get3A_1365 : i32 to index
    %get3A_1367 = arith.constant 16 : index
    %get3A_1368 = tpu.vector_load %arg10[%get3A_1366, %get3A_1367] {strides = array<i32>} : memref<2x128xf32, #tpu.memory_space<vmem>>, vector<1x16xf32>,
    %get3A_1369 = vector.shape_cast %get3A_1368 : vector<1x16xf32> to vector<16xf32>
    %get3A_1370 = arith.constant 16 : index
    %get3A_1371 = tpu.vector_load %arg12[%get3A_1370] {strides = array<i32>} : memref<256xf32, #tpu.memory_space<vmem>>, vector<16xf32>,
    %get3A_1372 = vector.shape_cast %get3A_1371 : vector<16xf32> to vector<16xf32>
    %mul3A_1373 = arith.constant 0.0487901643 : f32
    %mul3A_1374 = vector.broadcast %mul3A_1373 : f32 to vector<16xf32>
    %mul3A_1375 = arith.mulf %get3A_1372, %mul3A_1374 : vector<16xf32>
    %exp3A_1376 = math.exp %mul3A_1375 : vector<16xf32>
    %lt3A_1377 = arith.constant 0.000000e+00 : f32
    %lt3A_1378 = vector.broadcast %lt3A_1377 : f32 to vector<16xf32>
    %lt3A_1379 = arith.cmpf olt, %get3A_1369, %lt3A_1378 : vector<16xf32>
    %mul3A_1380 = arith.mulf %get3A_1369, %exp3A_1376 : vector<16xf32>
    %div3A_1381 = arith.divf %get3A_1369, %exp3A_1376 : vector<16xf32>
    %select_n3A_1382 = arith.select %lt3A_1379, %mul3A_1380, %div3A_1381 : vector<16xi1>, vector<16xf32>
    %swap3A_1383 = arith.constant 0 : i32
    %swap3A_1384 = arith.index_cast %swap3A_1383 : i32 to index
    %swap3A_1385 = arith.constant 16 : index
    %swap3A_1386 = tpu.vector_load %arg11[%swap3A_1384, %swap3A_1385] {strides = array<i32>} : memref<2x128xf32, #tpu.memory_space<vmem>>, vector<1x16xf32>,
    %swap3A_1387 = vector.shape_cast %swap3A_1386 : vector<1x16xf32> to vector<16xf32>
    %swap3A_1388 = vector.shape_cast %select_n3A_1382 : vector<16xf32> to vector<1x16xf32>
    tpu.vector_store %arg11[%swap3A_1384, %swap3A_1385], %swap3A_1388 {strides = array<i32>} : memref<2x128xf32, #tpu.memory_space<vmem>>, vector<1x16xf32>,
    %get3A_1389 = arith.constant 0 : i32
    %get3A_1390 = arith.index_cast %get3A_1389 : i32 to index
    %get3A_1391 = arith.constant 32 : index
    %get3A_1392 = tpu.vector_load %arg10[%get3A_1390, %get3A_1391] {strides = array<i32>} : memref<2x128xf32, #tpu.memory_space<vmem>>, vector<1x16xf32>,
    %get3A_1393 = vector.shape_cast %get3A_1392 : vector<1x16xf32> to vector<16xf32>
    %get3A_1394 = arith.constant 32 : index
    %get3A_1395 = tpu.vector_load %arg12[%get3A_1394] {strides = array<i32>} : memref<256xf32, #tpu.memory_space<vmem>>, vector<16xf32>,
    %get3A_1396 = vector.shape_cast %get3A_1395 : vector<16xf32> to vector<16xf32>
    %mul3A_1397 = arith.constant 0.0487901643 : f32
    %mul3A_1398 = vector.broadcast %mul3A_1397 : f32 to vector<16xf32>
    %mul3A_1399 = arith.mulf %get3A_1396, %mul3A_1398 : vector<16xf32>
    %exp3A_1400 = math.exp %mul3A_1399 : vector<16xf32>
    %lt3A_1401 = arith.constant 0.000000e+00 : f32
    %lt3A_1402 = vector.broadcast %lt3A_1401 : f32 to vector<16xf32>
    %lt3A_1403 = arith.cmpf olt, %get3A_1393, %lt3A_1402 : vector<16xf32>
    %mul3A_1404 = arith.mulf %get3A_1393, %exp3A_1400 : vector<16xf32>
    %div3A_1405 = arith.divf %get3A_1393, %exp3A_1400 : vector<16xf32>
    %select_n3A_1406 = arith.select %lt3A_1403, %mul3A_1404, %div3A_1405 : vector<16xi1>, vector<16xf32>
    %swap3A_1407 = arith.constant 0 : i32
    %swap3A_1408 = arith.index_cast %swap3A_1407 : i32 to index
    %swap3A_1409 = arith.constant 32 : index
    %swap3A_1410 = tpu.vector_load %arg11[%swap3A_1408, %swap3A_1409] {strides = array<i32>} : memref<2x128xf32, #tpu.memory_space<vmem>>, vector<1x16xf32>,
    %swap3A_1411 = vector.shape_cast %swap3A_1410 : vector<1x16xf32> to vector<16xf32>
    %swap3A_1412 = vector.shape_cast %select_n3A_1406 : vector<16xf32> to vector<1x16xf32>
    tpu.vector_store %arg11[%swap3A_1408, %swap3A_1409], %swap3A_1412 {strides = array<i32>} : memref<2x128xf32, #tpu.memory_space<vmem>>, vector<1x16xf32>,
    %get3A_1413 = arith.constant 0 : i32
    %get3A_1414 = arith.index_cast %get3A_1413 : i32 to index
    %get3A_1415 = arith.constant 48 : index
    %get3A_1416 = tpu.vector_load %arg10[%get3A_1414, %get3A_1415] {strides = array<i32>} : memref<2x128xf32, #tpu.memory_space<vmem>>, vector<1x16xf32>,
    %get3A_1417 = vector.shape_cast %get3A_1416 : vector<1x16xf32> to vector<16xf32>
    %get3A_1418 = arith.constant 48 : index
    %get3A_1419 = tpu.vector_load %arg12[%get3A_1418] {strides = array<i32>} : memref<256xf32, #tpu.memory_space<vmem>>, vector<16xf32>,
    %get3A_1420 = vector.shape_cast %get3A_1419 : vector<16xf32> to vector<16xf32>
    %mul3A_1421 = arith.constant 0.0487901643 : f32
    %mul3A_1422 = vector.broadcast %mul3A_1421 : f32 to vector<16xf32>
    %mul3A_1423 = arith.mulf %get3A_1420, %mul3A_1422 : vector<16xf32>
    %exp3A_1424 = math.exp %mul3A_1423 : vector<16xf32>
    %lt3A_1425 = arith.constant 0.000000e+00 : f32
    %lt3A_1426 = vector.broadcast %lt3A_1425 : f32 to vector<16xf32>
    %lt3A_1427 = arith.cmpf olt, %get3A_1417, %lt3A_1426 : vector<16xf32>
    %mul3A_1428 = arith.mulf %get3A_1417, %exp3A_1424 : vector<16xf32>
    %div3A_1429 = arith.divf %get3A_1417, %exp3A_1424 : vector<16xf32>
    %select_n3A_1430 = arith.select %lt3A_1427, %mul3A_1428, %div3A_1429 : vector<16xi1>, vector<16xf32>
    %swap3A_1431 = arith.constant 0 : i32
    %swap3A_1432 = arith.index_cast %swap3A_1431 : i32 to index
    %swap3A_1433 = arith.constant 48 : index
    %swap3A_1434 = tpu.vector_load %arg11[%swap3A_1432, %swap3A_1433] {strides = array<i32>} : memref<2x128xf32, #tpu.memory_space<vmem>>, vector<1x16xf32>,
    %swap3A_1435 = vector.shape_cast %swap3A_1434 : vector<1x16xf32> to vector<16xf32>
    %swap3A_1436 = vector.shape_cast %select_n3A_1430 : vector<16xf32> to vector<1x16xf32>
    tpu.vector_store %arg11[%swap3A_1432, %swap3A_1433], %swap3A_1436 {strides = array<i32>} : memref<2x128xf32, #tpu.memory_space<vmem>>, vector<1x16xf32>,
    %get3A_1437 = arith.constant 0 : i32
    %get3A_1438 = arith.index_cast %get3A_1437 : i32 to index
    %get3A_1439 = arith.constant 64 : index
    %get3A_1440 = tpu.vector_load %arg10[%get3A_1438, %get3A_1439] {strides = array<i32>} : memref<2x128xf32, #tpu.memory_space<vmem>>, vector<1x16xf32>,
    %get3A_1441 = vector.shape_cast %get3A_1440 : vector<1x16xf32> to vector<16xf32>
    %get3A_1442 = arith.constant 64 : index
    %get3A_1443 = tpu.vector_load %arg12[%get3A_1442] {strides = array<i32>} : memref<256xf32, #tpu.memory_space<vmem>>, vector<16xf32>,
    %get3A_1444 = vector.shape_cast %get3A_1443 : vector<16xf32> to vector<16xf32>
    %mul3A_1445 = arith.constant 0.0487901643 : f32
    %mul3A_1446 = vector.broadcast %mul3A_1445 : f32 to vector<16xf32>
    %mul3A_1447 = arith.mulf %get3A_1444, %mul3A_1446 : vector<16xf32>
    %exp3A_1448 = math.exp %mul3A_1447 : vector<16xf32>
    %lt3A_1449 = arith.constant 0.000000e+00 : f32
    %lt3A_1450 = vector.broadcast %lt3A_1449 : f32 to vector<16xf32>
    %lt3A_1451 = arith.cmpf olt, %get3A_1441, %lt3A_1450 : vector<16xf32>
    %mul3A_1452 = arith.mulf %get3A_1441, %exp3A_1448 : vector<16xf32>
    %div3A_1453 = arith.divf %get3A_1441, %exp3A_1448 : vector<16xf32>
    %select_n3A_1454 = arith.select %lt3A_1451, %mul3A_1452, %div3A_1453 : vector<16xi1>, vector<16xf32>
    %swap3A_1455 = arith.constant 0 : i32
    %swap3A_1456 = arith.index_cast %swap3A_1455 : i32 to index
    %swap3A_1457 = arith.constant 64 : index
    %swap3A_1458 = tpu.vector_load %arg11[%swap3A_1456, %swap3A_1457] {strides = array<i32>} : memref<2x128xf32, #tpu.memory_space<vmem>>, vector<1x16xf32>,
    %swap3A_1459 = vector.shape_cast %swap3A_1458 : vector<1x16xf32> to vector<16xf32>
    %swap3A_1460 = vector.shape_cast %select_n3A_1454 : vector<16xf32> to vector<1x16xf32>
    tpu.vector_store %arg11[%swap3A_1456, %swap3A_1457], %swap3A_1460 {strides = array<i32>} : memref<2x128xf32, #tpu.memory_space<vmem>>, vector<1x16xf32>,
    %get3A_1461 = arith.constant 0 : i32
    %get3A_1462 = arith.index_cast %get3A_1461 : i32 to index
    %get3A_1463 = arith.constant 80 : index
    %get3A_1464 = tpu.vector_load %arg10[%get3A_1462, %get3A_1463] {strides = array<i32>} : memref<2x128xf32, #tpu.memory_space<vmem>>, vector<1x16xf32>,
    %get3A_1465 = vector.shape_cast %get3A_1464 : vector<1x16xf32> to vector<16xf32>
    %get3A_1466 = arith.constant 80 : index
    %get3A_1467 = tpu.vector_load %arg12[%get3A_1466] {strides = array<i32>} : memref<256xf32, #tpu.memory_space<vmem>>, vector<16xf32>,
    %get3A_1468 = vector.shape_cast %get3A_1467 : vector<16xf32> to vector<16xf32>
    %mul3A_1469 = arith.constant 0.0487901643 : f32
    %mul3A_1470 = vector.broadcast %mul3A_1469 : f32 to vector<16xf32>
    %mul3A_1471 = arith.mulf %get3A_1468, %mul3A_1470 : vector<16xf32>
    %exp3A_1472 = math.exp %mul3A_1471 : vector<16xf32>
    %lt3A_1473 = arith.constant 0.000000e+00 : f32
    %lt3A_1474 = vector.broadcast %lt3A_1473 : f32 to vector<16xf32>
    %lt3A_1475 = arith.cmpf olt, %get3A_1465, %lt3A_1474 : vector<16xf32>
    %mul3A_1476 = arith.mulf %get3A_1465, %exp3A_1472 : vector<16xf32>
    %div3A_1477 = arith.divf %get3A_1465, %exp3A_1472 : vector<16xf32>
    %select_n3A_1478 = arith.select %lt3A_1475, %mul3A_1476, %div3A_1477 : vector<16xi1>, vector<16xf32>
    %swap3A_1479 = arith.constant 0 : i32
    %swap3A_1480 = arith.index_cast %swap3A_1479 : i32 to index
    %swap3A_1481 = arith.constant 80 : index
    %swap3A_1482 = tpu.vector_load %arg11[%swap3A_1480, %swap3A_1481] {strides = array<i32>} : memref<2x128xf32, #tpu.memory_space<vmem>>, vector<1x16xf32>,
    %swap3A_1483 = vector.shape_cast %swap3A_1482 : vector<1x16xf32> to vector<16xf32>
    %swap3A_1484 = vector.shape_cast %select_n3A_1478 : vector<16xf32> to vector<1x16xf32>
    tpu.vector_store %arg11[%swap3A_1480, %swap3A_1481], %swap3A_1484 {strides = array<i32>} : memref<2x128xf32, #tpu.memory_space<vmem>>, vector<1x16xf32>,
    %get3A_1485 = arith.constant 0 : i32
    %get3A_1486 = arith.index_cast %get3A_1485 : i32 to index
    %get3A_1487 = arith.constant 96 : index
    %get3A_1488 = tpu.vector_load %arg10[%get3A_1486, %get3A_1487] {strides = array<i32>} : memref<2x128xf32, #tpu.memory_space<vmem>>, vector<1x16xf32>,
    %get3A_1489 = vector.shape_cast %get3A_1488 : vector<1x16xf32> to vector<16xf32>
    %get3A_1490 = arith.constant 96 : index
    %get3A_1491 = tpu.vector_load %arg12[%get3A_1490] {strides = array<i32>} : memref<256xf32, #tpu.memory_space<vmem>>, vector<16xf32>,
    %get3A_1492 = vector.shape_cast %get3A_1491 : vector<16xf32> to vector<16xf32>
    %mul3A_1493 = arith.constant 0.0487901643 : f32
    %mul3A_1494 = vector.broadcast %mul3A_1493 : f32 to vector<16xf32>
    %mul3A_1495 = arith.mulf %get3A_1492, %mul3A_1494 : vector<16xf32>
    %exp3A_1496 = math.exp %mul3A_1495 : vector<16xf32>
    %lt3A_1497 = arith.constant 0.000000e+00 : f32
    %lt3A_1498 = vector.broadcast %lt3A_1497 : f32 to vector<16xf32>
    %lt3A_1499 = arith.cmpf olt, %get3A_1489, %lt3A_1498 : vector<16xf32>
    %mul3A_1500 = arith.mulf %get3A_1489, %exp3A_1496 : vector<16xf32>
    %div3A_1501 = arith.divf %get3A_1489, %exp3A_1496 : vector<16xf32>
    %select_n3A_1502 = arith.select %lt3A_1499, %mul3A_1500, %div3A_1501 : vector<16xi1>, vector<16xf32>
    %swap3A_1503 = arith.constant 0 : i32
    %swap3A_1504 = arith.index_cast %swap3A_1503 : i32 to index
    %swap3A_1505 = arith.constant 96 : index
    %swap3A_1506 = tpu.vector_load %arg11[%swap3A_1504, %swap3A_1505] {strides = array<i32>} : memref<2x128xf32, #tpu.memory_space<vmem>>, vector<1x16xf32>,
    %swap3A_1507 = vector.shape_cast %swap3A_1506 : vector<1x16xf32> to vector<16xf32>
    %swap3A_1508 = vector.shape_cast %select_n3A_1502 : vector<16xf32> to vector<1x16xf32>
    tpu.vector_store %arg11[%swap3A_1504, %swap3A_1505], %swap3A_1508 {strides = array<i32>} : memref<2x128xf32, #tpu.memory_space<vmem>>, vector<1x16xf32>,
    %get3A_1509 = arith.constant 0 : i32
    %get3A_1510 = arith.index_cast %get3A_1509 : i32 to index
    %get3A_1511 = arith.constant 112 : index
    %get3A_1512 = tpu.vector_load %arg10[%get3A_1510, %get3A_1511] {strides = array<i32>} : memref<2x128xf32, #tpu.memory_space<vmem>>, vector<1x16xf32>,
    %get3A_1513 = vector.shape_cast %get3A_1512 : vector<1x16xf32> to vector<16xf32>
    %get3A_1514 = arith.constant 112 : index
    %get3A_1515 = tpu.vector_load %arg12[%get3A_1514] {strides = array<i32>} : memref<256xf32, #tpu.memory_space<vmem>>, vector<16xf32>,
    %get3A_1516 = vector.shape_cast %get3A_1515 : vector<16xf32> to vector<16xf32>
    %mul3A_1517 = arith.constant 0.0487901643 : f32
    %mul3A_1518 = vector.broadcast %mul3A_1517 : f32 to vector<16xf32>
    %mul3A_1519 = arith.mulf %get3A_1516, %mul3A_1518 : vector<16xf32>
    %exp3A_1520 = math.exp %mul3A_1519 : vector<16xf32>
    %lt3A_1521 = arith.constant 0.000000e+00 : f32
    %lt3A_1522 = vector.broadcast %lt3A_1521 : f32 to vector<16xf32>
    %lt3A_1523 = arith.cmpf olt, %get3A_1513, %lt3A_1522 : vector<16xf32>
    %mul3A_1524 = arith.mulf %get3A_1513, %exp3A_1520 : vector<16xf32>
    %div3A_1525 = arith.divf %get3A_1513, %exp3A_1520 : vector<16xf32>
    %select_n3A_1526 = arith.select %lt3A_1523, %mul3A_1524, %div3A_1525 : vector<16xi1>, vector<16xf32>
    %swap3A_1527 = arith.constant 0 : i32
    %swap3A_1528 = arith.index_cast %swap3A_1527 : i32 to index
    %swap3A_1529 = arith.constant 112 : index
    %swap3A_1530 = tpu.vector_load %arg11[%swap3A_1528, %swap3A_1529] {strides = array<i32>} : memref<2x128xf32, #tpu.memory_space<vmem>>, vector<1x16xf32>,
    %swap3A_1531 = vector.shape_cast %swap3A_1530 : vector<1x16xf32> to vector<16xf32>
    %swap3A_1532 = vector.shape_cast %select_n3A_1526 : vector<16xf32> to vector<1x16xf32>
    tpu.vector_store %arg11[%swap3A_1528, %swap3A_1529], %swap3A_1532 {strides = array<i32>} : memref<2x128xf32, #tpu.memory_space<vmem>>, vector<1x16xf32>,
    %get3A_1533 = arith.constant 1 : i32
    %get3A_1534 = arith.index_cast %get3A_1533 : i32 to index
    %get3A_1535 = arith.constant 0 : index
    %get3A_1536 = tpu.vector_load %arg10[%get3A_1534, %get3A_1535] {strides = array<i32>} : memref<2x128xf32, #tpu.memory_space<vmem>>, vector<1x16xf32>,
    %get3A_1537 = vector.shape_cast %get3A_1536 : vector<1x16xf32> to vector<16xf32>
    %get3A_1538 = arith.constant 128 : index
    %get3A_1539 = tpu.vector_load %arg12[%get3A_1538] {strides = array<i32>} : memref<256xf32, #tpu.memory_space<vmem>>, vector<16xf32>,
    %get3A_1540 = vector.shape_cast %get3A_1539 : vector<16xf32> to vector<16xf32>
    %mul3A_1541 = arith.constant 0.0487901643 : f32
    %mul3A_1542 = vector.broadcast %mul3A_1541 : f32 to vector<16xf32>
    %mul3A_1543 = arith.mulf %get3A_1540, %mul3A_1542 : vector<16xf32>
    %exp3A_1544 = math.exp %mul3A_1543 : vector<16xf32>
    %lt3A_1545 = arith.constant 0.000000e+00 : f32
    %lt3A_1546 = vector.broadcast %lt3A_1545 : f32 to vector<16xf32>
    %lt3A_1547 = arith.cmpf olt, %get3A_1537, %lt3A_1546 : vector<16xf32>
    %mul3A_1548 = arith.mulf %get3A_1537, %exp3A_1544 : vector<16xf32>
    %div3A_1549 = arith.divf %get3A_1537, %exp3A_1544 : vector<16xf32>
    %select_n3A_1550 = arith.select %lt3A_1547, %mul3A_1548, %div3A_1549 : vector<16xi1>, vector<16xf32>
    %swap3A_1551 = arith.constant 1 : i32
    %swap3A_1552 = arith.index_cast %swap3A_1551 : i32 to index
    %swap3A_1553 = arith.constant 0 : index
    %swap3A_1554 = tpu.vector_load %arg11[%swap3A_1552, %swap3A_1553] {strides = array<i32>} : memref<2x128xf32, #tpu.memory_space<vmem>>, vector<1x16xf32>,
    %swap3A_1555 = vector.shape_cast %swap3A_1554 : vector<1x16xf32> to vector<16xf32>
    %swap3A_1556 = vector.shape_cast %select_n3A_1550 : vector<16xf32> to vector<1x16xf32>
    tpu.vector_store %arg11[%swap3A_1552, %swap3A_1553], %swap3A_1556 {strides = array<i32>} : memref<2x128xf32, #tpu.memory_space<vmem>>, vector<1x16xf32>,
    %get3A_1557 = arith.constant 1 : i32
    %get3A_1558 = arith.index_cast %get3A_1557 : i32 to index
    %get3A_1559 = arith.constant 16 : index
    %get3A_1560 = tpu.vector_load %arg10[%get3A_1558, %get3A_1559] {strides = array<i32>} : memref<2x128xf32, #tpu.memory_space<vmem>>, vector<1x16xf32>,
    %get3A_1561 = vector.shape_cast %get3A_1560 : vector<1x16xf32> to vector<16xf32>
    %get3A_1562 = arith.constant 144 : index
    %get3A_1563 = tpu.vector_load %arg12[%get3A_1562] {strides = array<i32>} : memref<256xf32, #tpu.memory_space<vmem>>, vector<16xf32>,
    %get3A_1564 = vector.shape_cast %get3A_1563 : vector<16xf32> to vector<16xf32>
    %mul3A_1565 = arith.constant 0.0487901643 : f32
    %mul3A_1566 = vector.broadcast %mul3A_1565 : f32 to vector<16xf32>
    %mul3A_1567 = arith.mulf %get3A_1564, %mul3A_1566 : vector<16xf32>
    %exp3A_1568 = math.exp %mul3A_1567 : vector<16xf32>
    %lt3A_1569 = arith.constant 0.000000e+00 : f32
    %lt3A_1570 = vector.broadcast %lt3A_1569 : f32 to vector<16xf32>
    %lt3A_1571 = arith.cmpf olt, %get3A_1561, %lt3A_1570 : vector<16xf32>
    %mul3A_1572 = arith.mulf %get3A_1561, %exp3A_1568 : vector<16xf32>
    %div3A_1573 = arith.divf %get3A_1561, %exp3A_1568 : vector<16xf32>
    %select_n3A_1574 = arith.select %lt3A_1571, %mul3A_1572, %div3A_1573 : vector<16xi1>, vector<16xf32>
    %swap3A_1575 = arith.constant 1 : i32
    %swap3A_1576 = arith.index_cast %swap3A_1575 : i32 to index
    %swap3A_1577 = arith.constant 16 : index
    %swap3A_1578 = tpu.vector_load %arg11[%swap3A_1576, %swap3A_1577] {strides = array<i32>} : memref<2x128xf32, #tpu.memory_space<vmem>>, vector<1x16xf32>,
    %swap3A_1579 = vector.shape_cast %swap3A_1578 : vector<1x16xf32> to vector<16xf32>
    %swap3A_1580 = vector.shape_cast %select_n3A_1574 : vector<16xf32> to vector<1x16xf32>
    tpu.vector_store %arg11[%swap3A_1576, %swap3A_1577], %swap3A_1580 {strides = array<i32>} : memref<2x128xf32, #tpu.memory_space<vmem>>, vector<1x16xf32>,
    %get3A_1581 = arith.constant 1 : i32
    %get3A_1582 = arith.index_cast %get3A_1581 : i32 to index
    %get3A_1583 = arith.constant 32 : index
    %get3A_1584 = tpu.vector_load %arg10[%get3A_1582, %get3A_1583] {strides = array<i32>} : memref<2x128xf32, #tpu.memory_space<vmem>>, vector<1x16xf32>,
    %get3A_1585 = vector.shape_cast %get3A_1584 : vector<1x16xf32> to vector<16xf32>
    %get3A_1586 = arith.constant 160 : index
    %get3A_1587 = tpu.vector_load %arg12[%get3A_1586] {strides = array<i32>} : memref<256xf32, #tpu.memory_space<vmem>>, vector<16xf32>,
    %get3A_1588 = vector.shape_cast %get3A_1587 : vector<16xf32> to vector<16xf32>
    %mul3A_1589 = arith.constant 0.0487901643 : f32
    %mul3A_1590 = vector.broadcast %mul3A_1589 : f32 to vector<16xf32>
    %mul3A_1591 = arith.mulf %get3A_1588, %mul3A_1590 : vector<16xf32>
    %exp3A_1592 = math.exp %mul3A_1591 : vector<16xf32>
    %lt3A_1593 = arith.constant 0.000000e+00 : f32
    %lt3A_1594 = vector.broadcast %lt3A_1593 : f32 to vector<16xf32>
    %lt3A_1595 = arith.cmpf olt, %get3A_1585, %lt3A_1594 : vector<16xf32>
    %mul3A_1596 = arith.mulf %get3A_1585, %exp3A_1592 : vector<16xf32>
    %div3A_1597 = arith.divf %get3A_1585, %exp3A_1592 : vector<16xf32>
    %select_n3A_1598 = arith.select %lt3A_1595, %mul3A_1596, %div3A_1597 : vector<16xi1>, vector<16xf32>
    %swap3A_1599 = arith.constant 1 : i32
    %swap3A_1600 = arith.index_cast %swap3A_1599 : i32 to index
    %swap3A_1601 = arith.constant 32 : index
    %swap3A_1602 = tpu.vector_load %arg11[%swap3A_1600, %swap3A_1601] {strides = array<i32>} : memref<2x128xf32, #tpu.memory_space<vmem>>, vector<1x16xf32>,
    %swap3A_1603 = vector.shape_cast %swap3A_1602 : vector<1x16xf32> to vector<16xf32>
    %swap3A_1604 = vector.shape_cast %select_n3A_1598 : vector<16xf32> to vector<1x16xf32>
    tpu.vector_store %arg11[%swap3A_1600, %swap3A_1601], %swap3A_1604 {strides = array<i32>} : memref<2x128xf32, #tpu.memory_space<vmem>>, vector<1x16xf32>,
    %get3A_1605 = arith.constant 1 : i32
    %get3A_1606 = arith.index_cast %get3A_1605 : i32 to index
    %get3A_1607 = arith.constant 48 : index
    %get3A_1608 = tpu.vector_load %arg10[%get3A_1606, %get3A_1607] {strides = array<i32>} : memref<2x128xf32, #tpu.memory_space<vmem>>, vector<1x16xf32>,
    %get3A_1609 = vector.shape_cast %get3A_1608 : vector<1x16xf32> to vector<16xf32>
    %get3A_1610 = arith.constant 176 : index
    %get3A_1611 = tpu.vector_load %arg12[%get3A_1610] {strides = array<i32>} : memref<256xf32, #tpu.memory_space<vmem>>, vector<16xf32>,
    %get3A_1612 = vector.shape_cast %get3A_1611 : vector<16xf32> to vector<16xf32>
    %mul3A_1613 = arith.constant 0.0487901643 : f32
    %mul3A_1614 = vector.broadcast %mul3A_1613 : f32 to vector<16xf32>
    %mul3A_1615 = arith.mulf %get3A_1612, %mul3A_1614 : vector<16xf32>
    %exp3A_1616 = math.exp %mul3A_1615 : vector<16xf32>
    %lt3A_1617 = arith.constant 0.000000e+00 : f32
    %lt3A_1618 = vector.broadcast %lt3A_1617 : f32 to vector<16xf32>
    %lt3A_1619 = arith.cmpf olt, %get3A_1609, %lt3A_1618 : vector<16xf32>
    %mul3A_1620 = arith.mulf %get3A_1609, %exp3A_1616 : vector<16xf32>
    %div3A_1621 = arith.divf %get3A_1609, %exp3A_1616 : vector<16xf32>
    %select_n3A_1622 = arith.select %lt3A_1619, %mul3A_1620, %div3A_1621 : vector<16xi1>, vector<16xf32>
    %swap3A_1623 = arith.constant 1 : i32
    %swap3A_1624 = arith.index_cast %swap3A_1623 : i32 to index
    %swap3A_1625 = arith.constant 48 : index
    %swap3A_1626 = tpu.vector_load %arg11[%swap3A_1624, %swap3A_1625] {strides = array<i32>} : memref<2x128xf32, #tpu.memory_space<vmem>>, vector<1x16xf32>,
    %swap3A_1627 = vector.shape_cast %swap3A_1626 : vector<1x16xf32> to vector<16xf32>
    %swap3A_1628 = vector.shape_cast %select_n3A_1622 : vector<16xf32> to vector<1x16xf32>
    tpu.vector_store %arg11[%swap3A_1624, %swap3A_1625], %swap3A_1628 {strides = array<i32>} : memref<2x128xf32, #tpu.memory_space<vmem>>, vector<1x16xf32>,
    %get3A_1629 = arith.constant 1 : i32
    %get3A_1630 = arith.index_cast %get3A_1629 : i32 to index
    %get3A_1631 = arith.constant 64 : index
    %get3A_1632 = tpu.vector_load %arg10[%get3A_1630, %get3A_1631] {strides = array<i32>} : memref<2x128xf32, #tpu.memory_space<vmem>>, vector<1x16xf32>,
    %get3A_1633 = vector.shape_cast %get3A_1632 : vector<1x16xf32> to vector<16xf32>
    %get3A_1634 = arith.constant 192 : index
    %get3A_1635 = tpu.vector_load %arg12[%get3A_1634] {strides = array<i32>} : memref<256xf32, #tpu.memory_space<vmem>>, vector<16xf32>,
    %get3A_1636 = vector.shape_cast %get3A_1635 : vector<16xf32> to vector<16xf32>
    %mul3A_1637 = arith.constant 0.0487901643 : f32
    %mul3A_1638 = vector.broadcast %mul3A_1637 : f32 to vector<16xf32>
    %mul3A_1639 = arith.mulf %get3A_1636, %mul3A_1638 : vector<16xf32>
    %exp3A_1640 = math.exp %mul3A_1639 : vector<16xf32>
    %lt3A_1641 = arith.constant 0.000000e+00 : f32
    %lt3A_1642 = vector.broadcast %lt3A_1641 : f32 to vector<16xf32>
    %lt3A_1643 = arith.cmpf olt, %get3A_1633, %lt3A_1642 : vector<16xf32>
    %mul3A_1644 = arith.mulf %get3A_1633, %exp3A_1640 : vector<16xf32>
    %div3A_1645 = arith.divf %get3A_1633, %exp3A_1640 : vector<16xf32>
    %select_n3A_1646 = arith.select %lt3A_1643, %mul3A_1644, %div3A_1645 : vector<16xi1>, vector<16xf32>
    %swap3A_1647 = arith.constant 1 : i32
    %swap3A_1648 = arith.index_cast %swap3A_1647 : i32 to index
    %swap3A_1649 = arith.constant 64 : index
    %swap3A_1650 = tpu.vector_load %arg11[%swap3A_1648, %swap3A_1649] {strides = array<i32>} : memref<2x128xf32, #tpu.memory_space<vmem>>, vector<1x16xf32>,
    %swap3A_1651 = vector.shape_cast %swap3A_1650 : vector<1x16xf32> to vector<16xf32>
    %swap3A_1652 = vector.shape_cast %select_n3A_1646 : vector<16xf32> to vector<1x16xf32>
    tpu.vector_store %arg11[%swap3A_1648, %swap3A_1649], %swap3A_1652 {strides = array<i32>} : memref<2x128xf32, #tpu.memory_space<vmem>>, vector<1x16xf32>,
    %get3A_1653 = arith.constant 1 : i32
    %get3A_1654 = arith.index_cast %get3A_1653 : i32 to index
    %get3A_1655 = arith.constant 80 : index
    %get3A_1656 = tpu.vector_load %arg10[%get3A_1654, %get3A_1655] {strides = array<i32>} : memref<2x128xf32, #tpu.memory_space<vmem>>, vector<1x16xf32>,
    %get3A_1657 = vector.shape_cast %get3A_1656 : vector<1x16xf32> to vector<16xf32>
    %get3A_1658 = arith.constant 208 : index
    %get3A_1659 = tpu.vector_load %arg12[%get3A_1658] {strides = array<i32>} : memref<256xf32, #tpu.memory_space<vmem>>, vector<16xf32>,
    %get3A_1660 = vector.shape_cast %get3A_1659 : vector<16xf32> to vector<16xf32>
    %mul3A_1661 = arith.constant 0.0487901643 : f32
    %mul3A_1662 = vector.broadcast %mul3A_1661 : f32 to vector<16xf32>
    %mul3A_1663 = arith.mulf %get3A_1660, %mul3A_1662 : vector<16xf32>
    %exp3A_1664 = math.exp %mul3A_1663 : vector<16xf32>
    %lt3A_1665 = arith.constant 0.000000e+00 : f32
    %lt3A_1666 = vector.broadcast %lt3A_1665 : f32 to vector<16xf32>
    %lt3A_1667 = arith.cmpf olt, %get3A_1657, %lt3A_1666 : vector<16xf32>
    %mul3A_1668 = arith.mulf %get3A_1657, %exp3A_1664 : vector<16xf32>
    %div3A_1669 = arith.divf %get3A_1657, %exp3A_1664 : vector<16xf32>
    %select_n3A_1670 = arith.select %lt3A_1667, %mul3A_1668, %div3A_1669 : vector<16xi1>, vector<16xf32>
    %swap3A_1671 = arith.constant 1 : i32
    %swap3A_1672 = arith.index_cast %swap3A_1671 : i32 to index
    %swap3A_1673 = arith.constant 80 : index
    %swap3A_1674 = tpu.vector_load %arg11[%swap3A_1672, %swap3A_1673] {strides = array<i32>} : memref<2x128xf32, #tpu.memory_space<vmem>>, vector<1x16xf32>,
    %swap3A_1675 = vector.shape_cast %swap3A_1674 : vector<1x16xf32> to vector<16xf32>
    %swap3A_1676 = vector.shape_cast %select_n3A_1670 : vector<16xf32> to vector<1x16xf32>
    tpu.vector_store %arg11[%swap3A_1672, %swap3A_1673], %swap3A_1676 {strides = array<i32>} : memref<2x128xf32, #tpu.memory_space<vmem>>, vector<1x16xf32>,
    %get3A_1677 = arith.constant 1 : i32
    %get3A_1678 = arith.index_cast %get3A_1677 : i32 to index
    %get3A_1679 = arith.constant 96 : index
    %get3A_1680 = tpu.vector_load %arg10[%get3A_1678, %get3A_1679] {strides = array<i32>} : memref<2x128xf32, #tpu.memory_space<vmem>>, vector<1x16xf32>,
    %get3A_1681 = vector.shape_cast %get3A_1680 : vector<1x16xf32> to vector<16xf32>
    %get3A_1682 = arith.constant 224 : index
    %get3A_1683 = tpu.vector_load %arg12[%get3A_1682] {strides = array<i32>} : memref<256xf32, #tpu.memory_space<vmem>>, vector<16xf32>,
    %get3A_1684 = vector.shape_cast %get3A_1683 : vector<16xf32> to vector<16xf32>
    %mul3A_1685 = arith.constant 0.0487901643 : f32
    %mul3A_1686 = vector.broadcast %mul3A_1685 : f32 to vector<16xf32>
    %mul3A_1687 = arith.mulf %get3A_1684, %mul3A_1686 : vector<16xf32>
    %exp3A_1688 = math.exp %mul3A_1687 : vector<16xf32>
    %lt3A_1689 = arith.constant 0.000000e+00 : f32
    %lt3A_1690 = vector.broadcast %lt3A_1689 : f32 to vector<16xf32>
    %lt3A_1691 = arith.cmpf olt, %get3A_1681, %lt3A_1690 : vector<16xf32>
    %mul3A_1692 = arith.mulf %get3A_1681, %exp3A_1688 : vector<16xf32>
    %div3A_1693 = arith.divf %get3A_1681, %exp3A_1688 : vector<16xf32>
    %select_n3A_1694 = arith.select %lt3A_1691, %mul3A_1692, %div3A_1693 : vector<16xi1>, vector<16xf32>
    %swap3A_1695 = arith.constant 1 : i32
    %swap3A_1696 = arith.index_cast %swap3A_1695 : i32 to index
    %swap3A_1697 = arith.constant 96 : index
    %swap3A_1698 = tpu.vector_load %arg11[%swap3A_1696, %swap3A_1697] {strides = array<i32>} : memref<2x128xf32, #tpu.memory_space<vmem>>, vector<1x16xf32>,
    %swap3A_1699 = vector.shape_cast %swap3A_1698 : vector<1x16xf32> to vector<16xf32>
    %swap3A_1700 = vector.shape_cast %select_n3A_1694 : vector<16xf32> to vector<1x16xf32>
    tpu.vector_store %arg11[%swap3A_1696, %swap3A_1697], %swap3A_1700 {strides = array<i32>} : memref<2x128xf32, #tpu.memory_space<vmem>>, vector<1x16xf32>,
    %get3A_1701 = arith.constant 1 : i32
    %get3A_1702 = arith.index_cast %get3A_1701 : i32 to index
    %get3A_1703 = arith.constant 112 : index
    %get3A_1704 = tpu.vector_load %arg10[%get3A_1702, %get3A_1703] {strides = array<i32>} : memref<2x128xf32, #tpu.memory_space<vmem>>, vector<1x16xf32>,
    %get3A_1705 = vector.shape_cast %get3A_1704 : vector<1x16xf32> to vector<16xf32>
    %get3A_1706 = arith.constant 240 : index
    %get3A_1707 = tpu.vector_load %arg12[%get3A_1706] {strides = array<i32>} : memref<256xf32, #tpu.memory_space<vmem>>, vector<16xf32>,
    %get3A_1708 = vector.shape_cast %get3A_1707 : vector<16xf32> to vector<16xf32>
    %mul3A_1709 = arith.constant 0.0487901643 : f32
    %mul3A_1710 = vector.broadcast %mul3A_1709 : f32 to vector<16xf32>
    %mul3A_1711 = arith.mulf %get3A_1708, %mul3A_1710 : vector<16xf32>
    %exp3A_1712 = math.exp %mul3A_1711 : vector<16xf32>
    %lt3A_1713 = arith.constant 0.000000e+00 : f32
    %lt3A_1714 = vector.broadcast %lt3A_1713 : f32 to vector<16xf32>
    %lt3A_1715 = arith.cmpf olt, %get3A_1705, %lt3A_1714 : vector<16xf32>
    %mul3A_1716 = arith.mulf %get3A_1705, %exp3A_1712 : vector<16xf32>
    %div3A_1717 = arith.divf %get3A_1705, %exp3A_1712 : vector<16xf32>
    %select_n3A_1718 = arith.select %lt3A_1715, %mul3A_1716, %div3A_1717 : vector<16xi1>, vector<16xf32>
    %swap3A_1719 = arith.constant 1 : i32
    %swap3A_1720 = arith.index_cast %swap3A_1719 : i32 to index
    %swap3A_1721 = arith.constant 112 : index
    %swap3A_1722 = tpu.vector_load %arg11[%swap3A_1720, %swap3A_1721] {strides = array<i32>} : memref<2x128xf32, #tpu.memory_space<vmem>>, vector<1x16xf32>,
    %swap3A_1723 = vector.shape_cast %swap3A_1722 : vector<1x16xf32> to vector<16xf32>
    %swap3A_1724 = vector.shape_cast %select_n3A_1718 : vector<16xf32> to vector<1x16xf32>
    tpu.vector_store %arg11[%swap3A_1720, %swap3A_1721], %swap3A_1724 {strides = array<i32>} : memref<2x128xf32, #tpu.memory_space<vmem>>, vector<1x16xf32>,
    %dma_start3A_1725 = arith.constant 0 : i32
    %dma_start3A_1726 = arith.constant 0 : i32
    %dma_start3A_1727 = arith.constant 0 : i32
    %dma_start3A_1728 = tpu.memref_slice %arg11[%dma_start3A_1725, %dma_start3A_1727] : memref<2x128xf32, #tpu.memory_space<vmem>> -> memref<1x128xf32, #tpu.memory_space<vmem>>
    %dma_start3A_1729 = tpu.memref_squeeze %dma_start3A_1728 : memref<1x128xf32, #tpu.memory_space<vmem>> -> memref<128xf32, #tpu.memory_space<vmem>>
    %dma_start3A_1730 = arith.constant 0 : i32
    %dma_start3A_1731 = tpu.memref_slice %arg9[%dma_start3A_1726, %dma_start3A_1730] : memref<2x128xi32, #tpu.memory_space<vmem>> -> memref<1x128xi32, #tpu.memory_space<vmem>>
    %dma_start3A_1732 = tpu.memref_squeeze %dma_start3A_1731 : memref<1x128xi32, #tpu.memory_space<vmem>> -> memref<128xi32, #tpu.memory_space<vmem>>
    %dma_start3A_1733 = arith.constant 0 : i32
    %dma_start3A_1734 = tpu.memref_slice %arg5[%dma_start3A_1733] : memref<12800000xf32, #tpu.memory_space<hbm>> -> memref<12800000xf32, #tpu.memory_space<hbm>>
    tpu.enqueue_indirect_dma source(%dma_start3A_1729 : memref<128xf32, #tpu.memory_space<vmem>>) target(%dma_start3A_1734 : memref<12800000xf32, #tpu.memory_space<hbm>>) offsets(%dma_start3A_1732 : memref<128xi32, #tpu.memory_space<vmem>>) semaphore(%arg13 : memref<!tpu.dma_semaphore, #tpu.memory_space<semaphore_mem>>)
    %dma_start3A_1735 = arith.constant 1 : i32
    %dma_start3A_1736 = arith.constant 1 : i32
    %dma_start3A_1737 = arith.constant 0 : i32
    %dma_start3A_1738 = tpu.memref_slice %arg11[%dma_start3A_1735, %dma_start3A_1737] : memref<2x128xf32, #tpu.memory_space<vmem>> -> memref<1x128xf32, #tpu.memory_space<vmem>>
    %dma_start3A_1739 = tpu.memref_squeeze %dma_start3A_1738 : memref<1x128xf32, #tpu.memory_space<vmem>> -> memref<128xf32, #tpu.memory_space<vmem>>
    %dma_start3A_1740 = arith.constant 0 : i32
    %dma_start3A_1741 = tpu.memref_slice %arg9[%dma_start3A_1736, %dma_start3A_1740] : memref<2x128xi32, #tpu.memory_space<vmem>> -> memref<1x128xi32, #tpu.memory_space<vmem>>
    %dma_start3A_1742 = tpu.memref_squeeze %dma_start3A_1741 : memref<1x128xi32, #tpu.memory_space<vmem>> -> memref<128xi32, #tpu.memory_space<vmem>>
    %dma_start3A_1743 = arith.constant 0 : i32
    %dma_start3A_1744 = tpu.memref_slice %arg5[%dma_start3A_1743] : memref<12800000xf32, #tpu.memory_space<hbm>> -> memref<12800000xf32, #tpu.memory_space<hbm>>
    tpu.enqueue_indirect_dma source(%dma_start3A_1739 : memref<128xf32, #tpu.memory_space<vmem>>) target(%dma_start3A_1744 : memref<12800000xf32, #tpu.memory_space<hbm>>) offsets(%dma_start3A_1742 : memref<128xi32, #tpu.memory_space<vmem>>) semaphore(%arg13 : memref<!tpu.dma_semaphore, #tpu.memory_space<semaphore_mem>>)
    %dma_wait3A_1745 = arith.constant 0 : i32
    %dma_wait3A_1746 = arith.constant 0 : i32
    %dma_wait3A_1747 = arith.constant 0 : i32
    %dma_wait3A_1748 = tpu.memref_slice %arg11[%dma_wait3A_1745, %dma_wait3A_1747] : memref<2x128xf32, #tpu.memory_space<vmem>> -> memref<1x128xf32, #tpu.memory_space<vmem>>
    %dma_wait3A_1749 = tpu.memref_squeeze %dma_wait3A_1748 : memref<1x128xf32, #tpu.memory_space<vmem>> -> memref<128xf32, #tpu.memory_space<vmem>>
    %dma_wait3A_1750 = arith.constant 0 : i32
    %dma_wait3A_1751 = tpu.memref_slice %arg9[%dma_wait3A_1746, %dma_wait3A_1750] : memref<2x128xi32, #tpu.memory_space<vmem>> -> memref<1x128xi32, #tpu.memory_space<vmem>>
    %dma_wait3A_1752 = tpu.memref_squeeze %dma_wait3A_1751 : memref<1x128xi32, #tpu.memory_space<vmem>> -> memref<128xi32, #tpu.memory_space<vmem>>
    %dma_wait3A_1753 = arith.constant 0 : i32
    %dma_wait3A_1754 = tpu.memref_slice %arg5[%dma_wait3A_1753] : memref<12800000xf32, #tpu.memory_space<hbm>> -> memref<12800000xf32, #tpu.memory_space<hbm>>
    tpu.wait_indirect_dma semaphore(%arg13 : memref<!tpu.dma_semaphore, #tpu.memory_space<semaphore_mem>>) src(%dma_wait3A_1749 : memref<128xf32, #tpu.memory_space<vmem>>) dst(%dma_wait3A_1754 : memref<12800000xf32, #tpu.memory_space<hbm>>)
    %dma_wait3A_1755 = arith.constant 1 : i32
    %dma_wait3A_1756 = arith.constant 1 : i32
    %dma_wait3A_1757 = arith.constant 0 : i32
    %dma_wait3A_1758 = tpu.memref_slice %arg11[%dma_wait3A_1755, %dma_wait3A_1757] : memref<2x128xf32, #tpu.memory_space<vmem>> -> memref<1x128xf32, #tpu.memory_space<vmem>>
    %dma_wait3A_1759 = tpu.memref_squeeze %dma_wait3A_1758 : memref<1x128xf32, #tpu.memory_space<vmem>> -> memref<128xf32, #tpu.memory_space<vmem>>
    %dma_wait3A_1760 = arith.constant 0 : i32
    %dma_wait3A_1761 = tpu.memref_slice %arg9[%dma_wait3A_1756, %dma_wait3A_1760] : memref<2x128xi32, #tpu.memory_space<vmem>> -> memref<1x128xi32, #tpu.memory_space<vmem>>
    %dma_wait3A_1762 = tpu.memref_squeeze %dma_wait3A_1761 : memref<1x128xi32, #tpu.memory_space<vmem>> -> memref<128xi32, #tpu.memory_space<vmem>>
    %dma_wait3A_1763 = arith.constant 0 : i32
    %dma_wait3A_1764 = tpu.memref_slice %arg5[%dma_wait3A_1763] : memref<12800000xf32, #tpu.memory_space<hbm>> -> memref<12800000xf32, #tpu.memory_space<hbm>>
    tpu.wait_indirect_dma semaphore(%arg13 : memref<!tpu.dma_semaphore, #tpu.memory_space<semaphore_mem>>) src(%dma_wait3A_1759 : memref<128xf32, #tpu.memory_space<vmem>>) dst(%dma_wait3A_1764 : memref<12800000xf32, #tpu.memory_space<hbm>>)
    %mul3A_1765 = arith.constant 4 : i32
    %mul3A_1766 = arith.muli %add3A, %mul3A_1765 : i32
    %add3A_1767 = arith.constant 2 : i32
    %add3A_1768 = arith.addi %mul3A_1766, %add3A_1767 : i32
    %mul3A_1769 = arith.constant 200 : i32
    %mul3A_1770 = arith.muli %add3A_1768, %mul3A_1769 : i32
    "tpu.region"() ({
      %run_scoped3A = tpu.sem_alloc : memref<!tpu.dma_semaphore, #tpu.memory_space<semaphore_mem>>
      %dma_start3A_3539 = arith.constant 0 : i32
      %dma_start3A_3540 = tpu.memref_slice %arg7[%dma_start3A_3539] : memref<256xi32, #tpu.memory_space<vmem>> -> memref<200xi32, #tpu.memory_space<vmem>>
      %dma_start3A_3541 = tpu.memref_slice %arg3[%mul3A_1770] : memref<25600xi32, #tpu.memory_space<hbm>> -> memref<200xi32, #tpu.memory_space<hbm>>
      %dma_start3A_3542 = arith.constant 0 : i32
      %dma_start3A_3543 = tpu.memref_slice %arg7[%dma_start3A_3542] : memref<256xi32, #tpu.memory_space<vmem>> -> memref<200xi32, #tpu.memory_space<vmem>>
      %dma_start3A_3544 = tpu.memref_slice %arg3[%mul3A_1770] : memref<25600xi32, #tpu.memory_space<hbm>> -> memref<200xi32, #tpu.memory_space<hbm>>
      tpu.enqueue_dma source(%dma_start3A_3544 : memref<200xi32, #tpu.memory_space<hbm>>) target(%dma_start3A_3543 : memref<200xi32, #tpu.memory_space<vmem>>) target_semaphore(%run_scoped3A : memref<!tpu.dma_semaphore, #tpu.memory_space<semaphore_mem>>)
      %dma_wait3A_3545 = arith.constant 0 : i32
      %dma_wait3A_3546 = tpu.memref_slice %arg7[%dma_wait3A_3545] : memref<256xi32, #tpu.memory_space<vmem>> -> memref<200xi32, #tpu.memory_space<vmem>>
      %dma_wait3A_3547 = tpu.memref_slice %arg3[%mul3A_1770] : memref<25600xi32, #tpu.memory_space<hbm>> -> memref<200xi32, #tpu.memory_space<hbm>>
      %dma_wait3A_3548 = arith.constant 0 : i32
      %dma_wait3A_3549 = tpu.memref_slice %arg7[%dma_wait3A_3548] : memref<256xi32, #tpu.memory_space<vmem>> -> memref<200xi32, #tpu.memory_space<vmem>>
      %dma_wait3A_3550 = tpu.memref_slice %arg3[%mul3A_1770] : memref<25600xi32, #tpu.memory_space<hbm>> -> memref<200xi32, #tpu.memory_space<hbm>>
      tpu.wait_dma2 semaphore(%run_scoped3A : memref<!tpu.dma_semaphore, #tpu.memory_space<semaphore_mem>>) src(%dma_wait3A_3550 : memref<200xi32, #tpu.memory_space<hbm>>) dst(%dma_wait3A_3549 : memref<200xi32, #tpu.memory_space<vmem>>)
      tpu.yield
    }) : () -> ()
    %mul3A_1771 = arith.constant 256 : i32
    %mul3A_1772 = arith.muli %add3A_1768, %mul3A_1771 : i32
    "tpu.region"() ({
      %run_scoped3A = tpu.sem_alloc : memref<!tpu.dma_semaphore, #tpu.memory_space<semaphore_mem>>
      %dma_start3A_3539 = tpu.memref_slice %arg4[%mul3A_1772] : memref<32768xf32, #tpu.memory_space<hbm>> -> memref<256xf32, #tpu.memory_space<hbm>>
      %dma_start3A_3540 = tpu.memref_slice %arg4[%mul3A_1772] : memref<32768xf32, #tpu.memory_space<hbm>> -> memref<256xf32, #tpu.memory_space<hbm>>
      tpu.enqueue_dma source(%dma_start3A_3540 : memref<256xf32, #tpu.memory_space<hbm>>) target(%arg12 : memref<256xf32, #tpu.memory_space<vmem>>) target_semaphore(%run_scoped3A : memref<!tpu.dma_semaphore, #tpu.memory_space<semaphore_mem>>)
      %dma_wait3A_3541 = tpu.memref_slice %arg4[%mul3A_1772] : memref<32768xf32, #tpu.memory_space<hbm>> -> memref<256xf32, #tpu.memory_space<hbm>>
      %dma_wait3A_3542 = tpu.memref_slice %arg4[%mul3A_1772] : memref<32768xf32, #tpu.memory_space<hbm>> -> memref<256xf32, #tpu.memory_space<hbm>>
      tpu.wait_dma2 semaphore(%run_scoped3A : memref<!tpu.dma_semaphore, #tpu.memory_space<semaphore_mem>>) src(%dma_wait3A_3542 : memref<256xf32, #tpu.memory_space<hbm>>) dst(%arg12 : memref<256xf32, #tpu.memory_space<vmem>>)
      tpu.yield
    }) : () -> ()
    %get3A_1773 = arith.constant 192 : index
    %get3A_1774 = tpu.vector_load %arg7[%get3A_1773] {strides = array<i32>} : memref<256xi32, #tpu.memory_space<vmem>>, vector<16xi32>,
    %get3A_1775 = vector.shape_cast %get3A_1774 : vector<16xi32> to vector<16xi32>
    %lt3A_1776 = arith.constant 8 : i32
    %lt3A_1777 = vector.broadcast %lt3A_1776 : i32 to vector<16xi32>
    %lt3A_1778 = arith.cmpi slt, %iota3A, %lt3A_1777 : vector<16xi32>
    %jit3A_1779 = arith.constant 99999 : i32
    %broadcast_in_dim3A_1780 = vector.broadcast %jit3A_1779 : i32 to vector<16xi32>
    %select_n3A_1781 = arith.select %lt3A_1778, %get3A_1775, %broadcast_in_dim3A_1780 : vector<16xi1>, vector<16xi32>
    %swap3A_1782 = arith.constant 192 : index
    %swap3A_1783 = tpu.vector_load %arg7[%swap3A_1782] {strides = array<i32>} : memref<256xi32, #tpu.memory_space<vmem>>, vector<16xi32>,
    %swap3A_1784 = vector.shape_cast %swap3A_1783 : vector<16xi32> to vector<16xi32>
    %swap3A_1785 = vector.shape_cast %select_n3A_1781 : vector<16xi32> to vector<16xi32>
    tpu.vector_store %arg7[%swap3A_1782], %swap3A_1785 {strides = array<i32>} : memref<256xi32, #tpu.memory_space<vmem>>, vector<16xi32>,
    %broadcast_in_dim3A_1786 = arith.constant 99999 : i32
    %broadcast_in_dim3A_1787 = vector.broadcast %broadcast_in_dim3A_1786 : i32 to vector<16xi32>
    %swap3A_1788 = arith.constant 208 : index
    %swap3A_1789 = tpu.vector_load %arg7[%swap3A_1788] {strides = array<i32>} : memref<256xi32, #tpu.memory_space<vmem>>, vector<16xi32>,
    %swap3A_1790 = vector.shape_cast %swap3A_1789 : vector<16xi32> to vector<16xi32>
    %swap3A_1791 = vector.shape_cast %broadcast_in_dim3A_1787 : vector<16xi32> to vector<16xi32>
    tpu.vector_store %arg7[%swap3A_1788], %swap3A_1791 {strides = array<i32>} : memref<256xi32, #tpu.memory_space<vmem>>, vector<16xi32>,
    %broadcast_in_dim3A_1792 = arith.constant 99999 : i32
    %broadcast_in_dim3A_1793 = vector.broadcast %broadcast_in_dim3A_1792 : i32 to vector<16xi32>
    %swap3A_1794 = arith.constant 224 : index
    %swap3A_1795 = tpu.vector_load %arg7[%swap3A_1794] {strides = array<i32>} : memref<256xi32, #tpu.memory_space<vmem>>, vector<16xi32>,
    %swap3A_1796 = vector.shape_cast %swap3A_1795 : vector<16xi32> to vector<16xi32>
    %swap3A_1797 = vector.shape_cast %broadcast_in_dim3A_1793 : vector<16xi32> to vector<16xi32>
    tpu.vector_store %arg7[%swap3A_1794], %swap3A_1797 {strides = array<i32>} : memref<256xi32, #tpu.memory_space<vmem>>, vector<16xi32>,
    %broadcast_in_dim3A_1798 = arith.constant 99999 : i32
    %broadcast_in_dim3A_1799 = vector.broadcast %broadcast_in_dim3A_1798 : i32 to vector<16xi32>
    %swap3A_1800 = arith.constant 240 : index
    %swap3A_1801 = tpu.vector_load %arg7[%swap3A_1800] {strides = array<i32>} : memref<256xi32, #tpu.memory_space<vmem>>, vector<16xi32>,
    %swap3A_1802 = vector.shape_cast %swap3A_1801 : vector<16xi32> to vector<16xi32>
    %swap3A_1803 = vector.shape_cast %broadcast_in_dim3A_1799 : vector<16xi32> to vector<16xi32>
    tpu.vector_store %arg7[%swap3A_1800], %swap3A_1803 {strides = array<i32>} : memref<256xi32, #tpu.memory_space<vmem>>, vector<16xi32>,
    %get3A_1804 = arith.constant 0 : index
    %get3A_1805 = tpu.vector_load %arg7[%get3A_1804] {strides = array<i32>} : memref<256xi32, #tpu.memory_space<vmem>>, vector<16xi32>,
    %get3A_1806 = vector.shape_cast %get3A_1805 : vector<16xi32> to vector<16xi32>
    %mul3A_1807 = arith.constant 128 : i32
    %mul3A_1808 = vector.broadcast %mul3A_1807 : i32 to vector<16xi32>
    %mul3A_1809 = arith.muli %get3A_1806, %mul3A_1808 : vector<16xi32>
    %add3A_1810 = vector.broadcast %add3A_1768 : i32 to vector<16xi32>
    %add3A_1811 = arith.addi %mul3A_1809, %add3A_1810 : vector<16xi32>
    %swap3A_1812 = arith.constant 0 : i32
    %swap3A_1813 = arith.index_cast %swap3A_1812 : i32 to index
    %swap3A_1814 = arith.constant 0 : index
    %swap3A_1815 = tpu.vector_load %arg8[%swap3A_1813, %swap3A_1814] {strides = array<i32>} : memref<2x128xi32, #tpu.memory_space<vmem>>, vector<1x16xi32>,
    %swap3A_1816 = vector.shape_cast %swap3A_1815 : vector<1x16xi32> to vector<16xi32>
    %swap3A_1817 = vector.shape_cast %add3A_1811 : vector<16xi32> to vector<1x16xi32>
    tpu.vector_store %arg8[%swap3A_1813, %swap3A_1814], %swap3A_1817 {strides = array<i32>} : memref<2x128xi32, #tpu.memory_space<vmem>>, vector<1x16xi32>,
    %mul3A_1818 = arith.constant 100000 : i32
    %mul3A_1819 = arith.muli %add3A_1768, %mul3A_1818 : i32
    %add3A_1820 = vector.broadcast %mul3A_1819 : i32 to vector<16xi32>
    %add3A_1821 = arith.addi %add3A_1820, %get3A_1806 : vector<16xi32>
    %swap3A_1822 = arith.constant 0 : i32
    %swap3A_1823 = arith.index_cast %swap3A_1822 : i32 to index
    %swap3A_1824 = arith.constant 0 : index
    %swap3A_1825 = tpu.vector_load %arg9[%swap3A_1823, %swap3A_1824] {strides = array<i32>} : memref<2x128xi32, #tpu.memory_space<vmem>>, vector<1x16xi32>,
    %swap3A_1826 = vector.shape_cast %swap3A_1825 : vector<1x16xi32> to vector<16xi32>
    %swap3A_1827 = vector.shape_cast %add3A_1821 : vector<16xi32> to vector<1x16xi32>
    tpu.vector_store %arg9[%swap3A_1823, %swap3A_1824], %swap3A_1827 {strides = array<i32>} : memref<2x128xi32, #tpu.memory_space<vmem>>, vector<1x16xi32>,
    %get3A_1828 = arith.constant 16 : index
    %get3A_1829 = tpu.vector_load %arg7[%get3A_1828] {strides = array<i32>} : memref<256xi32, #tpu.memory_space<vmem>>, vector<16xi32>,
    %get3A_1830 = vector.shape_cast %get3A_1829 : vector<16xi32> to vector<16xi32>
    %mul3A_1831 = arith.constant 128 : i32
    %mul3A_1832 = vector.broadcast %mul3A_1831 : i32 to vector<16xi32>
    %mul3A_1833 = arith.muli %get3A_1830, %mul3A_1832 : vector<16xi32>
    %add3A_1834 = vector.broadcast %add3A_1768 : i32 to vector<16xi32>
    %add3A_1835 = arith.addi %mul3A_1833, %add3A_1834 : vector<16xi32>
    %swap3A_1836 = arith.constant 0 : i32
    %swap3A_1837 = arith.index_cast %swap3A_1836 : i32 to index
    %swap3A_1838 = arith.constant 16 : index
    %swap3A_1839 = tpu.vector_load %arg8[%swap3A_1837, %swap3A_1838] {strides = array<i32>} : memref<2x128xi32, #tpu.memory_space<vmem>>, vector<1x16xi32>,
    %swap3A_1840 = vector.shape_cast %swap3A_1839 : vector<1x16xi32> to vector<16xi32>
    %swap3A_1841 = vector.shape_cast %add3A_1835 : vector<16xi32> to vector<1x16xi32>
    tpu.vector_store %arg8[%swap3A_1837, %swap3A_1838], %swap3A_1841 {strides = array<i32>} : memref<2x128xi32, #tpu.memory_space<vmem>>, vector<1x16xi32>,
    %mul3A_1842 = arith.constant 100000 : i32
    %mul3A_1843 = arith.muli %add3A_1768, %mul3A_1842 : i32
    %add3A_1844 = vector.broadcast %mul3A_1843 : i32 to vector<16xi32>
    %add3A_1845 = arith.addi %add3A_1844, %get3A_1830 : vector<16xi32>
    %swap3A_1846 = arith.constant 0 : i32
    %swap3A_1847 = arith.index_cast %swap3A_1846 : i32 to index
    %swap3A_1848 = arith.constant 16 : index
    %swap3A_1849 = tpu.vector_load %arg9[%swap3A_1847, %swap3A_1848] {strides = array<i32>} : memref<2x128xi32, #tpu.memory_space<vmem>>, vector<1x16xi32>,
    %swap3A_1850 = vector.shape_cast %swap3A_1849 : vector<1x16xi32> to vector<16xi32>
    %swap3A_1851 = vector.shape_cast %add3A_1845 : vector<16xi32> to vector<1x16xi32>
    tpu.vector_store %arg9[%swap3A_1847, %swap3A_1848], %swap3A_1851 {strides = array<i32>} : memref<2x128xi32, #tpu.memory_space<vmem>>, vector<1x16xi32>,
    %get3A_1852 = arith.constant 32 : index
    %get3A_1853 = tpu.vector_load %arg7[%get3A_1852] {strides = array<i32>} : memref<256xi32, #tpu.memory_space<vmem>>, vector<16xi32>,
    %get3A_1854 = vector.shape_cast %get3A_1853 : vector<16xi32> to vector<16xi32>
    %mul3A_1855 = arith.constant 128 : i32
    %mul3A_1856 = vector.broadcast %mul3A_1855 : i32 to vector<16xi32>
    %mul3A_1857 = arith.muli %get3A_1854, %mul3A_1856 : vector<16xi32>
    %add3A_1858 = vector.broadcast %add3A_1768 : i32 to vector<16xi32>
    %add3A_1859 = arith.addi %mul3A_1857, %add3A_1858 : vector<16xi32>
    %swap3A_1860 = arith.constant 0 : i32
    %swap3A_1861 = arith.index_cast %swap3A_1860 : i32 to index
    %swap3A_1862 = arith.constant 32 : index
    %swap3A_1863 = tpu.vector_load %arg8[%swap3A_1861, %swap3A_1862] {strides = array<i32>} : memref<2x128xi32, #tpu.memory_space<vmem>>, vector<1x16xi32>,
    %swap3A_1864 = vector.shape_cast %swap3A_1863 : vector<1x16xi32> to vector<16xi32>
    %swap3A_1865 = vector.shape_cast %add3A_1859 : vector<16xi32> to vector<1x16xi32>
    tpu.vector_store %arg8[%swap3A_1861, %swap3A_1862], %swap3A_1865 {strides = array<i32>} : memref<2x128xi32, #tpu.memory_space<vmem>>, vector<1x16xi32>,
    %mul3A_1866 = arith.constant 100000 : i32
    %mul3A_1867 = arith.muli %add3A_1768, %mul3A_1866 : i32
    %add3A_1868 = vector.broadcast %mul3A_1867 : i32 to vector<16xi32>
    %add3A_1869 = arith.addi %add3A_1868, %get3A_1854 : vector<16xi32>
    %swap3A_1870 = arith.constant 0 : i32
    %swap3A_1871 = arith.index_cast %swap3A_1870 : i32 to index
    %swap3A_1872 = arith.constant 32 : index
    %swap3A_1873 = tpu.vector_load %arg9[%swap3A_1871, %swap3A_1872] {strides = array<i32>} : memref<2x128xi32, #tpu.memory_space<vmem>>, vector<1x16xi32>,
    %swap3A_1874 = vector.shape_cast %swap3A_1873 : vector<1x16xi32> to vector<16xi32>
    %swap3A_1875 = vector.shape_cast %add3A_1869 : vector<16xi32> to vector<1x16xi32>
    tpu.vector_store %arg9[%swap3A_1871, %swap3A_1872], %swap3A_1875 {strides = array<i32>} : memref<2x128xi32, #tpu.memory_space<vmem>>, vector<1x16xi32>,
    %get3A_1876 = arith.constant 48 : index
    %get3A_1877 = tpu.vector_load %arg7[%get3A_1876] {strides = array<i32>} : memref<256xi32, #tpu.memory_space<vmem>>, vector<16xi32>,
    %get3A_1878 = vector.shape_cast %get3A_1877 : vector<16xi32> to vector<16xi32>
    %mul3A_1879 = arith.constant 128 : i32
    %mul3A_1880 = vector.broadcast %mul3A_1879 : i32 to vector<16xi32>
    %mul3A_1881 = arith.muli %get3A_1878, %mul3A_1880 : vector<16xi32>
    %add3A_1882 = vector.broadcast %add3A_1768 : i32 to vector<16xi32>
    %add3A_1883 = arith.addi %mul3A_1881, %add3A_1882 : vector<16xi32>
    %swap3A_1884 = arith.constant 0 : i32
    %swap3A_1885 = arith.index_cast %swap3A_1884 : i32 to index
    %swap3A_1886 = arith.constant 48 : index
    %swap3A_1887 = tpu.vector_load %arg8[%swap3A_1885, %swap3A_1886] {strides = array<i32>} : memref<2x128xi32, #tpu.memory_space<vmem>>, vector<1x16xi32>,
    %swap3A_1888 = vector.shape_cast %swap3A_1887 : vector<1x16xi32> to vector<16xi32>
    %swap3A_1889 = vector.shape_cast %add3A_1883 : vector<16xi32> to vector<1x16xi32>
    tpu.vector_store %arg8[%swap3A_1885, %swap3A_1886], %swap3A_1889 {strides = array<i32>} : memref<2x128xi32, #tpu.memory_space<vmem>>, vector<1x16xi32>,
    %mul3A_1890 = arith.constant 100000 : i32
    %mul3A_1891 = arith.muli %add3A_1768, %mul3A_1890 : i32
    %add3A_1892 = vector.broadcast %mul3A_1891 : i32 to vector<16xi32>
    %add3A_1893 = arith.addi %add3A_1892, %get3A_1878 : vector<16xi32>
    %swap3A_1894 = arith.constant 0 : i32
    %swap3A_1895 = arith.index_cast %swap3A_1894 : i32 to index
    %swap3A_1896 = arith.constant 48 : index
    %swap3A_1897 = tpu.vector_load %arg9[%swap3A_1895, %swap3A_1896] {strides = array<i32>} : memref<2x128xi32, #tpu.memory_space<vmem>>, vector<1x16xi32>,
    %swap3A_1898 = vector.shape_cast %swap3A_1897 : vector<1x16xi32> to vector<16xi32>
    %swap3A_1899 = vector.shape_cast %add3A_1893 : vector<16xi32> to vector<1x16xi32>
    tpu.vector_store %arg9[%swap3A_1895, %swap3A_1896], %swap3A_1899 {strides = array<i32>} : memref<2x128xi32, #tpu.memory_space<vmem>>, vector<1x16xi32>,
    %get3A_1900 = arith.constant 64 : index
    %get3A_1901 = tpu.vector_load %arg7[%get3A_1900] {strides = array<i32>} : memref<256xi32, #tpu.memory_space<vmem>>, vector<16xi32>,
    %get3A_1902 = vector.shape_cast %get3A_1901 : vector<16xi32> to vector<16xi32>
    %mul3A_1903 = arith.constant 128 : i32
    %mul3A_1904 = vector.broadcast %mul3A_1903 : i32 to vector<16xi32>
    %mul3A_1905 = arith.muli %get3A_1902, %mul3A_1904 : vector<16xi32>
    %add3A_1906 = vector.broadcast %add3A_1768 : i32 to vector<16xi32>
    %add3A_1907 = arith.addi %mul3A_1905, %add3A_1906 : vector<16xi32>
    %swap3A_1908 = arith.constant 0 : i32
    %swap3A_1909 = arith.index_cast %swap3A_1908 : i32 to index
    %swap3A_1910 = arith.constant 64 : index
    %swap3A_1911 = tpu.vector_load %arg8[%swap3A_1909, %swap3A_1910] {strides = array<i32>} : memref<2x128xi32, #tpu.memory_space<vmem>>, vector<1x16xi32>,
    %swap3A_1912 = vector.shape_cast %swap3A_1911 : vector<1x16xi32> to vector<16xi32>
    %swap3A_1913 = vector.shape_cast %add3A_1907 : vector<16xi32> to vector<1x16xi32>
    tpu.vector_store %arg8[%swap3A_1909, %swap3A_1910], %swap3A_1913 {strides = array<i32>} : memref<2x128xi32, #tpu.memory_space<vmem>>, vector<1x16xi32>,
    %mul3A_1914 = arith.constant 100000 : i32
    %mul3A_1915 = arith.muli %add3A_1768, %mul3A_1914 : i32
    %add3A_1916 = vector.broadcast %mul3A_1915 : i32 to vector<16xi32>
    %add3A_1917 = arith.addi %add3A_1916, %get3A_1902 : vector<16xi32>
    %swap3A_1918 = arith.constant 0 : i32
    %swap3A_1919 = arith.index_cast %swap3A_1918 : i32 to index
    %swap3A_1920 = arith.constant 64 : index
    %swap3A_1921 = tpu.vector_load %arg9[%swap3A_1919, %swap3A_1920] {strides = array<i32>} : memref<2x128xi32, #tpu.memory_space<vmem>>, vector<1x16xi32>,
    %swap3A_1922 = vector.shape_cast %swap3A_1921 : vector<1x16xi32> to vector<16xi32>
    %swap3A_1923 = vector.shape_cast %add3A_1917 : vector<16xi32> to vector<1x16xi32>
    tpu.vector_store %arg9[%swap3A_1919, %swap3A_1920], %swap3A_1923 {strides = array<i32>} : memref<2x128xi32, #tpu.memory_space<vmem>>, vector<1x16xi32>,
    %get3A_1924 = arith.constant 80 : index
    %get3A_1925 = tpu.vector_load %arg7[%get3A_1924] {strides = array<i32>} : memref<256xi32, #tpu.memory_space<vmem>>, vector<16xi32>,
    %get3A_1926 = vector.shape_cast %get3A_1925 : vector<16xi32> to vector<16xi32>
    %mul3A_1927 = arith.constant 128 : i32
    %mul3A_1928 = vector.broadcast %mul3A_1927 : i32 to vector<16xi32>
    %mul3A_1929 = arith.muli %get3A_1926, %mul3A_1928 : vector<16xi32>
    %add3A_1930 = vector.broadcast %add3A_1768 : i32 to vector<16xi32>
    %add3A_1931 = arith.addi %mul3A_1929, %add3A_1930 : vector<16xi32>
    %swap3A_1932 = arith.constant 0 : i32
    %swap3A_1933 = arith.index_cast %swap3A_1932 : i32 to index
    %swap3A_1934 = arith.constant 80 : index
    %swap3A_1935 = tpu.vector_load %arg8[%swap3A_1933, %swap3A_1934] {strides = array<i32>} : memref<2x128xi32, #tpu.memory_space<vmem>>, vector<1x16xi32>,
    %swap3A_1936 = vector.shape_cast %swap3A_1935 : vector<1x16xi32> to vector<16xi32>
    %swap3A_1937 = vector.shape_cast %add3A_1931 : vector<16xi32> to vector<1x16xi32>
    tpu.vector_store %arg8[%swap3A_1933, %swap3A_1934], %swap3A_1937 {strides = array<i32>} : memref<2x128xi32, #tpu.memory_space<vmem>>, vector<1x16xi32>,
    %mul3A_1938 = arith.constant 100000 : i32
    %mul3A_1939 = arith.muli %add3A_1768, %mul3A_1938 : i32
    %add3A_1940 = vector.broadcast %mul3A_1939 : i32 to vector<16xi32>
    %add3A_1941 = arith.addi %add3A_1940, %get3A_1926 : vector<16xi32>
    %swap3A_1942 = arith.constant 0 : i32
    %swap3A_1943 = arith.index_cast %swap3A_1942 : i32 to index
    %swap3A_1944 = arith.constant 80 : index
    %swap3A_1945 = tpu.vector_load %arg9[%swap3A_1943, %swap3A_1944] {strides = array<i32>} : memref<2x128xi32, #tpu.memory_space<vmem>>, vector<1x16xi32>,
    %swap3A_1946 = vector.shape_cast %swap3A_1945 : vector<1x16xi32> to vector<16xi32>
    %swap3A_1947 = vector.shape_cast %add3A_1941 : vector<16xi32> to vector<1x16xi32>
    tpu.vector_store %arg9[%swap3A_1943, %swap3A_1944], %swap3A_1947 {strides = array<i32>} : memref<2x128xi32, #tpu.memory_space<vmem>>, vector<1x16xi32>,
    %get3A_1948 = arith.constant 96 : index
    %get3A_1949 = tpu.vector_load %arg7[%get3A_1948] {strides = array<i32>} : memref<256xi32, #tpu.memory_space<vmem>>, vector<16xi32>,
    %get3A_1950 = vector.shape_cast %get3A_1949 : vector<16xi32> to vector<16xi32>
    %mul3A_1951 = arith.constant 128 : i32
    %mul3A_1952 = vector.broadcast %mul3A_1951 : i32 to vector<16xi32>
    %mul3A_1953 = arith.muli %get3A_1950, %mul3A_1952 : vector<16xi32>
    %add3A_1954 = vector.broadcast %add3A_1768 : i32 to vector<16xi32>
    %add3A_1955 = arith.addi %mul3A_1953, %add3A_1954 : vector<16xi32>
    %swap3A_1956 = arith.constant 0 : i32
    %swap3A_1957 = arith.index_cast %swap3A_1956 : i32 to index
    %swap3A_1958 = arith.constant 96 : index
    %swap3A_1959 = tpu.vector_load %arg8[%swap3A_1957, %swap3A_1958] {strides = array<i32>} : memref<2x128xi32, #tpu.memory_space<vmem>>, vector<1x16xi32>,
    %swap3A_1960 = vector.shape_cast %swap3A_1959 : vector<1x16xi32> to vector<16xi32>
    %swap3A_1961 = vector.shape_cast %add3A_1955 : vector<16xi32> to vector<1x16xi32>
    tpu.vector_store %arg8[%swap3A_1957, %swap3A_1958], %swap3A_1961 {strides = array<i32>} : memref<2x128xi32, #tpu.memory_space<vmem>>, vector<1x16xi32>,
    %mul3A_1962 = arith.constant 100000 : i32
    %mul3A_1963 = arith.muli %add3A_1768, %mul3A_1962 : i32
    %add3A_1964 = vector.broadcast %mul3A_1963 : i32 to vector<16xi32>
    %add3A_1965 = arith.addi %add3A_1964, %get3A_1950 : vector<16xi32>
    %swap3A_1966 = arith.constant 0 : i32
    %swap3A_1967 = arith.index_cast %swap3A_1966 : i32 to index
    %swap3A_1968 = arith.constant 96 : index
    %swap3A_1969 = tpu.vector_load %arg9[%swap3A_1967, %swap3A_1968] {strides = array<i32>} : memref<2x128xi32, #tpu.memory_space<vmem>>, vector<1x16xi32>,
    %swap3A_1970 = vector.shape_cast %swap3A_1969 : vector<1x16xi32> to vector<16xi32>
    %swap3A_1971 = vector.shape_cast %add3A_1965 : vector<16xi32> to vector<1x16xi32>
    tpu.vector_store %arg9[%swap3A_1967, %swap3A_1968], %swap3A_1971 {strides = array<i32>} : memref<2x128xi32, #tpu.memory_space<vmem>>, vector<1x16xi32>,
    %get3A_1972 = arith.constant 112 : index
    %get3A_1973 = tpu.vector_load %arg7[%get3A_1972] {strides = array<i32>} : memref<256xi32, #tpu.memory_space<vmem>>, vector<16xi32>,
    %get3A_1974 = vector.shape_cast %get3A_1973 : vector<16xi32> to vector<16xi32>
    %mul3A_1975 = arith.constant 128 : i32
    %mul3A_1976 = vector.broadcast %mul3A_1975 : i32 to vector<16xi32>
    %mul3A_1977 = arith.muli %get3A_1974, %mul3A_1976 : vector<16xi32>
    %add3A_1978 = vector.broadcast %add3A_1768 : i32 to vector<16xi32>
    %add3A_1979 = arith.addi %mul3A_1977, %add3A_1978 : vector<16xi32>
    %swap3A_1980 = arith.constant 0 : i32
    %swap3A_1981 = arith.index_cast %swap3A_1980 : i32 to index
    %swap3A_1982 = arith.constant 112 : index
    %swap3A_1983 = tpu.vector_load %arg8[%swap3A_1981, %swap3A_1982] {strides = array<i32>} : memref<2x128xi32, #tpu.memory_space<vmem>>, vector<1x16xi32>,
    %swap3A_1984 = vector.shape_cast %swap3A_1983 : vector<1x16xi32> to vector<16xi32>
    %swap3A_1985 = vector.shape_cast %add3A_1979 : vector<16xi32> to vector<1x16xi32>
    tpu.vector_store %arg8[%swap3A_1981, %swap3A_1982], %swap3A_1985 {strides = array<i32>} : memref<2x128xi32, #tpu.memory_space<vmem>>, vector<1x16xi32>,
    %mul3A_1986 = arith.constant 100000 : i32
    %mul3A_1987 = arith.muli %add3A_1768, %mul3A_1986 : i32
    %add3A_1988 = vector.broadcast %mul3A_1987 : i32 to vector<16xi32>
    %add3A_1989 = arith.addi %add3A_1988, %get3A_1974 : vector<16xi32>
    %swap3A_1990 = arith.constant 0 : i32
    %swap3A_1991 = arith.index_cast %swap3A_1990 : i32 to index
    %swap3A_1992 = arith.constant 112 : index
    %swap3A_1993 = tpu.vector_load %arg9[%swap3A_1991, %swap3A_1992] {strides = array<i32>} : memref<2x128xi32, #tpu.memory_space<vmem>>, vector<1x16xi32>,
    %swap3A_1994 = vector.shape_cast %swap3A_1993 : vector<1x16xi32> to vector<16xi32>
    %swap3A_1995 = vector.shape_cast %add3A_1989 : vector<16xi32> to vector<1x16xi32>
    tpu.vector_store %arg9[%swap3A_1991, %swap3A_1992], %swap3A_1995 {strides = array<i32>} : memref<2x128xi32, #tpu.memory_space<vmem>>, vector<1x16xi32>,
    %get3A_1996 = arith.constant 128 : index
    %get3A_1997 = tpu.vector_load %arg7[%get3A_1996] {strides = array<i32>} : memref<256xi32, #tpu.memory_space<vmem>>, vector<16xi32>,
    %get3A_1998 = vector.shape_cast %get3A_1997 : vector<16xi32> to vector<16xi32>
    %mul3A_1999 = arith.constant 128 : i32
    %mul3A_2000 = vector.broadcast %mul3A_1999 : i32 to vector<16xi32>
    %mul3A_2001 = arith.muli %get3A_1998, %mul3A_2000 : vector<16xi32>
    %add3A_2002 = vector.broadcast %add3A_1768 : i32 to vector<16xi32>
    %add3A_2003 = arith.addi %mul3A_2001, %add3A_2002 : vector<16xi32>
    %swap3A_2004 = arith.constant 1 : i32
    %swap3A_2005 = arith.index_cast %swap3A_2004 : i32 to index
    %swap3A_2006 = arith.constant 0 : index
    %swap3A_2007 = tpu.vector_load %arg8[%swap3A_2005, %swap3A_2006] {strides = array<i32>} : memref<2x128xi32, #tpu.memory_space<vmem>>, vector<1x16xi32>,
    %swap3A_2008 = vector.shape_cast %swap3A_2007 : vector<1x16xi32> to vector<16xi32>
    %swap3A_2009 = vector.shape_cast %add3A_2003 : vector<16xi32> to vector<1x16xi32>
    tpu.vector_store %arg8[%swap3A_2005, %swap3A_2006], %swap3A_2009 {strides = array<i32>} : memref<2x128xi32, #tpu.memory_space<vmem>>, vector<1x16xi32>,
    %mul3A_2010 = arith.constant 100000 : i32
    %mul3A_2011 = arith.muli %add3A_1768, %mul3A_2010 : i32
    %add3A_2012 = vector.broadcast %mul3A_2011 : i32 to vector<16xi32>
    %add3A_2013 = arith.addi %add3A_2012, %get3A_1998 : vector<16xi32>
    %swap3A_2014 = arith.constant 1 : i32
    %swap3A_2015 = arith.index_cast %swap3A_2014 : i32 to index
    %swap3A_2016 = arith.constant 0 : index
    %swap3A_2017 = tpu.vector_load %arg9[%swap3A_2015, %swap3A_2016] {strides = array<i32>} : memref<2x128xi32, #tpu.memory_space<vmem>>, vector<1x16xi32>,
    %swap3A_2018 = vector.shape_cast %swap3A_2017 : vector<1x16xi32> to vector<16xi32>
    %swap3A_2019 = vector.shape_cast %add3A_2013 : vector<16xi32> to vector<1x16xi32>
    tpu.vector_store %arg9[%swap3A_2015, %swap3A_2016], %swap3A_2019 {strides = array<i32>} : memref<2x128xi32, #tpu.memory_space<vmem>>, vector<1x16xi32>,
    %get3A_2020 = arith.constant 144 : index
    %get3A_2021 = tpu.vector_load %arg7[%get3A_2020] {strides = array<i32>} : memref<256xi32, #tpu.memory_space<vmem>>, vector<16xi32>,
    %get3A_2022 = vector.shape_cast %get3A_2021 : vector<16xi32> to vector<16xi32>
    %mul3A_2023 = arith.constant 128 : i32
    %mul3A_2024 = vector.broadcast %mul3A_2023 : i32 to vector<16xi32>
    %mul3A_2025 = arith.muli %get3A_2022, %mul3A_2024 : vector<16xi32>
    %add3A_2026 = vector.broadcast %add3A_1768 : i32 to vector<16xi32>
    %add3A_2027 = arith.addi %mul3A_2025, %add3A_2026 : vector<16xi32>
    %swap3A_2028 = arith.constant 1 : i32
    %swap3A_2029 = arith.index_cast %swap3A_2028 : i32 to index
    %swap3A_2030 = arith.constant 16 : index
    %swap3A_2031 = tpu.vector_load %arg8[%swap3A_2029, %swap3A_2030] {strides = array<i32>} : memref<2x128xi32, #tpu.memory_space<vmem>>, vector<1x16xi32>,
    %swap3A_2032 = vector.shape_cast %swap3A_2031 : vector<1x16xi32> to vector<16xi32>
    %swap3A_2033 = vector.shape_cast %add3A_2027 : vector<16xi32> to vector<1x16xi32>
    tpu.vector_store %arg8[%swap3A_2029, %swap3A_2030], %swap3A_2033 {strides = array<i32>} : memref<2x128xi32, #tpu.memory_space<vmem>>, vector<1x16xi32>,
    %mul3A_2034 = arith.constant 100000 : i32
    %mul3A_2035 = arith.muli %add3A_1768, %mul3A_2034 : i32
    %add3A_2036 = vector.broadcast %mul3A_2035 : i32 to vector<16xi32>
    %add3A_2037 = arith.addi %add3A_2036, %get3A_2022 : vector<16xi32>
    %swap3A_2038 = arith.constant 1 : i32
    %swap3A_2039 = arith.index_cast %swap3A_2038 : i32 to index
    %swap3A_2040 = arith.constant 16 : index
    %swap3A_2041 = tpu.vector_load %arg9[%swap3A_2039, %swap3A_2040] {strides = array<i32>} : memref<2x128xi32, #tpu.memory_space<vmem>>, vector<1x16xi32>,
    %swap3A_2042 = vector.shape_cast %swap3A_2041 : vector<1x16xi32> to vector<16xi32>
    %swap3A_2043 = vector.shape_cast %add3A_2037 : vector<16xi32> to vector<1x16xi32>
    tpu.vector_store %arg9[%swap3A_2039, %swap3A_2040], %swap3A_2043 {strides = array<i32>} : memref<2x128xi32, #tpu.memory_space<vmem>>, vector<1x16xi32>,
    %get3A_2044 = arith.constant 160 : index
    %get3A_2045 = tpu.vector_load %arg7[%get3A_2044] {strides = array<i32>} : memref<256xi32, #tpu.memory_space<vmem>>, vector<16xi32>,
    %get3A_2046 = vector.shape_cast %get3A_2045 : vector<16xi32> to vector<16xi32>
    %mul3A_2047 = arith.constant 128 : i32
    %mul3A_2048 = vector.broadcast %mul3A_2047 : i32 to vector<16xi32>
    %mul3A_2049 = arith.muli %get3A_2046, %mul3A_2048 : vector<16xi32>
    %add3A_2050 = vector.broadcast %add3A_1768 : i32 to vector<16xi32>
    %add3A_2051 = arith.addi %mul3A_2049, %add3A_2050 : vector<16xi32>
    %swap3A_2052 = arith.constant 1 : i32
    %swap3A_2053 = arith.index_cast %swap3A_2052 : i32 to index
    %swap3A_2054 = arith.constant 32 : index
    %swap3A_2055 = tpu.vector_load %arg8[%swap3A_2053, %swap3A_2054] {strides = array<i32>} : memref<2x128xi32, #tpu.memory_space<vmem>>, vector<1x16xi32>,
    %swap3A_2056 = vector.shape_cast %swap3A_2055 : vector<1x16xi32> to vector<16xi32>
    %swap3A_2057 = vector.shape_cast %add3A_2051 : vector<16xi32> to vector<1x16xi32>
    tpu.vector_store %arg8[%swap3A_2053, %swap3A_2054], %swap3A_2057 {strides = array<i32>} : memref<2x128xi32, #tpu.memory_space<vmem>>, vector<1x16xi32>,
    %mul3A_2058 = arith.constant 100000 : i32
    %mul3A_2059 = arith.muli %add3A_1768, %mul3A_2058 : i32
    %add3A_2060 = vector.broadcast %mul3A_2059 : i32 to vector<16xi32>
    %add3A_2061 = arith.addi %add3A_2060, %get3A_2046 : vector<16xi32>
    %swap3A_2062 = arith.constant 1 : i32
    %swap3A_2063 = arith.index_cast %swap3A_2062 : i32 to index
    %swap3A_2064 = arith.constant 32 : index
    %swap3A_2065 = tpu.vector_load %arg9[%swap3A_2063, %swap3A_2064] {strides = array<i32>} : memref<2x128xi32, #tpu.memory_space<vmem>>, vector<1x16xi32>,
    %swap3A_2066 = vector.shape_cast %swap3A_2065 : vector<1x16xi32> to vector<16xi32>
    %swap3A_2067 = vector.shape_cast %add3A_2061 : vector<16xi32> to vector<1x16xi32>
    tpu.vector_store %arg9[%swap3A_2063, %swap3A_2064], %swap3A_2067 {strides = array<i32>} : memref<2x128xi32, #tpu.memory_space<vmem>>, vector<1x16xi32>,
    %get3A_2068 = arith.constant 176 : index
    %get3A_2069 = tpu.vector_load %arg7[%get3A_2068] {strides = array<i32>} : memref<256xi32, #tpu.memory_space<vmem>>, vector<16xi32>,
    %get3A_2070 = vector.shape_cast %get3A_2069 : vector<16xi32> to vector<16xi32>
    %mul3A_2071 = arith.constant 128 : i32
    %mul3A_2072 = vector.broadcast %mul3A_2071 : i32 to vector<16xi32>
    %mul3A_2073 = arith.muli %get3A_2070, %mul3A_2072 : vector<16xi32>
    %add3A_2074 = vector.broadcast %add3A_1768 : i32 to vector<16xi32>
    %add3A_2075 = arith.addi %mul3A_2073, %add3A_2074 : vector<16xi32>
    %swap3A_2076 = arith.constant 1 : i32
    %swap3A_2077 = arith.index_cast %swap3A_2076 : i32 to index
    %swap3A_2078 = arith.constant 48 : index
    %swap3A_2079 = tpu.vector_load %arg8[%swap3A_2077, %swap3A_2078] {strides = array<i32>} : memref<2x128xi32, #tpu.memory_space<vmem>>, vector<1x16xi32>,
    %swap3A_2080 = vector.shape_cast %swap3A_2079 : vector<1x16xi32> to vector<16xi32>
    %swap3A_2081 = vector.shape_cast %add3A_2075 : vector<16xi32> to vector<1x16xi32>
    tpu.vector_store %arg8[%swap3A_2077, %swap3A_2078], %swap3A_2081 {strides = array<i32>} : memref<2x128xi32, #tpu.memory_space<vmem>>, vector<1x16xi32>,
    %mul3A_2082 = arith.constant 100000 : i32
    %mul3A_2083 = arith.muli %add3A_1768, %mul3A_2082 : i32
    %add3A_2084 = vector.broadcast %mul3A_2083 : i32 to vector<16xi32>
    %add3A_2085 = arith.addi %add3A_2084, %get3A_2070 : vector<16xi32>
    %swap3A_2086 = arith.constant 1 : i32
    %swap3A_2087 = arith.index_cast %swap3A_2086 : i32 to index
    %swap3A_2088 = arith.constant 48 : index
    %swap3A_2089 = tpu.vector_load %arg9[%swap3A_2087, %swap3A_2088] {strides = array<i32>} : memref<2x128xi32, #tpu.memory_space<vmem>>, vector<1x16xi32>,
    %swap3A_2090 = vector.shape_cast %swap3A_2089 : vector<1x16xi32> to vector<16xi32>
    %swap3A_2091 = vector.shape_cast %add3A_2085 : vector<16xi32> to vector<1x16xi32>
    tpu.vector_store %arg9[%swap3A_2087, %swap3A_2088], %swap3A_2091 {strides = array<i32>} : memref<2x128xi32, #tpu.memory_space<vmem>>, vector<1x16xi32>,
    %get3A_2092 = arith.constant 192 : index
    %get3A_2093 = tpu.vector_load %arg7[%get3A_2092] {strides = array<i32>} : memref<256xi32, #tpu.memory_space<vmem>>, vector<16xi32>,
    %get3A_2094 = vector.shape_cast %get3A_2093 : vector<16xi32> to vector<16xi32>
    %mul3A_2095 = arith.constant 128 : i32
    %mul3A_2096 = vector.broadcast %mul3A_2095 : i32 to vector<16xi32>
    %mul3A_2097 = arith.muli %get3A_2094, %mul3A_2096 : vector<16xi32>
    %add3A_2098 = vector.broadcast %add3A_1768 : i32 to vector<16xi32>
    %add3A_2099 = arith.addi %mul3A_2097, %add3A_2098 : vector<16xi32>
    %swap3A_2100 = arith.constant 1 : i32
    %swap3A_2101 = arith.index_cast %swap3A_2100 : i32 to index
    %swap3A_2102 = arith.constant 64 : index
    %swap3A_2103 = tpu.vector_load %arg8[%swap3A_2101, %swap3A_2102] {strides = array<i32>} : memref<2x128xi32, #tpu.memory_space<vmem>>, vector<1x16xi32>,
    %swap3A_2104 = vector.shape_cast %swap3A_2103 : vector<1x16xi32> to vector<16xi32>
    %swap3A_2105 = vector.shape_cast %add3A_2099 : vector<16xi32> to vector<1x16xi32>
    tpu.vector_store %arg8[%swap3A_2101, %swap3A_2102], %swap3A_2105 {strides = array<i32>} : memref<2x128xi32, #tpu.memory_space<vmem>>, vector<1x16xi32>,
    %mul3A_2106 = arith.constant 100000 : i32
    %mul3A_2107 = arith.muli %add3A_1768, %mul3A_2106 : i32
    %add3A_2108 = vector.broadcast %mul3A_2107 : i32 to vector<16xi32>
    %add3A_2109 = arith.addi %add3A_2108, %get3A_2094 : vector<16xi32>
    %swap3A_2110 = arith.constant 1 : i32
    %swap3A_2111 = arith.index_cast %swap3A_2110 : i32 to index
    %swap3A_2112 = arith.constant 64 : index
    %swap3A_2113 = tpu.vector_load %arg9[%swap3A_2111, %swap3A_2112] {strides = array<i32>} : memref<2x128xi32, #tpu.memory_space<vmem>>, vector<1x16xi32>,
    %swap3A_2114 = vector.shape_cast %swap3A_2113 : vector<1x16xi32> to vector<16xi32>
    %swap3A_2115 = vector.shape_cast %add3A_2109 : vector<16xi32> to vector<1x16xi32>
    tpu.vector_store %arg9[%swap3A_2111, %swap3A_2112], %swap3A_2115 {strides = array<i32>} : memref<2x128xi32, #tpu.memory_space<vmem>>, vector<1x16xi32>,
    %get3A_2116 = arith.constant 208 : index
    %get3A_2117 = tpu.vector_load %arg7[%get3A_2116] {strides = array<i32>} : memref<256xi32, #tpu.memory_space<vmem>>, vector<16xi32>,
    %get3A_2118 = vector.shape_cast %get3A_2117 : vector<16xi32> to vector<16xi32>
    %mul3A_2119 = arith.constant 128 : i32
    %mul3A_2120 = vector.broadcast %mul3A_2119 : i32 to vector<16xi32>
    %mul3A_2121 = arith.muli %get3A_2118, %mul3A_2120 : vector<16xi32>
    %add3A_2122 = vector.broadcast %add3A_1768 : i32 to vector<16xi32>
    %add3A_2123 = arith.addi %mul3A_2121, %add3A_2122 : vector<16xi32>
    %swap3A_2124 = arith.constant 1 : i32
    %swap3A_2125 = arith.index_cast %swap3A_2124 : i32 to index
    %swap3A_2126 = arith.constant 80 : index
    %swap3A_2127 = tpu.vector_load %arg8[%swap3A_2125, %swap3A_2126] {strides = array<i32>} : memref<2x128xi32, #tpu.memory_space<vmem>>, vector<1x16xi32>,
    %swap3A_2128 = vector.shape_cast %swap3A_2127 : vector<1x16xi32> to vector<16xi32>
    %swap3A_2129 = vector.shape_cast %add3A_2123 : vector<16xi32> to vector<1x16xi32>
    tpu.vector_store %arg8[%swap3A_2125, %swap3A_2126], %swap3A_2129 {strides = array<i32>} : memref<2x128xi32, #tpu.memory_space<vmem>>, vector<1x16xi32>,
    %mul3A_2130 = arith.constant 100000 : i32
    %mul3A_2131 = arith.muli %add3A_1768, %mul3A_2130 : i32
    %add3A_2132 = vector.broadcast %mul3A_2131 : i32 to vector<16xi32>
    %add3A_2133 = arith.addi %add3A_2132, %get3A_2118 : vector<16xi32>
    %swap3A_2134 = arith.constant 1 : i32
    %swap3A_2135 = arith.index_cast %swap3A_2134 : i32 to index
    %swap3A_2136 = arith.constant 80 : index
    %swap3A_2137 = tpu.vector_load %arg9[%swap3A_2135, %swap3A_2136] {strides = array<i32>} : memref<2x128xi32, #tpu.memory_space<vmem>>, vector<1x16xi32>,
    %swap3A_2138 = vector.shape_cast %swap3A_2137 : vector<1x16xi32> to vector<16xi32>
    %swap3A_2139 = vector.shape_cast %add3A_2133 : vector<16xi32> to vector<1x16xi32>
    tpu.vector_store %arg9[%swap3A_2135, %swap3A_2136], %swap3A_2139 {strides = array<i32>} : memref<2x128xi32, #tpu.memory_space<vmem>>, vector<1x16xi32>,
    %get3A_2140 = arith.constant 224 : index
    %get3A_2141 = tpu.vector_load %arg7[%get3A_2140] {strides = array<i32>} : memref<256xi32, #tpu.memory_space<vmem>>, vector<16xi32>,
    %get3A_2142 = vector.shape_cast %get3A_2141 : vector<16xi32> to vector<16xi32>
    %mul3A_2143 = arith.constant 128 : i32
    %mul3A_2144 = vector.broadcast %mul3A_2143 : i32 to vector<16xi32>
    %mul3A_2145 = arith.muli %get3A_2142, %mul3A_2144 : vector<16xi32>
    %add3A_2146 = vector.broadcast %add3A_1768 : i32 to vector<16xi32>
    %add3A_2147 = arith.addi %mul3A_2145, %add3A_2146 : vector<16xi32>
    %swap3A_2148 = arith.constant 1 : i32
    %swap3A_2149 = arith.index_cast %swap3A_2148 : i32 to index
    %swap3A_2150 = arith.constant 96 : index
    %swap3A_2151 = tpu.vector_load %arg8[%swap3A_2149, %swap3A_2150] {strides = array<i32>} : memref<2x128xi32, #tpu.memory_space<vmem>>, vector<1x16xi32>,
    %swap3A_2152 = vector.shape_cast %swap3A_2151 : vector<1x16xi32> to vector<16xi32>
    %swap3A_2153 = vector.shape_cast %add3A_2147 : vector<16xi32> to vector<1x16xi32>
    tpu.vector_store %arg8[%swap3A_2149, %swap3A_2150], %swap3A_2153 {strides = array<i32>} : memref<2x128xi32, #tpu.memory_space<vmem>>, vector<1x16xi32>,
    %mul3A_2154 = arith.constant 100000 : i32
    %mul3A_2155 = arith.muli %add3A_1768, %mul3A_2154 : i32
    %add3A_2156 = vector.broadcast %mul3A_2155 : i32 to vector<16xi32>
    %add3A_2157 = arith.addi %add3A_2156, %get3A_2142 : vector<16xi32>
    %swap3A_2158 = arith.constant 1 : i32
    %swap3A_2159 = arith.index_cast %swap3A_2158 : i32 to index
    %swap3A_2160 = arith.constant 96 : index
    %swap3A_2161 = tpu.vector_load %arg9[%swap3A_2159, %swap3A_2160] {strides = array<i32>} : memref<2x128xi32, #tpu.memory_space<vmem>>, vector<1x16xi32>,
    %swap3A_2162 = vector.shape_cast %swap3A_2161 : vector<1x16xi32> to vector<16xi32>
    %swap3A_2163 = vector.shape_cast %add3A_2157 : vector<16xi32> to vector<1x16xi32>
    tpu.vector_store %arg9[%swap3A_2159, %swap3A_2160], %swap3A_2163 {strides = array<i32>} : memref<2x128xi32, #tpu.memory_space<vmem>>, vector<1x16xi32>,
    %get3A_2164 = arith.constant 240 : index
    %get3A_2165 = tpu.vector_load %arg7[%get3A_2164] {strides = array<i32>} : memref<256xi32, #tpu.memory_space<vmem>>, vector<16xi32>,
    %get3A_2166 = vector.shape_cast %get3A_2165 : vector<16xi32> to vector<16xi32>
    %mul3A_2167 = arith.constant 128 : i32
    %mul3A_2168 = vector.broadcast %mul3A_2167 : i32 to vector<16xi32>
    %mul3A_2169 = arith.muli %get3A_2166, %mul3A_2168 : vector<16xi32>
    %add3A_2170 = vector.broadcast %add3A_1768 : i32 to vector<16xi32>
    %add3A_2171 = arith.addi %mul3A_2169, %add3A_2170 : vector<16xi32>
    %swap3A_2172 = arith.constant 1 : i32
    %swap3A_2173 = arith.index_cast %swap3A_2172 : i32 to index
    %swap3A_2174 = arith.constant 112 : index
    %swap3A_2175 = tpu.vector_load %arg8[%swap3A_2173, %swap3A_2174] {strides = array<i32>} : memref<2x128xi32, #tpu.memory_space<vmem>>, vector<1x16xi32>,
    %swap3A_2176 = vector.shape_cast %swap3A_2175 : vector<1x16xi32> to vector<16xi32>
    %swap3A_2177 = vector.shape_cast %add3A_2171 : vector<16xi32> to vector<1x16xi32>
    tpu.vector_store %arg8[%swap3A_2173, %swap3A_2174], %swap3A_2177 {strides = array<i32>} : memref<2x128xi32, #tpu.memory_space<vmem>>, vector<1x16xi32>,
    %mul3A_2178 = arith.constant 100000 : i32
    %mul3A_2179 = arith.muli %add3A_1768, %mul3A_2178 : i32
    %add3A_2180 = vector.broadcast %mul3A_2179 : i32 to vector<16xi32>
    %add3A_2181 = arith.addi %add3A_2180, %get3A_2166 : vector<16xi32>
    %swap3A_2182 = arith.constant 1 : i32
    %swap3A_2183 = arith.index_cast %swap3A_2182 : i32 to index
    %swap3A_2184 = arith.constant 112 : index
    %swap3A_2185 = tpu.vector_load %arg9[%swap3A_2183, %swap3A_2184] {strides = array<i32>} : memref<2x128xi32, #tpu.memory_space<vmem>>, vector<1x16xi32>,
    %swap3A_2186 = vector.shape_cast %swap3A_2185 : vector<1x16xi32> to vector<16xi32>
    %swap3A_2187 = vector.shape_cast %add3A_2181 : vector<16xi32> to vector<1x16xi32>
    tpu.vector_store %arg9[%swap3A_2183, %swap3A_2184], %swap3A_2187 {strides = array<i32>} : memref<2x128xi32, #tpu.memory_space<vmem>>, vector<1x16xi32>,
    %dma_start3A_2188 = arith.constant 0 : i32
    %dma_start3A_2189 = arith.constant 0 : i32
    %dma_start3A_2190 = arith.constant 0 : i32
    %dma_start3A_2191 = tpu.memref_slice %arg10[%dma_start3A_2189, %dma_start3A_2190] : memref<2x128xf32, #tpu.memory_space<vmem>> -> memref<1x128xf32, #tpu.memory_space<vmem>>
    %dma_start3A_2192 = tpu.memref_squeeze %dma_start3A_2191 : memref<1x128xf32, #tpu.memory_space<vmem>> -> memref<128xf32, #tpu.memory_space<vmem>>
    %dma_start3A_2193 = arith.constant 0 : i32
    %dma_start3A_2194 = tpu.memref_slice %arg8[%dma_start3A_2188, %dma_start3A_2193] : memref<2x128xi32, #tpu.memory_space<vmem>> -> memref<1x128xi32, #tpu.memory_space<vmem>>
    %dma_start3A_2195 = tpu.memref_squeeze %dma_start3A_2194 : memref<1x128xi32, #tpu.memory_space<vmem>> -> memref<128xi32, #tpu.memory_space<vmem>>
    %dma_start3A_2196 = arith.constant 0 : i32
    %dma_start3A_2197 = tpu.memref_slice %arg2[%dma_start3A_2196] : memref<12800000xf32, #tpu.memory_space<hbm>> -> memref<12800000xf32, #tpu.memory_space<hbm>>
    tpu.enqueue_indirect_dma source(%dma_start3A_2197 : memref<12800000xf32, #tpu.memory_space<hbm>>) target(%dma_start3A_2192 : memref<128xf32, #tpu.memory_space<vmem>>) offsets(%dma_start3A_2195 : memref<128xi32, #tpu.memory_space<vmem>>) semaphore(%arg13 : memref<!tpu.dma_semaphore, #tpu.memory_space<semaphore_mem>>)
    %dma_start3A_2198 = arith.constant 1 : i32
    %dma_start3A_2199 = arith.constant 1 : i32
    %dma_start3A_2200 = arith.constant 0 : i32
    %dma_start3A_2201 = tpu.memref_slice %arg10[%dma_start3A_2199, %dma_start3A_2200] : memref<2x128xf32, #tpu.memory_space<vmem>> -> memref<1x128xf32, #tpu.memory_space<vmem>>
    %dma_start3A_2202 = tpu.memref_squeeze %dma_start3A_2201 : memref<1x128xf32, #tpu.memory_space<vmem>> -> memref<128xf32, #tpu.memory_space<vmem>>
    %dma_start3A_2203 = arith.constant 0 : i32
    %dma_start3A_2204 = tpu.memref_slice %arg8[%dma_start3A_2198, %dma_start3A_2203] : memref<2x128xi32, #tpu.memory_space<vmem>> -> memref<1x128xi32, #tpu.memory_space<vmem>>
    %dma_start3A_2205 = tpu.memref_squeeze %dma_start3A_2204 : memref<1x128xi32, #tpu.memory_space<vmem>> -> memref<128xi32, #tpu.memory_space<vmem>>
    %dma_start3A_2206 = arith.constant 0 : i32
    %dma_start3A_2207 = tpu.memref_slice %arg2[%dma_start3A_2206] : memref<12800000xf32, #tpu.memory_space<hbm>> -> memref<12800000xf32, #tpu.memory_space<hbm>>
    tpu.enqueue_indirect_dma source(%dma_start3A_2207 : memref<12800000xf32, #tpu.memory_space<hbm>>) target(%dma_start3A_2202 : memref<128xf32, #tpu.memory_space<vmem>>) offsets(%dma_start3A_2205 : memref<128xi32, #tpu.memory_space<vmem>>) semaphore(%arg13 : memref<!tpu.dma_semaphore, #tpu.memory_space<semaphore_mem>>)
    %dma_wait3A_2208 = arith.constant 0 : i32
    %dma_wait3A_2209 = arith.constant 0 : i32
    %dma_wait3A_2210 = arith.constant 0 : i32
    %dma_wait3A_2211 = tpu.memref_slice %arg10[%dma_wait3A_2209, %dma_wait3A_2210] : memref<2x128xf32, #tpu.memory_space<vmem>> -> memref<1x128xf32, #tpu.memory_space<vmem>>
    %dma_wait3A_2212 = tpu.memref_squeeze %dma_wait3A_2211 : memref<1x128xf32, #tpu.memory_space<vmem>> -> memref<128xf32, #tpu.memory_space<vmem>>
    %dma_wait3A_2213 = arith.constant 0 : i32
    %dma_wait3A_2214 = tpu.memref_slice %arg8[%dma_wait3A_2208, %dma_wait3A_2213] : memref<2x128xi32, #tpu.memory_space<vmem>> -> memref<1x128xi32, #tpu.memory_space<vmem>>
    %dma_wait3A_2215 = tpu.memref_squeeze %dma_wait3A_2214 : memref<1x128xi32, #tpu.memory_space<vmem>> -> memref<128xi32, #tpu.memory_space<vmem>>
    %dma_wait3A_2216 = arith.constant 0 : i32
    %dma_wait3A_2217 = tpu.memref_slice %arg2[%dma_wait3A_2216] : memref<12800000xf32, #tpu.memory_space<hbm>> -> memref<12800000xf32, #tpu.memory_space<hbm>>
    tpu.wait_indirect_dma semaphore(%arg13 : memref<!tpu.dma_semaphore, #tpu.memory_space<semaphore_mem>>) src(%dma_wait3A_2217 : memref<12800000xf32, #tpu.memory_space<hbm>>) dst(%dma_wait3A_2212 : memref<128xf32, #tpu.memory_space<vmem>>)
    %dma_wait3A_2218 = arith.constant 1 : i32
    %dma_wait3A_2219 = arith.constant 1 : i32
    %dma_wait3A_2220 = arith.constant 0 : i32
    %dma_wait3A_2221 = tpu.memref_slice %arg10[%dma_wait3A_2219, %dma_wait3A_2220] : memref<2x128xf32, #tpu.memory_space<vmem>> -> memref<1x128xf32, #tpu.memory_space<vmem>>
    %dma_wait3A_2222 = tpu.memref_squeeze %dma_wait3A_2221 : memref<1x128xf32, #tpu.memory_space<vmem>> -> memref<128xf32, #tpu.memory_space<vmem>>
    %dma_wait3A_2223 = arith.constant 0 : i32
    %dma_wait3A_2224 = tpu.memref_slice %arg8[%dma_wait3A_2218, %dma_wait3A_2223] : memref<2x128xi32, #tpu.memory_space<vmem>> -> memref<1x128xi32, #tpu.memory_space<vmem>>
    %dma_wait3A_2225 = tpu.memref_squeeze %dma_wait3A_2224 : memref<1x128xi32, #tpu.memory_space<vmem>> -> memref<128xi32, #tpu.memory_space<vmem>>
    %dma_wait3A_2226 = arith.constant 0 : i32
    %dma_wait3A_2227 = tpu.memref_slice %arg2[%dma_wait3A_2226] : memref<12800000xf32, #tpu.memory_space<hbm>> -> memref<12800000xf32, #tpu.memory_space<hbm>>
    tpu.wait_indirect_dma semaphore(%arg13 : memref<!tpu.dma_semaphore, #tpu.memory_space<semaphore_mem>>) src(%dma_wait3A_2227 : memref<12800000xf32, #tpu.memory_space<hbm>>) dst(%dma_wait3A_2222 : memref<128xf32, #tpu.memory_space<vmem>>)
    %get3A_2228 = arith.constant 0 : i32
    %get3A_2229 = arith.index_cast %get3A_2228 : i32 to index
    %get3A_2230 = arith.constant 0 : index
    %get3A_2231 = tpu.vector_load %arg10[%get3A_2229, %get3A_2230] {strides = array<i32>} : memref<2x128xf32, #tpu.memory_space<vmem>>, vector<1x16xf32>,
    %get3A_2232 = vector.shape_cast %get3A_2231 : vector<1x16xf32> to vector<16xf32>
    %get3A_2233 = arith.constant 0 : index
    %get3A_2234 = tpu.vector_load %arg12[%get3A_2233] {strides = array<i32>} : memref<256xf32, #tpu.memory_space<vmem>>, vector<16xf32>,
    %get3A_2235 = vector.shape_cast %get3A_2234 : vector<16xf32> to vector<16xf32>
    %mul3A_2236 = arith.constant 0.0487901643 : f32
    %mul3A_2237 = vector.broadcast %mul3A_2236 : f32 to vector<16xf32>
    %mul3A_2238 = arith.mulf %get3A_2235, %mul3A_2237 : vector<16xf32>
    %exp3A_2239 = math.exp %mul3A_2238 : vector<16xf32>
    %lt3A_2240 = arith.constant 0.000000e+00 : f32
    %lt3A_2241 = vector.broadcast %lt3A_2240 : f32 to vector<16xf32>
    %lt3A_2242 = arith.cmpf olt, %get3A_2232, %lt3A_2241 : vector<16xf32>
    %mul3A_2243 = arith.mulf %get3A_2232, %exp3A_2239 : vector<16xf32>
    %div3A_2244 = arith.divf %get3A_2232, %exp3A_2239 : vector<16xf32>
    %select_n3A_2245 = arith.select %lt3A_2242, %mul3A_2243, %div3A_2244 : vector<16xi1>, vector<16xf32>
    %swap3A_2246 = arith.constant 0 : i32
    %swap3A_2247 = arith.index_cast %swap3A_2246 : i32 to index
    %swap3A_2248 = arith.constant 0 : index
    %swap3A_2249 = tpu.vector_load %arg11[%swap3A_2247, %swap3A_2248] {strides = array<i32>} : memref<2x128xf32, #tpu.memory_space<vmem>>, vector<1x16xf32>,
    %swap3A_2250 = vector.shape_cast %swap3A_2249 : vector<1x16xf32> to vector<16xf32>
    %swap3A_2251 = vector.shape_cast %select_n3A_2245 : vector<16xf32> to vector<1x16xf32>
    tpu.vector_store %arg11[%swap3A_2247, %swap3A_2248], %swap3A_2251 {strides = array<i32>} : memref<2x128xf32, #tpu.memory_space<vmem>>, vector<1x16xf32>,
    %get3A_2252 = arith.constant 0 : i32
    %get3A_2253 = arith.index_cast %get3A_2252 : i32 to index
    %get3A_2254 = arith.constant 16 : index
    %get3A_2255 = tpu.vector_load %arg10[%get3A_2253, %get3A_2254] {strides = array<i32>} : memref<2x128xf32, #tpu.memory_space<vmem>>, vector<1x16xf32>,
    %get3A_2256 = vector.shape_cast %get3A_2255 : vector<1x16xf32> to vector<16xf32>
    %get3A_2257 = arith.constant 16 : index
    %get3A_2258 = tpu.vector_load %arg12[%get3A_2257] {strides = array<i32>} : memref<256xf32, #tpu.memory_space<vmem>>, vector<16xf32>,
    %get3A_2259 = vector.shape_cast %get3A_2258 : vector<16xf32> to vector<16xf32>
    %mul3A_2260 = arith.constant 0.0487901643 : f32
    %mul3A_2261 = vector.broadcast %mul3A_2260 : f32 to vector<16xf32>
    %mul3A_2262 = arith.mulf %get3A_2259, %mul3A_2261 : vector<16xf32>
    %exp3A_2263 = math.exp %mul3A_2262 : vector<16xf32>
    %lt3A_2264 = arith.constant 0.000000e+00 : f32
    %lt3A_2265 = vector.broadcast %lt3A_2264 : f32 to vector<16xf32>
    %lt3A_2266 = arith.cmpf olt, %get3A_2256, %lt3A_2265 : vector<16xf32>
    %mul3A_2267 = arith.mulf %get3A_2256, %exp3A_2263 : vector<16xf32>
    %div3A_2268 = arith.divf %get3A_2256, %exp3A_2263 : vector<16xf32>
    %select_n3A_2269 = arith.select %lt3A_2266, %mul3A_2267, %div3A_2268 : vector<16xi1>, vector<16xf32>
    %swap3A_2270 = arith.constant 0 : i32
    %swap3A_2271 = arith.index_cast %swap3A_2270 : i32 to index
    %swap3A_2272 = arith.constant 16 : index
    %swap3A_2273 = tpu.vector_load %arg11[%swap3A_2271, %swap3A_2272] {strides = array<i32>} : memref<2x128xf32, #tpu.memory_space<vmem>>, vector<1x16xf32>,
    %swap3A_2274 = vector.shape_cast %swap3A_2273 : vector<1x16xf32> to vector<16xf32>
    %swap3A_2275 = vector.shape_cast %select_n3A_2269 : vector<16xf32> to vector<1x16xf32>
    tpu.vector_store %arg11[%swap3A_2271, %swap3A_2272], %swap3A_2275 {strides = array<i32>} : memref<2x128xf32, #tpu.memory_space<vmem>>, vector<1x16xf32>,
    %get3A_2276 = arith.constant 0 : i32
    %get3A_2277 = arith.index_cast %get3A_2276 : i32 to index
    %get3A_2278 = arith.constant 32 : index
    %get3A_2279 = tpu.vector_load %arg10[%get3A_2277, %get3A_2278] {strides = array<i32>} : memref<2x128xf32, #tpu.memory_space<vmem>>, vector<1x16xf32>,
    %get3A_2280 = vector.shape_cast %get3A_2279 : vector<1x16xf32> to vector<16xf32>
    %get3A_2281 = arith.constant 32 : index
    %get3A_2282 = tpu.vector_load %arg12[%get3A_2281] {strides = array<i32>} : memref<256xf32, #tpu.memory_space<vmem>>, vector<16xf32>,
    %get3A_2283 = vector.shape_cast %get3A_2282 : vector<16xf32> to vector<16xf32>
    %mul3A_2284 = arith.constant 0.0487901643 : f32
    %mul3A_2285 = vector.broadcast %mul3A_2284 : f32 to vector<16xf32>
    %mul3A_2286 = arith.mulf %get3A_2283, %mul3A_2285 : vector<16xf32>
    %exp3A_2287 = math.exp %mul3A_2286 : vector<16xf32>
    %lt3A_2288 = arith.constant 0.000000e+00 : f32
    %lt3A_2289 = vector.broadcast %lt3A_2288 : f32 to vector<16xf32>
    %lt3A_2290 = arith.cmpf olt, %get3A_2280, %lt3A_2289 : vector<16xf32>
    %mul3A_2291 = arith.mulf %get3A_2280, %exp3A_2287 : vector<16xf32>
    %div3A_2292 = arith.divf %get3A_2280, %exp3A_2287 : vector<16xf32>
    %select_n3A_2293 = arith.select %lt3A_2290, %mul3A_2291, %div3A_2292 : vector<16xi1>, vector<16xf32>
    %swap3A_2294 = arith.constant 0 : i32
    %swap3A_2295 = arith.index_cast %swap3A_2294 : i32 to index
    %swap3A_2296 = arith.constant 32 : index
    %swap3A_2297 = tpu.vector_load %arg11[%swap3A_2295, %swap3A_2296] {strides = array<i32>} : memref<2x128xf32, #tpu.memory_space<vmem>>, vector<1x16xf32>,
    %swap3A_2298 = vector.shape_cast %swap3A_2297 : vector<1x16xf32> to vector<16xf32>
    %swap3A_2299 = vector.shape_cast %select_n3A_2293 : vector<16xf32> to vector<1x16xf32>
    tpu.vector_store %arg11[%swap3A_2295, %swap3A_2296], %swap3A_2299 {strides = array<i32>} : memref<2x128xf32, #tpu.memory_space<vmem>>, vector<1x16xf32>,
    %get3A_2300 = arith.constant 0 : i32
    %get3A_2301 = arith.index_cast %get3A_2300 : i32 to index
    %get3A_2302 = arith.constant 48 : index
    %get3A_2303 = tpu.vector_load %arg10[%get3A_2301, %get3A_2302] {strides = array<i32>} : memref<2x128xf32, #tpu.memory_space<vmem>>, vector<1x16xf32>,
    %get3A_2304 = vector.shape_cast %get3A_2303 : vector<1x16xf32> to vector<16xf32>
    %get3A_2305 = arith.constant 48 : index
    %get3A_2306 = tpu.vector_load %arg12[%get3A_2305] {strides = array<i32>} : memref<256xf32, #tpu.memory_space<vmem>>, vector<16xf32>,
    %get3A_2307 = vector.shape_cast %get3A_2306 : vector<16xf32> to vector<16xf32>
    %mul3A_2308 = arith.constant 0.0487901643 : f32
    %mul3A_2309 = vector.broadcast %mul3A_2308 : f32 to vector<16xf32>
    %mul3A_2310 = arith.mulf %get3A_2307, %mul3A_2309 : vector<16xf32>
    %exp3A_2311 = math.exp %mul3A_2310 : vector<16xf32>
    %lt3A_2312 = arith.constant 0.000000e+00 : f32
    %lt3A_2313 = vector.broadcast %lt3A_2312 : f32 to vector<16xf32>
    %lt3A_2314 = arith.cmpf olt, %get3A_2304, %lt3A_2313 : vector<16xf32>
    %mul3A_2315 = arith.mulf %get3A_2304, %exp3A_2311 : vector<16xf32>
    %div3A_2316 = arith.divf %get3A_2304, %exp3A_2311 : vector<16xf32>
    %select_n3A_2317 = arith.select %lt3A_2314, %mul3A_2315, %div3A_2316 : vector<16xi1>, vector<16xf32>
    %swap3A_2318 = arith.constant 0 : i32
    %swap3A_2319 = arith.index_cast %swap3A_2318 : i32 to index
    %swap3A_2320 = arith.constant 48 : index
    %swap3A_2321 = tpu.vector_load %arg11[%swap3A_2319, %swap3A_2320] {strides = array<i32>} : memref<2x128xf32, #tpu.memory_space<vmem>>, vector<1x16xf32>,
    %swap3A_2322 = vector.shape_cast %swap3A_2321 : vector<1x16xf32> to vector<16xf32>
    %swap3A_2323 = vector.shape_cast %select_n3A_2317 : vector<16xf32> to vector<1x16xf32>
    tpu.vector_store %arg11[%swap3A_2319, %swap3A_2320], %swap3A_2323 {strides = array<i32>} : memref<2x128xf32, #tpu.memory_space<vmem>>, vector<1x16xf32>,
    %get3A_2324 = arith.constant 0 : i32
    %get3A_2325 = arith.index_cast %get3A_2324 : i32 to index
    %get3A_2326 = arith.constant 64 : index
    %get3A_2327 = tpu.vector_load %arg10[%get3A_2325, %get3A_2326] {strides = array<i32>} : memref<2x128xf32, #tpu.memory_space<vmem>>, vector<1x16xf32>,
    %get3A_2328 = vector.shape_cast %get3A_2327 : vector<1x16xf32> to vector<16xf32>
    %get3A_2329 = arith.constant 64 : index
    %get3A_2330 = tpu.vector_load %arg12[%get3A_2329] {strides = array<i32>} : memref<256xf32, #tpu.memory_space<vmem>>, vector<16xf32>,
    %get3A_2331 = vector.shape_cast %get3A_2330 : vector<16xf32> to vector<16xf32>
    %mul3A_2332 = arith.constant 0.0487901643 : f32
    %mul3A_2333 = vector.broadcast %mul3A_2332 : f32 to vector<16xf32>
    %mul3A_2334 = arith.mulf %get3A_2331, %mul3A_2333 : vector<16xf32>
    %exp3A_2335 = math.exp %mul3A_2334 : vector<16xf32>
    %lt3A_2336 = arith.constant 0.000000e+00 : f32
    %lt3A_2337 = vector.broadcast %lt3A_2336 : f32 to vector<16xf32>
    %lt3A_2338 = arith.cmpf olt, %get3A_2328, %lt3A_2337 : vector<16xf32>
    %mul3A_2339 = arith.mulf %get3A_2328, %exp3A_2335 : vector<16xf32>
    %div3A_2340 = arith.divf %get3A_2328, %exp3A_2335 : vector<16xf32>
    %select_n3A_2341 = arith.select %lt3A_2338, %mul3A_2339, %div3A_2340 : vector<16xi1>, vector<16xf32>
    %swap3A_2342 = arith.constant 0 : i32
    %swap3A_2343 = arith.index_cast %swap3A_2342 : i32 to index
    %swap3A_2344 = arith.constant 64 : index
    %swap3A_2345 = tpu.vector_load %arg11[%swap3A_2343, %swap3A_2344] {strides = array<i32>} : memref<2x128xf32, #tpu.memory_space<vmem>>, vector<1x16xf32>,
    %swap3A_2346 = vector.shape_cast %swap3A_2345 : vector<1x16xf32> to vector<16xf32>
    %swap3A_2347 = vector.shape_cast %select_n3A_2341 : vector<16xf32> to vector<1x16xf32>
    tpu.vector_store %arg11[%swap3A_2343, %swap3A_2344], %swap3A_2347 {strides = array<i32>} : memref<2x128xf32, #tpu.memory_space<vmem>>, vector<1x16xf32>,
    %get3A_2348 = arith.constant 0 : i32
    %get3A_2349 = arith.index_cast %get3A_2348 : i32 to index
    %get3A_2350 = arith.constant 80 : index
    %get3A_2351 = tpu.vector_load %arg10[%get3A_2349, %get3A_2350] {strides = array<i32>} : memref<2x128xf32, #tpu.memory_space<vmem>>, vector<1x16xf32>,
    %get3A_2352 = vector.shape_cast %get3A_2351 : vector<1x16xf32> to vector<16xf32>
    %get3A_2353 = arith.constant 80 : index
    %get3A_2354 = tpu.vector_load %arg12[%get3A_2353] {strides = array<i32>} : memref<256xf32, #tpu.memory_space<vmem>>, vector<16xf32>,
    %get3A_2355 = vector.shape_cast %get3A_2354 : vector<16xf32> to vector<16xf32>
    %mul3A_2356 = arith.constant 0.0487901643 : f32
    %mul3A_2357 = vector.broadcast %mul3A_2356 : f32 to vector<16xf32>
    %mul3A_2358 = arith.mulf %get3A_2355, %mul3A_2357 : vector<16xf32>
    %exp3A_2359 = math.exp %mul3A_2358 : vector<16xf32>
    %lt3A_2360 = arith.constant 0.000000e+00 : f32
    %lt3A_2361 = vector.broadcast %lt3A_2360 : f32 to vector<16xf32>
    %lt3A_2362 = arith.cmpf olt, %get3A_2352, %lt3A_2361 : vector<16xf32>
    %mul3A_2363 = arith.mulf %get3A_2352, %exp3A_2359 : vector<16xf32>
    %div3A_2364 = arith.divf %get3A_2352, %exp3A_2359 : vector<16xf32>
    %select_n3A_2365 = arith.select %lt3A_2362, %mul3A_2363, %div3A_2364 : vector<16xi1>, vector<16xf32>
    %swap3A_2366 = arith.constant 0 : i32
    %swap3A_2367 = arith.index_cast %swap3A_2366 : i32 to index
    %swap3A_2368 = arith.constant 80 : index
    %swap3A_2369 = tpu.vector_load %arg11[%swap3A_2367, %swap3A_2368] {strides = array<i32>} : memref<2x128xf32, #tpu.memory_space<vmem>>, vector<1x16xf32>,
    %swap3A_2370 = vector.shape_cast %swap3A_2369 : vector<1x16xf32> to vector<16xf32>
    %swap3A_2371 = vector.shape_cast %select_n3A_2365 : vector<16xf32> to vector<1x16xf32>
    tpu.vector_store %arg11[%swap3A_2367, %swap3A_2368], %swap3A_2371 {strides = array<i32>} : memref<2x128xf32, #tpu.memory_space<vmem>>, vector<1x16xf32>,
    %get3A_2372 = arith.constant 0 : i32
    %get3A_2373 = arith.index_cast %get3A_2372 : i32 to index
    %get3A_2374 = arith.constant 96 : index
    %get3A_2375 = tpu.vector_load %arg10[%get3A_2373, %get3A_2374] {strides = array<i32>} : memref<2x128xf32, #tpu.memory_space<vmem>>, vector<1x16xf32>,
    %get3A_2376 = vector.shape_cast %get3A_2375 : vector<1x16xf32> to vector<16xf32>
    %get3A_2377 = arith.constant 96 : index
    %get3A_2378 = tpu.vector_load %arg12[%get3A_2377] {strides = array<i32>} : memref<256xf32, #tpu.memory_space<vmem>>, vector<16xf32>,
    %get3A_2379 = vector.shape_cast %get3A_2378 : vector<16xf32> to vector<16xf32>
    %mul3A_2380 = arith.constant 0.0487901643 : f32
    %mul3A_2381 = vector.broadcast %mul3A_2380 : f32 to vector<16xf32>
    %mul3A_2382 = arith.mulf %get3A_2379, %mul3A_2381 : vector<16xf32>
    %exp3A_2383 = math.exp %mul3A_2382 : vector<16xf32>
    %lt3A_2384 = arith.constant 0.000000e+00 : f32
    %lt3A_2385 = vector.broadcast %lt3A_2384 : f32 to vector<16xf32>
    %lt3A_2386 = arith.cmpf olt, %get3A_2376, %lt3A_2385 : vector<16xf32>
    %mul3A_2387 = arith.mulf %get3A_2376, %exp3A_2383 : vector<16xf32>
    %div3A_2388 = arith.divf %get3A_2376, %exp3A_2383 : vector<16xf32>
    %select_n3A_2389 = arith.select %lt3A_2386, %mul3A_2387, %div3A_2388 : vector<16xi1>, vector<16xf32>
    %swap3A_2390 = arith.constant 0 : i32
    %swap3A_2391 = arith.index_cast %swap3A_2390 : i32 to index
    %swap3A_2392 = arith.constant 96 : index
    %swap3A_2393 = tpu.vector_load %arg11[%swap3A_2391, %swap3A_2392] {strides = array<i32>} : memref<2x128xf32, #tpu.memory_space<vmem>>, vector<1x16xf32>,
    %swap3A_2394 = vector.shape_cast %swap3A_2393 : vector<1x16xf32> to vector<16xf32>
    %swap3A_2395 = vector.shape_cast %select_n3A_2389 : vector<16xf32> to vector<1x16xf32>
    tpu.vector_store %arg11[%swap3A_2391, %swap3A_2392], %swap3A_2395 {strides = array<i32>} : memref<2x128xf32, #tpu.memory_space<vmem>>, vector<1x16xf32>,
    %get3A_2396 = arith.constant 0 : i32
    %get3A_2397 = arith.index_cast %get3A_2396 : i32 to index
    %get3A_2398 = arith.constant 112 : index
    %get3A_2399 = tpu.vector_load %arg10[%get3A_2397, %get3A_2398] {strides = array<i32>} : memref<2x128xf32, #tpu.memory_space<vmem>>, vector<1x16xf32>,
    %get3A_2400 = vector.shape_cast %get3A_2399 : vector<1x16xf32> to vector<16xf32>
    %get3A_2401 = arith.constant 112 : index
    %get3A_2402 = tpu.vector_load %arg12[%get3A_2401] {strides = array<i32>} : memref<256xf32, #tpu.memory_space<vmem>>, vector<16xf32>,
    %get3A_2403 = vector.shape_cast %get3A_2402 : vector<16xf32> to vector<16xf32>
    %mul3A_2404 = arith.constant 0.0487901643 : f32
    %mul3A_2405 = vector.broadcast %mul3A_2404 : f32 to vector<16xf32>
    %mul3A_2406 = arith.mulf %get3A_2403, %mul3A_2405 : vector<16xf32>
    %exp3A_2407 = math.exp %mul3A_2406 : vector<16xf32>
    %lt3A_2408 = arith.constant 0.000000e+00 : f32
    %lt3A_2409 = vector.broadcast %lt3A_2408 : f32 to vector<16xf32>
    %lt3A_2410 = arith.cmpf olt, %get3A_2400, %lt3A_2409 : vector<16xf32>
    %mul3A_2411 = arith.mulf %get3A_2400, %exp3A_2407 : vector<16xf32>
    %div3A_2412 = arith.divf %get3A_2400, %exp3A_2407 : vector<16xf32>
    %select_n3A_2413 = arith.select %lt3A_2410, %mul3A_2411, %div3A_2412 : vector<16xi1>, vector<16xf32>
    %swap3A_2414 = arith.constant 0 : i32
    %swap3A_2415 = arith.index_cast %swap3A_2414 : i32 to index
    %swap3A_2416 = arith.constant 112 : index
    %swap3A_2417 = tpu.vector_load %arg11[%swap3A_2415, %swap3A_2416] {strides = array<i32>} : memref<2x128xf32, #tpu.memory_space<vmem>>, vector<1x16xf32>,
    %swap3A_2418 = vector.shape_cast %swap3A_2417 : vector<1x16xf32> to vector<16xf32>
    %swap3A_2419 = vector.shape_cast %select_n3A_2413 : vector<16xf32> to vector<1x16xf32>
    tpu.vector_store %arg11[%swap3A_2415, %swap3A_2416], %swap3A_2419 {strides = array<i32>} : memref<2x128xf32, #tpu.memory_space<vmem>>, vector<1x16xf32>,
    %get3A_2420 = arith.constant 1 : i32
    %get3A_2421 = arith.index_cast %get3A_2420 : i32 to index
    %get3A_2422 = arith.constant 0 : index
    %get3A_2423 = tpu.vector_load %arg10[%get3A_2421, %get3A_2422] {strides = array<i32>} : memref<2x128xf32, #tpu.memory_space<vmem>>, vector<1x16xf32>,
    %get3A_2424 = vector.shape_cast %get3A_2423 : vector<1x16xf32> to vector<16xf32>
    %get3A_2425 = arith.constant 128 : index
    %get3A_2426 = tpu.vector_load %arg12[%get3A_2425] {strides = array<i32>} : memref<256xf32, #tpu.memory_space<vmem>>, vector<16xf32>,
    %get3A_2427 = vector.shape_cast %get3A_2426 : vector<16xf32> to vector<16xf32>
    %mul3A_2428 = arith.constant 0.0487901643 : f32
    %mul3A_2429 = vector.broadcast %mul3A_2428 : f32 to vector<16xf32>
    %mul3A_2430 = arith.mulf %get3A_2427, %mul3A_2429 : vector<16xf32>
    %exp3A_2431 = math.exp %mul3A_2430 : vector<16xf32>
    %lt3A_2432 = arith.constant 0.000000e+00 : f32
    %lt3A_2433 = vector.broadcast %lt3A_2432 : f32 to vector<16xf32>
    %lt3A_2434 = arith.cmpf olt, %get3A_2424, %lt3A_2433 : vector<16xf32>
    %mul3A_2435 = arith.mulf %get3A_2424, %exp3A_2431 : vector<16xf32>
    %div3A_2436 = arith.divf %get3A_2424, %exp3A_2431 : vector<16xf32>
    %select_n3A_2437 = arith.select %lt3A_2434, %mul3A_2435, %div3A_2436 : vector<16xi1>, vector<16xf32>
    %swap3A_2438 = arith.constant 1 : i32
    %swap3A_2439 = arith.index_cast %swap3A_2438 : i32 to index
    %swap3A_2440 = arith.constant 0 : index
    %swap3A_2441 = tpu.vector_load %arg11[%swap3A_2439, %swap3A_2440] {strides = array<i32>} : memref<2x128xf32, #tpu.memory_space<vmem>>, vector<1x16xf32>,
    %swap3A_2442 = vector.shape_cast %swap3A_2441 : vector<1x16xf32> to vector<16xf32>
    %swap3A_2443 = vector.shape_cast %select_n3A_2437 : vector<16xf32> to vector<1x16xf32>
    tpu.vector_store %arg11[%swap3A_2439, %swap3A_2440], %swap3A_2443 {strides = array<i32>} : memref<2x128xf32, #tpu.memory_space<vmem>>, vector<1x16xf32>,
    %get3A_2444 = arith.constant 1 : i32
    %get3A_2445 = arith.index_cast %get3A_2444 : i32 to index
    %get3A_2446 = arith.constant 16 : index
    %get3A_2447 = tpu.vector_load %arg10[%get3A_2445, %get3A_2446] {strides = array<i32>} : memref<2x128xf32, #tpu.memory_space<vmem>>, vector<1x16xf32>,
    %get3A_2448 = vector.shape_cast %get3A_2447 : vector<1x16xf32> to vector<16xf32>
    %get3A_2449 = arith.constant 144 : index
    %get3A_2450 = tpu.vector_load %arg12[%get3A_2449] {strides = array<i32>} : memref<256xf32, #tpu.memory_space<vmem>>, vector<16xf32>,
    %get3A_2451 = vector.shape_cast %get3A_2450 : vector<16xf32> to vector<16xf32>
    %mul3A_2452 = arith.constant 0.0487901643 : f32
    %mul3A_2453 = vector.broadcast %mul3A_2452 : f32 to vector<16xf32>
    %mul3A_2454 = arith.mulf %get3A_2451, %mul3A_2453 : vector<16xf32>
    %exp3A_2455 = math.exp %mul3A_2454 : vector<16xf32>
    %lt3A_2456 = arith.constant 0.000000e+00 : f32
    %lt3A_2457 = vector.broadcast %lt3A_2456 : f32 to vector<16xf32>
    %lt3A_2458 = arith.cmpf olt, %get3A_2448, %lt3A_2457 : vector<16xf32>
    %mul3A_2459 = arith.mulf %get3A_2448, %exp3A_2455 : vector<16xf32>
    %div3A_2460 = arith.divf %get3A_2448, %exp3A_2455 : vector<16xf32>
    %select_n3A_2461 = arith.select %lt3A_2458, %mul3A_2459, %div3A_2460 : vector<16xi1>, vector<16xf32>
    %swap3A_2462 = arith.constant 1 : i32
    %swap3A_2463 = arith.index_cast %swap3A_2462 : i32 to index
    %swap3A_2464 = arith.constant 16 : index
    %swap3A_2465 = tpu.vector_load %arg11[%swap3A_2463, %swap3A_2464] {strides = array<i32>} : memref<2x128xf32, #tpu.memory_space<vmem>>, vector<1x16xf32>,
    %swap3A_2466 = vector.shape_cast %swap3A_2465 : vector<1x16xf32> to vector<16xf32>
    %swap3A_2467 = vector.shape_cast %select_n3A_2461 : vector<16xf32> to vector<1x16xf32>
    tpu.vector_store %arg11[%swap3A_2463, %swap3A_2464], %swap3A_2467 {strides = array<i32>} : memref<2x128xf32, #tpu.memory_space<vmem>>, vector<1x16xf32>,
    %get3A_2468 = arith.constant 1 : i32
    %get3A_2469 = arith.index_cast %get3A_2468 : i32 to index
    %get3A_2470 = arith.constant 32 : index
    %get3A_2471 = tpu.vector_load %arg10[%get3A_2469, %get3A_2470] {strides = array<i32>} : memref<2x128xf32, #tpu.memory_space<vmem>>, vector<1x16xf32>,
    %get3A_2472 = vector.shape_cast %get3A_2471 : vector<1x16xf32> to vector<16xf32>
    %get3A_2473 = arith.constant 160 : index
    %get3A_2474 = tpu.vector_load %arg12[%get3A_2473] {strides = array<i32>} : memref<256xf32, #tpu.memory_space<vmem>>, vector<16xf32>,
    %get3A_2475 = vector.shape_cast %get3A_2474 : vector<16xf32> to vector<16xf32>
    %mul3A_2476 = arith.constant 0.0487901643 : f32
    %mul3A_2477 = vector.broadcast %mul3A_2476 : f32 to vector<16xf32>
    %mul3A_2478 = arith.mulf %get3A_2475, %mul3A_2477 : vector<16xf32>
    %exp3A_2479 = math.exp %mul3A_2478 : vector<16xf32>
    %lt3A_2480 = arith.constant 0.000000e+00 : f32
    %lt3A_2481 = vector.broadcast %lt3A_2480 : f32 to vector<16xf32>
    %lt3A_2482 = arith.cmpf olt, %get3A_2472, %lt3A_2481 : vector<16xf32>
    %mul3A_2483 = arith.mulf %get3A_2472, %exp3A_2479 : vector<16xf32>
    %div3A_2484 = arith.divf %get3A_2472, %exp3A_2479 : vector<16xf32>
    %select_n3A_2485 = arith.select %lt3A_2482, %mul3A_2483, %div3A_2484 : vector<16xi1>, vector<16xf32>
    %swap3A_2486 = arith.constant 1 : i32
    %swap3A_2487 = arith.index_cast %swap3A_2486 : i32 to index
    %swap3A_2488 = arith.constant 32 : index
    %swap3A_2489 = tpu.vector_load %arg11[%swap3A_2487, %swap3A_2488] {strides = array<i32>} : memref<2x128xf32, #tpu.memory_space<vmem>>, vector<1x16xf32>,
    %swap3A_2490 = vector.shape_cast %swap3A_2489 : vector<1x16xf32> to vector<16xf32>
    %swap3A_2491 = vector.shape_cast %select_n3A_2485 : vector<16xf32> to vector<1x16xf32>
    tpu.vector_store %arg11[%swap3A_2487, %swap3A_2488], %swap3A_2491 {strides = array<i32>} : memref<2x128xf32, #tpu.memory_space<vmem>>, vector<1x16xf32>,
    %get3A_2492 = arith.constant 1 : i32
    %get3A_2493 = arith.index_cast %get3A_2492 : i32 to index
    %get3A_2494 = arith.constant 48 : index
    %get3A_2495 = tpu.vector_load %arg10[%get3A_2493, %get3A_2494] {strides = array<i32>} : memref<2x128xf32, #tpu.memory_space<vmem>>, vector<1x16xf32>,
    %get3A_2496 = vector.shape_cast %get3A_2495 : vector<1x16xf32> to vector<16xf32>
    %get3A_2497 = arith.constant 176 : index
    %get3A_2498 = tpu.vector_load %arg12[%get3A_2497] {strides = array<i32>} : memref<256xf32, #tpu.memory_space<vmem>>, vector<16xf32>,
    %get3A_2499 = vector.shape_cast %get3A_2498 : vector<16xf32> to vector<16xf32>
    %mul3A_2500 = arith.constant 0.0487901643 : f32
    %mul3A_2501 = vector.broadcast %mul3A_2500 : f32 to vector<16xf32>
    %mul3A_2502 = arith.mulf %get3A_2499, %mul3A_2501 : vector<16xf32>
    %exp3A_2503 = math.exp %mul3A_2502 : vector<16xf32>
    %lt3A_2504 = arith.constant 0.000000e+00 : f32
    %lt3A_2505 = vector.broadcast %lt3A_2504 : f32 to vector<16xf32>
    %lt3A_2506 = arith.cmpf olt, %get3A_2496, %lt3A_2505 : vector<16xf32>
    %mul3A_2507 = arith.mulf %get3A_2496, %exp3A_2503 : vector<16xf32>
    %div3A_2508 = arith.divf %get3A_2496, %exp3A_2503 : vector<16xf32>
    %select_n3A_2509 = arith.select %lt3A_2506, %mul3A_2507, %div3A_2508 : vector<16xi1>, vector<16xf32>
    %swap3A_2510 = arith.constant 1 : i32
    %swap3A_2511 = arith.index_cast %swap3A_2510 : i32 to index
    %swap3A_2512 = arith.constant 48 : index
    %swap3A_2513 = tpu.vector_load %arg11[%swap3A_2511, %swap3A_2512] {strides = array<i32>} : memref<2x128xf32, #tpu.memory_space<vmem>>, vector<1x16xf32>,
    %swap3A_2514 = vector.shape_cast %swap3A_2513 : vector<1x16xf32> to vector<16xf32>
    %swap3A_2515 = vector.shape_cast %select_n3A_2509 : vector<16xf32> to vector<1x16xf32>
    tpu.vector_store %arg11[%swap3A_2511, %swap3A_2512], %swap3A_2515 {strides = array<i32>} : memref<2x128xf32, #tpu.memory_space<vmem>>, vector<1x16xf32>,
    %get3A_2516 = arith.constant 1 : i32
    %get3A_2517 = arith.index_cast %get3A_2516 : i32 to index
    %get3A_2518 = arith.constant 64 : index
    %get3A_2519 = tpu.vector_load %arg10[%get3A_2517, %get3A_2518] {strides = array<i32>} : memref<2x128xf32, #tpu.memory_space<vmem>>, vector<1x16xf32>,
    %get3A_2520 = vector.shape_cast %get3A_2519 : vector<1x16xf32> to vector<16xf32>
    %get3A_2521 = arith.constant 192 : index
    %get3A_2522 = tpu.vector_load %arg12[%get3A_2521] {strides = array<i32>} : memref<256xf32, #tpu.memory_space<vmem>>, vector<16xf32>,
    %get3A_2523 = vector.shape_cast %get3A_2522 : vector<16xf32> to vector<16xf32>
    %mul3A_2524 = arith.constant 0.0487901643 : f32
    %mul3A_2525 = vector.broadcast %mul3A_2524 : f32 to vector<16xf32>
    %mul3A_2526 = arith.mulf %get3A_2523, %mul3A_2525 : vector<16xf32>
    %exp3A_2527 = math.exp %mul3A_2526 : vector<16xf32>
    %lt3A_2528 = arith.constant 0.000000e+00 : f32
    %lt3A_2529 = vector.broadcast %lt3A_2528 : f32 to vector<16xf32>
    %lt3A_2530 = arith.cmpf olt, %get3A_2520, %lt3A_2529 : vector<16xf32>
    %mul3A_2531 = arith.mulf %get3A_2520, %exp3A_2527 : vector<16xf32>
    %div3A_2532 = arith.divf %get3A_2520, %exp3A_2527 : vector<16xf32>
    %select_n3A_2533 = arith.select %lt3A_2530, %mul3A_2531, %div3A_2532 : vector<16xi1>, vector<16xf32>
    %swap3A_2534 = arith.constant 1 : i32
    %swap3A_2535 = arith.index_cast %swap3A_2534 : i32 to index
    %swap3A_2536 = arith.constant 64 : index
    %swap3A_2537 = tpu.vector_load %arg11[%swap3A_2535, %swap3A_2536] {strides = array<i32>} : memref<2x128xf32, #tpu.memory_space<vmem>>, vector<1x16xf32>,
    %swap3A_2538 = vector.shape_cast %swap3A_2537 : vector<1x16xf32> to vector<16xf32>
    %swap3A_2539 = vector.shape_cast %select_n3A_2533 : vector<16xf32> to vector<1x16xf32>
    tpu.vector_store %arg11[%swap3A_2535, %swap3A_2536], %swap3A_2539 {strides = array<i32>} : memref<2x128xf32, #tpu.memory_space<vmem>>, vector<1x16xf32>,
    %get3A_2540 = arith.constant 1 : i32
    %get3A_2541 = arith.index_cast %get3A_2540 : i32 to index
    %get3A_2542 = arith.constant 80 : index
    %get3A_2543 = tpu.vector_load %arg10[%get3A_2541, %get3A_2542] {strides = array<i32>} : memref<2x128xf32, #tpu.memory_space<vmem>>, vector<1x16xf32>,
    %get3A_2544 = vector.shape_cast %get3A_2543 : vector<1x16xf32> to vector<16xf32>
    %get3A_2545 = arith.constant 208 : index
    %get3A_2546 = tpu.vector_load %arg12[%get3A_2545] {strides = array<i32>} : memref<256xf32, #tpu.memory_space<vmem>>, vector<16xf32>,
    %get3A_2547 = vector.shape_cast %get3A_2546 : vector<16xf32> to vector<16xf32>
    %mul3A_2548 = arith.constant 0.0487901643 : f32
    %mul3A_2549 = vector.broadcast %mul3A_2548 : f32 to vector<16xf32>
    %mul3A_2550 = arith.mulf %get3A_2547, %mul3A_2549 : vector<16xf32>
    %exp3A_2551 = math.exp %mul3A_2550 : vector<16xf32>
    %lt3A_2552 = arith.constant 0.000000e+00 : f32
    %lt3A_2553 = vector.broadcast %lt3A_2552 : f32 to vector<16xf32>
    %lt3A_2554 = arith.cmpf olt, %get3A_2544, %lt3A_2553 : vector<16xf32>
    %mul3A_2555 = arith.mulf %get3A_2544, %exp3A_2551 : vector<16xf32>
    %div3A_2556 = arith.divf %get3A_2544, %exp3A_2551 : vector<16xf32>
    %select_n3A_2557 = arith.select %lt3A_2554, %mul3A_2555, %div3A_2556 : vector<16xi1>, vector<16xf32>
    %swap3A_2558 = arith.constant 1 : i32
    %swap3A_2559 = arith.index_cast %swap3A_2558 : i32 to index
    %swap3A_2560 = arith.constant 80 : index
    %swap3A_2561 = tpu.vector_load %arg11[%swap3A_2559, %swap3A_2560] {strides = array<i32>} : memref<2x128xf32, #tpu.memory_space<vmem>>, vector<1x16xf32>,
    %swap3A_2562 = vector.shape_cast %swap3A_2561 : vector<1x16xf32> to vector<16xf32>
    %swap3A_2563 = vector.shape_cast %select_n3A_2557 : vector<16xf32> to vector<1x16xf32>
    tpu.vector_store %arg11[%swap3A_2559, %swap3A_2560], %swap3A_2563 {strides = array<i32>} : memref<2x128xf32, #tpu.memory_space<vmem>>, vector<1x16xf32>,
    %get3A_2564 = arith.constant 1 : i32
    %get3A_2565 = arith.index_cast %get3A_2564 : i32 to index
    %get3A_2566 = arith.constant 96 : index
    %get3A_2567 = tpu.vector_load %arg10[%get3A_2565, %get3A_2566] {strides = array<i32>} : memref<2x128xf32, #tpu.memory_space<vmem>>, vector<1x16xf32>,
    %get3A_2568 = vector.shape_cast %get3A_2567 : vector<1x16xf32> to vector<16xf32>
    %get3A_2569 = arith.constant 224 : index
    %get3A_2570 = tpu.vector_load %arg12[%get3A_2569] {strides = array<i32>} : memref<256xf32, #tpu.memory_space<vmem>>, vector<16xf32>,
    %get3A_2571 = vector.shape_cast %get3A_2570 : vector<16xf32> to vector<16xf32>
    %mul3A_2572 = arith.constant 0.0487901643 : f32
    %mul3A_2573 = vector.broadcast %mul3A_2572 : f32 to vector<16xf32>
    %mul3A_2574 = arith.mulf %get3A_2571, %mul3A_2573 : vector<16xf32>
    %exp3A_2575 = math.exp %mul3A_2574 : vector<16xf32>
    %lt3A_2576 = arith.constant 0.000000e+00 : f32
    %lt3A_2577 = vector.broadcast %lt3A_2576 : f32 to vector<16xf32>
    %lt3A_2578 = arith.cmpf olt, %get3A_2568, %lt3A_2577 : vector<16xf32>
    %mul3A_2579 = arith.mulf %get3A_2568, %exp3A_2575 : vector<16xf32>
    %div3A_2580 = arith.divf %get3A_2568, %exp3A_2575 : vector<16xf32>
    %select_n3A_2581 = arith.select %lt3A_2578, %mul3A_2579, %div3A_2580 : vector<16xi1>, vector<16xf32>
    %swap3A_2582 = arith.constant 1 : i32
    %swap3A_2583 = arith.index_cast %swap3A_2582 : i32 to index
    %swap3A_2584 = arith.constant 96 : index
    %swap3A_2585 = tpu.vector_load %arg11[%swap3A_2583, %swap3A_2584] {strides = array<i32>} : memref<2x128xf32, #tpu.memory_space<vmem>>, vector<1x16xf32>,
    %swap3A_2586 = vector.shape_cast %swap3A_2585 : vector<1x16xf32> to vector<16xf32>
    %swap3A_2587 = vector.shape_cast %select_n3A_2581 : vector<16xf32> to vector<1x16xf32>
    tpu.vector_store %arg11[%swap3A_2583, %swap3A_2584], %swap3A_2587 {strides = array<i32>} : memref<2x128xf32, #tpu.memory_space<vmem>>, vector<1x16xf32>,
    %get3A_2588 = arith.constant 1 : i32
    %get3A_2589 = arith.index_cast %get3A_2588 : i32 to index
    %get3A_2590 = arith.constant 112 : index
    %get3A_2591 = tpu.vector_load %arg10[%get3A_2589, %get3A_2590] {strides = array<i32>} : memref<2x128xf32, #tpu.memory_space<vmem>>, vector<1x16xf32>,
    %get3A_2592 = vector.shape_cast %get3A_2591 : vector<1x16xf32> to vector<16xf32>
    %get3A_2593 = arith.constant 240 : index
    %get3A_2594 = tpu.vector_load %arg12[%get3A_2593] {strides = array<i32>} : memref<256xf32, #tpu.memory_space<vmem>>, vector<16xf32>,
    %get3A_2595 = vector.shape_cast %get3A_2594 : vector<16xf32> to vector<16xf32>
    %mul3A_2596 = arith.constant 0.0487901643 : f32
    %mul3A_2597 = vector.broadcast %mul3A_2596 : f32 to vector<16xf32>
    %mul3A_2598 = arith.mulf %get3A_2595, %mul3A_2597 : vector<16xf32>
    %exp3A_2599 = math.exp %mul3A_2598 : vector<16xf32>
    %lt3A_2600 = arith.constant 0.000000e+00 : f32
    %lt3A_2601 = vector.broadcast %lt3A_2600 : f32 to vector<16xf32>
    %lt3A_2602 = arith.cmpf olt, %get3A_2592, %lt3A_2601 : vector<16xf32>
    %mul3A_2603 = arith.mulf %get3A_2592, %exp3A_2599 : vector<16xf32>
    %div3A_2604 = arith.divf %get3A_2592, %exp3A_2599 : vector<16xf32>
    %select_n3A_2605 = arith.select %lt3A_2602, %mul3A_2603, %div3A_2604 : vector<16xi1>, vector<16xf32>
    %swap3A_2606 = arith.constant 1 : i32
    %swap3A_2607 = arith.index_cast %swap3A_2606 : i32 to index
    %swap3A_2608 = arith.constant 112 : index
    %swap3A_2609 = tpu.vector_load %arg11[%swap3A_2607, %swap3A_2608] {strides = array<i32>} : memref<2x128xf32, #tpu.memory_space<vmem>>, vector<1x16xf32>,
    %swap3A_2610 = vector.shape_cast %swap3A_2609 : vector<1x16xf32> to vector<16xf32>
    %swap3A_2611 = vector.shape_cast %select_n3A_2605 : vector<16xf32> to vector<1x16xf32>
    tpu.vector_store %arg11[%swap3A_2607, %swap3A_2608], %swap3A_2611 {strides = array<i32>} : memref<2x128xf32, #tpu.memory_space<vmem>>, vector<1x16xf32>,
    %dma_start3A_2612 = arith.constant 0 : i32
    %dma_start3A_2613 = arith.constant 0 : i32
    %dma_start3A_2614 = arith.constant 0 : i32
    %dma_start3A_2615 = tpu.memref_slice %arg11[%dma_start3A_2612, %dma_start3A_2614] : memref<2x128xf32, #tpu.memory_space<vmem>> -> memref<1x128xf32, #tpu.memory_space<vmem>>
    %dma_start3A_2616 = tpu.memref_squeeze %dma_start3A_2615 : memref<1x128xf32, #tpu.memory_space<vmem>> -> memref<128xf32, #tpu.memory_space<vmem>>
    %dma_start3A_2617 = arith.constant 0 : i32
    %dma_start3A_2618 = tpu.memref_slice %arg9[%dma_start3A_2613, %dma_start3A_2617] : memref<2x128xi32, #tpu.memory_space<vmem>> -> memref<1x128xi32, #tpu.memory_space<vmem>>
    %dma_start3A_2619 = tpu.memref_squeeze %dma_start3A_2618 : memref<1x128xi32, #tpu.memory_space<vmem>> -> memref<128xi32, #tpu.memory_space<vmem>>
    %dma_start3A_2620 = arith.constant 0 : i32
    %dma_start3A_2621 = tpu.memref_slice %arg5[%dma_start3A_2620] : memref<12800000xf32, #tpu.memory_space<hbm>> -> memref<12800000xf32, #tpu.memory_space<hbm>>
    tpu.enqueue_indirect_dma source(%dma_start3A_2616 : memref<128xf32, #tpu.memory_space<vmem>>) target(%dma_start3A_2621 : memref<12800000xf32, #tpu.memory_space<hbm>>) offsets(%dma_start3A_2619 : memref<128xi32, #tpu.memory_space<vmem>>) semaphore(%arg13 : memref<!tpu.dma_semaphore, #tpu.memory_space<semaphore_mem>>)
    %dma_start3A_2622 = arith.constant 1 : i32
    %dma_start3A_2623 = arith.constant 1 : i32
    %dma_start3A_2624 = arith.constant 0 : i32
    %dma_start3A_2625 = tpu.memref_slice %arg11[%dma_start3A_2622, %dma_start3A_2624] : memref<2x128xf32, #tpu.memory_space<vmem>> -> memref<1x128xf32, #tpu.memory_space<vmem>>
    %dma_start3A_2626 = tpu.memref_squeeze %dma_start3A_2625 : memref<1x128xf32, #tpu.memory_space<vmem>> -> memref<128xf32, #tpu.memory_space<vmem>>
    %dma_start3A_2627 = arith.constant 0 : i32
    %dma_start3A_2628 = tpu.memref_slice %arg9[%dma_start3A_2623, %dma_start3A_2627] : memref<2x128xi32, #tpu.memory_space<vmem>> -> memref<1x128xi32, #tpu.memory_space<vmem>>
    %dma_start3A_2629 = tpu.memref_squeeze %dma_start3A_2628 : memref<1x128xi32, #tpu.memory_space<vmem>> -> memref<128xi32, #tpu.memory_space<vmem>>
    %dma_start3A_2630 = arith.constant 0 : i32
    %dma_start3A_2631 = tpu.memref_slice %arg5[%dma_start3A_2630] : memref<12800000xf32, #tpu.memory_space<hbm>> -> memref<12800000xf32, #tpu.memory_space<hbm>>
    tpu.enqueue_indirect_dma source(%dma_start3A_2626 : memref<128xf32, #tpu.memory_space<vmem>>) target(%dma_start3A_2631 : memref<12800000xf32, #tpu.memory_space<hbm>>) offsets(%dma_start3A_2629 : memref<128xi32, #tpu.memory_space<vmem>>) semaphore(%arg13 : memref<!tpu.dma_semaphore, #tpu.memory_space<semaphore_mem>>)
    %dma_wait3A_2632 = arith.constant 0 : i32
    %dma_wait3A_2633 = arith.constant 0 : i32
    %dma_wait3A_2634 = arith.constant 0 : i32
    %dma_wait3A_2635 = tpu.memref_slice %arg11[%dma_wait3A_2632, %dma_wait3A_2634] : memref<2x128xf32, #tpu.memory_space<vmem>> -> memref<1x128xf32, #tpu.memory_space<vmem>>
    %dma_wait3A_2636 = tpu.memref_squeeze %dma_wait3A_2635 : memref<1x128xf32, #tpu.memory_space<vmem>> -> memref<128xf32, #tpu.memory_space<vmem>>
    %dma_wait3A_2637 = arith.constant 0 : i32
    %dma_wait3A_2638 = tpu.memref_slice %arg9[%dma_wait3A_2633, %dma_wait3A_2637] : memref<2x128xi32, #tpu.memory_space<vmem>> -> memref<1x128xi32, #tpu.memory_space<vmem>>
    %dma_wait3A_2639 = tpu.memref_squeeze %dma_wait3A_2638 : memref<1x128xi32, #tpu.memory_space<vmem>> -> memref<128xi32, #tpu.memory_space<vmem>>
    %dma_wait3A_2640 = arith.constant 0 : i32
    %dma_wait3A_2641 = tpu.memref_slice %arg5[%dma_wait3A_2640] : memref<12800000xf32, #tpu.memory_space<hbm>> -> memref<12800000xf32, #tpu.memory_space<hbm>>
    tpu.wait_indirect_dma semaphore(%arg13 : memref<!tpu.dma_semaphore, #tpu.memory_space<semaphore_mem>>) src(%dma_wait3A_2636 : memref<128xf32, #tpu.memory_space<vmem>>) dst(%dma_wait3A_2641 : memref<12800000xf32, #tpu.memory_space<hbm>>)
    %dma_wait3A_2642 = arith.constant 1 : i32
    %dma_wait3A_2643 = arith.constant 1 : i32
    %dma_wait3A_2644 = arith.constant 0 : i32
    %dma_wait3A_2645 = tpu.memref_slice %arg11[%dma_wait3A_2642, %dma_wait3A_2644] : memref<2x128xf32, #tpu.memory_space<vmem>> -> memref<1x128xf32, #tpu.memory_space<vmem>>
    %dma_wait3A_2646 = tpu.memref_squeeze %dma_wait3A_2645 : memref<1x128xf32, #tpu.memory_space<vmem>> -> memref<128xf32, #tpu.memory_space<vmem>>
    %dma_wait3A_2647 = arith.constant 0 : i32
    %dma_wait3A_2648 = tpu.memref_slice %arg9[%dma_wait3A_2643, %dma_wait3A_2647] : memref<2x128xi32, #tpu.memory_space<vmem>> -> memref<1x128xi32, #tpu.memory_space<vmem>>
    %dma_wait3A_2649 = tpu.memref_squeeze %dma_wait3A_2648 : memref<1x128xi32, #tpu.memory_space<vmem>> -> memref<128xi32, #tpu.memory_space<vmem>>
    %dma_wait3A_2650 = arith.constant 0 : i32
    %dma_wait3A_2651 = tpu.memref_slice %arg5[%dma_wait3A_2650] : memref<12800000xf32, #tpu.memory_space<hbm>> -> memref<12800000xf32, #tpu.memory_space<hbm>>
    tpu.wait_indirect_dma semaphore(%arg13 : memref<!tpu.dma_semaphore, #tpu.memory_space<semaphore_mem>>) src(%dma_wait3A_2646 : memref<128xf32, #tpu.memory_space<vmem>>) dst(%dma_wait3A_2651 : memref<12800000xf32, #tpu.memory_space<hbm>>)
    %mul3A_2652 = arith.constant 4 : i32
    %mul3A_2653 = arith.muli %add3A, %mul3A_2652 : i32
    %add3A_2654 = arith.constant 3 : i32
    %add3A_2655 = arith.addi %mul3A_2653, %add3A_2654 : i32
    %mul3A_2656 = arith.constant 200 : i32
    %mul3A_2657 = arith.muli %add3A_2655, %mul3A_2656 : i32
    "tpu.region"() ({
      %run_scoped3A = tpu.sem_alloc : memref<!tpu.dma_semaphore, #tpu.memory_space<semaphore_mem>>
      %dma_start3A_3539 = arith.constant 0 : i32
      %dma_start3A_3540 = tpu.memref_slice %arg7[%dma_start3A_3539] : memref<256xi32, #tpu.memory_space<vmem>> -> memref<200xi32, #tpu.memory_space<vmem>>
      %dma_start3A_3541 = tpu.memref_slice %arg3[%mul3A_2657] : memref<25600xi32, #tpu.memory_space<hbm>> -> memref<200xi32, #tpu.memory_space<hbm>>
      %dma_start3A_3542 = arith.constant 0 : i32
      %dma_start3A_3543 = tpu.memref_slice %arg7[%dma_start3A_3542] : memref<256xi32, #tpu.memory_space<vmem>> -> memref<200xi32, #tpu.memory_space<vmem>>
      %dma_start3A_3544 = tpu.memref_slice %arg3[%mul3A_2657] : memref<25600xi32, #tpu.memory_space<hbm>> -> memref<200xi32, #tpu.memory_space<hbm>>
      tpu.enqueue_dma source(%dma_start3A_3544 : memref<200xi32, #tpu.memory_space<hbm>>) target(%dma_start3A_3543 : memref<200xi32, #tpu.memory_space<vmem>>) target_semaphore(%run_scoped3A : memref<!tpu.dma_semaphore, #tpu.memory_space<semaphore_mem>>)
      %dma_wait3A_3545 = arith.constant 0 : i32
      %dma_wait3A_3546 = tpu.memref_slice %arg7[%dma_wait3A_3545] : memref<256xi32, #tpu.memory_space<vmem>> -> memref<200xi32, #tpu.memory_space<vmem>>
      %dma_wait3A_3547 = tpu.memref_slice %arg3[%mul3A_2657] : memref<25600xi32, #tpu.memory_space<hbm>> -> memref<200xi32, #tpu.memory_space<hbm>>
      %dma_wait3A_3548 = arith.constant 0 : i32
      %dma_wait3A_3549 = tpu.memref_slice %arg7[%dma_wait3A_3548] : memref<256xi32, #tpu.memory_space<vmem>> -> memref<200xi32, #tpu.memory_space<vmem>>
      %dma_wait3A_3550 = tpu.memref_slice %arg3[%mul3A_2657] : memref<25600xi32, #tpu.memory_space<hbm>> -> memref<200xi32, #tpu.memory_space<hbm>>
      tpu.wait_dma2 semaphore(%run_scoped3A : memref<!tpu.dma_semaphore, #tpu.memory_space<semaphore_mem>>) src(%dma_wait3A_3550 : memref<200xi32, #tpu.memory_space<hbm>>) dst(%dma_wait3A_3549 : memref<200xi32, #tpu.memory_space<vmem>>)
      tpu.yield
    }) : () -> ()
    %mul3A_2658 = arith.constant 256 : i32
    %mul3A_2659 = arith.muli %add3A_2655, %mul3A_2658 : i32
    "tpu.region"() ({
      %run_scoped3A = tpu.sem_alloc : memref<!tpu.dma_semaphore, #tpu.memory_space<semaphore_mem>>
      %dma_start3A_3539 = tpu.memref_slice %arg4[%mul3A_2659] : memref<32768xf32, #tpu.memory_space<hbm>> -> memref<256xf32, #tpu.memory_space<hbm>>
      %dma_start3A_3540 = tpu.memref_slice %arg4[%mul3A_2659] : memref<32768xf32, #tpu.memory_space<hbm>> -> memref<256xf32, #tpu.memory_space<hbm>>
      tpu.enqueue_dma source(%dma_start3A_3540 : memref<256xf32, #tpu.memory_space<hbm>>) target(%arg12 : memref<256xf32, #tpu.memory_space<vmem>>) target_semaphore(%run_scoped3A : memref<!tpu.dma_semaphore, #tpu.memory_space<semaphore_mem>>)
      %dma_wait3A_3541 = tpu.memref_slice %arg4[%mul3A_2659] : memref<32768xf32, #tpu.memory_space<hbm>> -> memref<256xf32, #tpu.memory_space<hbm>>
      %dma_wait3A_3542 = tpu.memref_slice %arg4[%mul3A_2659] : memref<32768xf32, #tpu.memory_space<hbm>> -> memref<256xf32, #tpu.memory_space<hbm>>
      tpu.wait_dma2 semaphore(%run_scoped3A : memref<!tpu.dma_semaphore, #tpu.memory_space<semaphore_mem>>) src(%dma_wait3A_3542 : memref<256xf32, #tpu.memory_space<hbm>>) dst(%arg12 : memref<256xf32, #tpu.memory_space<vmem>>)
      tpu.yield
    }) : () -> ()
    %get3A_2660 = arith.constant 192 : index
    %get3A_2661 = tpu.vector_load %arg7[%get3A_2660] {strides = array<i32>} : memref<256xi32, #tpu.memory_space<vmem>>, vector<16xi32>,
    %get3A_2662 = vector.shape_cast %get3A_2661 : vector<16xi32> to vector<16xi32>
    %lt3A_2663 = arith.constant 8 : i32
    %lt3A_2664 = vector.broadcast %lt3A_2663 : i32 to vector<16xi32>
    %lt3A_2665 = arith.cmpi slt, %iota3A, %lt3A_2664 : vector<16xi32>
    %jit3A_2666 = arith.constant 99999 : i32
    %broadcast_in_dim3A_2667 = vector.broadcast %jit3A_2666 : i32 to vector<16xi32>
    %select_n3A_2668 = arith.select %lt3A_2665, %get3A_2662, %broadcast_in_dim3A_2667 : vector<16xi1>, vector<16xi32>
    %swap3A_2669 = arith.constant 192 : index
    %swap3A_2670 = tpu.vector_load %arg7[%swap3A_2669] {strides = array<i32>} : memref<256xi32, #tpu.memory_space<vmem>>, vector<16xi32>,
    %swap3A_2671 = vector.shape_cast %swap3A_2670 : vector<16xi32> to vector<16xi32>
    %swap3A_2672 = vector.shape_cast %select_n3A_2668 : vector<16xi32> to vector<16xi32>
    tpu.vector_store %arg7[%swap3A_2669], %swap3A_2672 {strides = array<i32>} : memref<256xi32, #tpu.memory_space<vmem>>, vector<16xi32>,
    %broadcast_in_dim3A_2673 = arith.constant 99999 : i32
    %broadcast_in_dim3A_2674 = vector.broadcast %broadcast_in_dim3A_2673 : i32 to vector<16xi32>
    %swap3A_2675 = arith.constant 208 : index
    %swap3A_2676 = tpu.vector_load %arg7[%swap3A_2675] {strides = array<i32>} : memref<256xi32, #tpu.memory_space<vmem>>, vector<16xi32>,
    %swap3A_2677 = vector.shape_cast %swap3A_2676 : vector<16xi32> to vector<16xi32>
    %swap3A_2678 = vector.shape_cast %broadcast_in_dim3A_2674 : vector<16xi32> to vector<16xi32>
    tpu.vector_store %arg7[%swap3A_2675], %swap3A_2678 {strides = array<i32>} : memref<256xi32, #tpu.memory_space<vmem>>, vector<16xi32>,
    %broadcast_in_dim3A_2679 = arith.constant 99999 : i32
    %broadcast_in_dim3A_2680 = vector.broadcast %broadcast_in_dim3A_2679 : i32 to vector<16xi32>
    %swap3A_2681 = arith.constant 224 : index
    %swap3A_2682 = tpu.vector_load %arg7[%swap3A_2681] {strides = array<i32>} : memref<256xi32, #tpu.memory_space<vmem>>, vector<16xi32>,
    %swap3A_2683 = vector.shape_cast %swap3A_2682 : vector<16xi32> to vector<16xi32>
    %swap3A_2684 = vector.shape_cast %broadcast_in_dim3A_2680 : vector<16xi32> to vector<16xi32>
    tpu.vector_store %arg7[%swap3A_2681], %swap3A_2684 {strides = array<i32>} : memref<256xi32, #tpu.memory_space<vmem>>, vector<16xi32>,
    %broadcast_in_dim3A_2685 = arith.constant 99999 : i32
    %broadcast_in_dim3A_2686 = vector.broadcast %broadcast_in_dim3A_2685 : i32 to vector<16xi32>
    %swap3A_2687 = arith.constant 240 : index
    %swap3A_2688 = tpu.vector_load %arg7[%swap3A_2687] {strides = array<i32>} : memref<256xi32, #tpu.memory_space<vmem>>, vector<16xi32>,
    %swap3A_2689 = vector.shape_cast %swap3A_2688 : vector<16xi32> to vector<16xi32>
    %swap3A_2690 = vector.shape_cast %broadcast_in_dim3A_2686 : vector<16xi32> to vector<16xi32>
    tpu.vector_store %arg7[%swap3A_2687], %swap3A_2690 {strides = array<i32>} : memref<256xi32, #tpu.memory_space<vmem>>, vector<16xi32>,
    %get3A_2691 = arith.constant 0 : index
    %get3A_2692 = tpu.vector_load %arg7[%get3A_2691] {strides = array<i32>} : memref<256xi32, #tpu.memory_space<vmem>>, vector<16xi32>,
    %get3A_2693 = vector.shape_cast %get3A_2692 : vector<16xi32> to vector<16xi32>
    %mul3A_2694 = arith.constant 128 : i32
    %mul3A_2695 = vector.broadcast %mul3A_2694 : i32 to vector<16xi32>
    %mul3A_2696 = arith.muli %get3A_2693, %mul3A_2695 : vector<16xi32>
    %add3A_2697 = vector.broadcast %add3A_2655 : i32 to vector<16xi32>
    %add3A_2698 = arith.addi %mul3A_2696, %add3A_2697 : vector<16xi32>
    %swap3A_2699 = arith.constant 0 : i32
    %swap3A_2700 = arith.index_cast %swap3A_2699 : i32 to index
    %swap3A_2701 = arith.constant 0 : index
    %swap3A_2702 = tpu.vector_load %arg8[%swap3A_2700, %swap3A_2701] {strides = array<i32>} : memref<2x128xi32, #tpu.memory_space<vmem>>, vector<1x16xi32>,
    %swap3A_2703 = vector.shape_cast %swap3A_2702 : vector<1x16xi32> to vector<16xi32>
    %swap3A_2704 = vector.shape_cast %add3A_2698 : vector<16xi32> to vector<1x16xi32>
    tpu.vector_store %arg8[%swap3A_2700, %swap3A_2701], %swap3A_2704 {strides = array<i32>} : memref<2x128xi32, #tpu.memory_space<vmem>>, vector<1x16xi32>,
    %mul3A_2705 = arith.constant 100000 : i32
    %mul3A_2706 = arith.muli %add3A_2655, %mul3A_2705 : i32
    %add3A_2707 = vector.broadcast %mul3A_2706 : i32 to vector<16xi32>
    %add3A_2708 = arith.addi %add3A_2707, %get3A_2693 : vector<16xi32>
    %swap3A_2709 = arith.constant 0 : i32
    %swap3A_2710 = arith.index_cast %swap3A_2709 : i32 to index
    %swap3A_2711 = arith.constant 0 : index
    %swap3A_2712 = tpu.vector_load %arg9[%swap3A_2710, %swap3A_2711] {strides = array<i32>} : memref<2x128xi32, #tpu.memory_space<vmem>>, vector<1x16xi32>,
    %swap3A_2713 = vector.shape_cast %swap3A_2712 : vector<1x16xi32> to vector<16xi32>
    %swap3A_2714 = vector.shape_cast %add3A_2708 : vector<16xi32> to vector<1x16xi32>
    tpu.vector_store %arg9[%swap3A_2710, %swap3A_2711], %swap3A_2714 {strides = array<i32>} : memref<2x128xi32, #tpu.memory_space<vmem>>, vector<1x16xi32>,
    %get3A_2715 = arith.constant 16 : index
    %get3A_2716 = tpu.vector_load %arg7[%get3A_2715] {strides = array<i32>} : memref<256xi32, #tpu.memory_space<vmem>>, vector<16xi32>,
    %get3A_2717 = vector.shape_cast %get3A_2716 : vector<16xi32> to vector<16xi32>
    %mul3A_2718 = arith.constant 128 : i32
    %mul3A_2719 = vector.broadcast %mul3A_2718 : i32 to vector<16xi32>
    %mul3A_2720 = arith.muli %get3A_2717, %mul3A_2719 : vector<16xi32>
    %add3A_2721 = vector.broadcast %add3A_2655 : i32 to vector<16xi32>
    %add3A_2722 = arith.addi %mul3A_2720, %add3A_2721 : vector<16xi32>
    %swap3A_2723 = arith.constant 0 : i32
    %swap3A_2724 = arith.index_cast %swap3A_2723 : i32 to index
    %swap3A_2725 = arith.constant 16 : index
    %swap3A_2726 = tpu.vector_load %arg8[%swap3A_2724, %swap3A_2725] {strides = array<i32>} : memref<2x128xi32, #tpu.memory_space<vmem>>, vector<1x16xi32>,
    %swap3A_2727 = vector.shape_cast %swap3A_2726 : vector<1x16xi32> to vector<16xi32>
    %swap3A_2728 = vector.shape_cast %add3A_2722 : vector<16xi32> to vector<1x16xi32>
    tpu.vector_store %arg8[%swap3A_2724, %swap3A_2725], %swap3A_2728 {strides = array<i32>} : memref<2x128xi32, #tpu.memory_space<vmem>>, vector<1x16xi32>,
    %mul3A_2729 = arith.constant 100000 : i32
    %mul3A_2730 = arith.muli %add3A_2655, %mul3A_2729 : i32
    %add3A_2731 = vector.broadcast %mul3A_2730 : i32 to vector<16xi32>
    %add3A_2732 = arith.addi %add3A_2731, %get3A_2717 : vector<16xi32>
    %swap3A_2733 = arith.constant 0 : i32
    %swap3A_2734 = arith.index_cast %swap3A_2733 : i32 to index
    %swap3A_2735 = arith.constant 16 : index
    %swap3A_2736 = tpu.vector_load %arg9[%swap3A_2734, %swap3A_2735] {strides = array<i32>} : memref<2x128xi32, #tpu.memory_space<vmem>>, vector<1x16xi32>,
    %swap3A_2737 = vector.shape_cast %swap3A_2736 : vector<1x16xi32> to vector<16xi32>
    %swap3A_2738 = vector.shape_cast %add3A_2732 : vector<16xi32> to vector<1x16xi32>
    tpu.vector_store %arg9[%swap3A_2734, %swap3A_2735], %swap3A_2738 {strides = array<i32>} : memref<2x128xi32, #tpu.memory_space<vmem>>, vector<1x16xi32>,
    %get3A_2739 = arith.constant 32 : index
    %get3A_2740 = tpu.vector_load %arg7[%get3A_2739] {strides = array<i32>} : memref<256xi32, #tpu.memory_space<vmem>>, vector<16xi32>,
    %get3A_2741 = vector.shape_cast %get3A_2740 : vector<16xi32> to vector<16xi32>
    %mul3A_2742 = arith.constant 128 : i32
    %mul3A_2743 = vector.broadcast %mul3A_2742 : i32 to vector<16xi32>
    %mul3A_2744 = arith.muli %get3A_2741, %mul3A_2743 : vector<16xi32>
    %add3A_2745 = vector.broadcast %add3A_2655 : i32 to vector<16xi32>
    %add3A_2746 = arith.addi %mul3A_2744, %add3A_2745 : vector<16xi32>
    %swap3A_2747 = arith.constant 0 : i32
    %swap3A_2748 = arith.index_cast %swap3A_2747 : i32 to index
    %swap3A_2749 = arith.constant 32 : index
    %swap3A_2750 = tpu.vector_load %arg8[%swap3A_2748, %swap3A_2749] {strides = array<i32>} : memref<2x128xi32, #tpu.memory_space<vmem>>, vector<1x16xi32>,
    %swap3A_2751 = vector.shape_cast %swap3A_2750 : vector<1x16xi32> to vector<16xi32>
    %swap3A_2752 = vector.shape_cast %add3A_2746 : vector<16xi32> to vector<1x16xi32>
    tpu.vector_store %arg8[%swap3A_2748, %swap3A_2749], %swap3A_2752 {strides = array<i32>} : memref<2x128xi32, #tpu.memory_space<vmem>>, vector<1x16xi32>,
    %mul3A_2753 = arith.constant 100000 : i32
    %mul3A_2754 = arith.muli %add3A_2655, %mul3A_2753 : i32
    %add3A_2755 = vector.broadcast %mul3A_2754 : i32 to vector<16xi32>
    %add3A_2756 = arith.addi %add3A_2755, %get3A_2741 : vector<16xi32>
    %swap3A_2757 = arith.constant 0 : i32
    %swap3A_2758 = arith.index_cast %swap3A_2757 : i32 to index
    %swap3A_2759 = arith.constant 32 : index
    %swap3A_2760 = tpu.vector_load %arg9[%swap3A_2758, %swap3A_2759] {strides = array<i32>} : memref<2x128xi32, #tpu.memory_space<vmem>>, vector<1x16xi32>,
    %swap3A_2761 = vector.shape_cast %swap3A_2760 : vector<1x16xi32> to vector<16xi32>
    %swap3A_2762 = vector.shape_cast %add3A_2756 : vector<16xi32> to vector<1x16xi32>
    tpu.vector_store %arg9[%swap3A_2758, %swap3A_2759], %swap3A_2762 {strides = array<i32>} : memref<2x128xi32, #tpu.memory_space<vmem>>, vector<1x16xi32>,
    %get3A_2763 = arith.constant 48 : index
    %get3A_2764 = tpu.vector_load %arg7[%get3A_2763] {strides = array<i32>} : memref<256xi32, #tpu.memory_space<vmem>>, vector<16xi32>,
    %get3A_2765 = vector.shape_cast %get3A_2764 : vector<16xi32> to vector<16xi32>
    %mul3A_2766 = arith.constant 128 : i32
    %mul3A_2767 = vector.broadcast %mul3A_2766 : i32 to vector<16xi32>
    %mul3A_2768 = arith.muli %get3A_2765, %mul3A_2767 : vector<16xi32>
    %add3A_2769 = vector.broadcast %add3A_2655 : i32 to vector<16xi32>
    %add3A_2770 = arith.addi %mul3A_2768, %add3A_2769 : vector<16xi32>
    %swap3A_2771 = arith.constant 0 : i32
    %swap3A_2772 = arith.index_cast %swap3A_2771 : i32 to index
    %swap3A_2773 = arith.constant 48 : index
    %swap3A_2774 = tpu.vector_load %arg8[%swap3A_2772, %swap3A_2773] {strides = array<i32>} : memref<2x128xi32, #tpu.memory_space<vmem>>, vector<1x16xi32>,
    %swap3A_2775 = vector.shape_cast %swap3A_2774 : vector<1x16xi32> to vector<16xi32>
    %swap3A_2776 = vector.shape_cast %add3A_2770 : vector<16xi32> to vector<1x16xi32>
    tpu.vector_store %arg8[%swap3A_2772, %swap3A_2773], %swap3A_2776 {strides = array<i32>} : memref<2x128xi32, #tpu.memory_space<vmem>>, vector<1x16xi32>,
    %mul3A_2777 = arith.constant 100000 : i32
    %mul3A_2778 = arith.muli %add3A_2655, %mul3A_2777 : i32
    %add3A_2779 = vector.broadcast %mul3A_2778 : i32 to vector<16xi32>
    %add3A_2780 = arith.addi %add3A_2779, %get3A_2765 : vector<16xi32>
    %swap3A_2781 = arith.constant 0 : i32
    %swap3A_2782 = arith.index_cast %swap3A_2781 : i32 to index
    %swap3A_2783 = arith.constant 48 : index
    %swap3A_2784 = tpu.vector_load %arg9[%swap3A_2782, %swap3A_2783] {strides = array<i32>} : memref<2x128xi32, #tpu.memory_space<vmem>>, vector<1x16xi32>,
    %swap3A_2785 = vector.shape_cast %swap3A_2784 : vector<1x16xi32> to vector<16xi32>
    %swap3A_2786 = vector.shape_cast %add3A_2780 : vector<16xi32> to vector<1x16xi32>
    tpu.vector_store %arg9[%swap3A_2782, %swap3A_2783], %swap3A_2786 {strides = array<i32>} : memref<2x128xi32, #tpu.memory_space<vmem>>, vector<1x16xi32>,
    %get3A_2787 = arith.constant 64 : index
    %get3A_2788 = tpu.vector_load %arg7[%get3A_2787] {strides = array<i32>} : memref<256xi32, #tpu.memory_space<vmem>>, vector<16xi32>,
    %get3A_2789 = vector.shape_cast %get3A_2788 : vector<16xi32> to vector<16xi32>
    %mul3A_2790 = arith.constant 128 : i32
    %mul3A_2791 = vector.broadcast %mul3A_2790 : i32 to vector<16xi32>
    %mul3A_2792 = arith.muli %get3A_2789, %mul3A_2791 : vector<16xi32>
    %add3A_2793 = vector.broadcast %add3A_2655 : i32 to vector<16xi32>
    %add3A_2794 = arith.addi %mul3A_2792, %add3A_2793 : vector<16xi32>
    %swap3A_2795 = arith.constant 0 : i32
    %swap3A_2796 = arith.index_cast %swap3A_2795 : i32 to index
    %swap3A_2797 = arith.constant 64 : index
    %swap3A_2798 = tpu.vector_load %arg8[%swap3A_2796, %swap3A_2797] {strides = array<i32>} : memref<2x128xi32, #tpu.memory_space<vmem>>, vector<1x16xi32>,
    %swap3A_2799 = vector.shape_cast %swap3A_2798 : vector<1x16xi32> to vector<16xi32>
    %swap3A_2800 = vector.shape_cast %add3A_2794 : vector<16xi32> to vector<1x16xi32>
    tpu.vector_store %arg8[%swap3A_2796, %swap3A_2797], %swap3A_2800 {strides = array<i32>} : memref<2x128xi32, #tpu.memory_space<vmem>>, vector<1x16xi32>,
    %mul3A_2801 = arith.constant 100000 : i32
    %mul3A_2802 = arith.muli %add3A_2655, %mul3A_2801 : i32
    %add3A_2803 = vector.broadcast %mul3A_2802 : i32 to vector<16xi32>
    %add3A_2804 = arith.addi %add3A_2803, %get3A_2789 : vector<16xi32>
    %swap3A_2805 = arith.constant 0 : i32
    %swap3A_2806 = arith.index_cast %swap3A_2805 : i32 to index
    %swap3A_2807 = arith.constant 64 : index
    %swap3A_2808 = tpu.vector_load %arg9[%swap3A_2806, %swap3A_2807] {strides = array<i32>} : memref<2x128xi32, #tpu.memory_space<vmem>>, vector<1x16xi32>,
    %swap3A_2809 = vector.shape_cast %swap3A_2808 : vector<1x16xi32> to vector<16xi32>
    %swap3A_2810 = vector.shape_cast %add3A_2804 : vector<16xi32> to vector<1x16xi32>
    tpu.vector_store %arg9[%swap3A_2806, %swap3A_2807], %swap3A_2810 {strides = array<i32>} : memref<2x128xi32, #tpu.memory_space<vmem>>, vector<1x16xi32>,
    %get3A_2811 = arith.constant 80 : index
    %get3A_2812 = tpu.vector_load %arg7[%get3A_2811] {strides = array<i32>} : memref<256xi32, #tpu.memory_space<vmem>>, vector<16xi32>,
    %get3A_2813 = vector.shape_cast %get3A_2812 : vector<16xi32> to vector<16xi32>
    %mul3A_2814 = arith.constant 128 : i32
    %mul3A_2815 = vector.broadcast %mul3A_2814 : i32 to vector<16xi32>
    %mul3A_2816 = arith.muli %get3A_2813, %mul3A_2815 : vector<16xi32>
    %add3A_2817 = vector.broadcast %add3A_2655 : i32 to vector<16xi32>
    %add3A_2818 = arith.addi %mul3A_2816, %add3A_2817 : vector<16xi32>
    %swap3A_2819 = arith.constant 0 : i32
    %swap3A_2820 = arith.index_cast %swap3A_2819 : i32 to index
    %swap3A_2821 = arith.constant 80 : index
    %swap3A_2822 = tpu.vector_load %arg8[%swap3A_2820, %swap3A_2821] {strides = array<i32>} : memref<2x128xi32, #tpu.memory_space<vmem>>, vector<1x16xi32>,
    %swap3A_2823 = vector.shape_cast %swap3A_2822 : vector<1x16xi32> to vector<16xi32>
    %swap3A_2824 = vector.shape_cast %add3A_2818 : vector<16xi32> to vector<1x16xi32>
    tpu.vector_store %arg8[%swap3A_2820, %swap3A_2821], %swap3A_2824 {strides = array<i32>} : memref<2x128xi32, #tpu.memory_space<vmem>>, vector<1x16xi32>,
    %mul3A_2825 = arith.constant 100000 : i32
    %mul3A_2826 = arith.muli %add3A_2655, %mul3A_2825 : i32
    %add3A_2827 = vector.broadcast %mul3A_2826 : i32 to vector<16xi32>
    %add3A_2828 = arith.addi %add3A_2827, %get3A_2813 : vector<16xi32>
    %swap3A_2829 = arith.constant 0 : i32
    %swap3A_2830 = arith.index_cast %swap3A_2829 : i32 to index
    %swap3A_2831 = arith.constant 80 : index
    %swap3A_2832 = tpu.vector_load %arg9[%swap3A_2830, %swap3A_2831] {strides = array<i32>} : memref<2x128xi32, #tpu.memory_space<vmem>>, vector<1x16xi32>,
    %swap3A_2833 = vector.shape_cast %swap3A_2832 : vector<1x16xi32> to vector<16xi32>
    %swap3A_2834 = vector.shape_cast %add3A_2828 : vector<16xi32> to vector<1x16xi32>
    tpu.vector_store %arg9[%swap3A_2830, %swap3A_2831], %swap3A_2834 {strides = array<i32>} : memref<2x128xi32, #tpu.memory_space<vmem>>, vector<1x16xi32>,
    %get3A_2835 = arith.constant 96 : index
    %get3A_2836 = tpu.vector_load %arg7[%get3A_2835] {strides = array<i32>} : memref<256xi32, #tpu.memory_space<vmem>>, vector<16xi32>,
    %get3A_2837 = vector.shape_cast %get3A_2836 : vector<16xi32> to vector<16xi32>
    %mul3A_2838 = arith.constant 128 : i32
    %mul3A_2839 = vector.broadcast %mul3A_2838 : i32 to vector<16xi32>
    %mul3A_2840 = arith.muli %get3A_2837, %mul3A_2839 : vector<16xi32>
    %add3A_2841 = vector.broadcast %add3A_2655 : i32 to vector<16xi32>
    %add3A_2842 = arith.addi %mul3A_2840, %add3A_2841 : vector<16xi32>
    %swap3A_2843 = arith.constant 0 : i32
    %swap3A_2844 = arith.index_cast %swap3A_2843 : i32 to index
    %swap3A_2845 = arith.constant 96 : index
    %swap3A_2846 = tpu.vector_load %arg8[%swap3A_2844, %swap3A_2845] {strides = array<i32>} : memref<2x128xi32, #tpu.memory_space<vmem>>, vector<1x16xi32>,
    %swap3A_2847 = vector.shape_cast %swap3A_2846 : vector<1x16xi32> to vector<16xi32>
    %swap3A_2848 = vector.shape_cast %add3A_2842 : vector<16xi32> to vector<1x16xi32>
    tpu.vector_store %arg8[%swap3A_2844, %swap3A_2845], %swap3A_2848 {strides = array<i32>} : memref<2x128xi32, #tpu.memory_space<vmem>>, vector<1x16xi32>,
    %mul3A_2849 = arith.constant 100000 : i32
    %mul3A_2850 = arith.muli %add3A_2655, %mul3A_2849 : i32
    %add3A_2851 = vector.broadcast %mul3A_2850 : i32 to vector<16xi32>
    %add3A_2852 = arith.addi %add3A_2851, %get3A_2837 : vector<16xi32>
    %swap3A_2853 = arith.constant 0 : i32
    %swap3A_2854 = arith.index_cast %swap3A_2853 : i32 to index
    %swap3A_2855 = arith.constant 96 : index
    %swap3A_2856 = tpu.vector_load %arg9[%swap3A_2854, %swap3A_2855] {strides = array<i32>} : memref<2x128xi32, #tpu.memory_space<vmem>>, vector<1x16xi32>,
    %swap3A_2857 = vector.shape_cast %swap3A_2856 : vector<1x16xi32> to vector<16xi32>
    %swap3A_2858 = vector.shape_cast %add3A_2852 : vector<16xi32> to vector<1x16xi32>
    tpu.vector_store %arg9[%swap3A_2854, %swap3A_2855], %swap3A_2858 {strides = array<i32>} : memref<2x128xi32, #tpu.memory_space<vmem>>, vector<1x16xi32>,
    %get3A_2859 = arith.constant 112 : index
    %get3A_2860 = tpu.vector_load %arg7[%get3A_2859] {strides = array<i32>} : memref<256xi32, #tpu.memory_space<vmem>>, vector<16xi32>,
    %get3A_2861 = vector.shape_cast %get3A_2860 : vector<16xi32> to vector<16xi32>
    %mul3A_2862 = arith.constant 128 : i32
    %mul3A_2863 = vector.broadcast %mul3A_2862 : i32 to vector<16xi32>
    %mul3A_2864 = arith.muli %get3A_2861, %mul3A_2863 : vector<16xi32>
    %add3A_2865 = vector.broadcast %add3A_2655 : i32 to vector<16xi32>
    %add3A_2866 = arith.addi %mul3A_2864, %add3A_2865 : vector<16xi32>
    %swap3A_2867 = arith.constant 0 : i32
    %swap3A_2868 = arith.index_cast %swap3A_2867 : i32 to index
    %swap3A_2869 = arith.constant 112 : index
    %swap3A_2870 = tpu.vector_load %arg8[%swap3A_2868, %swap3A_2869] {strides = array<i32>} : memref<2x128xi32, #tpu.memory_space<vmem>>, vector<1x16xi32>,
    %swap3A_2871 = vector.shape_cast %swap3A_2870 : vector<1x16xi32> to vector<16xi32>
    %swap3A_2872 = vector.shape_cast %add3A_2866 : vector<16xi32> to vector<1x16xi32>
    tpu.vector_store %arg8[%swap3A_2868, %swap3A_2869], %swap3A_2872 {strides = array<i32>} : memref<2x128xi32, #tpu.memory_space<vmem>>, vector<1x16xi32>,
    %mul3A_2873 = arith.constant 100000 : i32
    %mul3A_2874 = arith.muli %add3A_2655, %mul3A_2873 : i32
    %add3A_2875 = vector.broadcast %mul3A_2874 : i32 to vector<16xi32>
    %add3A_2876 = arith.addi %add3A_2875, %get3A_2861 : vector<16xi32>
    %swap3A_2877 = arith.constant 0 : i32
    %swap3A_2878 = arith.index_cast %swap3A_2877 : i32 to index
    %swap3A_2879 = arith.constant 112 : index
    %swap3A_2880 = tpu.vector_load %arg9[%swap3A_2878, %swap3A_2879] {strides = array<i32>} : memref<2x128xi32, #tpu.memory_space<vmem>>, vector<1x16xi32>,
    %swap3A_2881 = vector.shape_cast %swap3A_2880 : vector<1x16xi32> to vector<16xi32>
    %swap3A_2882 = vector.shape_cast %add3A_2876 : vector<16xi32> to vector<1x16xi32>
    tpu.vector_store %arg9[%swap3A_2878, %swap3A_2879], %swap3A_2882 {strides = array<i32>} : memref<2x128xi32, #tpu.memory_space<vmem>>, vector<1x16xi32>,
    %get3A_2883 = arith.constant 128 : index
    %get3A_2884 = tpu.vector_load %arg7[%get3A_2883] {strides = array<i32>} : memref<256xi32, #tpu.memory_space<vmem>>, vector<16xi32>,
    %get3A_2885 = vector.shape_cast %get3A_2884 : vector<16xi32> to vector<16xi32>
    %mul3A_2886 = arith.constant 128 : i32
    %mul3A_2887 = vector.broadcast %mul3A_2886 : i32 to vector<16xi32>
    %mul3A_2888 = arith.muli %get3A_2885, %mul3A_2887 : vector<16xi32>
    %add3A_2889 = vector.broadcast %add3A_2655 : i32 to vector<16xi32>
    %add3A_2890 = arith.addi %mul3A_2888, %add3A_2889 : vector<16xi32>
    %swap3A_2891 = arith.constant 1 : i32
    %swap3A_2892 = arith.index_cast %swap3A_2891 : i32 to index
    %swap3A_2893 = arith.constant 0 : index
    %swap3A_2894 = tpu.vector_load %arg8[%swap3A_2892, %swap3A_2893] {strides = array<i32>} : memref<2x128xi32, #tpu.memory_space<vmem>>, vector<1x16xi32>,
    %swap3A_2895 = vector.shape_cast %swap3A_2894 : vector<1x16xi32> to vector<16xi32>
    %swap3A_2896 = vector.shape_cast %add3A_2890 : vector<16xi32> to vector<1x16xi32>
    tpu.vector_store %arg8[%swap3A_2892, %swap3A_2893], %swap3A_2896 {strides = array<i32>} : memref<2x128xi32, #tpu.memory_space<vmem>>, vector<1x16xi32>,
    %mul3A_2897 = arith.constant 100000 : i32
    %mul3A_2898 = arith.muli %add3A_2655, %mul3A_2897 : i32
    %add3A_2899 = vector.broadcast %mul3A_2898 : i32 to vector<16xi32>
    %add3A_2900 = arith.addi %add3A_2899, %get3A_2885 : vector<16xi32>
    %swap3A_2901 = arith.constant 1 : i32
    %swap3A_2902 = arith.index_cast %swap3A_2901 : i32 to index
    %swap3A_2903 = arith.constant 0 : index
    %swap3A_2904 = tpu.vector_load %arg9[%swap3A_2902, %swap3A_2903] {strides = array<i32>} : memref<2x128xi32, #tpu.memory_space<vmem>>, vector<1x16xi32>,
    %swap3A_2905 = vector.shape_cast %swap3A_2904 : vector<1x16xi32> to vector<16xi32>
    %swap3A_2906 = vector.shape_cast %add3A_2900 : vector<16xi32> to vector<1x16xi32>
    tpu.vector_store %arg9[%swap3A_2902, %swap3A_2903], %swap3A_2906 {strides = array<i32>} : memref<2x128xi32, #tpu.memory_space<vmem>>, vector<1x16xi32>,
    %get3A_2907 = arith.constant 144 : index
    %get3A_2908 = tpu.vector_load %arg7[%get3A_2907] {strides = array<i32>} : memref<256xi32, #tpu.memory_space<vmem>>, vector<16xi32>,
    %get3A_2909 = vector.shape_cast %get3A_2908 : vector<16xi32> to vector<16xi32>
    %mul3A_2910 = arith.constant 128 : i32
    %mul3A_2911 = vector.broadcast %mul3A_2910 : i32 to vector<16xi32>
    %mul3A_2912 = arith.muli %get3A_2909, %mul3A_2911 : vector<16xi32>
    %add3A_2913 = vector.broadcast %add3A_2655 : i32 to vector<16xi32>
    %add3A_2914 = arith.addi %mul3A_2912, %add3A_2913 : vector<16xi32>
    %swap3A_2915 = arith.constant 1 : i32
    %swap3A_2916 = arith.index_cast %swap3A_2915 : i32 to index
    %swap3A_2917 = arith.constant 16 : index
    %swap3A_2918 = tpu.vector_load %arg8[%swap3A_2916, %swap3A_2917] {strides = array<i32>} : memref<2x128xi32, #tpu.memory_space<vmem>>, vector<1x16xi32>,
    %swap3A_2919 = vector.shape_cast %swap3A_2918 : vector<1x16xi32> to vector<16xi32>
    %swap3A_2920 = vector.shape_cast %add3A_2914 : vector<16xi32> to vector<1x16xi32>
    tpu.vector_store %arg8[%swap3A_2916, %swap3A_2917], %swap3A_2920 {strides = array<i32>} : memref<2x128xi32, #tpu.memory_space<vmem>>, vector<1x16xi32>,
    %mul3A_2921 = arith.constant 100000 : i32
    %mul3A_2922 = arith.muli %add3A_2655, %mul3A_2921 : i32
    %add3A_2923 = vector.broadcast %mul3A_2922 : i32 to vector<16xi32>
    %add3A_2924 = arith.addi %add3A_2923, %get3A_2909 : vector<16xi32>
    %swap3A_2925 = arith.constant 1 : i32
    %swap3A_2926 = arith.index_cast %swap3A_2925 : i32 to index
    %swap3A_2927 = arith.constant 16 : index
    %swap3A_2928 = tpu.vector_load %arg9[%swap3A_2926, %swap3A_2927] {strides = array<i32>} : memref<2x128xi32, #tpu.memory_space<vmem>>, vector<1x16xi32>,
    %swap3A_2929 = vector.shape_cast %swap3A_2928 : vector<1x16xi32> to vector<16xi32>
    %swap3A_2930 = vector.shape_cast %add3A_2924 : vector<16xi32> to vector<1x16xi32>
    tpu.vector_store %arg9[%swap3A_2926, %swap3A_2927], %swap3A_2930 {strides = array<i32>} : memref<2x128xi32, #tpu.memory_space<vmem>>, vector<1x16xi32>,
    %get3A_2931 = arith.constant 160 : index
    %get3A_2932 = tpu.vector_load %arg7[%get3A_2931] {strides = array<i32>} : memref<256xi32, #tpu.memory_space<vmem>>, vector<16xi32>,
    %get3A_2933 = vector.shape_cast %get3A_2932 : vector<16xi32> to vector<16xi32>
    %mul3A_2934 = arith.constant 128 : i32
    %mul3A_2935 = vector.broadcast %mul3A_2934 : i32 to vector<16xi32>
    %mul3A_2936 = arith.muli %get3A_2933, %mul3A_2935 : vector<16xi32>
    %add3A_2937 = vector.broadcast %add3A_2655 : i32 to vector<16xi32>
    %add3A_2938 = arith.addi %mul3A_2936, %add3A_2937 : vector<16xi32>
    %swap3A_2939 = arith.constant 1 : i32
    %swap3A_2940 = arith.index_cast %swap3A_2939 : i32 to index
    %swap3A_2941 = arith.constant 32 : index
    %swap3A_2942 = tpu.vector_load %arg8[%swap3A_2940, %swap3A_2941] {strides = array<i32>} : memref<2x128xi32, #tpu.memory_space<vmem>>, vector<1x16xi32>,
    %swap3A_2943 = vector.shape_cast %swap3A_2942 : vector<1x16xi32> to vector<16xi32>
    %swap3A_2944 = vector.shape_cast %add3A_2938 : vector<16xi32> to vector<1x16xi32>
    tpu.vector_store %arg8[%swap3A_2940, %swap3A_2941], %swap3A_2944 {strides = array<i32>} : memref<2x128xi32, #tpu.memory_space<vmem>>, vector<1x16xi32>,
    %mul3A_2945 = arith.constant 100000 : i32
    %mul3A_2946 = arith.muli %add3A_2655, %mul3A_2945 : i32
    %add3A_2947 = vector.broadcast %mul3A_2946 : i32 to vector<16xi32>
    %add3A_2948 = arith.addi %add3A_2947, %get3A_2933 : vector<16xi32>
    %swap3A_2949 = arith.constant 1 : i32
    %swap3A_2950 = arith.index_cast %swap3A_2949 : i32 to index
    %swap3A_2951 = arith.constant 32 : index
    %swap3A_2952 = tpu.vector_load %arg9[%swap3A_2950, %swap3A_2951] {strides = array<i32>} : memref<2x128xi32, #tpu.memory_space<vmem>>, vector<1x16xi32>,
    %swap3A_2953 = vector.shape_cast %swap3A_2952 : vector<1x16xi32> to vector<16xi32>
    %swap3A_2954 = vector.shape_cast %add3A_2948 : vector<16xi32> to vector<1x16xi32>
    tpu.vector_store %arg9[%swap3A_2950, %swap3A_2951], %swap3A_2954 {strides = array<i32>} : memref<2x128xi32, #tpu.memory_space<vmem>>, vector<1x16xi32>,
    %get3A_2955 = arith.constant 176 : index
    %get3A_2956 = tpu.vector_load %arg7[%get3A_2955] {strides = array<i32>} : memref<256xi32, #tpu.memory_space<vmem>>, vector<16xi32>,
    %get3A_2957 = vector.shape_cast %get3A_2956 : vector<16xi32> to vector<16xi32>
    %mul3A_2958 = arith.constant 128 : i32
    %mul3A_2959 = vector.broadcast %mul3A_2958 : i32 to vector<16xi32>
    %mul3A_2960 = arith.muli %get3A_2957, %mul3A_2959 : vector<16xi32>
    %add3A_2961 = vector.broadcast %add3A_2655 : i32 to vector<16xi32>
    %add3A_2962 = arith.addi %mul3A_2960, %add3A_2961 : vector<16xi32>
    %swap3A_2963 = arith.constant 1 : i32
    %swap3A_2964 = arith.index_cast %swap3A_2963 : i32 to index
    %swap3A_2965 = arith.constant 48 : index
    %swap3A_2966 = tpu.vector_load %arg8[%swap3A_2964, %swap3A_2965] {strides = array<i32>} : memref<2x128xi32, #tpu.memory_space<vmem>>, vector<1x16xi32>,
    %swap3A_2967 = vector.shape_cast %swap3A_2966 : vector<1x16xi32> to vector<16xi32>
    %swap3A_2968 = vector.shape_cast %add3A_2962 : vector<16xi32> to vector<1x16xi32>
    tpu.vector_store %arg8[%swap3A_2964, %swap3A_2965], %swap3A_2968 {strides = array<i32>} : memref<2x128xi32, #tpu.memory_space<vmem>>, vector<1x16xi32>,
    %mul3A_2969 = arith.constant 100000 : i32
    %mul3A_2970 = arith.muli %add3A_2655, %mul3A_2969 : i32
    %add3A_2971 = vector.broadcast %mul3A_2970 : i32 to vector<16xi32>
    %add3A_2972 = arith.addi %add3A_2971, %get3A_2957 : vector<16xi32>
    %swap3A_2973 = arith.constant 1 : i32
    %swap3A_2974 = arith.index_cast %swap3A_2973 : i32 to index
    %swap3A_2975 = arith.constant 48 : index
    %swap3A_2976 = tpu.vector_load %arg9[%swap3A_2974, %swap3A_2975] {strides = array<i32>} : memref<2x128xi32, #tpu.memory_space<vmem>>, vector<1x16xi32>,
    %swap3A_2977 = vector.shape_cast %swap3A_2976 : vector<1x16xi32> to vector<16xi32>
    %swap3A_2978 = vector.shape_cast %add3A_2972 : vector<16xi32> to vector<1x16xi32>
    tpu.vector_store %arg9[%swap3A_2974, %swap3A_2975], %swap3A_2978 {strides = array<i32>} : memref<2x128xi32, #tpu.memory_space<vmem>>, vector<1x16xi32>,
    %get3A_2979 = arith.constant 192 : index
    %get3A_2980 = tpu.vector_load %arg7[%get3A_2979] {strides = array<i32>} : memref<256xi32, #tpu.memory_space<vmem>>, vector<16xi32>,
    %get3A_2981 = vector.shape_cast %get3A_2980 : vector<16xi32> to vector<16xi32>
    %mul3A_2982 = arith.constant 128 : i32
    %mul3A_2983 = vector.broadcast %mul3A_2982 : i32 to vector<16xi32>
    %mul3A_2984 = arith.muli %get3A_2981, %mul3A_2983 : vector<16xi32>
    %add3A_2985 = vector.broadcast %add3A_2655 : i32 to vector<16xi32>
    %add3A_2986 = arith.addi %mul3A_2984, %add3A_2985 : vector<16xi32>
    %swap3A_2987 = arith.constant 1 : i32
    %swap3A_2988 = arith.index_cast %swap3A_2987 : i32 to index
    %swap3A_2989 = arith.constant 64 : index
    %swap3A_2990 = tpu.vector_load %arg8[%swap3A_2988, %swap3A_2989] {strides = array<i32>} : memref<2x128xi32, #tpu.memory_space<vmem>>, vector<1x16xi32>,
    %swap3A_2991 = vector.shape_cast %swap3A_2990 : vector<1x16xi32> to vector<16xi32>
    %swap3A_2992 = vector.shape_cast %add3A_2986 : vector<16xi32> to vector<1x16xi32>
    tpu.vector_store %arg8[%swap3A_2988, %swap3A_2989], %swap3A_2992 {strides = array<i32>} : memref<2x128xi32, #tpu.memory_space<vmem>>, vector<1x16xi32>,
    %mul3A_2993 = arith.constant 100000 : i32
    %mul3A_2994 = arith.muli %add3A_2655, %mul3A_2993 : i32
    %add3A_2995 = vector.broadcast %mul3A_2994 : i32 to vector<16xi32>
    %add3A_2996 = arith.addi %add3A_2995, %get3A_2981 : vector<16xi32>
    %swap3A_2997 = arith.constant 1 : i32
    %swap3A_2998 = arith.index_cast %swap3A_2997 : i32 to index
    %swap3A_2999 = arith.constant 64 : index
    %swap3A_3000 = tpu.vector_load %arg9[%swap3A_2998, %swap3A_2999] {strides = array<i32>} : memref<2x128xi32, #tpu.memory_space<vmem>>, vector<1x16xi32>,
    %swap3A_3001 = vector.shape_cast %swap3A_3000 : vector<1x16xi32> to vector<16xi32>
    %swap3A_3002 = vector.shape_cast %add3A_2996 : vector<16xi32> to vector<1x16xi32>
    tpu.vector_store %arg9[%swap3A_2998, %swap3A_2999], %swap3A_3002 {strides = array<i32>} : memref<2x128xi32, #tpu.memory_space<vmem>>, vector<1x16xi32>,
    %get3A_3003 = arith.constant 208 : index
    %get3A_3004 = tpu.vector_load %arg7[%get3A_3003] {strides = array<i32>} : memref<256xi32, #tpu.memory_space<vmem>>, vector<16xi32>,
    %get3A_3005 = vector.shape_cast %get3A_3004 : vector<16xi32> to vector<16xi32>
    %mul3A_3006 = arith.constant 128 : i32
    %mul3A_3007 = vector.broadcast %mul3A_3006 : i32 to vector<16xi32>
    %mul3A_3008 = arith.muli %get3A_3005, %mul3A_3007 : vector<16xi32>
    %add3A_3009 = vector.broadcast %add3A_2655 : i32 to vector<16xi32>
    %add3A_3010 = arith.addi %mul3A_3008, %add3A_3009 : vector<16xi32>
    %swap3A_3011 = arith.constant 1 : i32
    %swap3A_3012 = arith.index_cast %swap3A_3011 : i32 to index
    %swap3A_3013 = arith.constant 80 : index
    %swap3A_3014 = tpu.vector_load %arg8[%swap3A_3012, %swap3A_3013] {strides = array<i32>} : memref<2x128xi32, #tpu.memory_space<vmem>>, vector<1x16xi32>,
    %swap3A_3015 = vector.shape_cast %swap3A_3014 : vector<1x16xi32> to vector<16xi32>
    %swap3A_3016 = vector.shape_cast %add3A_3010 : vector<16xi32> to vector<1x16xi32>
    tpu.vector_store %arg8[%swap3A_3012, %swap3A_3013], %swap3A_3016 {strides = array<i32>} : memref<2x128xi32, #tpu.memory_space<vmem>>, vector<1x16xi32>,
    %mul3A_3017 = arith.constant 100000 : i32
    %mul3A_3018 = arith.muli %add3A_2655, %mul3A_3017 : i32
    %add3A_3019 = vector.broadcast %mul3A_3018 : i32 to vector<16xi32>
    %add3A_3020 = arith.addi %add3A_3019, %get3A_3005 : vector<16xi32>
    %swap3A_3021 = arith.constant 1 : i32
    %swap3A_3022 = arith.index_cast %swap3A_3021 : i32 to index
    %swap3A_3023 = arith.constant 80 : index
    %swap3A_3024 = tpu.vector_load %arg9[%swap3A_3022, %swap3A_3023] {strides = array<i32>} : memref<2x128xi32, #tpu.memory_space<vmem>>, vector<1x16xi32>,
    %swap3A_3025 = vector.shape_cast %swap3A_3024 : vector<1x16xi32> to vector<16xi32>
    %swap3A_3026 = vector.shape_cast %add3A_3020 : vector<16xi32> to vector<1x16xi32>
    tpu.vector_store %arg9[%swap3A_3022, %swap3A_3023], %swap3A_3026 {strides = array<i32>} : memref<2x128xi32, #tpu.memory_space<vmem>>, vector<1x16xi32>,
    %get3A_3027 = arith.constant 224 : index
    %get3A_3028 = tpu.vector_load %arg7[%get3A_3027] {strides = array<i32>} : memref<256xi32, #tpu.memory_space<vmem>>, vector<16xi32>,
    %get3A_3029 = vector.shape_cast %get3A_3028 : vector<16xi32> to vector<16xi32>
    %mul3A_3030 = arith.constant 128 : i32
    %mul3A_3031 = vector.broadcast %mul3A_3030 : i32 to vector<16xi32>
    %mul3A_3032 = arith.muli %get3A_3029, %mul3A_3031 : vector<16xi32>
    %add3A_3033 = vector.broadcast %add3A_2655 : i32 to vector<16xi32>
    %add3A_3034 = arith.addi %mul3A_3032, %add3A_3033 : vector<16xi32>
    %swap3A_3035 = arith.constant 1 : i32
    %swap3A_3036 = arith.index_cast %swap3A_3035 : i32 to index
    %swap3A_3037 = arith.constant 96 : index
    %swap3A_3038 = tpu.vector_load %arg8[%swap3A_3036, %swap3A_3037] {strides = array<i32>} : memref<2x128xi32, #tpu.memory_space<vmem>>, vector<1x16xi32>,
    %swap3A_3039 = vector.shape_cast %swap3A_3038 : vector<1x16xi32> to vector<16xi32>
    %swap3A_3040 = vector.shape_cast %add3A_3034 : vector<16xi32> to vector<1x16xi32>
    tpu.vector_store %arg8[%swap3A_3036, %swap3A_3037], %swap3A_3040 {strides = array<i32>} : memref<2x128xi32, #tpu.memory_space<vmem>>, vector<1x16xi32>,
    %mul3A_3041 = arith.constant 100000 : i32
    %mul3A_3042 = arith.muli %add3A_2655, %mul3A_3041 : i32
    %add3A_3043 = vector.broadcast %mul3A_3042 : i32 to vector<16xi32>
    %add3A_3044 = arith.addi %add3A_3043, %get3A_3029 : vector<16xi32>
    %swap3A_3045 = arith.constant 1 : i32
    %swap3A_3046 = arith.index_cast %swap3A_3045 : i32 to index
    %swap3A_3047 = arith.constant 96 : index
    %swap3A_3048 = tpu.vector_load %arg9[%swap3A_3046, %swap3A_3047] {strides = array<i32>} : memref<2x128xi32, #tpu.memory_space<vmem>>, vector<1x16xi32>,
    %swap3A_3049 = vector.shape_cast %swap3A_3048 : vector<1x16xi32> to vector<16xi32>
    %swap3A_3050 = vector.shape_cast %add3A_3044 : vector<16xi32> to vector<1x16xi32>
    tpu.vector_store %arg9[%swap3A_3046, %swap3A_3047], %swap3A_3050 {strides = array<i32>} : memref<2x128xi32, #tpu.memory_space<vmem>>, vector<1x16xi32>,
    %get3A_3051 = arith.constant 240 : index
    %get3A_3052 = tpu.vector_load %arg7[%get3A_3051] {strides = array<i32>} : memref<256xi32, #tpu.memory_space<vmem>>, vector<16xi32>,
    %get3A_3053 = vector.shape_cast %get3A_3052 : vector<16xi32> to vector<16xi32>
    %mul3A_3054 = arith.constant 128 : i32
    %mul3A_3055 = vector.broadcast %mul3A_3054 : i32 to vector<16xi32>
    %mul3A_3056 = arith.muli %get3A_3053, %mul3A_3055 : vector<16xi32>
    %add3A_3057 = vector.broadcast %add3A_2655 : i32 to vector<16xi32>
    %add3A_3058 = arith.addi %mul3A_3056, %add3A_3057 : vector<16xi32>
    %swap3A_3059 = arith.constant 1 : i32
    %swap3A_3060 = arith.index_cast %swap3A_3059 : i32 to index
    %swap3A_3061 = arith.constant 112 : index
    %swap3A_3062 = tpu.vector_load %arg8[%swap3A_3060, %swap3A_3061] {strides = array<i32>} : memref<2x128xi32, #tpu.memory_space<vmem>>, vector<1x16xi32>,
    %swap3A_3063 = vector.shape_cast %swap3A_3062 : vector<1x16xi32> to vector<16xi32>
    %swap3A_3064 = vector.shape_cast %add3A_3058 : vector<16xi32> to vector<1x16xi32>
    tpu.vector_store %arg8[%swap3A_3060, %swap3A_3061], %swap3A_3064 {strides = array<i32>} : memref<2x128xi32, #tpu.memory_space<vmem>>, vector<1x16xi32>,
    %mul3A_3065 = arith.constant 100000 : i32
    %mul3A_3066 = arith.muli %add3A_2655, %mul3A_3065 : i32
    %add3A_3067 = vector.broadcast %mul3A_3066 : i32 to vector<16xi32>
    %add3A_3068 = arith.addi %add3A_3067, %get3A_3053 : vector<16xi32>
    %swap3A_3069 = arith.constant 1 : i32
    %swap3A_3070 = arith.index_cast %swap3A_3069 : i32 to index
    %swap3A_3071 = arith.constant 112 : index
    %swap3A_3072 = tpu.vector_load %arg9[%swap3A_3070, %swap3A_3071] {strides = array<i32>} : memref<2x128xi32, #tpu.memory_space<vmem>>, vector<1x16xi32>,
    %swap3A_3073 = vector.shape_cast %swap3A_3072 : vector<1x16xi32> to vector<16xi32>
    %swap3A_3074 = vector.shape_cast %add3A_3068 : vector<16xi32> to vector<1x16xi32>
    tpu.vector_store %arg9[%swap3A_3070, %swap3A_3071], %swap3A_3074 {strides = array<i32>} : memref<2x128xi32, #tpu.memory_space<vmem>>, vector<1x16xi32>,
    %dma_start3A_3075 = arith.constant 0 : i32
    %dma_start3A_3076 = arith.constant 0 : i32
    %dma_start3A_3077 = arith.constant 0 : i32
    %dma_start3A_3078 = tpu.memref_slice %arg10[%dma_start3A_3076, %dma_start3A_3077] : memref<2x128xf32, #tpu.memory_space<vmem>> -> memref<1x128xf32, #tpu.memory_space<vmem>>
    %dma_start3A_3079 = tpu.memref_squeeze %dma_start3A_3078 : memref<1x128xf32, #tpu.memory_space<vmem>> -> memref<128xf32, #tpu.memory_space<vmem>>
    %dma_start3A_3080 = arith.constant 0 : i32
    %dma_start3A_3081 = tpu.memref_slice %arg8[%dma_start3A_3075, %dma_start3A_3080] : memref<2x128xi32, #tpu.memory_space<vmem>> -> memref<1x128xi32, #tpu.memory_space<vmem>>
    %dma_start3A_3082 = tpu.memref_squeeze %dma_start3A_3081 : memref<1x128xi32, #tpu.memory_space<vmem>> -> memref<128xi32, #tpu.memory_space<vmem>>
    %dma_start3A_3083 = arith.constant 0 : i32
    %dma_start3A_3084 = tpu.memref_slice %arg2[%dma_start3A_3083] : memref<12800000xf32, #tpu.memory_space<hbm>> -> memref<12800000xf32, #tpu.memory_space<hbm>>
    tpu.enqueue_indirect_dma source(%dma_start3A_3084 : memref<12800000xf32, #tpu.memory_space<hbm>>) target(%dma_start3A_3079 : memref<128xf32, #tpu.memory_space<vmem>>) offsets(%dma_start3A_3082 : memref<128xi32, #tpu.memory_space<vmem>>) semaphore(%arg13 : memref<!tpu.dma_semaphore, #tpu.memory_space<semaphore_mem>>)
    %dma_start3A_3085 = arith.constant 1 : i32
    %dma_start3A_3086 = arith.constant 1 : i32
    %dma_start3A_3087 = arith.constant 0 : i32
    %dma_start3A_3088 = tpu.memref_slice %arg10[%dma_start3A_3086, %dma_start3A_3087] : memref<2x128xf32, #tpu.memory_space<vmem>> -> memref<1x128xf32, #tpu.memory_space<vmem>>
    %dma_start3A_3089 = tpu.memref_squeeze %dma_start3A_3088 : memref<1x128xf32, #tpu.memory_space<vmem>> -> memref<128xf32, #tpu.memory_space<vmem>>
    %dma_start3A_3090 = arith.constant 0 : i32
    %dma_start3A_3091 = tpu.memref_slice %arg8[%dma_start3A_3085, %dma_start3A_3090] : memref<2x128xi32, #tpu.memory_space<vmem>> -> memref<1x128xi32, #tpu.memory_space<vmem>>
    %dma_start3A_3092 = tpu.memref_squeeze %dma_start3A_3091 : memref<1x128xi32, #tpu.memory_space<vmem>> -> memref<128xi32, #tpu.memory_space<vmem>>
    %dma_start3A_3093 = arith.constant 0 : i32
    %dma_start3A_3094 = tpu.memref_slice %arg2[%dma_start3A_3093] : memref<12800000xf32, #tpu.memory_space<hbm>> -> memref<12800000xf32, #tpu.memory_space<hbm>>
    tpu.enqueue_indirect_dma source(%dma_start3A_3094 : memref<12800000xf32, #tpu.memory_space<hbm>>) target(%dma_start3A_3089 : memref<128xf32, #tpu.memory_space<vmem>>) offsets(%dma_start3A_3092 : memref<128xi32, #tpu.memory_space<vmem>>) semaphore(%arg13 : memref<!tpu.dma_semaphore, #tpu.memory_space<semaphore_mem>>)
    %dma_wait3A_3095 = arith.constant 0 : i32
    %dma_wait3A_3096 = arith.constant 0 : i32
    %dma_wait3A_3097 = arith.constant 0 : i32
    %dma_wait3A_3098 = tpu.memref_slice %arg10[%dma_wait3A_3096, %dma_wait3A_3097] : memref<2x128xf32, #tpu.memory_space<vmem>> -> memref<1x128xf32, #tpu.memory_space<vmem>>
    %dma_wait3A_3099 = tpu.memref_squeeze %dma_wait3A_3098 : memref<1x128xf32, #tpu.memory_space<vmem>> -> memref<128xf32, #tpu.memory_space<vmem>>
    %dma_wait3A_3100 = arith.constant 0 : i32
    %dma_wait3A_3101 = tpu.memref_slice %arg8[%dma_wait3A_3095, %dma_wait3A_3100] : memref<2x128xi32, #tpu.memory_space<vmem>> -> memref<1x128xi32, #tpu.memory_space<vmem>>
    %dma_wait3A_3102 = tpu.memref_squeeze %dma_wait3A_3101 : memref<1x128xi32, #tpu.memory_space<vmem>> -> memref<128xi32, #tpu.memory_space<vmem>>
    %dma_wait3A_3103 = arith.constant 0 : i32
    %dma_wait3A_3104 = tpu.memref_slice %arg2[%dma_wait3A_3103] : memref<12800000xf32, #tpu.memory_space<hbm>> -> memref<12800000xf32, #tpu.memory_space<hbm>>
    tpu.wait_indirect_dma semaphore(%arg13 : memref<!tpu.dma_semaphore, #tpu.memory_space<semaphore_mem>>) src(%dma_wait3A_3104 : memref<12800000xf32, #tpu.memory_space<hbm>>) dst(%dma_wait3A_3099 : memref<128xf32, #tpu.memory_space<vmem>>)
    %dma_wait3A_3105 = arith.constant 1 : i32
    %dma_wait3A_3106 = arith.constant 1 : i32
    %dma_wait3A_3107 = arith.constant 0 : i32
    %dma_wait3A_3108 = tpu.memref_slice %arg10[%dma_wait3A_3106, %dma_wait3A_3107] : memref<2x128xf32, #tpu.memory_space<vmem>> -> memref<1x128xf32, #tpu.memory_space<vmem>>
    %dma_wait3A_3109 = tpu.memref_squeeze %dma_wait3A_3108 : memref<1x128xf32, #tpu.memory_space<vmem>> -> memref<128xf32, #tpu.memory_space<vmem>>
    %dma_wait3A_3110 = arith.constant 0 : i32
    %dma_wait3A_3111 = tpu.memref_slice %arg8[%dma_wait3A_3105, %dma_wait3A_3110] : memref<2x128xi32, #tpu.memory_space<vmem>> -> memref<1x128xi32, #tpu.memory_space<vmem>>
    %dma_wait3A_3112 = tpu.memref_squeeze %dma_wait3A_3111 : memref<1x128xi32, #tpu.memory_space<vmem>> -> memref<128xi32, #tpu.memory_space<vmem>>
    %dma_wait3A_3113 = arith.constant 0 : i32
    %dma_wait3A_3114 = tpu.memref_slice %arg2[%dma_wait3A_3113] : memref<12800000xf32, #tpu.memory_space<hbm>> -> memref<12800000xf32, #tpu.memory_space<hbm>>
    tpu.wait_indirect_dma semaphore(%arg13 : memref<!tpu.dma_semaphore, #tpu.memory_space<semaphore_mem>>) src(%dma_wait3A_3114 : memref<12800000xf32, #tpu.memory_space<hbm>>) dst(%dma_wait3A_3109 : memref<128xf32, #tpu.memory_space<vmem>>)
    %get3A_3115 = arith.constant 0 : i32
    %get3A_3116 = arith.index_cast %get3A_3115 : i32 to index
    %get3A_3117 = arith.constant 0 : index
    %get3A_3118 = tpu.vector_load %arg10[%get3A_3116, %get3A_3117] {strides = array<i32>} : memref<2x128xf32, #tpu.memory_space<vmem>>, vector<1x16xf32>,
    %get3A_3119 = vector.shape_cast %get3A_3118 : vector<1x16xf32> to vector<16xf32>
    %get3A_3120 = arith.constant 0 : index
    %get3A_3121 = tpu.vector_load %arg12[%get3A_3120] {strides = array<i32>} : memref<256xf32, #tpu.memory_space<vmem>>, vector<16xf32>,
    %get3A_3122 = vector.shape_cast %get3A_3121 : vector<16xf32> to vector<16xf32>
    %mul3A_3123 = arith.constant 0.0487901643 : f32
    %mul3A_3124 = vector.broadcast %mul3A_3123 : f32 to vector<16xf32>
    %mul3A_3125 = arith.mulf %get3A_3122, %mul3A_3124 : vector<16xf32>
    %exp3A_3126 = math.exp %mul3A_3125 : vector<16xf32>
    %lt3A_3127 = arith.constant 0.000000e+00 : f32
    %lt3A_3128 = vector.broadcast %lt3A_3127 : f32 to vector<16xf32>
    %lt3A_3129 = arith.cmpf olt, %get3A_3119, %lt3A_3128 : vector<16xf32>
    %mul3A_3130 = arith.mulf %get3A_3119, %exp3A_3126 : vector<16xf32>
    %div3A_3131 = arith.divf %get3A_3119, %exp3A_3126 : vector<16xf32>
    %select_n3A_3132 = arith.select %lt3A_3129, %mul3A_3130, %div3A_3131 : vector<16xi1>, vector<16xf32>
    %swap3A_3133 = arith.constant 0 : i32
    %swap3A_3134 = arith.index_cast %swap3A_3133 : i32 to index
    %swap3A_3135 = arith.constant 0 : index
    %swap3A_3136 = tpu.vector_load %arg11[%swap3A_3134, %swap3A_3135] {strides = array<i32>} : memref<2x128xf32, #tpu.memory_space<vmem>>, vector<1x16xf32>,
    %swap3A_3137 = vector.shape_cast %swap3A_3136 : vector<1x16xf32> to vector<16xf32>
    %swap3A_3138 = vector.shape_cast %select_n3A_3132 : vector<16xf32> to vector<1x16xf32>
    tpu.vector_store %arg11[%swap3A_3134, %swap3A_3135], %swap3A_3138 {strides = array<i32>} : memref<2x128xf32, #tpu.memory_space<vmem>>, vector<1x16xf32>,
    %get3A_3139 = arith.constant 0 : i32
    %get3A_3140 = arith.index_cast %get3A_3139 : i32 to index
    %get3A_3141 = arith.constant 16 : index
    %get3A_3142 = tpu.vector_load %arg10[%get3A_3140, %get3A_3141] {strides = array<i32>} : memref<2x128xf32, #tpu.memory_space<vmem>>, vector<1x16xf32>,
    %get3A_3143 = vector.shape_cast %get3A_3142 : vector<1x16xf32> to vector<16xf32>
    %get3A_3144 = arith.constant 16 : index
    %get3A_3145 = tpu.vector_load %arg12[%get3A_3144] {strides = array<i32>} : memref<256xf32, #tpu.memory_space<vmem>>, vector<16xf32>,
    %get3A_3146 = vector.shape_cast %get3A_3145 : vector<16xf32> to vector<16xf32>
    %mul3A_3147 = arith.constant 0.0487901643 : f32
    %mul3A_3148 = vector.broadcast %mul3A_3147 : f32 to vector<16xf32>
    %mul3A_3149 = arith.mulf %get3A_3146, %mul3A_3148 : vector<16xf32>
    %exp3A_3150 = math.exp %mul3A_3149 : vector<16xf32>
    %lt3A_3151 = arith.constant 0.000000e+00 : f32
    %lt3A_3152 = vector.broadcast %lt3A_3151 : f32 to vector<16xf32>
    %lt3A_3153 = arith.cmpf olt, %get3A_3143, %lt3A_3152 : vector<16xf32>
    %mul3A_3154 = arith.mulf %get3A_3143, %exp3A_3150 : vector<16xf32>
    %div3A_3155 = arith.divf %get3A_3143, %exp3A_3150 : vector<16xf32>
    %select_n3A_3156 = arith.select %lt3A_3153, %mul3A_3154, %div3A_3155 : vector<16xi1>, vector<16xf32>
    %swap3A_3157 = arith.constant 0 : i32
    %swap3A_3158 = arith.index_cast %swap3A_3157 : i32 to index
    %swap3A_3159 = arith.constant 16 : index
    %swap3A_3160 = tpu.vector_load %arg11[%swap3A_3158, %swap3A_3159] {strides = array<i32>} : memref<2x128xf32, #tpu.memory_space<vmem>>, vector<1x16xf32>,
    %swap3A_3161 = vector.shape_cast %swap3A_3160 : vector<1x16xf32> to vector<16xf32>
    %swap3A_3162 = vector.shape_cast %select_n3A_3156 : vector<16xf32> to vector<1x16xf32>
    tpu.vector_store %arg11[%swap3A_3158, %swap3A_3159], %swap3A_3162 {strides = array<i32>} : memref<2x128xf32, #tpu.memory_space<vmem>>, vector<1x16xf32>,
    %get3A_3163 = arith.constant 0 : i32
    %get3A_3164 = arith.index_cast %get3A_3163 : i32 to index
    %get3A_3165 = arith.constant 32 : index
    %get3A_3166 = tpu.vector_load %arg10[%get3A_3164, %get3A_3165] {strides = array<i32>} : memref<2x128xf32, #tpu.memory_space<vmem>>, vector<1x16xf32>,
    %get3A_3167 = vector.shape_cast %get3A_3166 : vector<1x16xf32> to vector<16xf32>
    %get3A_3168 = arith.constant 32 : index
    %get3A_3169 = tpu.vector_load %arg12[%get3A_3168] {strides = array<i32>} : memref<256xf32, #tpu.memory_space<vmem>>, vector<16xf32>,
    %get3A_3170 = vector.shape_cast %get3A_3169 : vector<16xf32> to vector<16xf32>
    %mul3A_3171 = arith.constant 0.0487901643 : f32
    %mul3A_3172 = vector.broadcast %mul3A_3171 : f32 to vector<16xf32>
    %mul3A_3173 = arith.mulf %get3A_3170, %mul3A_3172 : vector<16xf32>
    %exp3A_3174 = math.exp %mul3A_3173 : vector<16xf32>
    %lt3A_3175 = arith.constant 0.000000e+00 : f32
    %lt3A_3176 = vector.broadcast %lt3A_3175 : f32 to vector<16xf32>
    %lt3A_3177 = arith.cmpf olt, %get3A_3167, %lt3A_3176 : vector<16xf32>
    %mul3A_3178 = arith.mulf %get3A_3167, %exp3A_3174 : vector<16xf32>
    %div3A_3179 = arith.divf %get3A_3167, %exp3A_3174 : vector<16xf32>
    %select_n3A_3180 = arith.select %lt3A_3177, %mul3A_3178, %div3A_3179 : vector<16xi1>, vector<16xf32>
    %swap3A_3181 = arith.constant 0 : i32
    %swap3A_3182 = arith.index_cast %swap3A_3181 : i32 to index
    %swap3A_3183 = arith.constant 32 : index
    %swap3A_3184 = tpu.vector_load %arg11[%swap3A_3182, %swap3A_3183] {strides = array<i32>} : memref<2x128xf32, #tpu.memory_space<vmem>>, vector<1x16xf32>,
    %swap3A_3185 = vector.shape_cast %swap3A_3184 : vector<1x16xf32> to vector<16xf32>
    %swap3A_3186 = vector.shape_cast %select_n3A_3180 : vector<16xf32> to vector<1x16xf32>
    tpu.vector_store %arg11[%swap3A_3182, %swap3A_3183], %swap3A_3186 {strides = array<i32>} : memref<2x128xf32, #tpu.memory_space<vmem>>, vector<1x16xf32>,
    %get3A_3187 = arith.constant 0 : i32
    %get3A_3188 = arith.index_cast %get3A_3187 : i32 to index
    %get3A_3189 = arith.constant 48 : index
    %get3A_3190 = tpu.vector_load %arg10[%get3A_3188, %get3A_3189] {strides = array<i32>} : memref<2x128xf32, #tpu.memory_space<vmem>>, vector<1x16xf32>,
    %get3A_3191 = vector.shape_cast %get3A_3190 : vector<1x16xf32> to vector<16xf32>
    %get3A_3192 = arith.constant 48 : index
    %get3A_3193 = tpu.vector_load %arg12[%get3A_3192] {strides = array<i32>} : memref<256xf32, #tpu.memory_space<vmem>>, vector<16xf32>,
    %get3A_3194 = vector.shape_cast %get3A_3193 : vector<16xf32> to vector<16xf32>
    %mul3A_3195 = arith.constant 0.0487901643 : f32
    %mul3A_3196 = vector.broadcast %mul3A_3195 : f32 to vector<16xf32>
    %mul3A_3197 = arith.mulf %get3A_3194, %mul3A_3196 : vector<16xf32>
    %exp3A_3198 = math.exp %mul3A_3197 : vector<16xf32>
    %lt3A_3199 = arith.constant 0.000000e+00 : f32
    %lt3A_3200 = vector.broadcast %lt3A_3199 : f32 to vector<16xf32>
    %lt3A_3201 = arith.cmpf olt, %get3A_3191, %lt3A_3200 : vector<16xf32>
    %mul3A_3202 = arith.mulf %get3A_3191, %exp3A_3198 : vector<16xf32>
    %div3A_3203 = arith.divf %get3A_3191, %exp3A_3198 : vector<16xf32>
    %select_n3A_3204 = arith.select %lt3A_3201, %mul3A_3202, %div3A_3203 : vector<16xi1>, vector<16xf32>
    %swap3A_3205 = arith.constant 0 : i32
    %swap3A_3206 = arith.index_cast %swap3A_3205 : i32 to index
    %swap3A_3207 = arith.constant 48 : index
    %swap3A_3208 = tpu.vector_load %arg11[%swap3A_3206, %swap3A_3207] {strides = array<i32>} : memref<2x128xf32, #tpu.memory_space<vmem>>, vector<1x16xf32>,
    %swap3A_3209 = vector.shape_cast %swap3A_3208 : vector<1x16xf32> to vector<16xf32>
    %swap3A_3210 = vector.shape_cast %select_n3A_3204 : vector<16xf32> to vector<1x16xf32>
    tpu.vector_store %arg11[%swap3A_3206, %swap3A_3207], %swap3A_3210 {strides = array<i32>} : memref<2x128xf32, #tpu.memory_space<vmem>>, vector<1x16xf32>,
    %get3A_3211 = arith.constant 0 : i32
    %get3A_3212 = arith.index_cast %get3A_3211 : i32 to index
    %get3A_3213 = arith.constant 64 : index
    %get3A_3214 = tpu.vector_load %arg10[%get3A_3212, %get3A_3213] {strides = array<i32>} : memref<2x128xf32, #tpu.memory_space<vmem>>, vector<1x16xf32>,
    %get3A_3215 = vector.shape_cast %get3A_3214 : vector<1x16xf32> to vector<16xf32>
    %get3A_3216 = arith.constant 64 : index
    %get3A_3217 = tpu.vector_load %arg12[%get3A_3216] {strides = array<i32>} : memref<256xf32, #tpu.memory_space<vmem>>, vector<16xf32>,
    %get3A_3218 = vector.shape_cast %get3A_3217 : vector<16xf32> to vector<16xf32>
    %mul3A_3219 = arith.constant 0.0487901643 : f32
    %mul3A_3220 = vector.broadcast %mul3A_3219 : f32 to vector<16xf32>
    %mul3A_3221 = arith.mulf %get3A_3218, %mul3A_3220 : vector<16xf32>
    %exp3A_3222 = math.exp %mul3A_3221 : vector<16xf32>
    %lt3A_3223 = arith.constant 0.000000e+00 : f32
    %lt3A_3224 = vector.broadcast %lt3A_3223 : f32 to vector<16xf32>
    %lt3A_3225 = arith.cmpf olt, %get3A_3215, %lt3A_3224 : vector<16xf32>
    %mul3A_3226 = arith.mulf %get3A_3215, %exp3A_3222 : vector<16xf32>
    %div3A_3227 = arith.divf %get3A_3215, %exp3A_3222 : vector<16xf32>
    %select_n3A_3228 = arith.select %lt3A_3225, %mul3A_3226, %div3A_3227 : vector<16xi1>, vector<16xf32>
    %swap3A_3229 = arith.constant 0 : i32
    %swap3A_3230 = arith.index_cast %swap3A_3229 : i32 to index
    %swap3A_3231 = arith.constant 64 : index
    %swap3A_3232 = tpu.vector_load %arg11[%swap3A_3230, %swap3A_3231] {strides = array<i32>} : memref<2x128xf32, #tpu.memory_space<vmem>>, vector<1x16xf32>,
    %swap3A_3233 = vector.shape_cast %swap3A_3232 : vector<1x16xf32> to vector<16xf32>
    %swap3A_3234 = vector.shape_cast %select_n3A_3228 : vector<16xf32> to vector<1x16xf32>
    tpu.vector_store %arg11[%swap3A_3230, %swap3A_3231], %swap3A_3234 {strides = array<i32>} : memref<2x128xf32, #tpu.memory_space<vmem>>, vector<1x16xf32>,
    %get3A_3235 = arith.constant 0 : i32
    %get3A_3236 = arith.index_cast %get3A_3235 : i32 to index
    %get3A_3237 = arith.constant 80 : index
    %get3A_3238 = tpu.vector_load %arg10[%get3A_3236, %get3A_3237] {strides = array<i32>} : memref<2x128xf32, #tpu.memory_space<vmem>>, vector<1x16xf32>,
    %get3A_3239 = vector.shape_cast %get3A_3238 : vector<1x16xf32> to vector<16xf32>
    %get3A_3240 = arith.constant 80 : index
    %get3A_3241 = tpu.vector_load %arg12[%get3A_3240] {strides = array<i32>} : memref<256xf32, #tpu.memory_space<vmem>>, vector<16xf32>,
    %get3A_3242 = vector.shape_cast %get3A_3241 : vector<16xf32> to vector<16xf32>
    %mul3A_3243 = arith.constant 0.0487901643 : f32
    %mul3A_3244 = vector.broadcast %mul3A_3243 : f32 to vector<16xf32>
    %mul3A_3245 = arith.mulf %get3A_3242, %mul3A_3244 : vector<16xf32>
    %exp3A_3246 = math.exp %mul3A_3245 : vector<16xf32>
    %lt3A_3247 = arith.constant 0.000000e+00 : f32
    %lt3A_3248 = vector.broadcast %lt3A_3247 : f32 to vector<16xf32>
    %lt3A_3249 = arith.cmpf olt, %get3A_3239, %lt3A_3248 : vector<16xf32>
    %mul3A_3250 = arith.mulf %get3A_3239, %exp3A_3246 : vector<16xf32>
    %div3A_3251 = arith.divf %get3A_3239, %exp3A_3246 : vector<16xf32>
    %select_n3A_3252 = arith.select %lt3A_3249, %mul3A_3250, %div3A_3251 : vector<16xi1>, vector<16xf32>
    %swap3A_3253 = arith.constant 0 : i32
    %swap3A_3254 = arith.index_cast %swap3A_3253 : i32 to index
    %swap3A_3255 = arith.constant 80 : index
    %swap3A_3256 = tpu.vector_load %arg11[%swap3A_3254, %swap3A_3255] {strides = array<i32>} : memref<2x128xf32, #tpu.memory_space<vmem>>, vector<1x16xf32>,
    %swap3A_3257 = vector.shape_cast %swap3A_3256 : vector<1x16xf32> to vector<16xf32>
    %swap3A_3258 = vector.shape_cast %select_n3A_3252 : vector<16xf32> to vector<1x16xf32>
    tpu.vector_store %arg11[%swap3A_3254, %swap3A_3255], %swap3A_3258 {strides = array<i32>} : memref<2x128xf32, #tpu.memory_space<vmem>>, vector<1x16xf32>,
    %get3A_3259 = arith.constant 0 : i32
    %get3A_3260 = arith.index_cast %get3A_3259 : i32 to index
    %get3A_3261 = arith.constant 96 : index
    %get3A_3262 = tpu.vector_load %arg10[%get3A_3260, %get3A_3261] {strides = array<i32>} : memref<2x128xf32, #tpu.memory_space<vmem>>, vector<1x16xf32>,
    %get3A_3263 = vector.shape_cast %get3A_3262 : vector<1x16xf32> to vector<16xf32>
    %get3A_3264 = arith.constant 96 : index
    %get3A_3265 = tpu.vector_load %arg12[%get3A_3264] {strides = array<i32>} : memref<256xf32, #tpu.memory_space<vmem>>, vector<16xf32>,
    %get3A_3266 = vector.shape_cast %get3A_3265 : vector<16xf32> to vector<16xf32>
    %mul3A_3267 = arith.constant 0.0487901643 : f32
    %mul3A_3268 = vector.broadcast %mul3A_3267 : f32 to vector<16xf32>
    %mul3A_3269 = arith.mulf %get3A_3266, %mul3A_3268 : vector<16xf32>
    %exp3A_3270 = math.exp %mul3A_3269 : vector<16xf32>
    %lt3A_3271 = arith.constant 0.000000e+00 : f32
    %lt3A_3272 = vector.broadcast %lt3A_3271 : f32 to vector<16xf32>
    %lt3A_3273 = arith.cmpf olt, %get3A_3263, %lt3A_3272 : vector<16xf32>
    %mul3A_3274 = arith.mulf %get3A_3263, %exp3A_3270 : vector<16xf32>
    %div3A_3275 = arith.divf %get3A_3263, %exp3A_3270 : vector<16xf32>
    %select_n3A_3276 = arith.select %lt3A_3273, %mul3A_3274, %div3A_3275 : vector<16xi1>, vector<16xf32>
    %swap3A_3277 = arith.constant 0 : i32
    %swap3A_3278 = arith.index_cast %swap3A_3277 : i32 to index
    %swap3A_3279 = arith.constant 96 : index
    %swap3A_3280 = tpu.vector_load %arg11[%swap3A_3278, %swap3A_3279] {strides = array<i32>} : memref<2x128xf32, #tpu.memory_space<vmem>>, vector<1x16xf32>,
    %swap3A_3281 = vector.shape_cast %swap3A_3280 : vector<1x16xf32> to vector<16xf32>
    %swap3A_3282 = vector.shape_cast %select_n3A_3276 : vector<16xf32> to vector<1x16xf32>
    tpu.vector_store %arg11[%swap3A_3278, %swap3A_3279], %swap3A_3282 {strides = array<i32>} : memref<2x128xf32, #tpu.memory_space<vmem>>, vector<1x16xf32>,
    %get3A_3283 = arith.constant 0 : i32
    %get3A_3284 = arith.index_cast %get3A_3283 : i32 to index
    %get3A_3285 = arith.constant 112 : index
    %get3A_3286 = tpu.vector_load %arg10[%get3A_3284, %get3A_3285] {strides = array<i32>} : memref<2x128xf32, #tpu.memory_space<vmem>>, vector<1x16xf32>,
    %get3A_3287 = vector.shape_cast %get3A_3286 : vector<1x16xf32> to vector<16xf32>
    %get3A_3288 = arith.constant 112 : index
    %get3A_3289 = tpu.vector_load %arg12[%get3A_3288] {strides = array<i32>} : memref<256xf32, #tpu.memory_space<vmem>>, vector<16xf32>,
    %get3A_3290 = vector.shape_cast %get3A_3289 : vector<16xf32> to vector<16xf32>
    %mul3A_3291 = arith.constant 0.0487901643 : f32
    %mul3A_3292 = vector.broadcast %mul3A_3291 : f32 to vector<16xf32>
    %mul3A_3293 = arith.mulf %get3A_3290, %mul3A_3292 : vector<16xf32>
    %exp3A_3294 = math.exp %mul3A_3293 : vector<16xf32>
    %lt3A_3295 = arith.constant 0.000000e+00 : f32
    %lt3A_3296 = vector.broadcast %lt3A_3295 : f32 to vector<16xf32>
    %lt3A_3297 = arith.cmpf olt, %get3A_3287, %lt3A_3296 : vector<16xf32>
    %mul3A_3298 = arith.mulf %get3A_3287, %exp3A_3294 : vector<16xf32>
    %div3A_3299 = arith.divf %get3A_3287, %exp3A_3294 : vector<16xf32>
    %select_n3A_3300 = arith.select %lt3A_3297, %mul3A_3298, %div3A_3299 : vector<16xi1>, vector<16xf32>
    %swap3A_3301 = arith.constant 0 : i32
    %swap3A_3302 = arith.index_cast %swap3A_3301 : i32 to index
    %swap3A_3303 = arith.constant 112 : index
    %swap3A_3304 = tpu.vector_load %arg11[%swap3A_3302, %swap3A_3303] {strides = array<i32>} : memref<2x128xf32, #tpu.memory_space<vmem>>, vector<1x16xf32>,
    %swap3A_3305 = vector.shape_cast %swap3A_3304 : vector<1x16xf32> to vector<16xf32>
    %swap3A_3306 = vector.shape_cast %select_n3A_3300 : vector<16xf32> to vector<1x16xf32>
    tpu.vector_store %arg11[%swap3A_3302, %swap3A_3303], %swap3A_3306 {strides = array<i32>} : memref<2x128xf32, #tpu.memory_space<vmem>>, vector<1x16xf32>,
    %get3A_3307 = arith.constant 1 : i32
    %get3A_3308 = arith.index_cast %get3A_3307 : i32 to index
    %get3A_3309 = arith.constant 0 : index
    %get3A_3310 = tpu.vector_load %arg10[%get3A_3308, %get3A_3309] {strides = array<i32>} : memref<2x128xf32, #tpu.memory_space<vmem>>, vector<1x16xf32>,
    %get3A_3311 = vector.shape_cast %get3A_3310 : vector<1x16xf32> to vector<16xf32>
    %get3A_3312 = arith.constant 128 : index
    %get3A_3313 = tpu.vector_load %arg12[%get3A_3312] {strides = array<i32>} : memref<256xf32, #tpu.memory_space<vmem>>, vector<16xf32>,
    %get3A_3314 = vector.shape_cast %get3A_3313 : vector<16xf32> to vector<16xf32>
    %mul3A_3315 = arith.constant 0.0487901643 : f32
    %mul3A_3316 = vector.broadcast %mul3A_3315 : f32 to vector<16xf32>
    %mul3A_3317 = arith.mulf %get3A_3314, %mul3A_3316 : vector<16xf32>
    %exp3A_3318 = math.exp %mul3A_3317 : vector<16xf32>
    %lt3A_3319 = arith.constant 0.000000e+00 : f32
    %lt3A_3320 = vector.broadcast %lt3A_3319 : f32 to vector<16xf32>
    %lt3A_3321 = arith.cmpf olt, %get3A_3311, %lt3A_3320 : vector<16xf32>
    %mul3A_3322 = arith.mulf %get3A_3311, %exp3A_3318 : vector<16xf32>
    %div3A_3323 = arith.divf %get3A_3311, %exp3A_3318 : vector<16xf32>
    %select_n3A_3324 = arith.select %lt3A_3321, %mul3A_3322, %div3A_3323 : vector<16xi1>, vector<16xf32>
    %swap3A_3325 = arith.constant 1 : i32
    %swap3A_3326 = arith.index_cast %swap3A_3325 : i32 to index
    %swap3A_3327 = arith.constant 0 : index
    %swap3A_3328 = tpu.vector_load %arg11[%swap3A_3326, %swap3A_3327] {strides = array<i32>} : memref<2x128xf32, #tpu.memory_space<vmem>>, vector<1x16xf32>,
    %swap3A_3329 = vector.shape_cast %swap3A_3328 : vector<1x16xf32> to vector<16xf32>
    %swap3A_3330 = vector.shape_cast %select_n3A_3324 : vector<16xf32> to vector<1x16xf32>
    tpu.vector_store %arg11[%swap3A_3326, %swap3A_3327], %swap3A_3330 {strides = array<i32>} : memref<2x128xf32, #tpu.memory_space<vmem>>, vector<1x16xf32>,
    %get3A_3331 = arith.constant 1 : i32
    %get3A_3332 = arith.index_cast %get3A_3331 : i32 to index
    %get3A_3333 = arith.constant 16 : index
    %get3A_3334 = tpu.vector_load %arg10[%get3A_3332, %get3A_3333] {strides = array<i32>} : memref<2x128xf32, #tpu.memory_space<vmem>>, vector<1x16xf32>,
    %get3A_3335 = vector.shape_cast %get3A_3334 : vector<1x16xf32> to vector<16xf32>
    %get3A_3336 = arith.constant 144 : index
    %get3A_3337 = tpu.vector_load %arg12[%get3A_3336] {strides = array<i32>} : memref<256xf32, #tpu.memory_space<vmem>>, vector<16xf32>,
    %get3A_3338 = vector.shape_cast %get3A_3337 : vector<16xf32> to vector<16xf32>
    %mul3A_3339 = arith.constant 0.0487901643 : f32
    %mul3A_3340 = vector.broadcast %mul3A_3339 : f32 to vector<16xf32>
    %mul3A_3341 = arith.mulf %get3A_3338, %mul3A_3340 : vector<16xf32>
    %exp3A_3342 = math.exp %mul3A_3341 : vector<16xf32>
    %lt3A_3343 = arith.constant 0.000000e+00 : f32
    %lt3A_3344 = vector.broadcast %lt3A_3343 : f32 to vector<16xf32>
    %lt3A_3345 = arith.cmpf olt, %get3A_3335, %lt3A_3344 : vector<16xf32>
    %mul3A_3346 = arith.mulf %get3A_3335, %exp3A_3342 : vector<16xf32>
    %div3A_3347 = arith.divf %get3A_3335, %exp3A_3342 : vector<16xf32>
    %select_n3A_3348 = arith.select %lt3A_3345, %mul3A_3346, %div3A_3347 : vector<16xi1>, vector<16xf32>
    %swap3A_3349 = arith.constant 1 : i32
    %swap3A_3350 = arith.index_cast %swap3A_3349 : i32 to index
    %swap3A_3351 = arith.constant 16 : index
    %swap3A_3352 = tpu.vector_load %arg11[%swap3A_3350, %swap3A_3351] {strides = array<i32>} : memref<2x128xf32, #tpu.memory_space<vmem>>, vector<1x16xf32>,
    %swap3A_3353 = vector.shape_cast %swap3A_3352 : vector<1x16xf32> to vector<16xf32>
    %swap3A_3354 = vector.shape_cast %select_n3A_3348 : vector<16xf32> to vector<1x16xf32>
    tpu.vector_store %arg11[%swap3A_3350, %swap3A_3351], %swap3A_3354 {strides = array<i32>} : memref<2x128xf32, #tpu.memory_space<vmem>>, vector<1x16xf32>,
    %get3A_3355 = arith.constant 1 : i32
    %get3A_3356 = arith.index_cast %get3A_3355 : i32 to index
    %get3A_3357 = arith.constant 32 : index
    %get3A_3358 = tpu.vector_load %arg10[%get3A_3356, %get3A_3357] {strides = array<i32>} : memref<2x128xf32, #tpu.memory_space<vmem>>, vector<1x16xf32>,
    %get3A_3359 = vector.shape_cast %get3A_3358 : vector<1x16xf32> to vector<16xf32>
    %get3A_3360 = arith.constant 160 : index
    %get3A_3361 = tpu.vector_load %arg12[%get3A_3360] {strides = array<i32>} : memref<256xf32, #tpu.memory_space<vmem>>, vector<16xf32>,
    %get3A_3362 = vector.shape_cast %get3A_3361 : vector<16xf32> to vector<16xf32>
    %mul3A_3363 = arith.constant 0.0487901643 : f32
    %mul3A_3364 = vector.broadcast %mul3A_3363 : f32 to vector<16xf32>
    %mul3A_3365 = arith.mulf %get3A_3362, %mul3A_3364 : vector<16xf32>
    %exp3A_3366 = math.exp %mul3A_3365 : vector<16xf32>
    %lt3A_3367 = arith.constant 0.000000e+00 : f32
    %lt3A_3368 = vector.broadcast %lt3A_3367 : f32 to vector<16xf32>
    %lt3A_3369 = arith.cmpf olt, %get3A_3359, %lt3A_3368 : vector<16xf32>
    %mul3A_3370 = arith.mulf %get3A_3359, %exp3A_3366 : vector<16xf32>
    %div3A_3371 = arith.divf %get3A_3359, %exp3A_3366 : vector<16xf32>
    %select_n3A_3372 = arith.select %lt3A_3369, %mul3A_3370, %div3A_3371 : vector<16xi1>, vector<16xf32>
    %swap3A_3373 = arith.constant 1 : i32
    %swap3A_3374 = arith.index_cast %swap3A_3373 : i32 to index
    %swap3A_3375 = arith.constant 32 : index
    %swap3A_3376 = tpu.vector_load %arg11[%swap3A_3374, %swap3A_3375] {strides = array<i32>} : memref<2x128xf32, #tpu.memory_space<vmem>>, vector<1x16xf32>,
    %swap3A_3377 = vector.shape_cast %swap3A_3376 : vector<1x16xf32> to vector<16xf32>
    %swap3A_3378 = vector.shape_cast %select_n3A_3372 : vector<16xf32> to vector<1x16xf32>
    tpu.vector_store %arg11[%swap3A_3374, %swap3A_3375], %swap3A_3378 {strides = array<i32>} : memref<2x128xf32, #tpu.memory_space<vmem>>, vector<1x16xf32>,
    %get3A_3379 = arith.constant 1 : i32
    %get3A_3380 = arith.index_cast %get3A_3379 : i32 to index
    %get3A_3381 = arith.constant 48 : index
    %get3A_3382 = tpu.vector_load %arg10[%get3A_3380, %get3A_3381] {strides = array<i32>} : memref<2x128xf32, #tpu.memory_space<vmem>>, vector<1x16xf32>,
    %get3A_3383 = vector.shape_cast %get3A_3382 : vector<1x16xf32> to vector<16xf32>
    %get3A_3384 = arith.constant 176 : index
    %get3A_3385 = tpu.vector_load %arg12[%get3A_3384] {strides = array<i32>} : memref<256xf32, #tpu.memory_space<vmem>>, vector<16xf32>,
    %get3A_3386 = vector.shape_cast %get3A_3385 : vector<16xf32> to vector<16xf32>
    %mul3A_3387 = arith.constant 0.0487901643 : f32
    %mul3A_3388 = vector.broadcast %mul3A_3387 : f32 to vector<16xf32>
    %mul3A_3389 = arith.mulf %get3A_3386, %mul3A_3388 : vector<16xf32>
    %exp3A_3390 = math.exp %mul3A_3389 : vector<16xf32>
    %lt3A_3391 = arith.constant 0.000000e+00 : f32
    %lt3A_3392 = vector.broadcast %lt3A_3391 : f32 to vector<16xf32>
    %lt3A_3393 = arith.cmpf olt, %get3A_3383, %lt3A_3392 : vector<16xf32>
    %mul3A_3394 = arith.mulf %get3A_3383, %exp3A_3390 : vector<16xf32>
    %div3A_3395 = arith.divf %get3A_3383, %exp3A_3390 : vector<16xf32>
    %select_n3A_3396 = arith.select %lt3A_3393, %mul3A_3394, %div3A_3395 : vector<16xi1>, vector<16xf32>
    %swap3A_3397 = arith.constant 1 : i32
    %swap3A_3398 = arith.index_cast %swap3A_3397 : i32 to index
    %swap3A_3399 = arith.constant 48 : index
    %swap3A_3400 = tpu.vector_load %arg11[%swap3A_3398, %swap3A_3399] {strides = array<i32>} : memref<2x128xf32, #tpu.memory_space<vmem>>, vector<1x16xf32>,
    %swap3A_3401 = vector.shape_cast %swap3A_3400 : vector<1x16xf32> to vector<16xf32>
    %swap3A_3402 = vector.shape_cast %select_n3A_3396 : vector<16xf32> to vector<1x16xf32>
    tpu.vector_store %arg11[%swap3A_3398, %swap3A_3399], %swap3A_3402 {strides = array<i32>} : memref<2x128xf32, #tpu.memory_space<vmem>>, vector<1x16xf32>,
    %get3A_3403 = arith.constant 1 : i32
    %get3A_3404 = arith.index_cast %get3A_3403 : i32 to index
    %get3A_3405 = arith.constant 64 : index
    %get3A_3406 = tpu.vector_load %arg10[%get3A_3404, %get3A_3405] {strides = array<i32>} : memref<2x128xf32, #tpu.memory_space<vmem>>, vector<1x16xf32>,
    %get3A_3407 = vector.shape_cast %get3A_3406 : vector<1x16xf32> to vector<16xf32>
    %get3A_3408 = arith.constant 192 : index
    %get3A_3409 = tpu.vector_load %arg12[%get3A_3408] {strides = array<i32>} : memref<256xf32, #tpu.memory_space<vmem>>, vector<16xf32>,
    %get3A_3410 = vector.shape_cast %get3A_3409 : vector<16xf32> to vector<16xf32>
    %mul3A_3411 = arith.constant 0.0487901643 : f32
    %mul3A_3412 = vector.broadcast %mul3A_3411 : f32 to vector<16xf32>
    %mul3A_3413 = arith.mulf %get3A_3410, %mul3A_3412 : vector<16xf32>
    %exp3A_3414 = math.exp %mul3A_3413 : vector<16xf32>
    %lt3A_3415 = arith.constant 0.000000e+00 : f32
    %lt3A_3416 = vector.broadcast %lt3A_3415 : f32 to vector<16xf32>
    %lt3A_3417 = arith.cmpf olt, %get3A_3407, %lt3A_3416 : vector<16xf32>
    %mul3A_3418 = arith.mulf %get3A_3407, %exp3A_3414 : vector<16xf32>
    %div3A_3419 = arith.divf %get3A_3407, %exp3A_3414 : vector<16xf32>
    %select_n3A_3420 = arith.select %lt3A_3417, %mul3A_3418, %div3A_3419 : vector<16xi1>, vector<16xf32>
    %swap3A_3421 = arith.constant 1 : i32
    %swap3A_3422 = arith.index_cast %swap3A_3421 : i32 to index
    %swap3A_3423 = arith.constant 64 : index
    %swap3A_3424 = tpu.vector_load %arg11[%swap3A_3422, %swap3A_3423] {strides = array<i32>} : memref<2x128xf32, #tpu.memory_space<vmem>>, vector<1x16xf32>,
    %swap3A_3425 = vector.shape_cast %swap3A_3424 : vector<1x16xf32> to vector<16xf32>
    %swap3A_3426 = vector.shape_cast %select_n3A_3420 : vector<16xf32> to vector<1x16xf32>
    tpu.vector_store %arg11[%swap3A_3422, %swap3A_3423], %swap3A_3426 {strides = array<i32>} : memref<2x128xf32, #tpu.memory_space<vmem>>, vector<1x16xf32>,
    %get3A_3427 = arith.constant 1 : i32
    %get3A_3428 = arith.index_cast %get3A_3427 : i32 to index
    %get3A_3429 = arith.constant 80 : index
    %get3A_3430 = tpu.vector_load %arg10[%get3A_3428, %get3A_3429] {strides = array<i32>} : memref<2x128xf32, #tpu.memory_space<vmem>>, vector<1x16xf32>,
    %get3A_3431 = vector.shape_cast %get3A_3430 : vector<1x16xf32> to vector<16xf32>
    %get3A_3432 = arith.constant 208 : index
    %get3A_3433 = tpu.vector_load %arg12[%get3A_3432] {strides = array<i32>} : memref<256xf32, #tpu.memory_space<vmem>>, vector<16xf32>,
    %get3A_3434 = vector.shape_cast %get3A_3433 : vector<16xf32> to vector<16xf32>
    %mul3A_3435 = arith.constant 0.0487901643 : f32
    %mul3A_3436 = vector.broadcast %mul3A_3435 : f32 to vector<16xf32>
    %mul3A_3437 = arith.mulf %get3A_3434, %mul3A_3436 : vector<16xf32>
    %exp3A_3438 = math.exp %mul3A_3437 : vector<16xf32>
    %lt3A_3439 = arith.constant 0.000000e+00 : f32
    %lt3A_3440 = vector.broadcast %lt3A_3439 : f32 to vector<16xf32>
    %lt3A_3441 = arith.cmpf olt, %get3A_3431, %lt3A_3440 : vector<16xf32>
    %mul3A_3442 = arith.mulf %get3A_3431, %exp3A_3438 : vector<16xf32>
    %div3A_3443 = arith.divf %get3A_3431, %exp3A_3438 : vector<16xf32>
    %select_n3A_3444 = arith.select %lt3A_3441, %mul3A_3442, %div3A_3443 : vector<16xi1>, vector<16xf32>
    %swap3A_3445 = arith.constant 1 : i32
    %swap3A_3446 = arith.index_cast %swap3A_3445 : i32 to index
    %swap3A_3447 = arith.constant 80 : index
    %swap3A_3448 = tpu.vector_load %arg11[%swap3A_3446, %swap3A_3447] {strides = array<i32>} : memref<2x128xf32, #tpu.memory_space<vmem>>, vector<1x16xf32>,
    %swap3A_3449 = vector.shape_cast %swap3A_3448 : vector<1x16xf32> to vector<16xf32>
    %swap3A_3450 = vector.shape_cast %select_n3A_3444 : vector<16xf32> to vector<1x16xf32>
    tpu.vector_store %arg11[%swap3A_3446, %swap3A_3447], %swap3A_3450 {strides = array<i32>} : memref<2x128xf32, #tpu.memory_space<vmem>>, vector<1x16xf32>,
    %get3A_3451 = arith.constant 1 : i32
    %get3A_3452 = arith.index_cast %get3A_3451 : i32 to index
    %get3A_3453 = arith.constant 96 : index
    %get3A_3454 = tpu.vector_load %arg10[%get3A_3452, %get3A_3453] {strides = array<i32>} : memref<2x128xf32, #tpu.memory_space<vmem>>, vector<1x16xf32>,
    %get3A_3455 = vector.shape_cast %get3A_3454 : vector<1x16xf32> to vector<16xf32>
    %get3A_3456 = arith.constant 224 : index
    %get3A_3457 = tpu.vector_load %arg12[%get3A_3456] {strides = array<i32>} : memref<256xf32, #tpu.memory_space<vmem>>, vector<16xf32>,
    %get3A_3458 = vector.shape_cast %get3A_3457 : vector<16xf32> to vector<16xf32>
    %mul3A_3459 = arith.constant 0.0487901643 : f32
    %mul3A_3460 = vector.broadcast %mul3A_3459 : f32 to vector<16xf32>
    %mul3A_3461 = arith.mulf %get3A_3458, %mul3A_3460 : vector<16xf32>
    %exp3A_3462 = math.exp %mul3A_3461 : vector<16xf32>
    %lt3A_3463 = arith.constant 0.000000e+00 : f32
    %lt3A_3464 = vector.broadcast %lt3A_3463 : f32 to vector<16xf32>
    %lt3A_3465 = arith.cmpf olt, %get3A_3455, %lt3A_3464 : vector<16xf32>
    %mul3A_3466 = arith.mulf %get3A_3455, %exp3A_3462 : vector<16xf32>
    %div3A_3467 = arith.divf %get3A_3455, %exp3A_3462 : vector<16xf32>
    %select_n3A_3468 = arith.select %lt3A_3465, %mul3A_3466, %div3A_3467 : vector<16xi1>, vector<16xf32>
    %swap3A_3469 = arith.constant 1 : i32
    %swap3A_3470 = arith.index_cast %swap3A_3469 : i32 to index
    %swap3A_3471 = arith.constant 96 : index
    %swap3A_3472 = tpu.vector_load %arg11[%swap3A_3470, %swap3A_3471] {strides = array<i32>} : memref<2x128xf32, #tpu.memory_space<vmem>>, vector<1x16xf32>,
    %swap3A_3473 = vector.shape_cast %swap3A_3472 : vector<1x16xf32> to vector<16xf32>
    %swap3A_3474 = vector.shape_cast %select_n3A_3468 : vector<16xf32> to vector<1x16xf32>
    tpu.vector_store %arg11[%swap3A_3470, %swap3A_3471], %swap3A_3474 {strides = array<i32>} : memref<2x128xf32, #tpu.memory_space<vmem>>, vector<1x16xf32>,
    %get3A_3475 = arith.constant 1 : i32
    %get3A_3476 = arith.index_cast %get3A_3475 : i32 to index
    %get3A_3477 = arith.constant 112 : index
    %get3A_3478 = tpu.vector_load %arg10[%get3A_3476, %get3A_3477] {strides = array<i32>} : memref<2x128xf32, #tpu.memory_space<vmem>>, vector<1x16xf32>,
    %get3A_3479 = vector.shape_cast %get3A_3478 : vector<1x16xf32> to vector<16xf32>
    %get3A_3480 = arith.constant 240 : index
    %get3A_3481 = tpu.vector_load %arg12[%get3A_3480] {strides = array<i32>} : memref<256xf32, #tpu.memory_space<vmem>>, vector<16xf32>,
    %get3A_3482 = vector.shape_cast %get3A_3481 : vector<16xf32> to vector<16xf32>
    %mul3A_3483 = arith.constant 0.0487901643 : f32
    %mul3A_3484 = vector.broadcast %mul3A_3483 : f32 to vector<16xf32>
    %mul3A_3485 = arith.mulf %get3A_3482, %mul3A_3484 : vector<16xf32>
    %exp3A_3486 = math.exp %mul3A_3485 : vector<16xf32>
    %lt3A_3487 = arith.constant 0.000000e+00 : f32
    %lt3A_3488 = vector.broadcast %lt3A_3487 : f32 to vector<16xf32>
    %lt3A_3489 = arith.cmpf olt, %get3A_3479, %lt3A_3488 : vector<16xf32>
    %mul3A_3490 = arith.mulf %get3A_3479, %exp3A_3486 : vector<16xf32>
    %div3A_3491 = arith.divf %get3A_3479, %exp3A_3486 : vector<16xf32>
    %select_n3A_3492 = arith.select %lt3A_3489, %mul3A_3490, %div3A_3491 : vector<16xi1>, vector<16xf32>
    %swap3A_3493 = arith.constant 1 : i32
    %swap3A_3494 = arith.index_cast %swap3A_3493 : i32 to index
    %swap3A_3495 = arith.constant 112 : index
    %swap3A_3496 = tpu.vector_load %arg11[%swap3A_3494, %swap3A_3495] {strides = array<i32>} : memref<2x128xf32, #tpu.memory_space<vmem>>, vector<1x16xf32>,
    %swap3A_3497 = vector.shape_cast %swap3A_3496 : vector<1x16xf32> to vector<16xf32>
    %swap3A_3498 = vector.shape_cast %select_n3A_3492 : vector<16xf32> to vector<1x16xf32>
    tpu.vector_store %arg11[%swap3A_3494, %swap3A_3495], %swap3A_3498 {strides = array<i32>} : memref<2x128xf32, #tpu.memory_space<vmem>>, vector<1x16xf32>,
    %dma_start3A_3499 = arith.constant 0 : i32
    %dma_start3A_3500 = arith.constant 0 : i32
    %dma_start3A_3501 = arith.constant 0 : i32
    %dma_start3A_3502 = tpu.memref_slice %arg11[%dma_start3A_3499, %dma_start3A_3501] : memref<2x128xf32, #tpu.memory_space<vmem>> -> memref<1x128xf32, #tpu.memory_space<vmem>>
    %dma_start3A_3503 = tpu.memref_squeeze %dma_start3A_3502 : memref<1x128xf32, #tpu.memory_space<vmem>> -> memref<128xf32, #tpu.memory_space<vmem>>
    %dma_start3A_3504 = arith.constant 0 : i32
    %dma_start3A_3505 = tpu.memref_slice %arg9[%dma_start3A_3500, %dma_start3A_3504] : memref<2x128xi32, #tpu.memory_space<vmem>> -> memref<1x128xi32, #tpu.memory_space<vmem>>
    %dma_start3A_3506 = tpu.memref_squeeze %dma_start3A_3505 : memref<1x128xi32, #tpu.memory_space<vmem>> -> memref<128xi32, #tpu.memory_space<vmem>>
    %dma_start3A_3507 = arith.constant 0 : i32
    %dma_start3A_3508 = tpu.memref_slice %arg5[%dma_start3A_3507] : memref<12800000xf32, #tpu.memory_space<hbm>> -> memref<12800000xf32, #tpu.memory_space<hbm>>
    tpu.enqueue_indirect_dma source(%dma_start3A_3503 : memref<128xf32, #tpu.memory_space<vmem>>) target(%dma_start3A_3508 : memref<12800000xf32, #tpu.memory_space<hbm>>) offsets(%dma_start3A_3506 : memref<128xi32, #tpu.memory_space<vmem>>) semaphore(%arg13 : memref<!tpu.dma_semaphore, #tpu.memory_space<semaphore_mem>>)
    %dma_start3A_3509 = arith.constant 1 : i32
    %dma_start3A_3510 = arith.constant 1 : i32
    %dma_start3A_3511 = arith.constant 0 : i32
    %dma_start3A_3512 = tpu.memref_slice %arg11[%dma_start3A_3509, %dma_start3A_3511] : memref<2x128xf32, #tpu.memory_space<vmem>> -> memref<1x128xf32, #tpu.memory_space<vmem>>
    %dma_start3A_3513 = tpu.memref_squeeze %dma_start3A_3512 : memref<1x128xf32, #tpu.memory_space<vmem>> -> memref<128xf32, #tpu.memory_space<vmem>>
    %dma_start3A_3514 = arith.constant 0 : i32
    %dma_start3A_3515 = tpu.memref_slice %arg9[%dma_start3A_3510, %dma_start3A_3514] : memref<2x128xi32, #tpu.memory_space<vmem>> -> memref<1x128xi32, #tpu.memory_space<vmem>>
    %dma_start3A_3516 = tpu.memref_squeeze %dma_start3A_3515 : memref<1x128xi32, #tpu.memory_space<vmem>> -> memref<128xi32, #tpu.memory_space<vmem>>
    %dma_start3A_3517 = arith.constant 0 : i32
    %dma_start3A_3518 = tpu.memref_slice %arg5[%dma_start3A_3517] : memref<12800000xf32, #tpu.memory_space<hbm>> -> memref<12800000xf32, #tpu.memory_space<hbm>>
    tpu.enqueue_indirect_dma source(%dma_start3A_3513 : memref<128xf32, #tpu.memory_space<vmem>>) target(%dma_start3A_3518 : memref<12800000xf32, #tpu.memory_space<hbm>>) offsets(%dma_start3A_3516 : memref<128xi32, #tpu.memory_space<vmem>>) semaphore(%arg13 : memref<!tpu.dma_semaphore, #tpu.memory_space<semaphore_mem>>)
    %dma_wait3A_3519 = arith.constant 0 : i32
    %dma_wait3A_3520 = arith.constant 0 : i32
    %dma_wait3A_3521 = arith.constant 0 : i32
    %dma_wait3A_3522 = tpu.memref_slice %arg11[%dma_wait3A_3519, %dma_wait3A_3521] : memref<2x128xf32, #tpu.memory_space<vmem>> -> memref<1x128xf32, #tpu.memory_space<vmem>>
    %dma_wait3A_3523 = tpu.memref_squeeze %dma_wait3A_3522 : memref<1x128xf32, #tpu.memory_space<vmem>> -> memref<128xf32, #tpu.memory_space<vmem>>
    %dma_wait3A_3524 = arith.constant 0 : i32
    %dma_wait3A_3525 = tpu.memref_slice %arg9[%dma_wait3A_3520, %dma_wait3A_3524] : memref<2x128xi32, #tpu.memory_space<vmem>> -> memref<1x128xi32, #tpu.memory_space<vmem>>
    %dma_wait3A_3526 = tpu.memref_squeeze %dma_wait3A_3525 : memref<1x128xi32, #tpu.memory_space<vmem>> -> memref<128xi32, #tpu.memory_space<vmem>>
    %dma_wait3A_3527 = arith.constant 0 : i32
    %dma_wait3A_3528 = tpu.memref_slice %arg5[%dma_wait3A_3527] : memref<12800000xf32, #tpu.memory_space<hbm>> -> memref<12800000xf32, #tpu.memory_space<hbm>>
    tpu.wait_indirect_dma semaphore(%arg13 : memref<!tpu.dma_semaphore, #tpu.memory_space<semaphore_mem>>) src(%dma_wait3A_3523 : memref<128xf32, #tpu.memory_space<vmem>>) dst(%dma_wait3A_3528 : memref<12800000xf32, #tpu.memory_space<hbm>>)
    %dma_wait3A_3529 = arith.constant 1 : i32
    %dma_wait3A_3530 = arith.constant 1 : i32
    %dma_wait3A_3531 = arith.constant 0 : i32
    %dma_wait3A_3532 = tpu.memref_slice %arg11[%dma_wait3A_3529, %dma_wait3A_3531] : memref<2x128xf32, #tpu.memory_space<vmem>> -> memref<1x128xf32, #tpu.memory_space<vmem>>
    %dma_wait3A_3533 = tpu.memref_squeeze %dma_wait3A_3532 : memref<1x128xf32, #tpu.memory_space<vmem>> -> memref<128xf32, #tpu.memory_space<vmem>>
    %dma_wait3A_3534 = arith.constant 0 : i32
    %dma_wait3A_3535 = tpu.memref_slice %arg9[%dma_wait3A_3530, %dma_wait3A_3534] : memref<2x128xi32, #tpu.memory_space<vmem>> -> memref<1x128xi32, #tpu.memory_space<vmem>>
    %dma_wait3A_3536 = tpu.memref_squeeze %dma_wait3A_3535 : memref<1x128xi32, #tpu.memory_space<vmem>> -> memref<128xi32, #tpu.memory_space<vmem>>
    %dma_wait3A_3537 = arith.constant 0 : i32
    %dma_wait3A_3538 = tpu.memref_slice %arg5[%dma_wait3A_3537] : memref<12800000xf32, #tpu.memory_space<hbm>> -> memref<12800000xf32, #tpu.memory_space<hbm>>
    tpu.wait_indirect_dma semaphore(%arg13 : memref<!tpu.dma_semaphore, #tpu.memory_space<semaphore_mem>>) src(%dma_wait3A_3533 : memref<128xf32, #tpu.memory_space<vmem>>) dst(%dma_wait3A_3538 : memref<12800000xf32, #tpu.memory_space<hbm>>)
    return
  }
}

module attributes {stable_mosaic.version = 14 : i64} {
  func.func @_counts_body(%arg0: memref<128x200xi32, #tpu.memory_space<vmem>>, %arg1: memref<128x256xf32, #tpu.memory_space<vmem>>) attributes {dimension_semantics = [], scalar_prefetch = 0 : i64, scratch_operands = 0 : i64, tpu.core_type = #tpu.core_type<tc>} {
    %get3A = arith.constant 0 : index
    %get3A_0 = arith.constant 0 : index
    %get3A_1 = vector.load %arg0[%get3A, %get3A_0] : memref<128x200xi32, #tpu.memory_space<vmem>>, vector<128x200xi32>
    %broadcast_in_dim3A = arith.constant 0.000000e+00 : f32
    %broadcast_in_dim3A_2 = vector.broadcast %broadcast_in_dim3A : f32 to vector<128x200xf32>
    %slice3A = vector.extract_strided_slice %get3A_1 {offsets = [0, 0], sizes = [128, 8], strides = [1, 1]} : vector<128x200xi32> to vector<128x8xi32>
    %broadcast_in_dim3A_3 = vector.shape_cast %slice3A : vector<128x8xi32> to vector<128x8x1xi32>
    %broadcast_in_dim3A_4 = vector.shape_cast %get3A_1 : vector<128x200xi32> to vector<128x1x200xi32>
    %eq3A = vector.broadcast %broadcast_in_dim3A_3 : vector<128x8x1xi32> to vector<128x8x200xi32>
    %eq3A_5 = vector.broadcast %broadcast_in_dim3A_4 : vector<128x1x200xi32> to vector<128x8x200xi32>
    %eq3A_6 = arith.cmpi eq, %eq3A, %eq3A_5 : vector<128x8x200xi32>
    %convert_element_type3A = arith.extui %eq3A_6 : vector<128x8x200xi1> to vector<128x8x200xi32>
    %convert_element_type3A_7 = arith.sitofp %convert_element_type3A : vector<128x8x200xi32> to vector<128x8x200xf32>
    %reduce_sum3A = arith.constant dense<0.000000e+00> : vector<128x200xf32>
    %reduce_sum3A_8 = vector.multi_reduction <add>, %convert_element_type3A_7, %reduce_sum3A [1] : vector<128x8x200xf32> to vector<128x200xf32>
    %add3A = arith.addf %broadcast_in_dim3A_2, %reduce_sum3A_8 : vector<128x200xf32>
    %slice3A_9 = vector.extract_strided_slice %get3A_1 {offsets = [0, 8], sizes = [128, 8], strides = [1, 1]} : vector<128x200xi32> to vector<128x8xi32>
    %broadcast_in_dim3A_10 = vector.shape_cast %slice3A_9 : vector<128x8xi32> to vector<128x8x1xi32>
    %broadcast_in_dim3A_11 = vector.shape_cast %get3A_1 : vector<128x200xi32> to vector<128x1x200xi32>
    %eq3A_12 = vector.broadcast %broadcast_in_dim3A_10 : vector<128x8x1xi32> to vector<128x8x200xi32>
    %eq3A_13 = vector.broadcast %broadcast_in_dim3A_11 : vector<128x1x200xi32> to vector<128x8x200xi32>
    %eq3A_14 = arith.cmpi eq, %eq3A_12, %eq3A_13 : vector<128x8x200xi32>
    %convert_element_type3A_15 = arith.extui %eq3A_14 : vector<128x8x200xi1> to vector<128x8x200xi32>
    %convert_element_type3A_16 = arith.sitofp %convert_element_type3A_15 : vector<128x8x200xi32> to vector<128x8x200xf32>
    %reduce_sum3A_17 = arith.constant dense<0.000000e+00> : vector<128x200xf32>
    %reduce_sum3A_18 = vector.multi_reduction <add>, %convert_element_type3A_16, %reduce_sum3A_17 [1] : vector<128x8x200xf32> to vector<128x200xf32>
    %add3A_19 = arith.addf %add3A, %reduce_sum3A_18 : vector<128x200xf32>
    %slice3A_20 = vector.extract_strided_slice %get3A_1 {offsets = [0, 16], sizes = [128, 8], strides = [1, 1]} : vector<128x200xi32> to vector<128x8xi32>
    %broadcast_in_dim3A_21 = vector.shape_cast %slice3A_20 : vector<128x8xi32> to vector<128x8x1xi32>
    %broadcast_in_dim3A_22 = vector.shape_cast %get3A_1 : vector<128x200xi32> to vector<128x1x200xi32>
    %eq3A_23 = vector.broadcast %broadcast_in_dim3A_21 : vector<128x8x1xi32> to vector<128x8x200xi32>
    %eq3A_24 = vector.broadcast %broadcast_in_dim3A_22 : vector<128x1x200xi32> to vector<128x8x200xi32>
    %eq3A_25 = arith.cmpi eq, %eq3A_23, %eq3A_24 : vector<128x8x200xi32>
    %convert_element_type3A_26 = arith.extui %eq3A_25 : vector<128x8x200xi1> to vector<128x8x200xi32>
    %convert_element_type3A_27 = arith.sitofp %convert_element_type3A_26 : vector<128x8x200xi32> to vector<128x8x200xf32>
    %reduce_sum3A_28 = arith.constant dense<0.000000e+00> : vector<128x200xf32>
    %reduce_sum3A_29 = vector.multi_reduction <add>, %convert_element_type3A_27, %reduce_sum3A_28 [1] : vector<128x8x200xf32> to vector<128x200xf32>
    %add3A_30 = arith.addf %add3A_19, %reduce_sum3A_29 : vector<128x200xf32>
    %slice3A_31 = vector.extract_strided_slice %get3A_1 {offsets = [0, 24], sizes = [128, 8], strides = [1, 1]} : vector<128x200xi32> to vector<128x8xi32>
    %broadcast_in_dim3A_32 = vector.shape_cast %slice3A_31 : vector<128x8xi32> to vector<128x8x1xi32>
    %broadcast_in_dim3A_33 = vector.shape_cast %get3A_1 : vector<128x200xi32> to vector<128x1x200xi32>
    %eq3A_34 = vector.broadcast %broadcast_in_dim3A_32 : vector<128x8x1xi32> to vector<128x8x200xi32>
    %eq3A_35 = vector.broadcast %broadcast_in_dim3A_33 : vector<128x1x200xi32> to vector<128x8x200xi32>
    %eq3A_36 = arith.cmpi eq, %eq3A_34, %eq3A_35 : vector<128x8x200xi32>
    %convert_element_type3A_37 = arith.extui %eq3A_36 : vector<128x8x200xi1> to vector<128x8x200xi32>
    %convert_element_type3A_38 = arith.sitofp %convert_element_type3A_37 : vector<128x8x200xi32> to vector<128x8x200xf32>
    %reduce_sum3A_39 = arith.constant dense<0.000000e+00> : vector<128x200xf32>
    %reduce_sum3A_40 = vector.multi_reduction <add>, %convert_element_type3A_38, %reduce_sum3A_39 [1] : vector<128x8x200xf32> to vector<128x200xf32>
    %add3A_41 = arith.addf %add3A_30, %reduce_sum3A_40 : vector<128x200xf32>
    %slice3A_42 = vector.extract_strided_slice %get3A_1 {offsets = [0, 32], sizes = [128, 8], strides = [1, 1]} : vector<128x200xi32> to vector<128x8xi32>
    %broadcast_in_dim3A_43 = vector.shape_cast %slice3A_42 : vector<128x8xi32> to vector<128x8x1xi32>
    %broadcast_in_dim3A_44 = vector.shape_cast %get3A_1 : vector<128x200xi32> to vector<128x1x200xi32>
    %eq3A_45 = vector.broadcast %broadcast_in_dim3A_43 : vector<128x8x1xi32> to vector<128x8x200xi32>
    %eq3A_46 = vector.broadcast %broadcast_in_dim3A_44 : vector<128x1x200xi32> to vector<128x8x200xi32>
    %eq3A_47 = arith.cmpi eq, %eq3A_45, %eq3A_46 : vector<128x8x200xi32>
    %convert_element_type3A_48 = arith.extui %eq3A_47 : vector<128x8x200xi1> to vector<128x8x200xi32>
    %convert_element_type3A_49 = arith.sitofp %convert_element_type3A_48 : vector<128x8x200xi32> to vector<128x8x200xf32>
    %reduce_sum3A_50 = arith.constant dense<0.000000e+00> : vector<128x200xf32>
    %reduce_sum3A_51 = vector.multi_reduction <add>, %convert_element_type3A_49, %reduce_sum3A_50 [1] : vector<128x8x200xf32> to vector<128x200xf32>
    %add3A_52 = arith.addf %add3A_41, %reduce_sum3A_51 : vector<128x200xf32>
    %slice3A_53 = vector.extract_strided_slice %get3A_1 {offsets = [0, 40], sizes = [128, 8], strides = [1, 1]} : vector<128x200xi32> to vector<128x8xi32>
    %broadcast_in_dim3A_54 = vector.shape_cast %slice3A_53 : vector<128x8xi32> to vector<128x8x1xi32>
    %broadcast_in_dim3A_55 = vector.shape_cast %get3A_1 : vector<128x200xi32> to vector<128x1x200xi32>
    %eq3A_56 = vector.broadcast %broadcast_in_dim3A_54 : vector<128x8x1xi32> to vector<128x8x200xi32>
    %eq3A_57 = vector.broadcast %broadcast_in_dim3A_55 : vector<128x1x200xi32> to vector<128x8x200xi32>
    %eq3A_58 = arith.cmpi eq, %eq3A_56, %eq3A_57 : vector<128x8x200xi32>
    %convert_element_type3A_59 = arith.extui %eq3A_58 : vector<128x8x200xi1> to vector<128x8x200xi32>
    %convert_element_type3A_60 = arith.sitofp %convert_element_type3A_59 : vector<128x8x200xi32> to vector<128x8x200xf32>
    %reduce_sum3A_61 = arith.constant dense<0.000000e+00> : vector<128x200xf32>
    %reduce_sum3A_62 = vector.multi_reduction <add>, %convert_element_type3A_60, %reduce_sum3A_61 [1] : vector<128x8x200xf32> to vector<128x200xf32>
    %add3A_63 = arith.addf %add3A_52, %reduce_sum3A_62 : vector<128x200xf32>
    %slice3A_64 = vector.extract_strided_slice %get3A_1 {offsets = [0, 48], sizes = [128, 8], strides = [1, 1]} : vector<128x200xi32> to vector<128x8xi32>
    %broadcast_in_dim3A_65 = vector.shape_cast %slice3A_64 : vector<128x8xi32> to vector<128x8x1xi32>
    %broadcast_in_dim3A_66 = vector.shape_cast %get3A_1 : vector<128x200xi32> to vector<128x1x200xi32>
    %eq3A_67 = vector.broadcast %broadcast_in_dim3A_65 : vector<128x8x1xi32> to vector<128x8x200xi32>
    %eq3A_68 = vector.broadcast %broadcast_in_dim3A_66 : vector<128x1x200xi32> to vector<128x8x200xi32>
    %eq3A_69 = arith.cmpi eq, %eq3A_67, %eq3A_68 : vector<128x8x200xi32>
    %convert_element_type3A_70 = arith.extui %eq3A_69 : vector<128x8x200xi1> to vector<128x8x200xi32>
    %convert_element_type3A_71 = arith.sitofp %convert_element_type3A_70 : vector<128x8x200xi32> to vector<128x8x200xf32>
    %reduce_sum3A_72 = arith.constant dense<0.000000e+00> : vector<128x200xf32>
    %reduce_sum3A_73 = vector.multi_reduction <add>, %convert_element_type3A_71, %reduce_sum3A_72 [1] : vector<128x8x200xf32> to vector<128x200xf32>
    %add3A_74 = arith.addf %add3A_63, %reduce_sum3A_73 : vector<128x200xf32>
    %slice3A_75 = vector.extract_strided_slice %get3A_1 {offsets = [0, 56], sizes = [128, 8], strides = [1, 1]} : vector<128x200xi32> to vector<128x8xi32>
    %broadcast_in_dim3A_76 = vector.shape_cast %slice3A_75 : vector<128x8xi32> to vector<128x8x1xi32>
    %broadcast_in_dim3A_77 = vector.shape_cast %get3A_1 : vector<128x200xi32> to vector<128x1x200xi32>
    %eq3A_78 = vector.broadcast %broadcast_in_dim3A_76 : vector<128x8x1xi32> to vector<128x8x200xi32>
    %eq3A_79 = vector.broadcast %broadcast_in_dim3A_77 : vector<128x1x200xi32> to vector<128x8x200xi32>
    %eq3A_80 = arith.cmpi eq, %eq3A_78, %eq3A_79 : vector<128x8x200xi32>
    %convert_element_type3A_81 = arith.extui %eq3A_80 : vector<128x8x200xi1> to vector<128x8x200xi32>
    %convert_element_type3A_82 = arith.sitofp %convert_element_type3A_81 : vector<128x8x200xi32> to vector<128x8x200xf32>
    %reduce_sum3A_83 = arith.constant dense<0.000000e+00> : vector<128x200xf32>
    %reduce_sum3A_84 = vector.multi_reduction <add>, %convert_element_type3A_82, %reduce_sum3A_83 [1] : vector<128x8x200xf32> to vector<128x200xf32>
    %add3A_85 = arith.addf %add3A_74, %reduce_sum3A_84 : vector<128x200xf32>
    %slice3A_86 = vector.extract_strided_slice %get3A_1 {offsets = [0, 64], sizes = [128, 8], strides = [1, 1]} : vector<128x200xi32> to vector<128x8xi32>
    %broadcast_in_dim3A_87 = vector.shape_cast %slice3A_86 : vector<128x8xi32> to vector<128x8x1xi32>
    %broadcast_in_dim3A_88 = vector.shape_cast %get3A_1 : vector<128x200xi32> to vector<128x1x200xi32>
    %eq3A_89 = vector.broadcast %broadcast_in_dim3A_87 : vector<128x8x1xi32> to vector<128x8x200xi32>
    %eq3A_90 = vector.broadcast %broadcast_in_dim3A_88 : vector<128x1x200xi32> to vector<128x8x200xi32>
    %eq3A_91 = arith.cmpi eq, %eq3A_89, %eq3A_90 : vector<128x8x200xi32>
    %convert_element_type3A_92 = arith.extui %eq3A_91 : vector<128x8x200xi1> to vector<128x8x200xi32>
    %convert_element_type3A_93 = arith.sitofp %convert_element_type3A_92 : vector<128x8x200xi32> to vector<128x8x200xf32>
    %reduce_sum3A_94 = arith.constant dense<0.000000e+00> : vector<128x200xf32>
    %reduce_sum3A_95 = vector.multi_reduction <add>, %convert_element_type3A_93, %reduce_sum3A_94 [1] : vector<128x8x200xf32> to vector<128x200xf32>
    %add3A_96 = arith.addf %add3A_85, %reduce_sum3A_95 : vector<128x200xf32>
    %slice3A_97 = vector.extract_strided_slice %get3A_1 {offsets = [0, 72], sizes = [128, 8], strides = [1, 1]} : vector<128x200xi32> to vector<128x8xi32>
    %broadcast_in_dim3A_98 = vector.shape_cast %slice3A_97 : vector<128x8xi32> to vector<128x8x1xi32>
    %broadcast_in_dim3A_99 = vector.shape_cast %get3A_1 : vector<128x200xi32> to vector<128x1x200xi32>
    %eq3A_100 = vector.broadcast %broadcast_in_dim3A_98 : vector<128x8x1xi32> to vector<128x8x200xi32>
    %eq3A_101 = vector.broadcast %broadcast_in_dim3A_99 : vector<128x1x200xi32> to vector<128x8x200xi32>
    %eq3A_102 = arith.cmpi eq, %eq3A_100, %eq3A_101 : vector<128x8x200xi32>
    %convert_element_type3A_103 = arith.extui %eq3A_102 : vector<128x8x200xi1> to vector<128x8x200xi32>
    %convert_element_type3A_104 = arith.sitofp %convert_element_type3A_103 : vector<128x8x200xi32> to vector<128x8x200xf32>
    %reduce_sum3A_105 = arith.constant dense<0.000000e+00> : vector<128x200xf32>
    %reduce_sum3A_106 = vector.multi_reduction <add>, %convert_element_type3A_104, %reduce_sum3A_105 [1] : vector<128x8x200xf32> to vector<128x200xf32>
    %add3A_107 = arith.addf %add3A_96, %reduce_sum3A_106 : vector<128x200xf32>
    %slice3A_108 = vector.extract_strided_slice %get3A_1 {offsets = [0, 80], sizes = [128, 8], strides = [1, 1]} : vector<128x200xi32> to vector<128x8xi32>
    %broadcast_in_dim3A_109 = vector.shape_cast %slice3A_108 : vector<128x8xi32> to vector<128x8x1xi32>
    %broadcast_in_dim3A_110 = vector.shape_cast %get3A_1 : vector<128x200xi32> to vector<128x1x200xi32>
    %eq3A_111 = vector.broadcast %broadcast_in_dim3A_109 : vector<128x8x1xi32> to vector<128x8x200xi32>
    %eq3A_112 = vector.broadcast %broadcast_in_dim3A_110 : vector<128x1x200xi32> to vector<128x8x200xi32>
    %eq3A_113 = arith.cmpi eq, %eq3A_111, %eq3A_112 : vector<128x8x200xi32>
    %convert_element_type3A_114 = arith.extui %eq3A_113 : vector<128x8x200xi1> to vector<128x8x200xi32>
    %convert_element_type3A_115 = arith.sitofp %convert_element_type3A_114 : vector<128x8x200xi32> to vector<128x8x200xf32>
    %reduce_sum3A_116 = arith.constant dense<0.000000e+00> : vector<128x200xf32>
    %reduce_sum3A_117 = vector.multi_reduction <add>, %convert_element_type3A_115, %reduce_sum3A_116 [1] : vector<128x8x200xf32> to vector<128x200xf32>
    %add3A_118 = arith.addf %add3A_107, %reduce_sum3A_117 : vector<128x200xf32>
    %slice3A_119 = vector.extract_strided_slice %get3A_1 {offsets = [0, 88], sizes = [128, 8], strides = [1, 1]} : vector<128x200xi32> to vector<128x8xi32>
    %broadcast_in_dim3A_120 = vector.shape_cast %slice3A_119 : vector<128x8xi32> to vector<128x8x1xi32>
    %broadcast_in_dim3A_121 = vector.shape_cast %get3A_1 : vector<128x200xi32> to vector<128x1x200xi32>
    %eq3A_122 = vector.broadcast %broadcast_in_dim3A_120 : vector<128x8x1xi32> to vector<128x8x200xi32>
    %eq3A_123 = vector.broadcast %broadcast_in_dim3A_121 : vector<128x1x200xi32> to vector<128x8x200xi32>
    %eq3A_124 = arith.cmpi eq, %eq3A_122, %eq3A_123 : vector<128x8x200xi32>
    %convert_element_type3A_125 = arith.extui %eq3A_124 : vector<128x8x200xi1> to vector<128x8x200xi32>
    %convert_element_type3A_126 = arith.sitofp %convert_element_type3A_125 : vector<128x8x200xi32> to vector<128x8x200xf32>
    %reduce_sum3A_127 = arith.constant dense<0.000000e+00> : vector<128x200xf32>
    %reduce_sum3A_128 = vector.multi_reduction <add>, %convert_element_type3A_126, %reduce_sum3A_127 [1] : vector<128x8x200xf32> to vector<128x200xf32>
    %add3A_129 = arith.addf %add3A_118, %reduce_sum3A_128 : vector<128x200xf32>
    %slice3A_130 = vector.extract_strided_slice %get3A_1 {offsets = [0, 96], sizes = [128, 8], strides = [1, 1]} : vector<128x200xi32> to vector<128x8xi32>
    %broadcast_in_dim3A_131 = vector.shape_cast %slice3A_130 : vector<128x8xi32> to vector<128x8x1xi32>
    %broadcast_in_dim3A_132 = vector.shape_cast %get3A_1 : vector<128x200xi32> to vector<128x1x200xi32>
    %eq3A_133 = vector.broadcast %broadcast_in_dim3A_131 : vector<128x8x1xi32> to vector<128x8x200xi32>
    %eq3A_134 = vector.broadcast %broadcast_in_dim3A_132 : vector<128x1x200xi32> to vector<128x8x200xi32>
    %eq3A_135 = arith.cmpi eq, %eq3A_133, %eq3A_134 : vector<128x8x200xi32>
    %convert_element_type3A_136 = arith.extui %eq3A_135 : vector<128x8x200xi1> to vector<128x8x200xi32>
    %convert_element_type3A_137 = arith.sitofp %convert_element_type3A_136 : vector<128x8x200xi32> to vector<128x8x200xf32>
    %reduce_sum3A_138 = arith.constant dense<0.000000e+00> : vector<128x200xf32>
    %reduce_sum3A_139 = vector.multi_reduction <add>, %convert_element_type3A_137, %reduce_sum3A_138 [1] : vector<128x8x200xf32> to vector<128x200xf32>
    %add3A_140 = arith.addf %add3A_129, %reduce_sum3A_139 : vector<128x200xf32>
    %slice3A_141 = vector.extract_strided_slice %get3A_1 {offsets = [0, 104], sizes = [128, 8], strides = [1, 1]} : vector<128x200xi32> to vector<128x8xi32>
    %broadcast_in_dim3A_142 = vector.shape_cast %slice3A_141 : vector<128x8xi32> to vector<128x8x1xi32>
    %broadcast_in_dim3A_143 = vector.shape_cast %get3A_1 : vector<128x200xi32> to vector<128x1x200xi32>
    %eq3A_144 = vector.broadcast %broadcast_in_dim3A_142 : vector<128x8x1xi32> to vector<128x8x200xi32>
    %eq3A_145 = vector.broadcast %broadcast_in_dim3A_143 : vector<128x1x200xi32> to vector<128x8x200xi32>
    %eq3A_146 = arith.cmpi eq, %eq3A_144, %eq3A_145 : vector<128x8x200xi32>
    %convert_element_type3A_147 = arith.extui %eq3A_146 : vector<128x8x200xi1> to vector<128x8x200xi32>
    %convert_element_type3A_148 = arith.sitofp %convert_element_type3A_147 : vector<128x8x200xi32> to vector<128x8x200xf32>
    %reduce_sum3A_149 = arith.constant dense<0.000000e+00> : vector<128x200xf32>
    %reduce_sum3A_150 = vector.multi_reduction <add>, %convert_element_type3A_148, %reduce_sum3A_149 [1] : vector<128x8x200xf32> to vector<128x200xf32>
    %add3A_151 = arith.addf %add3A_140, %reduce_sum3A_150 : vector<128x200xf32>
    %slice3A_152 = vector.extract_strided_slice %get3A_1 {offsets = [0, 112], sizes = [128, 8], strides = [1, 1]} : vector<128x200xi32> to vector<128x8xi32>
    %broadcast_in_dim3A_153 = vector.shape_cast %slice3A_152 : vector<128x8xi32> to vector<128x8x1xi32>
    %broadcast_in_dim3A_154 = vector.shape_cast %get3A_1 : vector<128x200xi32> to vector<128x1x200xi32>
    %eq3A_155 = vector.broadcast %broadcast_in_dim3A_153 : vector<128x8x1xi32> to vector<128x8x200xi32>
    %eq3A_156 = vector.broadcast %broadcast_in_dim3A_154 : vector<128x1x200xi32> to vector<128x8x200xi32>
    %eq3A_157 = arith.cmpi eq, %eq3A_155, %eq3A_156 : vector<128x8x200xi32>
    %convert_element_type3A_158 = arith.extui %eq3A_157 : vector<128x8x200xi1> to vector<128x8x200xi32>
    %convert_element_type3A_159 = arith.sitofp %convert_element_type3A_158 : vector<128x8x200xi32> to vector<128x8x200xf32>
    %reduce_sum3A_160 = arith.constant dense<0.000000e+00> : vector<128x200xf32>
    %reduce_sum3A_161 = vector.multi_reduction <add>, %convert_element_type3A_159, %reduce_sum3A_160 [1] : vector<128x8x200xf32> to vector<128x200xf32>
    %add3A_162 = arith.addf %add3A_151, %reduce_sum3A_161 : vector<128x200xf32>
    %slice3A_163 = vector.extract_strided_slice %get3A_1 {offsets = [0, 120], sizes = [128, 8], strides = [1, 1]} : vector<128x200xi32> to vector<128x8xi32>
    %broadcast_in_dim3A_164 = vector.shape_cast %slice3A_163 : vector<128x8xi32> to vector<128x8x1xi32>
    %broadcast_in_dim3A_165 = vector.shape_cast %get3A_1 : vector<128x200xi32> to vector<128x1x200xi32>
    %eq3A_166 = vector.broadcast %broadcast_in_dim3A_164 : vector<128x8x1xi32> to vector<128x8x200xi32>
    %eq3A_167 = vector.broadcast %broadcast_in_dim3A_165 : vector<128x1x200xi32> to vector<128x8x200xi32>
    %eq3A_168 = arith.cmpi eq, %eq3A_166, %eq3A_167 : vector<128x8x200xi32>
    %convert_element_type3A_169 = arith.extui %eq3A_168 : vector<128x8x200xi1> to vector<128x8x200xi32>
    %convert_element_type3A_170 = arith.sitofp %convert_element_type3A_169 : vector<128x8x200xi32> to vector<128x8x200xf32>
    %reduce_sum3A_171 = arith.constant dense<0.000000e+00> : vector<128x200xf32>
    %reduce_sum3A_172 = vector.multi_reduction <add>, %convert_element_type3A_170, %reduce_sum3A_171 [1] : vector<128x8x200xf32> to vector<128x200xf32>
    %add3A_173 = arith.addf %add3A_162, %reduce_sum3A_172 : vector<128x200xf32>
    %slice3A_174 = vector.extract_strided_slice %get3A_1 {offsets = [0, 128], sizes = [128, 8], strides = [1, 1]} : vector<128x200xi32> to vector<128x8xi32>
    %broadcast_in_dim3A_175 = vector.shape_cast %slice3A_174 : vector<128x8xi32> to vector<128x8x1xi32>
    %broadcast_in_dim3A_176 = vector.shape_cast %get3A_1 : vector<128x200xi32> to vector<128x1x200xi32>
    %eq3A_177 = vector.broadcast %broadcast_in_dim3A_175 : vector<128x8x1xi32> to vector<128x8x200xi32>
    %eq3A_178 = vector.broadcast %broadcast_in_dim3A_176 : vector<128x1x200xi32> to vector<128x8x200xi32>
    %eq3A_179 = arith.cmpi eq, %eq3A_177, %eq3A_178 : vector<128x8x200xi32>
    %convert_element_type3A_180 = arith.extui %eq3A_179 : vector<128x8x200xi1> to vector<128x8x200xi32>
    %convert_element_type3A_181 = arith.sitofp %convert_element_type3A_180 : vector<128x8x200xi32> to vector<128x8x200xf32>
    %reduce_sum3A_182 = arith.constant dense<0.000000e+00> : vector<128x200xf32>
    %reduce_sum3A_183 = vector.multi_reduction <add>, %convert_element_type3A_181, %reduce_sum3A_182 [1] : vector<128x8x200xf32> to vector<128x200xf32>
    %add3A_184 = arith.addf %add3A_173, %reduce_sum3A_183 : vector<128x200xf32>
    %slice3A_185 = vector.extract_strided_slice %get3A_1 {offsets = [0, 136], sizes = [128, 8], strides = [1, 1]} : vector<128x200xi32> to vector<128x8xi32>
    %broadcast_in_dim3A_186 = vector.shape_cast %slice3A_185 : vector<128x8xi32> to vector<128x8x1xi32>
    %broadcast_in_dim3A_187 = vector.shape_cast %get3A_1 : vector<128x200xi32> to vector<128x1x200xi32>
    %eq3A_188 = vector.broadcast %broadcast_in_dim3A_186 : vector<128x8x1xi32> to vector<128x8x200xi32>
    %eq3A_189 = vector.broadcast %broadcast_in_dim3A_187 : vector<128x1x200xi32> to vector<128x8x200xi32>
    %eq3A_190 = arith.cmpi eq, %eq3A_188, %eq3A_189 : vector<128x8x200xi32>
    %convert_element_type3A_191 = arith.extui %eq3A_190 : vector<128x8x200xi1> to vector<128x8x200xi32>
    %convert_element_type3A_192 = arith.sitofp %convert_element_type3A_191 : vector<128x8x200xi32> to vector<128x8x200xf32>
    %reduce_sum3A_193 = arith.constant dense<0.000000e+00> : vector<128x200xf32>
    %reduce_sum3A_194 = vector.multi_reduction <add>, %convert_element_type3A_192, %reduce_sum3A_193 [1] : vector<128x8x200xf32> to vector<128x200xf32>
    %add3A_195 = arith.addf %add3A_184, %reduce_sum3A_194 : vector<128x200xf32>
    %slice3A_196 = vector.extract_strided_slice %get3A_1 {offsets = [0, 144], sizes = [128, 8], strides = [1, 1]} : vector<128x200xi32> to vector<128x8xi32>
    %broadcast_in_dim3A_197 = vector.shape_cast %slice3A_196 : vector<128x8xi32> to vector<128x8x1xi32>
    %broadcast_in_dim3A_198 = vector.shape_cast %get3A_1 : vector<128x200xi32> to vector<128x1x200xi32>
    %eq3A_199 = vector.broadcast %broadcast_in_dim3A_197 : vector<128x8x1xi32> to vector<128x8x200xi32>
    %eq3A_200 = vector.broadcast %broadcast_in_dim3A_198 : vector<128x1x200xi32> to vector<128x8x200xi32>
    %eq3A_201 = arith.cmpi eq, %eq3A_199, %eq3A_200 : vector<128x8x200xi32>
    %convert_element_type3A_202 = arith.extui %eq3A_201 : vector<128x8x200xi1> to vector<128x8x200xi32>
    %convert_element_type3A_203 = arith.sitofp %convert_element_type3A_202 : vector<128x8x200xi32> to vector<128x8x200xf32>
    %reduce_sum3A_204 = arith.constant dense<0.000000e+00> : vector<128x200xf32>
    %reduce_sum3A_205 = vector.multi_reduction <add>, %convert_element_type3A_203, %reduce_sum3A_204 [1] : vector<128x8x200xf32> to vector<128x200xf32>
    %add3A_206 = arith.addf %add3A_195, %reduce_sum3A_205 : vector<128x200xf32>
    %slice3A_207 = vector.extract_strided_slice %get3A_1 {offsets = [0, 152], sizes = [128, 8], strides = [1, 1]} : vector<128x200xi32> to vector<128x8xi32>
    %broadcast_in_dim3A_208 = vector.shape_cast %slice3A_207 : vector<128x8xi32> to vector<128x8x1xi32>
    %broadcast_in_dim3A_209 = vector.shape_cast %get3A_1 : vector<128x200xi32> to vector<128x1x200xi32>
    %eq3A_210 = vector.broadcast %broadcast_in_dim3A_208 : vector<128x8x1xi32> to vector<128x8x200xi32>
    %eq3A_211 = vector.broadcast %broadcast_in_dim3A_209 : vector<128x1x200xi32> to vector<128x8x200xi32>
    %eq3A_212 = arith.cmpi eq, %eq3A_210, %eq3A_211 : vector<128x8x200xi32>
    %convert_element_type3A_213 = arith.extui %eq3A_212 : vector<128x8x200xi1> to vector<128x8x200xi32>
    %convert_element_type3A_214 = arith.sitofp %convert_element_type3A_213 : vector<128x8x200xi32> to vector<128x8x200xf32>
    %reduce_sum3A_215 = arith.constant dense<0.000000e+00> : vector<128x200xf32>
    %reduce_sum3A_216 = vector.multi_reduction <add>, %convert_element_type3A_214, %reduce_sum3A_215 [1] : vector<128x8x200xf32> to vector<128x200xf32>
    %add3A_217 = arith.addf %add3A_206, %reduce_sum3A_216 : vector<128x200xf32>
    %slice3A_218 = vector.extract_strided_slice %get3A_1 {offsets = [0, 160], sizes = [128, 8], strides = [1, 1]} : vector<128x200xi32> to vector<128x8xi32>
    %broadcast_in_dim3A_219 = vector.shape_cast %slice3A_218 : vector<128x8xi32> to vector<128x8x1xi32>
    %broadcast_in_dim3A_220 = vector.shape_cast %get3A_1 : vector<128x200xi32> to vector<128x1x200xi32>
    %eq3A_221 = vector.broadcast %broadcast_in_dim3A_219 : vector<128x8x1xi32> to vector<128x8x200xi32>
    %eq3A_222 = vector.broadcast %broadcast_in_dim3A_220 : vector<128x1x200xi32> to vector<128x8x200xi32>
    %eq3A_223 = arith.cmpi eq, %eq3A_221, %eq3A_222 : vector<128x8x200xi32>
    %convert_element_type3A_224 = arith.extui %eq3A_223 : vector<128x8x200xi1> to vector<128x8x200xi32>
    %convert_element_type3A_225 = arith.sitofp %convert_element_type3A_224 : vector<128x8x200xi32> to vector<128x8x200xf32>
    %reduce_sum3A_226 = arith.constant dense<0.000000e+00> : vector<128x200xf32>
    %reduce_sum3A_227 = vector.multi_reduction <add>, %convert_element_type3A_225, %reduce_sum3A_226 [1] : vector<128x8x200xf32> to vector<128x200xf32>
    %add3A_228 = arith.addf %add3A_217, %reduce_sum3A_227 : vector<128x200xf32>
    %slice3A_229 = vector.extract_strided_slice %get3A_1 {offsets = [0, 168], sizes = [128, 8], strides = [1, 1]} : vector<128x200xi32> to vector<128x8xi32>
    %broadcast_in_dim3A_230 = vector.shape_cast %slice3A_229 : vector<128x8xi32> to vector<128x8x1xi32>
    %broadcast_in_dim3A_231 = vector.shape_cast %get3A_1 : vector<128x200xi32> to vector<128x1x200xi32>
    %eq3A_232 = vector.broadcast %broadcast_in_dim3A_230 : vector<128x8x1xi32> to vector<128x8x200xi32>
    %eq3A_233 = vector.broadcast %broadcast_in_dim3A_231 : vector<128x1x200xi32> to vector<128x8x200xi32>
    %eq3A_234 = arith.cmpi eq, %eq3A_232, %eq3A_233 : vector<128x8x200xi32>
    %convert_element_type3A_235 = arith.extui %eq3A_234 : vector<128x8x200xi1> to vector<128x8x200xi32>
    %convert_element_type3A_236 = arith.sitofp %convert_element_type3A_235 : vector<128x8x200xi32> to vector<128x8x200xf32>
    %reduce_sum3A_237 = arith.constant dense<0.000000e+00> : vector<128x200xf32>
    %reduce_sum3A_238 = vector.multi_reduction <add>, %convert_element_type3A_236, %reduce_sum3A_237 [1] : vector<128x8x200xf32> to vector<128x200xf32>
    %add3A_239 = arith.addf %add3A_228, %reduce_sum3A_238 : vector<128x200xf32>
    %slice3A_240 = vector.extract_strided_slice %get3A_1 {offsets = [0, 176], sizes = [128, 8], strides = [1, 1]} : vector<128x200xi32> to vector<128x8xi32>
    %broadcast_in_dim3A_241 = vector.shape_cast %slice3A_240 : vector<128x8xi32> to vector<128x8x1xi32>
    %broadcast_in_dim3A_242 = vector.shape_cast %get3A_1 : vector<128x200xi32> to vector<128x1x200xi32>
    %eq3A_243 = vector.broadcast %broadcast_in_dim3A_241 : vector<128x8x1xi32> to vector<128x8x200xi32>
    %eq3A_244 = vector.broadcast %broadcast_in_dim3A_242 : vector<128x1x200xi32> to vector<128x8x200xi32>
    %eq3A_245 = arith.cmpi eq, %eq3A_243, %eq3A_244 : vector<128x8x200xi32>
    %convert_element_type3A_246 = arith.extui %eq3A_245 : vector<128x8x200xi1> to vector<128x8x200xi32>
    %convert_element_type3A_247 = arith.sitofp %convert_element_type3A_246 : vector<128x8x200xi32> to vector<128x8x200xf32>
    %reduce_sum3A_248 = arith.constant dense<0.000000e+00> : vector<128x200xf32>
    %reduce_sum3A_249 = vector.multi_reduction <add>, %convert_element_type3A_247, %reduce_sum3A_248 [1] : vector<128x8x200xf32> to vector<128x200xf32>
    %add3A_250 = arith.addf %add3A_239, %reduce_sum3A_249 : vector<128x200xf32>
    %slice3A_251 = vector.extract_strided_slice %get3A_1 {offsets = [0, 184], sizes = [128, 8], strides = [1, 1]} : vector<128x200xi32> to vector<128x8xi32>
    %broadcast_in_dim3A_252 = vector.shape_cast %slice3A_251 : vector<128x8xi32> to vector<128x8x1xi32>
    %broadcast_in_dim3A_253 = vector.shape_cast %get3A_1 : vector<128x200xi32> to vector<128x1x200xi32>
    %eq3A_254 = vector.broadcast %broadcast_in_dim3A_252 : vector<128x8x1xi32> to vector<128x8x200xi32>
    %eq3A_255 = vector.broadcast %broadcast_in_dim3A_253 : vector<128x1x200xi32> to vector<128x8x200xi32>
    %eq3A_256 = arith.cmpi eq, %eq3A_254, %eq3A_255 : vector<128x8x200xi32>
    %convert_element_type3A_257 = arith.extui %eq3A_256 : vector<128x8x200xi1> to vector<128x8x200xi32>
    %convert_element_type3A_258 = arith.sitofp %convert_element_type3A_257 : vector<128x8x200xi32> to vector<128x8x200xf32>
    %reduce_sum3A_259 = arith.constant dense<0.000000e+00> : vector<128x200xf32>
    %reduce_sum3A_260 = vector.multi_reduction <add>, %convert_element_type3A_258, %reduce_sum3A_259 [1] : vector<128x8x200xf32> to vector<128x200xf32>
    %add3A_261 = arith.addf %add3A_250, %reduce_sum3A_260 : vector<128x200xf32>
    %slice3A_262 = vector.extract_strided_slice %get3A_1 {offsets = [0, 192], sizes = [128, 8], strides = [1, 1]} : vector<128x200xi32> to vector<128x8xi32>
    %broadcast_in_dim3A_263 = vector.shape_cast %slice3A_262 : vector<128x8xi32> to vector<128x8x1xi32>
    %broadcast_in_dim3A_264 = vector.shape_cast %get3A_1 : vector<128x200xi32> to vector<128x1x200xi32>
    %eq3A_265 = vector.broadcast %broadcast_in_dim3A_263 : vector<128x8x1xi32> to vector<128x8x200xi32>
    %eq3A_266 = vector.broadcast %broadcast_in_dim3A_264 : vector<128x1x200xi32> to vector<128x8x200xi32>
    %eq3A_267 = arith.cmpi eq, %eq3A_265, %eq3A_266 : vector<128x8x200xi32>
    %convert_element_type3A_268 = arith.extui %eq3A_267 : vector<128x8x200xi1> to vector<128x8x200xi32>
    %convert_element_type3A_269 = arith.sitofp %convert_element_type3A_268 : vector<128x8x200xi32> to vector<128x8x200xf32>
    %reduce_sum3A_270 = arith.constant dense<0.000000e+00> : vector<128x200xf32>
    %reduce_sum3A_271 = vector.multi_reduction <add>, %convert_element_type3A_269, %reduce_sum3A_270 [1] : vector<128x8x200xf32> to vector<128x200xf32>
    %add3A_272 = arith.addf %add3A_261, %reduce_sum3A_271 : vector<128x200xf32>
    %ge3A = arith.constant 99999 : i32
    %ge3A_273 = vector.broadcast %ge3A : i32 to vector<128x200xi32>
    %ge3A_274 = arith.cmpi sge, %get3A_1, %ge3A_273 : vector<128x200xi32>
    %jit3A = arith.constant 0.000000e+00 : f32
    %broadcast_in_dim3A_275 = vector.broadcast %jit3A : f32 to vector<128x200xf32>
    %select_n3A = arith.select %ge3A_274, %broadcast_in_dim3A_275, %add3A_272 : vector<128x200xi1>, vector<128x200xf32>
    %swap3A = arith.constant 0 : index
    %swap3A_276 = arith.constant 0 : index
    %swap3A_277 = vector.load %arg1[%swap3A, %swap3A_276] : memref<128x256xf32, #tpu.memory_space<vmem>>, vector<128x200xf32>
    tpu.vector_store %arg1[%swap3A, %swap3A_276], %select_n3A {strides = array<i32>} : memref<128x256xf32, #tpu.memory_space<vmem>>, vector<128x200xf32>,
    %broadcast_in_dim3A_278 = arith.constant 0.000000e+00 : f32
    %broadcast_in_dim3A_279 = vector.broadcast %broadcast_in_dim3A_278 : f32 to vector<128x56xf32>
    %swap3A_280 = arith.constant 0 : index
    %swap3A_281 = arith.constant 200 : index
    %swap3A_282 = vector.load %arg1[%swap3A_280, %swap3A_281] : memref<128x256xf32, #tpu.memory_space<vmem>>, vector<128x56xf32>
    tpu.vector_store %arg1[%swap3A_280, %swap3A_281], %broadcast_in_dim3A_279 {strides = array<i32>} : memref<128x256xf32, #tpu.memory_space<vmem>>, vector<128x56xf32>,
    return
  }
}

module attributes {stable_mosaic.version = 14 : i64} {
  func.func @_transpose_body(%arg0: i32, %arg1: memref<2048x128xf32, #tpu.memory_space<vmem>>, %arg2: memref<128x2048xf32, #tpu.memory_space<vmem>>) attributes {dimension_semantics = [#tpu.dimension_semantics<arbitrary>], iteration_bounds = array<i64: 49>, scalar_prefetch = 0 : i64, scratch_operands = 0 : i64, tpu.core_type = #tpu.core_type<tc>, window_params = [{transform_indices = @transform_0, window_bounds = array<i64: 2048, 128>}, {transform_indices = @transform_1, window_bounds = array<i64: 128, 2048>}]} {
    %get3A = arith.constant 0 : index
    %get3A_0 = arith.constant 0 : index
    %get3A_1 = vector.load %arg1[%get3A, %get3A_0] : memref<2048x128xf32, #tpu.memory_space<vmem>>, vector<2048x128xf32>
    %transpose3A = tpu.transpose %get3A_1, [1, 0] : vector<2048x128xf32> -> vector<128x2048xf32>
    %swap3A = arith.constant 0 : index
    %swap3A_2 = arith.constant 0 : index
    %swap3A_3 = vector.load %arg2[%swap3A, %swap3A_2] : memref<128x2048xf32, #tpu.memory_space<vmem>>, vector<128x2048xf32>
    tpu.vector_store %arg2[%swap3A, %swap3A_2], %transpose3A {strides = array<i32>} : memref<128x2048xf32, #tpu.memory_space<vmem>>, vector<128x2048xf32>,
    return
  }
  func.func @transform_0(%arg0: i32) -> (i32, i32) {
    %c0_i32 = arith.constant 0 : i32
    %c0_i32_0 = arith.constant 0 : i32
    return %arg0, %c0_i32 : i32, i32
  }
  func.func @transform_1(%arg0: i32) -> (i32, i32) {
    %c0_i32 = arith.constant 0 : i32
    %c0_i32_0 = arith.constant 0 : i32
    return %c0_i32, %arg0 : i32, i32
  }
}

</mosaic_0001>

<sc_bundles>
// kernel: kernel.5.cloned.1.call-start
scs
__scs_entry_jumppad:
0x0: {  	(pc) =	sbr.rel $0x88, $3  }
0x1: {  	(tag) =	ssettag $0x0;
	lr =	simm.s32 $0x1  }
0x2: {  	[smem:$0x3F9E] =	sst lr;
	_ =	strace $0xD0000000  }
0x3: {  	_ = 	snop  }
0x4: {  	_ = 	snop  }
0x5: {  	_ = 	snop  }
0x6: {  	_ = 	snop  }
0x7: {  	_ = 	snop  }
__scs_overlays_trampoline_lowered:
0x8: {  	[smem:$0x3FAD] =	sst s0  }
0x9: {  	[smem:$0x3FAE] =	sst s1  }
0xa: {  	[smem:$0x3FAF] =	sst s2  }
0xb: {  	[smem:$0x3FB0] =	sst s3  }
0xc: {  	[smem:$0x3FB1] =	sst s4  }
0xd: {  	[smem:$0x3FB2] =	sst s5  }
0xe: {  	[smem:$0x3FB3] =	sst s6  }
0xf: {  	[smem:$0x3FB4] =	sst s7  }
0x10: {  	[smem:$0x3FB5] =	sst s8  }
0x11: {  	[smem:$0x3FB6] =	sst s9;
	s0 =	simm.s32 @!p0 $0x0  }
0x12: {  	s1 =	sld [smem:$0x3F9C];
	s0 =	simm.s32 @p0 $0x1  }
0x13: {  	[smem:$0x3FB7] =	sst s0;
	s0 =	simm.s32 @!p1 $0x0  }
0x14: {  	s2 =	sld [smem:$0x3F9B];
	s0 =	simm.s32 @p1 $0x1  }
0x15: {  	[smem:$0x3FB8] =	sst s0;
	s0 =	simm.s32 @!p2 $0x0  }
0x16: {  	s3 =	sld [smem:$0x3FDB];
	s0 =	simm.s32 @p2 $0x1  }
0x17: {  	s4 =	simm.s32 $0x1BF5;
	[smem:$0x3FBA] =	sst s0  }
0x18: {  	s0 =	sld [smem:$0x3F9D];
	_ =	swait.ge [sflag:s4], $0x0  }
0x19: {  	s7 =	sld [smem:$0x3F9E]  }
0x1a: {  	s8 =	sadd.s32 $0xFFFFE003, lr  }
0x1b: {  	s9 =	sadd.s32 $0xFFFFFEF7, lr;
	s5 =	simm.s32 $0xFFFFFFFF;
	p2 =	slt.u32 s8, $0xFFFFF086  }
0x1c: {  	p1 =	slt.u32 s9, $0xF7A;
	s5 =	simm.s32 @!p2 $0x0  }
0x1d: {  	s5 =	simm.s32 @p1 $0x1;
	p0 =	seq.s32 s7, s2  }
0x1e: {  	s7 =	smul.u32 @!p0 $0xF7A, s2;
	p2 =	seq.s32 @!p0 s5, $0x0  }
0x1f: {  	s9 =	smul.u32 $0xF7A, s1;
	s8 =	simm.s32 @!p0 $0x1BF5;
	p2 =	por !p2, p0  }
0x20: {  	[sflag:s8] =	ssyncset.s32 @!p0 $0xFFFFF086;
	s6 =	sadd.s32 @!p0 s3, s7;
	s7 =	simm.s32 @!p0 $0x108  }
0x21: {  	s3 =	sadd.s32 s3, s9;
	s6 =	sadd.s32 @!p0 $0x88, s6;
	s7 =	simm.s32 @p2 $0x1082  }
0x22: {  	[simem:s7], [sflag:s8] =	dma.local @!p0 [hbm:s6], $0xF7A  }
0x23: {  	s9 =	sor.u32 $0xD0000000, s2;
	s6 =	simm.s32 $0x108;
	_ =	swait.ge @!p0 [sflag:s8], $0x0  }
0x24: {  	s3 =	sadd.s32 $0x88, s3;
	s6 =	simm.s32 @!p1 $0x1082;
	[sflag:s4] =	ssyncset.s32 $0xFFFFF086  }
0x25: {  	[simem:s6], [sflag:s4] =	dma.local [hbm:s3], $0xF7A  }
0x26: {  	[smem:$0x3F9E] =	sst s1;
	(tag) =	ssettag s2;
	_ =	strace s9  }
0x27: {  	s1 =	sld [smem:$0x3FAE]  }
0x28: {  	s2 =	sld [smem:$0x3FAF]  }
0x29: {  	s4 =	sld [smem:$0x3FB1]  }
0x2a: {  	p0 =	seq.s32 s5, $0x0;
	s5 =	sld [smem:$0x3FB2]  }
0x2b: {  	s6 =	sld [smem:$0x3FB3]  }
0x2c: {  	s7 =	sld [smem:$0x3FB4]  }
0x2d: {  	s3 =	simm.s32 $0x108;
	s8 =	sld [smem:$0x3FB5]  }
0x2e: {  	s3 =	simm.s32 @!p0 $0x1082;
	s9 =	sld [smem:$0x3FB6]  }
0x2f: {  	lr =	sadd.s32 s0, s3;
	s0 =	sld [smem:$0x3FAD]  }
0x30: {  	s3 =	sld [smem:$0x3FB0]  }
0x31: {  	[smem:$0x3FB9] =	sst s10  }
0x32: {  	s10 =	sld [smem:$0x3FB7];
	_ =	sdelay $0x3  }
0x33: {  	p0 =	seq.s32 s10, $0x1;
	s10 =	sld [smem:$0x3FB9];
	_ =	sdelay $0x3  }
0x34: {  	[smem:$0x3FB9] =	sst s10  }
0x35: {  	s10 =	sld [smem:$0x3FB8];
	_ =	sdelay $0x3  }
0x36: {  	p1 =	seq.s32 s10, $0x1;
	s10 =	sld [smem:$0x3FB9];
	_ =	sdelay $0x3  }
0x37: {  	[smem:$0x3FB9] =	sst s10  }
0x38: {  	s10 =	sld [smem:$0x3FBA]  }
0x39: {  	_ = 	snop;
	(pc) =	sbr.ind lr, $3  }
0x3a: {  	_ = 	snop  }
0x3b: {  	_ = 	snop  }
0x3c: {  	p2 =	seq.s32 s10, $0x1;
	s10 =	sld [smem:$0x3FB9]  }
0x3d: {  	_ =	shalt  }
0x3e: {  	_ =	shalt  }
0x3f: {  	_ =	shalt  }
0x40: {  	_ =	shalt  }
0x41: {  	_ =	shalt  }
0x42: {  	_ =	shalt  }
0x43: {  	_ =	shalt  }
0x44: {  	_ =	shalt  }
0x45: {  	_ =	shalt  }
0x46: {  	_ =	shalt  }
0x47: {  	_ =	shalt  }
0x48: {  	_ =	shalt  }
0x49: {  	_ =	shalt  }
0x4a: {  	_ =	shalt  }
0x4b: {  	_ =	shalt  }
0x4c: {  	_ =	shalt  }
0x4d: {  	_ =	shalt  }
0x4e: {  	_ =	shalt  }
0x4f: {  	_ =	shalt  }
0x50: {  	_ =	shalt  }
0x51: {  	_ =	shalt  }
0x52: {  	_ =	shalt  }
0x53: {  	_ =	shalt  }
0x54: {  	_ =	shalt  }
0x55: {  	_ =	shalt  }
0x56: {  	_ =	shalt  }
0x57: {  	_ =	shalt  }
0x58: {  	_ =	shalt  }
0x59: {  	_ =	shalt  }
0x5a: {  	_ =	shalt  }
0x5b: {  	_ =	shalt  }
0x5c: {  	_ =	shalt  }
0x5d: {  	_ =	shalt  }
0x5e: {  	_ =	shalt  }
0x5f: {  	_ =	shalt  }
0x60: {  	_ =	shalt  }
0x61: {  	_ =	shalt  }
0x62: {  	_ =	shalt  }
0x63: {  	_ =	shalt  }
0x64: {  	_ =	shalt  }
0x65: {  	_ =	shalt  }
0x66: {  	_ =	shalt  }
0x67: {  	_ =	shalt  }
0x68: {  	_ =	shalt  }
0x69: {  	_ =	shalt  }
0x6a: {  	_ =	shalt  }
0x6b: {  	_ =	shalt  }
0x6c: {  	_ =	shalt  }
0x6d: {  	_ =	shalt  }
0x6e: {  	_ =	shalt  }
0x6f: {  	_ =	shalt  }
0x70: {  	_ =	shalt  }
0x71: {  	_ =	shalt  }
0x72: {  	_ =	shalt  }
0x73: {  	_ =	shalt  }
0x74: {  	_ =	shalt  }
0x75: {  	_ =	shalt  }
0x76: {  	_ =	shalt  }
0x77: {  	_ =	shalt  }
0x78: {  	_ =	shalt  }
0x79: {  	_ =	shalt  }
0x7a: {  	_ =	shalt  }
0x7b: {  	_ =	shalt  }
0x7c: {  	_ =	shalt  }
0x7d: {  	_ =	shalt  }
0x7e: {  	_ =	shalt  }
0x7f: {  	_ =	shalt  }
0x80: {  	_ =	shalt  }
0x81: {  	_ =	shalt  }
0x82: {  	_ =	shalt  }
0x83: {  	_ =	shalt  }
0x84: {  	_ =	shalt  }
0x85: {  	_ =	shalt  }
0x86: {  	_ =	shalt  }
0x87: {  	_ =	shalt  }
.Lfunc_end0:
.L_simem_size_0:
called_computation.1_lowered:
.L_overlay_start_0:
0x88: {  	s2 =	sld [smem:$0x3FD9]  }
0x89: {  	s3 =	sld [smem:$0x3FFE];
	_ =	sdelay $0x1  }
0x8a: {  	s1 =	srdreg.scid  }
0x8b: {  	s0 =	sand.u32 $0x1, s1  }
0x8c: {  	s17 =	sshll.u32 s0, $0xA;
	s2 =	sadd.s32 s3, s2  }
0x8d: {  	s2 =	sadd.s32 s2, s17  }
0x8e: {  	[smem:$0x3FC5] =	sst s2  }
0x8f: {  	_ = 	snop  }
0x90: {  	s2 =	sld [smem:$0x3FC9]  }
0x91: {  	s18 =	sld [smem:$0x3FD0];
	(tm) =	ssettm $0x1  }
0x92: {  	s4 =	sld [smem:$0x3FFB];
	_ =	sdelay $0x3  }
0x93: {  	_ =	strace s4  }
0x94: {  	s4 =	sld [smem:$0x3FFC];
	_ =	sdelay $0x3  }
0x95: {  	_ =	strace s4  }
0x96: {  	s4 =	sld [smem:$0x3FFD];
	_ =	sdelay $0x3  }
0x97: {  	_ =	strace s4  }
0x98: {  	_ =	strace $0x8FFFFFFF  }
0x99: {  	s19 =	sld [smem:$0x3FDB];
	_ =	sdelay $0x1  }
0x9a: {  	s5 =	simm.s32 $_scs_section_size  }
0x9b: {  	s6 =	simm.s32 $_size__tile_overlayer_lowered;
	s7 =	simm.s32 $_tile_overlayer_lowered  }
0x9c: {  	s22 =	simm.s32 $0x1BFF;
	s21 =	sshll.u32 s7, $0x1;
	s4 =	sadd.s32 s5, s19  }
0x9d: {  	s8 =	simm.s32 $0x0;
	s20 =	sshll.u32 s6, $0x1;
	s6 =	sadd.s32 s21, s4  }
0x9e: {  	[timem:s8], [sflag:s22] =	dma.local [hbm:s6], s20  }
0x9f: {  	_ =	swait.ge [sflag:s22], s20  }
0xa0: {  	s5 =	ssub.s32 $0x0, s20;
	[sflag:s22] =	ssyncset.done $0x0  }
0xa1: {  	[sflag:s22] =	ssyncadd.s32 s5;
	_ =	sdelay $0x1  }
0xa2: {  	s23 =	simm.s32 $0x1B8B  }
0xa3: {  	_ =	swait.ge [sflag:s23], $0x1  }
0xa4: {  	[sflag:s23] =	ssyncset.done $0x0  }
0xa5: {  	s25 =	simm.s32 $0x1B8E;
	s24 =	sld [smem:$0x3FFE];
	[sflag:s23] =	ssyncadd.s32 $0xFFFFFFFF  }
0xa6: {  	s26 =	simm.s32 $execute0_lowered;
	[smem:$0x3FD2] =	sst s25  }
0xa7: {  	s6 =	sshll.u32 s26, $0x1;
	_ =	strace $0x80000046;
	[dreg:$0x1] =	wrdreg $0xFFFFFFFF  }
0xa8: {  	s28 =	simm.s32 $_size_execute0_lowered;
	s4 =	sadd.s32 s4, s6;
	[dreg:$0x0] =	wrdreg $0x0  }
0xa9: {  	s6 =	sshll.u32 s28, $0x1;
	[dreg:$0x2] =	wrdreg s4  }
0xaa: {  	[dreg:$0x3] =	wrdreg s6  }
0xab: {  	[dreg:$0x4] =	wrdreg $0xC0  }
0xac: {  	_ =	task [dreg:s8], $0x5FFFF  }
0xad: {  	[dreg:$0x1] =	wrdreg $0xFFFFFFFF  }
0xae: {  	[dreg:$0x0] =	wrdreg $0x60  }
0xaf: {  	[dreg:$0x2] =	wrdreg s2  }
0xb0: {  	[dreg:$0x3] =	wrdreg s24  }
0xb1: {  	[dreg:$0x4] =	wrdreg s18  }
0xb2: {  	[dreg:$0x5] =	wrdreg $0x9  }
0xb3: {  	_ =	task.clear_ibuf [dreg:s8], $0x6FFFF;
	_ =	strace $0x90000046  }
0xb4: {  	s29 =	simm.s32 $0x9;
	_ =	strace $0x80000048  }
0xb5: {  	_ =	swait.ge [sflag:s29], $0x1  }
0xb6: {  	[sflag:s29] =	ssyncadd.s32 $0xFFFFFFFF  }
0xb7: {  	_ =	strace $0x90000048  }
0xb8: {  	_ =	sfence  }
0xb9: {  	s30 =	sld [smem:$0x0];
	_ =	sdelay $0x2  }
0xba: {  	s31 =	sshll.u32 s1, $0xD;
	s1 =	sshrl.u32 s1, $0x2  }
0xbb: {  	s3 =	sand.u32 $0x4000, s31;
	s1 =	sadd.s32 s1, s30  }
0xbc: {  	s0 =	sor.u32 s3, s0;
	s1 =	sshll.u32 s1, $0x11  }
0xbd: {  	s0 =	sor.u32 s1, s0  }
0xbe: {  	s0 =	sadd.s32 $0x8F2B, s0  }
0xbf: {  	[sflag:s0] =	ssyncadd.remote.s32 $0x1  }
0xc0: {  	_ =	sfence.sel $0xFFFF  }
0xc1: {  	[dreg:$0x0] =	wrdreg $0xFFFFFFFF;
	(pc) =	sbr.abs _section_cstart, $3  }
0xc2: {  	[dreg:$0x1] =	wrdreg $0xFFFFFFFF  }
0xc3: {  	_ =	task.clear_ibuf [dreg:s8], $0x2FFFF;
	_ =	strace $0x9FFFFFFF  }
0xc4: {  	(tm) =	ssettm $0x7FFFFFFF  }
0xc5: {  	_ =	shalt  }
tec
execute0_lowered:
.L_overlay_start_1:
0x0: {  	(tag) =	ssettag $0x1  }
0x1: {  	s1 =	rddreg [dreg:$0x0]  }
0x2: {  	s5 =	rddreg [dreg:$0x1]  }
0x3: {  	s3 =	rddreg [dreg:$0x2]  }
0x4: {  	s0 =	rddreg [dreg:$0x3];
	s4 =	simm.s32 $0x0;
	s6 =	srdreg.scid  }
0x5: {  	s2 =	stileid.u32;
	s24 =	simm.s32 $0x280;
	[smem:$0x7FF] =	sst s4  }
0x6: {  	s6 =	sand.u32 $0x1, s6;
	s7 =	sshll.u32 s2, $0x1;
	s11 =	sadd.s32 $0xC00, s5  }
0x7: {  	s12 =	sadd.s32 $0x1A00, s5;
	_ =	strace $0x80000047;
	s8 =	sor.u32 s6, s7  }
0x8: {  	s25 =	ssub.s32 $0x2, s6;
	s14 =	sshll.u32 s8, $0x2;
	s26 =	smul.u32 $0x64, s8  }
0x9: {  	s28 =	sshrl.u32 s25, $0x1;
	s18 =	smul.u32 $0x61A80, s8;
	s21 =	sshllo.u32 s8, $0x2  }
0xa: {  	s9 =	sshll.u32 s8, $0x7;
	s17 =	sor.u32 $0x1, s14;
	s16 =	smul.u32 $0x19, s21  }
0xb: {  	s13 =	ssub.s32 s25, s28;
	s6 =	sadd.s32 s12, s9;
	s23 =	smul.u32 $0x186A0, s21  }
0xc: {  	s20 =	sor.u32 $0x2, s14;
	s31 =	sshll.u32 s21, $0x5;
	s10 =	smul.u32 $0x19, s17  }
0xd: {  	v0 =	vmov s14;
	s14 =	simm.s32 $0x2;
	v6 =	vmov s21;
	s21 =	simm.s32 $0x1;
	s30 =	smul.u32 $0x19, s20  }
0xe: {  	s25 =	simm.s32 $0x480;
	s5 =	sadd.s32 s11, s26;
	s19 =	smul.u32 $0x186A0, s17  }
0xf: {  	s29 =	sshll.u32 s17, $0x5;
	s15 =	sshll.u32 s20, $0x5;
	s22 =	smul.u32 $0x186A0, s20  }
0x10: {  	s13 =	smax.u32 s13, $0x1;
	v1 =	vmov s18;
	v2 =	vmov s17;
	s17 =	simm.s32 $0x100;
	s18 =	simm.s32 $0x300  }
0x11: {  	v4 =	vmov s20;
	s20 =	simm.s32 $0x380;
	s8 =	sadd.s32 s12, s29;
	v7 =	vmov s23;
	s23 =	simm.s32 $0x400  }
0x12: {  	s7 =	sadd.s32 s11, s10;
	s9 =	sadd.s32 s11, s30;
	s10 =	sadd.s32 s12, s15  }
0x13: {  	vm0 =	vmmov $0xff;
	s11 =	sadd.s32 s11, s16;
	s12 =	sadd.s32 s12, s31;
	s15 =	simm.s32 $0x500  }
0x14: {  	v8 =	vimm.s32 $0x1869F;
	s16 =	simm.s32 $0x80;
	v3 =	vmov s19;
	s19 =	simm.s32 $0x180;
	v5 =	vmov s22;
	s22 =	simm.s32 $0x200  }
.LBB2_1:
0x15: {  	[tilespmem:s4], [sflag:$0x2] =	stream.linear.gather [hbm4b:s5+s4], $0xC8, $0x38;
	[tilespmem:$0x600] =	vst v63  }
0x16: {  	_ =	swait.ge [sflag:s14], $0xC8  }
0x17: {  	[sflag:s14] =	ssyncset.done $0x0  }
0x18: {  	[sflag:s14] =	ssyncadd.s32 $0xFFFFFF38  }
0x19: {  	[tilespmem:s15], [sflag:$0x2] =	stream.linear.gather [hbm4b:s6+s4], $0x100, $0x38;
	[tilespmem:$0x600] =	vst v63  }
0x1a: {  	_ =	swait.ge [sflag:s14], $0x100  }
0x1b: {  	[sflag:s14] =	ssyncset.done $0x0  }
0x1c: {  	[sflag:s14] =	ssyncadd.s32 $0xFFFFFF00  }
0x1d: {  	v9 =	vld [tilespmem:$0xC0];
	_ =	sdelay $0x2  }
0x1e: {  	v10 =	vld [tilespmem:$0x0]  }
0x1f: {  	v11 =	vld [tilespmem:$0x10]  }
0x20: {  	[tilespmem:$0xD0] =	vst v8;
	v9 =	vnsel vm0, $0x1869F, v9  }
0x21: {  	[tilespmem:$0xC0] =	vst v9;
	v9 =	vld [tilespmem:$0x20]  }
0x22: {  	[tilespmem:$0xE0] =	vst v8  }
0x23: {  	[tilespmem:$0xF0] =	vst v8;
	v13 =	vld [tilespmem:$0x30];
	v12 =	vshll.u32 v10, $0x7;
	v10 =	vadd.s32 v1, v10  }
0x24: {  	v38 =	vshll.u32 v11, $0x7;
	v12 =	vor.u32 v0, v12;
	[tilespmem:$0x200] =	vst v10  }
0x25: {  	v39 =	vld [tilespmem:$0x40];
	v10 =	vor.u32 v0, v38;
	[tilespmem:$0x100] =	vst v12  }
0x26: {  	[tilespmem:$0x110] =	vst v10;
	v10 =	vadd.s32 v1, v11;
	v11 =	vshll.u32 v9, $0x7  }
0x27: {  	[tilespmem:$0x210] =	vst v10;
	v10 =	vor.u32 v0, v11;
	v11 =	vld [tilespmem:$0x50]  }
0x28: {  	v9 =	vadd.s32 v1, v9;
	[tilespmem:$0x120] =	vst v10;
	v10 =	vshll.u32 v13, $0x7  }
0x29: {  	[tilespmem:$0x220] =	vst v9;
	v9 =	vor.u32 v0, v10;
	v10 =	vld [tilespmem:$0x60]  }
0x2a: {  	v40 =	vshll.u32 v39, $0x7;
	[tilespmem:$0x130] =	vst v9;
	v9 =	vadd.s32 v1, v13  }
0x2b: {  	v41 =	vld [tilespmem:$0x70];
	[tilespmem:$0x230] =	vst v9;
	v9 =	vor.u32 v0, v40  }
0x2c: {  	[tilespmem:$0x140] =	vst v9;
	v9 =	vadd.s32 v1, v39;
	v42 =	vshll.u32 v11, $0x7  }
0x2d: {  	v43 =	vld [tilespmem:$0x80];
	[tilespmem:$0x240] =	vst v9;
	v9 =	vor.u32 v0, v42  }
0x2e: {  	[tilespmem:$0x150] =	vst v9;
	v9 =	vadd.s32 v1, v11;
	v11 =	vshll.u32 v10, $0x7  }
0x2f: {  	[tilespmem:$0x250] =	vst v9;
	v9 =	vor.u32 v0, v11;
	v11 =	vld [tilespmem:$0x90]  }
0x30: {  	[tilespmem:$0x160] =	vst v9;
	v9 =	vadd.s32 v1, v10;
	v10 =	vshll.u32 v41, $0x7  }
0x31: {  	[tilespmem:$0x260] =	vst v9;
	v9 =	vor.u32 v0, v10;
	v10 =	vld [tilespmem:$0xA0]  }
0x32: {  	v44 =	vshll.u32 v43, $0x7;
	[tilespmem:$0x170] =	vst v9;
	v9 =	vadd.s32 v1, v41  }
0x33: {  	v45 =	vld [tilespmem:$0xB0];
	[tilespmem:$0x270] =	vst v9;
	v9 =	vor.u32 v0, v44  }
0x34: {  	[tilespmem:$0x180] =	vst v9;
	v9 =	vadd.s32 v1, v43;
	v46 =	vshll.u32 v11, $0x7  }
0x35: {  	v47 =	vld [tilespmem:$0xC0];
	[tilespmem:$0x280] =	vst v9;
	v9 =	vor.u32 v0, v46  }
0x36: {  	[tilespmem:$0x190] =	vst v9;
	v9 =	vadd.s32 v1, v11;
	v11 =	vshll.u32 v10, $0x7  }
0x37: {  	[tilespmem:$0x290] =	vst v9;
	v9 =	vor.u32 v0, v11;
	v11 =	vld [tilespmem:$0xD0]  }
0x38: {  	[tilespmem:$0x1A0] =	vst v9;
	v9 =	vadd.s32 v1, v10;
	v10 =	vshll.u32 v45, $0x7  }
0x39: {  	[tilespmem:$0x2A0] =	vst v9;
	v9 =	vor.u32 v0, v10;
	v10 =	vld [tilespmem:$0xE0]  }
0x3a: {  	v48 =	vshll.u32 v47, $0x7;
	[tilespmem:$0x1B0] =	vst v9;
	v9 =	vadd.s32 v1, v45  }
0x3b: {  	v49 =	vld [tilespmem:$0xF0];
	[tilespmem:$0x2B0] =	vst v9;
	v9 =	vor.u32 v0, v48  }
0x3c: {  	[tilespmem:$0x1C0] =	vst v9;
	v9 =	vadd.s32 v1, v47;
	v50 =	vshll.u32 v11, $0x7  }
0x3d: {  	[tilespmem:$0x2C0] =	vst v9;
	v9 =	vor.u32 v0, v50  }
0x3e: {  	[tilespmem:$0x1D0] =	vst v9;
	v9 =	vadd.s32 v1, v11;
	v11 =	vshll.u32 v10, $0x7  }
0x3f: {  	[tilespmem:$0x2D0] =	vst v9;
	v9 =	vor.u32 v0, v11  }
0x40: {  	[tilespmem:$0x1E0] =	vst v9;
	v9 =	vadd.s32 v1, v10;
	v10 =	vshll.u32 v49, $0x7  }
0x41: {  	[tilespmem:$0x2E0] =	vst v9;
	v9 =	vor.u32 v0, v10  }
0x42: {  	[tilespmem:$0x1F0] =	vst v9;
	v9 =	vadd.s32 v1, v49  }
0x43: {  	[tilespmem:$0x2F0] =	vst v9  }
0x44: {  	[tilespmem:s18], [sflag:$0x1] =	stream.indirect.gather [hbm4b:s1+s16], $0x1, s17, s16, $0xb8;
	[tilespmem:$0x600] =	vst v63  }
0x45: {  	_ = 	snop  }
0x46: {  	[tilespmem:s20], [sflag:$0x1] =	stream.indirect.gather [hbm4b:s1+s16], $0x1, s19, s16, $0xb8;
	[tilespmem:$0x600] =	vst v63  }
0x47: {  	_ =	swait.ge [sflag:s21], $0x80  }
0x48: {  	[sflag:s21] =	ssyncset.done $0x0  }
0x49: {  	[sflag:s21] =	ssyncadd.s32 $0xFFFFFF80  }
0x4a: {  	_ =	swait.ge [sflag:s21], $0x80  }
0x4b: {  	[sflag:s21] =	ssyncset.done $0x0  }
0x4c: {  	[sflag:s21] =	ssyncadd.s32 $0xFFFFFF80  }
0x4d: {  	v9 =	vld [tilespmem:$0x500];
	_ =	sdelay $0x4  }
0x4e: {  	v9 =	vmul.f32 $4.879016430e-02, v9;
	_ =	sdelay $0x1  }
0x4f: {  	v9 =	vmul.f32 $1.442695020e+00, v9;
	_ =	sdelay $0x1  }
0x50: {  	(erf) = vpow2.f32 v9;
	_ =	sdelay $0x1  }
0x51: {  	v9 =	vld [tilespmem:$0x510];
	_ =	sdelay $0x4  }
0x52: {  	v9 =	vmul.f32 $4.879016430e-02, v9;
	_ =	sdelay $0x1  }
0x53: {  	v9 =	vmul.f32 $1.442695020e+00, v9;
	v10 =	vpop (erf)  }
0x54: {  	(erf) = vrcp.f32 v10  }
0x55: {  	(erf) = vpow2.f32 v9;
	_ =	sdelay $0x1  }
0x56: {  	v9 =	vld [tilespmem:$0x520];
	_ =	sdelay $0x4  }
0x57: {  	v9 =	vmul.f32 $4.879016430e-02, v9  }
0x58: {  	v11 =	vpop (erf)  }
0x59: {  	v9 =	vmul.f32 $1.442695020e+00, v9;
	v51 =	vpop (erf)  }
0x5a: {  	(erf) = vrcp.f32 v51  }
0x5b: {  	(erf) = vpow2.f32 v9;
	_ =	sdelay $0x1  }
0x5c: {  	v9 =	vld [tilespmem:$0x530];
	_ =	sdelay $0x4  }
0x5d: {  	v9 =	vmul.f32 $4.879016430e-02, v9  }
0x5e: {  	v52 =	vpop (erf)  }
0x5f: {  	v9 =	vmul.f32 $1.442695020e+00, v9;
	v14 =	vpop (erf)  }
0x60: {  	(erf) = vrcp.f32 v14  }
0x61: {  	(erf) = vpow2.f32 v9;
	_ =	sdelay $0x1  }
0x62: {  	v9 =	vld [tilespmem:$0x540];
	_ =	sdelay $0x4  }
0x63: {  	v9 =	vmul.f32 $4.879016430e-02, v9  }
0x64: {  	v15 =	vpop (erf)  }
0x65: {  	v9 =	vmul.f32 $1.442695020e+00, v9;
	v16 =	vpop (erf)  }
0x66: {  	(erf) = vrcp.f32 v16  }
0x67: {  	(erf) = vpow2.f32 v9;
	_ =	sdelay $0x1  }
0x68: {  	v9 =	vld [tilespmem:$0x550];
	_ =	sdelay $0x4  }
0x69: {  	v9 =	vmul.f32 $4.879016430e-02, v9  }
0x6a: {  	v17 =	vpop (erf)  }
0x6b: {  	v9 =	vmul.f32 $1.442695020e+00, v9;
	v18 =	vpop (erf)  }
0x6c: {  	(erf) = vrcp.f32 v18  }
0x6d: {  	(erf) = vpow2.f32 v9;
	_ =	sdelay $0x1  }
0x6e: {  	v9 =	vld [tilespmem:$0x560];
	_ =	sdelay $0x4  }
0x6f: {  	v9 =	vmul.f32 $4.879016430e-02, v9  }
0x70: {  	v19 =	vpop (erf)  }
0x71: {  	v9 =	vmul.f32 $1.442695020e+00, v9;
	v20 =	vpop (erf)  }
0x72: {  	(erf) = vrcp.f32 v20  }
0x73: {  	(erf) = vpow2.f32 v9;
	_ =	sdelay $0x1  }
0x74: {  	v9 =	vld [tilespmem:$0x570];
	_ =	sdelay $0x4  }
0x75: {  	v9 =	vmul.f32 $4.879016430e-02, v9  }
0x76: {  	v21 =	vpop (erf)  }
0x77: {  	v9 =	vmul.f32 $1.442695020e+00, v9;
	v22 =	vpop (erf)  }
0x78: {  	(erf) = vrcp.f32 v22  }
0x79: {  	(erf) = vpow2.f32 v9;
	_ =	sdelay $0x1  }
0x7a: {  	v9 =	vld [tilespmem:$0x580];
	_ =	sdelay $0x4  }
0x7b: {  	v9 =	vmul.f32 $4.879016430e-02, v9  }
0x7c: {  	v23 =	vpop (erf)  }
0x7d: {  	v9 =	vmul.f32 $1.442695020e+00, v9;
	v24 =	vpop (erf)  }
0x7e: {  	(erf) = vrcp.f32 v24  }
0x7f: {  	(erf) = vpow2.f32 v9;
	_ =	sdelay $0x1  }
0x80: {  	v9 =	vld [tilespmem:$0x590];
	_ =	sdelay $0x4  }
0x81: {  	v9 =	vmul.f32 $4.879016430e-02, v9  }
0x82: {  	v25 =	vpop (erf)  }
0x83: {  	v9 =	vmul.f32 $1.442695020e+00, v9;
	v26 =	vpop (erf)  }
0x84: {  	(erf) = vrcp.f32 v26  }
0x85: {  	(erf) = vpow2.f32 v9;
	_ =	sdelay $0x1  }
0x86: {  	v9 =	vld [tilespmem:$0x5A0];
	_ =	sdelay $0x4  }
0x87: {  	v9 =	vmul.f32 $4.879016430e-02, v9  }
0x88: {  	v27 =	vpop (erf)  }
0x89: {  	v9 =	vmul.f32 $1.442695020e+00, v9;
	v28 =	vpop (erf)  }
0x8a: {  	(erf) = vrcp.f32 v28  }
0x8b: {  	(erf) = vpow2.f32 v9;
	_ =	sdelay $0x1  }
0x8c: {  	v9 =	vld [tilespmem:$0x5B0];
	_ =	sdelay $0x4  }
0x8d: {  	v9 =	vmul.f32 $4.879016430e-02, v9  }
0x8e: {  	v29 =	vpop (erf)  }
0x8f: {  	v9 =	vmul.f32 $1.442695020e+00, v9;
	v30 =	vpop (erf)  }
0x90: {  	(erf) = vrcp.f32 v30  }
0x91: {  	(erf) = vpow2.f32 v9;
	_ =	sdelay $0x1  }
0x92: {  	v9 =	vld [tilespmem:$0x5C0];
	_ =	sdelay $0x4  }
0x93: {  	v9 =	vmul.f32 $4.879016430e-02, v9  }
0x94: {  	v31 =	vpop (erf)  }
0x95: {  	v9 =	vmul.f32 $1.442695020e+00, v9;
	v32 =	vpop (erf)  }
0x96: {  	(erf) = vrcp.f32 v32  }
0x97: {  	(erf) = vpow2.f32 v9;
	_ =	sdelay $0x1  }
0x98: {  	v9 =	vld [tilespmem:$0x5D0];
	_ =	sdelay $0x4  }
0x99: {  	v9 =	vmul.f32 $4.879016430e-02, v9  }
0x9a: {  	v33 =	vpop (erf)  }
0x9b: {  	v9 =	vmul.f32 $1.442695020e+00, v9;
	v34 =	vpop (erf)  }
0x9c: {  	(erf) = vrcp.f32 v34  }
0x9d: {  	(erf) = vpow2.f32 v9;
	_ =	sdelay $0x1  }
0x9e: {  	v9 =	vld [tilespmem:$0x5E0];
	_ =	sdelay $0x4  }
0x9f: {  	v9 =	vmul.f32 $4.879016430e-02, v9  }
0xa0: {  	v35 =	vpop (erf)  }
0xa1: {  	v9 =	vmul.f32 $1.442695020e+00, v9;
	v36 =	vpop (erf)  }
0xa2: {  	(erf) = vrcp.f32 v36  }
0xa3: {  	(erf) = vpow2.f32 v9;
	_ =	sdelay $0x1  }
0xa4: {  	v9 =	vld [tilespmem:$0x5F0];
	_ =	sdelay $0x4  }
0xa5: {  	v9 =	vmul.f32 $4.879016430e-02, v9  }
0xa6: {  	v37 =	vpop (erf)  }
0xa7: {  	v38 =	vld [tilespmem:$0x300];
	v9 =	vmul.f32 $1.442695020e+00, v9;
	v39 =	vpop (erf)  }
0xa8: {  	v40 =	vld [tilespmem:$0x310];
	(erf) = vrcp.f32 v39  }
0xa9: {  	v41 =	vld [tilespmem:$0x320];
	(erf) = vpow2.f32 v9  }
0xaa: {  	v42 =	vld [tilespmem:$0x340]  }
0xab: {  	v9 =	vld [tilespmem:$0x330];
	_ =	sdelay $0x1  }
0xac: {  	v43 =	vld [tilespmem:$0x350];
	vm1 =	vlt.f32 v38, $0.0e+00  }
0xad: {  	v53 =	vld [tilespmem:$0x360];
	vm2 =	vlt.f32 v40, $0.0e+00;
	v10 =	vsel vm1, v10, v11;
	vm1 =	vlt.f32 v41, $0.0e+00  }
0xae: {  	v54 =	vld [tilespmem:$0x370];
	v10 =	vmul.f32 v10, v38;
	v11 =	vsel vm2, v51, v52;
	vm2 =	vlt.f32 v42, $0.0e+00  }
0xaf: {  	v55 =	vld [tilespmem:$0x380];
	v11 =	vmul.f32 v11, v40;
	v14 =	vsel vm1, v14, v15;
	vm1 =	vlt.f32 v9, $0.0e+00  }
0xb0: {  	v58 =	vld [tilespmem:$0x390];
	[tilespmem:$0x400] =	vst v10;
	v10 =	vmul.f32 v14, v41;
	v57 =	vsel vm2, v18, v19;
	v56 =	vsel vm1, v16, v17;
	v59 =	vpop (erf)  }
0xb1: {  	v60 =	vld [tilespmem:$0x3A0];
	[tilespmem:$0x410] =	vst v11;
	v11 =	vmul.f32 v57, v42;
	vm1 =	vlt.f32 v43, $0.0e+00;
	v9 =	vmul.f32 v56, v9;
	v61 =	vpop (erf)  }
0xb2: {  	v62 =	vld [tilespmem:$0x3B0];
	[tilespmem:$0x420] =	vst v10;
	v10 =	vsel vm1, v20, v21;
	vm1 =	vlt.f32 v53, $0.0e+00;
	(erf) = vrcp.f32 v61  }
0xb3: {  	v63 =	vld [tilespmem:$0x3C0];
	[tilespmem:$0x430] =	vst v9;
	v9 =	vmul.f32 v10, v43;
	v10 =	vsel vm1, v22, v23;
	vm1 =	vlt.f32 v54, $0.0e+00  }
0xb4: {  	[tilespmem:$0x440] =	vst v11;
	v10 =	vmul.f32 v10, v53;
	v11 =	vsel vm1, v24, v25;
	vm1 =	vlt.f32 v55, $0.0e+00;
	v25 =	vld [tilespmem:$0x3D0]  }
0xb5: {  	[tilespmem:$0x450] =	vst v9;
	v9 =	vmul.f32 v11, v54;
	v11 =	vsel vm1, v26, v27;
	vm1 =	vlt.f32 v58, $0.0e+00;
	v27 =	vld [tilespmem:$0x3E0]  }
0xb6: {  	v38 =	vld [tilespmem:$0x3F0];
	[tilespmem:$0x460] =	vst v10;
	v10 =	vmul.f32 v11, v55;
	v11 =	vsel vm1, v28, v29;
	vm1 =	vlt.f32 v60, $0.0e+00  }
0xb7: {  	[tilespmem:$0x470] =	vst v9;
	v9 =	vmul.f32 v11, v58;
	v11 =	vsel vm1, v30, v31;
	vm1 =	vlt.f32 v62, $0.0e+00  }
0xb8: {  	[tilespmem:$0x480] =	vst v10;
	v10 =	vmul.f32 v11, v60;
	v11 =	vsel vm1, v32, v33;
	vm1 =	vlt.f32 v63, $0.0e+00  }
0xb9: {  	[tilespmem:$0x490] =	vst v9;
	v9 =	vmul.f32 v11, v62;
	v11 =	vsel vm1, v34, v35;
	vm1 =	vlt.f32 v25, $0.0e+00  }
0xba: {  	[tilespmem:$0x4A0] =	vst v10;
	v10 =	vmul.f32 v11, v63;
	v11 =	vsel vm1, v36, v37;
	vm1 =	vlt.f32 v27, $0.0e+00  }
0xbb: {  	[tilespmem:$0x4B0] =	vst v9;
	v9 =	vmul.f32 v11, v25;
	v11 =	vsel vm1, v39, v59;
	vm1 =	vlt.f32 v38, $0.0e+00;
	v39 =	vpop (erf)  }
0xbc: {  	[tilespmem:$0x4C0] =	vst v10;
	v10 =	vmul.f32 v11, v27;
	v11 =	vsel vm1, v61, v39  }
0xbd: {  	[tilespmem:$0x4D0] =	vst v9;
	v9 =	vmul.f32 v11, v38  }
0xbe: {  	[tilespmem:$0x4E0] =	vst v10  }
0xbf: {  	[tilespmem:$0x4F0] =	vst v9  }
0xc0: {  	[hbm4b:s3+s16] =	stream.indirect.scatter [tilespmem:s23], [sflag:$0x1], $0x1, s22, s16, $0xb8;
	[tilespmem:$0x600] =	vst v63  }
0xc1: {  	_ = 	snop  }
0xc2: {  	[hbm4b:s3+s16] =	stream.indirect.scatter [tilespmem:s25], [sflag:$0x1], $0x1, s24, s16, $0xb8;
	[tilespmem:$0x600] =	vst v63  }
0xc3: {  	_ =	swait.ge [sflag:s21], $0x80  }
0xc4: {  	[sflag:s21] =	ssyncset.done $0x0  }
0xc5: {  	[sflag:s21] =	ssyncadd.s32 $0xFFFFFF80  }
0xc6: {  	_ =	swait.ge [sflag:s21], $0x80  }
0xc7: {  	[sflag:s21] =	ssyncset.done $0x0  }
0xc8: {  	[sflag:s21] =	ssyncadd.s32 $0xFFFFFF80  }
0xc9: {  	[tilespmem:s4], [sflag:$0x2] =	stream.linear.gather [hbm4b:s7+s4], $0xC8, $0x38;
	[tilespmem:$0x600] =	vst v63  }
0xca: {  	_ =	swait.ge [sflag:s14], $0xC8  }
0xcb: {  	[sflag:s14] =	ssyncset.done $0x0  }
0xcc: {  	[sflag:s14] =	ssyncadd.s32 $0xFFFFFF38  }
0xcd: {  	[tilespmem:s15], [sflag:$0x2] =	stream.linear.gather [hbm4b:s8+s4], $0x100, $0x38;
	[tilespmem:$0x600] =	vst v63  }
0xce: {  	_ =	swait.ge [sflag:s14], $0x100  }
0xcf: {  	[sflag:s14] =	ssyncset.done $0x0  }
0xd0: {  	[sflag:s14] =	ssyncadd.s32 $0xFFFFFF00  }
0xd1: {  	v9 =	vld [tilespmem:$0xC0];
	_ =	sdelay $0x2  }
0xd2: {  	v10 =	vld [tilespmem:$0x0]  }
0xd3: {  	v11 =	vld [tilespmem:$0x10]  }
0xd4: {  	[tilespmem:$0xD0] =	vst v8;
	v9 =	vnsel vm0, $0x1869F, v9  }
0xd5: {  	[tilespmem:$0xC0] =	vst v9;
	v9 =	vld [tilespmem:$0x20]  }
0xd6: {  	[tilespmem:$0xE0] =	vst v8  }
0xd7: {  	[tilespmem:$0xF0] =	vst v8;
	v41 =	vld [tilespmem:$0x30];
	v40 =	vshll.u32 v10, $0x7;
	v10 =	vadd.s32 v3, v10  }
0xd8: {  	v42 =	vshll.u32 v11, $0x7;
	v12 =	vor.u32 v2, v40;
	[tilespmem:$0x200] =	vst v10  }
0xd9: {  	v43 =	vld [tilespmem:$0x40];
	v10 =	vor.u32 v2, v42;
	[tilespmem:$0x100] =	vst v12  }
0xda: {  	[tilespmem:$0x110] =	vst v10;
	v10 =	vadd.s32 v3, v11;
	v11 =	vshll.u32 v9, $0x7  }
0xdb: {  	[tilespmem:$0x210] =	vst v10;
	v10 =	vor.u32 v2, v11;
	v11 =	vld [tilespmem:$0x50]  }
0xdc: {  	v9 =	vadd.s32 v3, v9;
	[tilespmem:$0x120] =	vst v10;
	v10 =	vshll.u32 v41, $0x7  }
0xdd: {  	[tilespmem:$0x220] =	vst v9;
	v9 =	vor.u32 v2, v10;
	v10 =	vld [tilespmem:$0x60]  }
0xde: {  	v44 =	vshll.u32 v43, $0x7;
	[tilespmem:$0x130] =	vst v9;
	v9 =	vadd.s32 v3, v41  }
0xdf: {  	v45 =	vld [tilespmem:$0x70];
	[tilespmem:$0x230] =	vst v9;
	v9 =	vor.u32 v2, v44  }
0xe0: {  	[tilespmem:$0x140] =	vst v9;
	v9 =	vadd.s32 v3, v43;
	v46 =	vshll.u32 v11, $0x7  }
0xe1: {  	v47 =	vld [tilespmem:$0x80];
	[tilespmem:$0x240] =	vst v9;
	v9 =	vor.u32 v2, v46  }
0xe2: {  	[tilespmem:$0x150] =	vst v9;
	v9 =	vadd.s32 v3, v11;
	v11 =	vshll.u32 v10, $0x7  }
0xe3: {  	[tilespmem:$0x250] =	vst v9;
	v9 =	vor.u32 v2, v11;
	v11 =	vld [tilespmem:$0x90]  }
0xe4: {  	[tilespmem:$0x160] =	vst v9;
	v9 =	vadd.s32 v3, v10;
	v10 =	vshll.u32 v45, $0x7  }
0xe5: {  	[tilespmem:$0x260] =	vst v9;
	v9 =	vor.u32 v2, v10;
	v10 =	vld [tilespmem:$0xA0]  }
0xe6: {  	v48 =	vshll.u32 v47, $0x7;
	[tilespmem:$0x170] =	vst v9;
	v9 =	vadd.s32 v3, v45  }
0xe7: {  	v49 =	vld [tilespmem:$0xB0];
	[tilespmem:$0x270] =	vst v9;
	v9 =	vor.u32 v2, v48  }
0xe8: {  	[tilespmem:$0x180] =	vst v9;
	v9 =	vadd.s32 v3, v47;
	v50 =	vshll.u32 v11, $0x7  }
0xe9: {  	v51 =	vld [tilespmem:$0xC0];
	[tilespmem:$0x280] =	vst v9;
	v9 =	vor.u32 v2, v50  }
0xea: {  	[tilespmem:$0x190] =	vst v9;
	v9 =	vadd.s32 v3, v11;
	v11 =	vshll.u32 v10, $0x7  }
0xeb: {  	[tilespmem:$0x290] =	vst v9;
	v9 =	vor.u32 v2, v11  }
0xec: {  	[tilespmem:$0x1A0] =	vst v9;
	v9 =	vadd.s32 v3, v10;
	v10 =	vshll.u32 v49, $0x7  }
0xed: {  	[tilespmem:$0x2A0] =	vst v9;
	v9 =	vor.u32 v2, v10  }
0xee: {  	v10 =	vshll.u32 v51, $0x7;
	[tilespmem:$0x1B0] =	vst v9;
	v9 =	vadd.s32 v3, v49  }
0xef: {  	[tilespmem:$0x2B0] =	vst v9;
	v9 =	vor.u32 v2, v10  }
0xf0: {  	[tilespmem:$0x1C0] =	vst v9;
	v9 =	vadd.s32 v3, v51  }
0xf1: {  	[tilespmem:$0x2C0] =	vst v9  }
0xf2: {  	v9 =	vld [tilespmem:$0xD0]  }
0xf3: {  	v10 =	vld [tilespmem:$0xE0];
	_ =	sdelay $0x1  }
0xf4: {  	v11 =	vld [tilespmem:$0xF0];
	_ =	sdelay $0x1  }
0xf5: {  	v52 =	vshll.u32 v9, $0x7;
	v9 =	vadd.s32 v3, v9  }
0xf6: {  	v53 =	vshll.u32 v10, $0x7;
	v12 =	vor.u32 v2, v52;
	[tilespmem:$0x2D0] =	vst v9  }
0xf7: {  	v9 =	vor.u32 v2, v53;
	[tilespmem:$0x1D0] =	vst v12  }
0xf8: {  	[tilespmem:$0x1E0] =	vst v9;
	v9 =	vadd.s32 v3, v10;
	v10 =	vshll.u32 v11, $0x7  }
0xf9: {  	[tilespmem:$0x2E0] =	vst v9;
	v9 =	vor.u32 v2, v10  }
0xfa: {  	[tilespmem:$0x1F0] =	vst v9;
	v9 =	vadd.s32 v3, v11  }
0xfb: {  	[tilespmem:$0x2F0] =	vst v9  }
0xfc: {  	[tilespmem:s18], [sflag:$0x1] =	stream.indirect.gather [hbm4b:s1+s16], $0x1, s17, s16, $0xb8;
	[tilespmem:$0x600] =	vst v63  }
0xfd: {  	_ = 	snop  }
0xfe: {  	[tilespmem:s20], [sflag:$0x1] =	stream.indirect.gather [hbm4b:s1+s16], $0x1, s19, s16, $0xb8;
	[tilespmem:$0x600] =	vst v63  }
0xff: {  	_ =	swait.ge [sflag:s21], $0x80  }
0x100: {  	[sflag:s21] =	ssyncset.done $0x0  }
0x101: {  	[sflag:s21] =	ssyncadd.s32 $0xFFFFFF80  }
0x102: {  	_ =	swait.ge [sflag:s21], $0x80  }
0x103: {  	[sflag:s21] =	ssyncset.done $0x0  }
0x104: {  	[sflag:s21] =	ssyncadd.s32 $0xFFFFFF80  }
0x105: {  	v9 =	vld [tilespmem:$0x500];
	_ =	sdelay $0x4  }
0x106: {  	v9 =	vmul.f32 $4.879016430e-02, v9;
	_ =	sdelay $0x1  }
0x107: {  	v9 =	vmul.f32 $1.442695020e+00, v9;
	_ =	sdelay $0x1  }
0x108: {  	(erf) = vpow2.f32 v9;
	_ =	sdelay $0x1  }
0x109: {  	v9 =	vld [tilespmem:$0x510];
	_ =	sdelay $0x4  }
0x10a: {  	v9 =	vmul.f32 $4.879016430e-02, v9;
	_ =	sdelay $0x1  }
0x10b: {  	v9 =	vmul.f32 $1.442695020e+00, v9;
	v10 =	vpop (erf)  }
0x10c: {  	(erf) = vrcp.f32 v10  }
0x10d: {  	(erf) = vpow2.f32 v9;
	_ =	sdelay $0x1  }
0x10e: {  	v9 =	vld [tilespmem:$0x520];
	_ =	sdelay $0x4  }
0x10f: {  	v9 =	vmul.f32 $4.879016430e-02, v9  }
0x110: {  	v11 =	vpop (erf)  }
0x111: {  	v9 =	vmul.f32 $1.442695020e+00, v9;
	v54 =	vpop (erf)  }
0x112: {  	(erf) = vrcp.f32 v54  }
0x113: {  	(erf) = vpow2.f32 v9;
	_ =	sdelay $0x1  }
0x114: {  	v9 =	vld [tilespmem:$0x530];
	_ =	sdelay $0x4  }
0x115: {  	v9 =	vmul.f32 $4.879016430e-02, v9  }
0x116: {  	v55 =	vpop (erf)  }
0x117: {  	v9 =	vmul.f32 $1.442695020e+00, v9;
	v56 =	vpop (erf)  }
0x118: {  	(erf) = vrcp.f32 v56  }
0x119: {  	(erf) = vpow2.f32 v9;
	_ =	sdelay $0x1  }
0x11a: {  	v9 =	vld [tilespmem:$0x540];
	_ =	sdelay $0x4  }
0x11b: {  	v9 =	vmul.f32 $4.879016430e-02, v9  }
0x11c: {  	v57 =	vpop (erf)  }
0x11d: {  	v9 =	vmul.f32 $1.442695020e+00, v9;
	v58 =	vpop (erf)  }
0x11e: {  	(erf) = vrcp.f32 v58  }
0x11f: {  	(erf) = vpow2.f32 v9;
	_ =	sdelay $0x1  }
0x120: {  	v9 =	vld [tilespmem:$0x550];
	_ =	sdelay $0x4  }
0x121: {  	v9 =	vmul.f32 $4.879016430e-02, v9  }
0x122: {  	v59 =	vpop (erf)  }
0x123: {  	v9 =	vmul.f32 $1.442695020e+00, v9;
	v60 =	vpop (erf)  }
0x124: {  	(erf) = vrcp.f32 v60  }
0x125: {  	(erf) = vpow2.f32 v9;
	_ =	sdelay $0x1  }
0x126: {  	v9 =	vld [tilespmem:$0x560];
	_ =	sdelay $0x4  }
0x127: {  	v9 =	vmul.f32 $4.879016430e-02, v9  }
0x128: {  	v61 =	vpop (erf)  }
0x129: {  	v9 =	vmul.f32 $1.442695020e+00, v9;
	v20 =	vpop (erf)  }
0x12a: {  	(erf) = vrcp.f32 v20  }
0x12b: {  	(erf) = vpow2.f32 v9;
	_ =	sdelay $0x1  }
0x12c: {  	v9 =	vld [tilespmem:$0x570];
	_ =	sdelay $0x4  }
0x12d: {  	v9 =	vmul.f32 $4.879016430e-02, v9  }
0x12e: {  	v62 =	vpop (erf)  }
0x12f: {  	v9 =	vmul.f32 $1.442695020e+00, v9;
	v22 =	vpop (erf)  }
0x130: {  	(erf) = vrcp.f32 v22  }
0x131: {  	(erf) = vpow2.f32 v9;
	_ =	sdelay $0x1  }
0x132: {  	v9 =	vld [tilespmem:$0x580];
	_ =	sdelay $0x4  }
0x133: {  	v9 =	vmul.f32 $4.879016430e-02, v9  }
0x134: {  	v63 =	vpop (erf)  }
0x135: {  	v9 =	vmul.f32 $1.442695020e+00, v9;
	v24 =	vpop (erf)  }
0x136: {  	(erf) = vrcp.f32 v24  }
0x137: {  	(erf) = vpow2.f32 v9;
	_ =	sdelay $0x1  }
0x138: {  	v9 =	vld [tilespmem:$0x590];
	_ =	sdelay $0x4  }
0x139: {  	v9 =	vmul.f32 $4.879016430e-02, v9  }
0x13a: {  	v25 =	vpop (erf)  }
0x13b: {  	v9 =	vmul.f32 $1.442695020e+00, v9;
	v26 =	vpop (erf)  }
0x13c: {  	(erf) = vrcp.f32 v26  }
0x13d: {  	(erf) = vpow2.f32 v9;
	_ =	sdelay $0x1  }
0x13e: {  	v9 =	vld [tilespmem:$0x5A0];
	_ =	sdelay $0x4  }
0x13f: {  	v9 =	vmul.f32 $4.879016430e-02, v9  }
0x140: {  	v27 =	vpop (erf)  }
0x141: {  	v9 =	vmul.f32 $1.442695020e+00, v9;
	v28 =	vpop (erf)  }
0x142: {  	(erf) = vrcp.f32 v28  }
0x143: {  	(erf) = vpow2.f32 v9;
	_ =	sdelay $0x1  }
0x144: {  	v9 =	vld [tilespmem:$0x5B0];
	_ =	sdelay $0x4  }
0x145: {  	v9 =	vmul.f32 $4.879016430e-02, v9  }
0x146: {  	v29 =	vpop (erf)  }
0x147: {  	v9 =	vmul.f32 $1.442695020e+00, v9;
	v30 =	vpop (erf)  }
0x148: {  	(erf) = vrcp.f32 v30  }
0x149: {  	(erf) = vpow2.f32 v9;
	_ =	sdelay $0x1  }
0x14a: {  	v9 =	vld [tilespmem:$0x5C0];
	_ =	sdelay $0x4  }
0x14b: {  	v9 =	vmul.f32 $4.879016430e-02, v9  }
0x14c: {  	v31 =	vpop (erf)  }
0x14d: {  	v9 =	vmul.f32 $1.442695020e+00, v9;
	v32 =	vpop (erf)  }
0x14e: {  	(erf) = vrcp.f32 v32  }
0x14f: {  	(erf) = vpow2.f32 v9;
	_ =	sdelay $0x1  }
0x150: {  	v9 =	vld [tilespmem:$0x5D0];
	_ =	sdelay $0x4  }
0x151: {  	v9 =	vmul.f32 $4.879016430e-02, v9  }
0x152: {  	v33 =	vpop (erf)  }
0x153: {  	v9 =	vmul.f32 $1.442695020e+00, v9;
	v34 =	vpop (erf)  }
0x154: {  	(erf) = vrcp.f32 v34  }
0x155: {  	(erf) = vpow2.f32 v9;
	_ =	sdelay $0x1  }
0x156: {  	v9 =	vld [tilespmem:$0x5E0];
	_ =	sdelay $0x4  }
0x157: {  	v9 =	vmul.f32 $4.879016430e-02, v9  }
0x158: {  	v35 =	vpop (erf)  }
0x159: {  	v9 =	vmul.f32 $1.442695020e+00, v9;
	v45 =	vpop (erf)  }
0x15a: {  	(erf) = vrcp.f32 v45  }
0x15b: {  	(erf) = vpow2.f32 v9;
	_ =	sdelay $0x1  }
0x15c: {  	v9 =	vld [tilespmem:$0x5F0];
	_ =	sdelay $0x4  }
0x15d: {  	v9 =	vmul.f32 $4.879016430e-02, v9  }
0x15e: {  	v46 =	vpop (erf)  }
0x15f: {  	v47 =	vld [tilespmem:$0x300];
	v9 =	vmul.f32 $1.442695020e+00, v9;
	v48 =	vpop (erf)  }
0x160: {  	v49 =	vld [tilespmem:$0x310];
	(erf) = vrcp.f32 v48  }
0x161: {  	v50 =	vld [tilespmem:$0x320];
	(erf) = vpow2.f32 v9  }
0x162: {  	v51 =	vld [tilespmem:$0x340]  }
0x163: {  	v9 =	vld [tilespmem:$0x330];
	_ =	sdelay $0x1  }
0x164: {  	v52 =	vld [tilespmem:$0x350];
	vm1 =	vlt.f32 v47, $0.0e+00  }
0x165: {  	v53 =	vld [tilespmem:$0x360];
	vm2 =	vlt.f32 v49, $0.0e+00;
	v10 =	vsel vm1, v10, v11;
	vm1 =	vlt.f32 v50, $0.0e+00  }
0x166: {  	v10 =	vmul.f32 v10, v47;
	v11 =	vsel vm2, v54, v55;
	v54 =	vld [tilespmem:$0x370];
	vm2 =	vlt.f32 v51, $0.0e+00  }
0x167: {  	v55 =	vld [tilespmem:$0x380];
	v11 =	vmul.f32 v11, v49;
	v14 =	vsel vm1, v56, v57;
	vm1 =	vlt.f32 v9, $0.0e+00  }
0x168: {  	[tilespmem:$0x400] =	vst v10;
	v10 =	vmul.f32 v14, v50;
	v57 =	vsel vm2, v60, v61;
	v56 =	vsel vm1, v58, v59;
	v58 =	vld [tilespmem:$0x390];
	v59 =	vpop (erf)  }
0x169: {  	[tilespmem:$0x410] =	vst v11;
	v60 =	vld [tilespmem:$0x3A0];
	v11 =	vmul.f32 v57, v51;
	vm1 =	vlt.f32 v52, $0.0e+00;
	v9 =	vmul.f32 v56, v9;
	v61 =	vpop (erf)  }
0x16a: {  	[tilespmem:$0x420] =	vst v10;
	v10 =	vsel vm1, v20, v62;
	vm1 =	vlt.f32 v53, $0.0e+00;
	v62 =	vld [tilespmem:$0x3B0];
	(erf) = vrcp.f32 v61  }
0x16b: {  	[tilespmem:$0x430] =	vst v9;
	v9 =	vmul.f32 v10, v52;
	v10 =	vsel vm1, v22, v63;
	vm1 =	vlt.f32 v54, $0.0e+00;
	v63 =	vld [tilespmem:$0x3C0]  }
0x16c: {  	[tilespmem:$0x440] =	vst v11;
	v10 =	vmul.f32 v10, v53;
	v11 =	vsel vm1, v24, v25;
	vm1 =	vlt.f32 v55, $0.0e+00;
	v25 =	vld [tilespmem:$0x3D0]  }
0x16d: {  	[tilespmem:$0x450] =	vst v9;
	v9 =	vmul.f32 v11, v54;
	v11 =	vsel vm1, v26, v27;
	vm1 =	vlt.f32 v58, $0.0e+00;
	v27 =	vld [tilespmem:$0x3E0]  }
0x16e: {  	[tilespmem:$0x460] =	vst v10;
	v10 =	vmul.f32 v11, v55;
	v11 =	vsel vm1, v28, v29;
	vm1 =	vlt.f32 v60, $0.0e+00;
	v29 =	vld [tilespmem:$0x3F0]  }
0x16f: {  	[tilespmem:$0x470] =	vst v9;
	v9 =	vmul.f32 v11, v58;
	v11 =	vsel vm1, v30, v31;
	vm1 =	vlt.f32 v62, $0.0e+00  }
0x170: {  	[tilespmem:$0x480] =	vst v10;
	v10 =	vmul.f32 v11, v60;
	v11 =	vsel vm1, v32, v33;
	vm1 =	vlt.f32 v63, $0.0e+00  }
0x171: {  	[tilespmem:$0x490] =	vst v9;
	v9 =	vmul.f32 v11, v62;
	v11 =	vsel vm1, v34, v35;
	vm1 =	vlt.f32 v25, $0.0e+00  }
0x172: {  	[tilespmem:$0x4A0] =	vst v10;
	v10 =	vmul.f32 v11, v63;
	v11 =	vsel vm1, v45, v46;
	vm1 =	vlt.f32 v27, $0.0e+00  }
0x173: {  	[tilespmem:$0x4B0] =	vst v9;
	v9 =	vmul.f32 v11, v25;
	v11 =	vsel vm1, v48, v59;
	vm1 =	vlt.f32 v29, $0.0e+00;
	v38 =	vpop (erf)  }
0x174: {  	[tilespmem:$0x4C0] =	vst v10;
	v10 =	vmul.f32 v11, v27;
	v11 =	vsel vm1, v61, v38  }
0x175: {  	[tilespmem:$0x4D0] =	vst v9;
	v9 =	vmul.f32 v11, v29  }
0x176: {  	[tilespmem:$0x4E0] =	vst v10  }
0x177: {  	[tilespmem:$0x4F0] =	vst v9  }
0x178: {  	[hbm4b:s3+s16] =	stream.indirect.scatter [tilespmem:s23], [sflag:$0x1], $0x1, s22, s16, $0xb8;
	[tilespmem:$0x600] =	vst v63  }
0x179: {  	_ = 	snop  }
0x17a: {  	[hbm4b:s3+s16] =	stream.indirect.scatter [tilespmem:s25], [sflag:$0x1], $0x1, s24, s16, $0xb8;
	[tilespmem:$0x600] =	vst v63  }
0x17b: {  	_ =	swait.ge [sflag:s21], $0x80  }
0x17c: {  	[sflag:s21] =	ssyncset.done $0x0  }
0x17d: {  	[sflag:s21] =	ssyncadd.s32 $0xFFFFFF80  }
0x17e: {  	_ =	swait.ge [sflag:s21], $0x80  }
0x17f: {  	[sflag:s21] =	ssyncset.done $0x0  }
0x180: {  	[sflag:s21] =	ssyncadd.s32 $0xFFFFFF80  }
0x181: {  	[tilespmem:s4], [sflag:$0x2] =	stream.linear.gather [hbm4b:s9+s4], $0xC8, $0x38;
	[tilespmem:$0x600] =	vst v63  }
0x182: {  	_ =	swait.ge [sflag:s14], $0xC8  }
0x183: {  	[sflag:s14] =	ssyncset.done $0x0  }
0x184: {  	[sflag:s14] =	ssyncadd.s32 $0xFFFFFF38  }
0x185: {  	[tilespmem:s15], [sflag:$0x2] =	stream.linear.gather [hbm4b:s10+s4], $0x100, $0x38;
	[tilespmem:$0x600] =	vst v63  }
0x186: {  	_ =	swait.ge [sflag:s14], $0x100  }
0x187: {  	[sflag:s14] =	ssyncset.done $0x0  }
0x188: {  	[sflag:s14] =	ssyncadd.s32 $0xFFFFFF00  }
0x189: {  	v9 =	vld [tilespmem:$0xC0];
	_ =	sdelay $0x2  }
0x18a: {  	v10 =	vld [tilespmem:$0x0]  }
0x18b: {  	v11 =	vld [tilespmem:$0x10]  }
0x18c: {  	[tilespmem:$0xD0] =	vst v8;
	v9 =	vnsel vm0, $0x1869F, v9  }
0x18d: {  	[tilespmem:$0xC0] =	vst v9;
	v9 =	vld [tilespmem:$0x20]  }
0x18e: {  	[tilespmem:$0xE0] =	vst v8  }
0x18f: {  	[tilespmem:$0xF0] =	vst v8;
	v40 =	vld [tilespmem:$0x30];
	v39 =	vshll.u32 v10, $0x7;
	v10 =	vadd.s32 v5, v10  }
0x190: {  	v41 =	vshll.u32 v11, $0x7;
	v12 =	vor.u32 v4, v39;
	[tilespmem:$0x200] =	vst v10  }
0x191: {  	v42 =	vld [tilespmem:$0x40];
	v10 =	vor.u32 v4, v41;
	[tilespmem:$0x100] =	vst v12  }
0x192: {  	[tilespmem:$0x110] =	vst v10;
	v10 =	vadd.s32 v5, v11;
	v11 =	vshll.u32 v9, $0x7  }
0x193: {  	[tilespmem:$0x210] =	vst v10;
	v10 =	vor.u32 v4, v11;
	v11 =	vld [tilespmem:$0x50]  }
0x194: {  	v9 =	vadd.s32 v5, v9;
	[tilespmem:$0x120] =	vst v10;
	v10 =	vshll.u32 v40, $0x7  }
0x195: {  	[tilespmem:$0x220] =	vst v9;
	v9 =	vor.u32 v4, v10;
	v10 =	vld [tilespmem:$0x60]  }
0x196: {  	v43 =	vshll.u32 v42, $0x7;
	[tilespmem:$0x130] =	vst v9;
	v9 =	vadd.s32 v5, v40  }
0x197: {  	v44 =	vld [tilespmem:$0x70];
	[tilespmem:$0x230] =	vst v9;
	v9 =	vor.u32 v4, v43  }
0x198: {  	[tilespmem:$0x140] =	vst v9;
	v9 =	vadd.s32 v5, v42;
	v45 =	vshll.u32 v11, $0x7  }
0x199: {  	v46 =	vld [tilespmem:$0x80];
	[tilespmem:$0x240] =	vst v9;
	v9 =	vor.u32 v4, v45  }
0x19a: {  	[tilespmem:$0x150] =	vst v9;
	v9 =	vadd.s32 v5, v11;
	v11 =	vshll.u32 v10, $0x7  }
0x19b: {  	[tilespmem:$0x250] =	vst v9;
	v9 =	vor.u32 v4, v11;
	v11 =	vld [tilespmem:$0x90]  }
0x19c: {  	[tilespmem:$0x160] =	vst v9;
	v9 =	vadd.s32 v5, v10;
	v10 =	vshll.u32 v44, $0x7  }
0x19d: {  	[tilespmem:$0x260] =	vst v9;
	v9 =	vor.u32 v4, v10;
	v10 =	vld [tilespmem:$0xA0]  }
0x19e: {  	v47 =	vshll.u32 v46, $0x7;
	[tilespmem:$0x170] =	vst v9;
	v9 =	vadd.s32 v5, v44  }
0x19f: {  	v48 =	vld [tilespmem:$0xB0];
	[tilespmem:$0x270] =	vst v9;
	v9 =	vor.u32 v4, v47  }
0x1a0: {  	[tilespmem:$0x180] =	vst v9;
	v9 =	vadd.s32 v5, v46;
	v49 =	vshll.u32 v11, $0x7  }
0x1a1: {  	v50 =	vld [tilespmem:$0xC0];
	[tilespmem:$0x280] =	vst v9;
	v9 =	vor.u32 v4, v49  }
0x1a2: {  	[tilespmem:$0x190] =	vst v9;
	v9 =	vadd.s32 v5, v11;
	v11 =	vshll.u32 v10, $0x7  }
0x1a3: {  	[tilespmem:$0x290] =	vst v9;
	v9 =	vor.u32 v4, v11;
	v11 =	vld [tilespmem:$0xD0]  }
0x1a4: {  	[tilespmem:$0x1A0] =	vst v9;
	v9 =	vadd.s32 v5, v10;
	v10 =	vshll.u32 v48, $0x7  }
0x1a5: {  	[tilespmem:$0x2A0] =	vst v9;
	v9 =	vor.u32 v4, v10;
	v10 =	vld [tilespmem:$0xE0]  }
0x1a6: {  	v51 =	vshll.u32 v50, $0x7;
	[tilespmem:$0x1B0] =	vst v9;
	v9 =	vadd.s32 v5, v48  }
0x1a7: {  	v52 =	vld [tilespmem:$0xF0];
	[tilespmem:$0x2B0] =	vst v9;
	v9 =	vor.u32 v4, v51  }
0x1a8: {  	[tilespmem:$0x1C0] =	vst v9;
	v9 =	vadd.s32 v5, v50;
	v53 =	vshll.u32 v11, $0x7  }
0x1a9: {  	[tilespmem:$0x2C0] =	vst v9;
	v9 =	vor.u32 v4, v53  }
0x1aa: {  	[tilespmem:$0x1D0] =	vst v9;
	v9 =	vadd.s32 v5, v11;
	v11 =	vshll.u32 v10, $0x7  }
0x1ab: {  	[tilespmem:$0x2D0] =	vst v9;
	v9 =	vor.u32 v4, v11  }
0x1ac: {  	[tilespmem:$0x1E0] =	vst v9;
	v9 =	vadd.s32 v5, v10;
	v10 =	vshll.u32 v52, $0x7  }
0x1ad: {  	[tilespmem:$0x2E0] =	vst v9;
	v9 =	vor.u32 v4, v10  }
0x1ae: {  	[tilespmem:$0x1F0] =	vst v9;
	v9 =	vadd.s32 v5, v52  }
0x1af: {  	[tilespmem:$0x2F0] =	vst v9  }
0x1b0: {  	[tilespmem:s18], [sflag:$0x1] =	stream.indirect.gather [hbm4b:s1+s16], $0x1, s17, s16, $0xb8;
	[tilespmem:$0x600] =	vst v63  }
0x1b1: {  	_ = 	snop  }
0x1b2: {  	[tilespmem:s20], [sflag:$0x1] =	stream.indirect.gather [hbm4b:s1+s16], $0x1, s19, s16, $0xb8;
	[tilespmem:$0x600] =	vst v63  }
0x1b3: {  	_ =	swait.ge [sflag:s21], $0x80  }
0x1b4: {  	[sflag:s21] =	ssyncset.done $0x0  }
0x1b5: {  	[sflag:s21] =	ssyncadd.s32 $0xFFFFFF80  }
0x1b6: {  	_ =	swait.ge [sflag:s21], $0x80  }
0x1b7: {  	[sflag:s21] =	ssyncset.done $0x0  }
0x1b8: {  	[sflag:s21] =	ssyncadd.s32 $0xFFFFFF80  }
0x1b9: {  	v9 =	vld [tilespmem:$0x500];
	_ =	sdelay $0x4  }
0x1ba: {  	v9 =	vmul.f32 $4.879016430e-02, v9;
	_ =	sdelay $0x1  }
0x1bb: {  	v9 =	vmul.f32 $1.442695020e+00, v9;
	_ =	sdelay $0x1  }
0x1bc: {  	(erf) = vpow2.f32 v9;
	_ =	sdelay $0x1  }
0x1bd: {  	v9 =	vld [tilespmem:$0x510];
	_ =	sdelay $0x4  }
0x1be: {  	v9 =	vmul.f32 $4.879016430e-02, v9;
	_ =	sdelay $0x1  }
0x1bf: {  	v9 =	vmul.f32 $1.442695020e+00, v9;
	v10 =	vpop (erf)  }
0x1c0: {  	(erf) = vrcp.f32 v10  }
0x1c1: {  	(erf) = vpow2.f32 v9;
	_ =	sdelay $0x1  }
0x1c2: {  	v9 =	vld [tilespmem:$0x520];
	_ =	sdelay $0x4  }
0x1c3: {  	v9 =	vmul.f32 $4.879016430e-02, v9  }
0x1c4: {  	v11 =	vpop (erf)  }
0x1c5: {  	v9 =	vmul.f32 $1.442695020e+00, v9;
	v54 =	vpop (erf)  }
0x1c6: {  	(erf) = vrcp.f32 v54  }
0x1c7: {  	(erf) = vpow2.f32 v9;
	_ =	sdelay $0x1  }
0x1c8: {  	v9 =	vld [tilespmem:$0x530];
	_ =	sdelay $0x4  }
0x1c9: {  	v9 =	vmul.f32 $4.879016430e-02, v9  }
0x1ca: {  	v55 =	vpop (erf)  }
0x1cb: {  	v9 =	vmul.f32 $1.442695020e+00, v9;
	v56 =	vpop (erf)  }
0x1cc: {  	(erf) = vrcp.f32 v56  }
0x1cd: {  	(erf) = vpow2.f32 v9;
	_ =	sdelay $0x1  }
0x1ce: {  	v9 =	vld [tilespmem:$0x540];
	_ =	sdelay $0x4  }
0x1cf: {  	v9 =	vmul.f32 $4.879016430e-02, v9  }
0x1d0: {  	v57 =	vpop (erf)  }
0x1d1: {  	v9 =	vmul.f32 $1.442695020e+00, v9;
	v58 =	vpop (erf)  }
0x1d2: {  	(erf) = vrcp.f32 v58  }
0x1d3: {  	(erf) = vpow2.f32 v9;
	_ =	sdelay $0x1  }
0x1d4: {  	v9 =	vld [tilespmem:$0x550];
	_ =	sdelay $0x4  }
0x1d5: {  	v9 =	vmul.f32 $4.879016430e-02, v9  }
0x1d6: {  	v59 =	vpop (erf)  }
0x1d7: {  	v9 =	vmul.f32 $1.442695020e+00, v9;
	v60 =	vpop (erf)  }
0x1d8: {  	(erf) = vrcp.f32 v60  }
0x1d9: {  	(erf) = vpow2.f32 v9;
	_ =	sdelay $0x1  }
0x1da: {  	v9 =	vld [tilespmem:$0x560];
	_ =	sdelay $0x4  }
0x1db: {  	v9 =	vmul.f32 $4.879016430e-02, v9  }
0x1dc: {  	v61 =	vpop (erf)  }
0x1dd: {  	v9 =	vmul.f32 $1.442695020e+00, v9;
	v20 =	vpop (erf)  }
0x1de: {  	(erf) = vrcp.f32 v20  }
0x1df: {  	(erf) = vpow2.f32 v9;
	_ =	sdelay $0x1  }
0x1e0: {  	v9 =	vld [tilespmem:$0x570];
	_ =	sdelay $0x4  }
0x1e1: {  	v9 =	vmul.f32 $4.879016430e-02, v9  }
0x1e2: {  	v62 =	vpop (erf)  }
0x1e3: {  	v9 =	vmul.f32 $1.442695020e+00, v9;
	v22 =	vpop (erf)  }
0x1e4: {  	(erf) = vrcp.f32 v22  }
0x1e5: {  	(erf) = vpow2.f32 v9;
	_ =	sdelay $0x1  }
0x1e6: {  	v9 =	vld [tilespmem:$0x580];
	_ =	sdelay $0x4  }
0x1e7: {  	v9 =	vmul.f32 $4.879016430e-02, v9  }
0x1e8: {  	v63 =	vpop (erf)  }
0x1e9: {  	v9 =	vmul.f32 $1.442695020e+00, v9;
	v24 =	vpop (erf)  }
0x1ea: {  	(erf) = vrcp.f32 v24  }
0x1eb: {  	(erf) = vpow2.f32 v9;
	_ =	sdelay $0x1  }
0x1ec: {  	v9 =	vld [tilespmem:$0x590];
	_ =	sdelay $0x4  }
0x1ed: {  	v9 =	vmul.f32 $4.879016430e-02, v9  }
0x1ee: {  	v25 =	vpop (erf)  }
0x1ef: {  	v9 =	vmul.f32 $1.442695020e+00, v9;
	v26 =	vpop (erf)  }
0x1f0: {  	(erf) = vrcp.f32 v26  }
0x1f1: {  	(erf) = vpow2.f32 v9;
	_ =	sdelay $0x1  }
0x1f2: {  	v9 =	vld [tilespmem:$0x5A0];
	_ =	sdelay $0x4  }
0x1f3: {  	v9 =	vmul.f32 $4.879016430e-02, v9  }
0x1f4: {  	v27 =	vpop (erf)  }
0x1f5: {  	v9 =	vmul.f32 $1.442695020e+00, v9;
	v28 =	vpop (erf)  }
0x1f6: {  	(erf) = vrcp.f32 v28  }
0x1f7: {  	(erf) = vpow2.f32 v9;
	_ =	sdelay $0x1  }
0x1f8: {  	v9 =	vld [tilespmem:$0x5B0];
	_ =	sdelay $0x4  }
0x1f9: {  	v9 =	vmul.f32 $4.879016430e-02, v9  }
0x1fa: {  	v29 =	vpop (erf)  }
0x1fb: {  	v9 =	vmul.f32 $1.442695020e+00, v9;
	v30 =	vpop (erf)  }
0x1fc: {  	(erf) = vrcp.f32 v30  }
0x1fd: {  	(erf) = vpow2.f32 v9;
	_ =	sdelay $0x1  }
0x1fe: {  	v9 =	vld [tilespmem:$0x5C0];
	_ =	sdelay $0x4  }
0x1ff: {  	v9 =	vmul.f32 $4.879016430e-02, v9  }
0x200: {  	v31 =	vpop (erf)  }
0x201: {  	v9 =	vmul.f32 $1.442695020e+00, v9;
	v32 =	vpop (erf)  }
0x202: {  	(erf) = vrcp.f32 v32  }
0x203: {  	(erf) = vpow2.f32 v9;
	_ =	sdelay $0x1  }
0x204: {  	v9 =	vld [tilespmem:$0x5D0];
	_ =	sdelay $0x4  }
0x205: {  	v9 =	vmul.f32 $4.879016430e-02, v9  }
0x206: {  	v33 =	vpop (erf)  }
0x207: {  	v9 =	vmul.f32 $1.442695020e+00, v9;
	v34 =	vpop (erf)  }
0x208: {  	(erf) = vrcp.f32 v34  }
0x209: {  	(erf) = vpow2.f32 v9;
	_ =	sdelay $0x1  }
0x20a: {  	v9 =	vld [tilespmem:$0x5E0];
	_ =	sdelay $0x4  }
0x20b: {  	v9 =	vmul.f32 $4.879016430e-02, v9  }
0x20c: {  	v35 =	vpop (erf)  }
0x20d: {  	v9 =	vmul.f32 $1.442695020e+00, v9;
	v45 =	vpop (erf)  }
0x20e: {  	(erf) = vrcp.f32 v45  }
0x20f: {  	(erf) = vpow2.f32 v9;
	_ =	sdelay $0x1  }
0x210: {  	v9 =	vld [tilespmem:$0x5F0];
	_ =	sdelay $0x4  }
0x211: {  	v9 =	vmul.f32 $4.879016430e-02, v9  }
0x212: {  	v46 =	vpop (erf)  }
0x213: {  	v47 =	vld [tilespmem:$0x300];
	v9 =	vmul.f32 $1.442695020e+00, v9;
	v48 =	vpop (erf)  }
0x214: {  	v49 =	vld [tilespmem:$0x310];
	(erf) = vrcp.f32 v48  }
0x215: {  	v50 =	vld [tilespmem:$0x320];
	(erf) = vpow2.f32 v9  }
0x216: {  	v51 =	vld [tilespmem:$0x340]  }
0x217: {  	v9 =	vld [tilespmem:$0x330];
	_ =	sdelay $0x1  }
0x218: {  	v52 =	vld [tilespmem:$0x350];
	vm1 =	vlt.f32 v47, $0.0e+00  }
0x219: {  	v53 =	vld [tilespmem:$0x360];
	vm2 =	vlt.f32 v49, $0.0e+00;
	v10 =	vsel vm1, v10, v11;
	vm1 =	vlt.f32 v50, $0.0e+00  }
0x21a: {  	v10 =	vmul.f32 v10, v47;
	v11 =	vsel vm2, v54, v55;
	v54 =	vld [tilespmem:$0x370];
	vm2 =	vlt.f32 v51, $0.0e+00  }
0x21b: {  	v55 =	vld [tilespmem:$0x380];
	v11 =	vmul.f32 v11, v49;
	v14 =	vsel vm1, v56, v57;
	vm1 =	vlt.f32 v9, $0.0e+00  }
0x21c: {  	[tilespmem:$0x400] =	vst v10;
	v10 =	vmul.f32 v14, v50;
	v57 =	vsel vm2, v60, v61;
	v56 =	vsel vm1, v58, v59;
	v58 =	vld [tilespmem:$0x390];
	v59 =	vpop (erf)  }
0x21d: {  	[tilespmem:$0x410] =	vst v11;
	v60 =	vld [tilespmem:$0x3A0];
	v11 =	vmul.f32 v57, v51;
	vm1 =	vlt.f32 v52, $0.0e+00;
	v9 =	vmul.f32 v56, v9;
	v61 =	vpop (erf)  }
0x21e: {  	[tilespmem:$0x420] =	vst v10;
	v10 =	vsel vm1, v20, v62;
	vm1 =	vlt.f32 v53, $0.0e+00;
	v62 =	vld [tilespmem:$0x3B0];
	(erf) = vrcp.f32 v61  }
0x21f: {  	[tilespmem:$0x430] =	vst v9;
	v9 =	vmul.f32 v10, v52;
	v10 =	vsel vm1, v22, v63;
	vm1 =	vlt.f32 v54, $0.0e+00;
	v63 =	vld [tilespmem:$0x3C0]  }
0x220: {  	[tilespmem:$0x440] =	vst v11;
	v10 =	vmul.f32 v10, v53;
	v11 =	vsel vm1, v24, v25;
	vm1 =	vlt.f32 v55, $0.0e+00;
	v25 =	vld [tilespmem:$0x3D0]  }
0x221: {  	[tilespmem:$0x450] =	vst v9;
	v9 =	vmul.f32 v11, v54;
	v11 =	vsel vm1, v26, v27;
	vm1 =	vlt.f32 v58, $0.0e+00;
	v27 =	vld [tilespmem:$0x3E0]  }
0x222: {  	[tilespmem:$0x460] =	vst v10;
	v10 =	vmul.f32 v11, v55;
	v11 =	vsel vm1, v28, v29;
	vm1 =	vlt.f32 v60, $0.0e+00;
	v29 =	vld [tilespmem:$0x3F0]  }
0x223: {  	[tilespmem:$0x470] =	vst v9;
	v9 =	vmul.f32 v11, v58;
	v11 =	vsel vm1, v30, v31;
	vm1 =	vlt.f32 v62, $0.0e+00  }
0x224: {  	[tilespmem:$0x480] =	vst v10;
	v10 =	vmul.f32 v11, v60;
	v11 =	vsel vm1, v32, v33;
	vm1 =	vlt.f32 v63, $0.0e+00  }
0x225: {  	[tilespmem:$0x490] =	vst v9;
	v9 =	vmul.f32 v11, v62;
	v11 =	vsel vm1, v34, v35;
	vm1 =	vlt.f32 v25, $0.0e+00  }
0x226: {  	[tilespmem:$0x4A0] =	vst v10;
	v10 =	vmul.f32 v11, v63;
	v11 =	vsel vm1, v45, v46;
	vm1 =	vlt.f32 v27, $0.0e+00  }
0x227: {  	[tilespmem:$0x4B0] =	vst v9;
	v9 =	vmul.f32 v11, v25;
	v11 =	vsel vm1, v48, v59;
	vm1 =	vlt.f32 v29, $0.0e+00;
	v30 =	vpop (erf)  }
0x228: {  	[tilespmem:$0x4C0] =	vst v10;
	v10 =	vmul.f32 v11, v27;
	v11 =	vsel vm1, v61, v30  }
0x229: {  	[tilespmem:$0x4D0] =	vst v9;
	v9 =	vmul.f32 v11, v29  }
0x22a: {  	[tilespmem:$0x4E0] =	vst v10  }
0x22b: {  	[tilespmem:$0x4F0] =	vst v9  }
0x22c: {  	[hbm4b:s3+s16] =	stream.indirect.scatter [tilespmem:s23], [sflag:$0x1], $0x1, s22, s16, $0xb8;
	[tilespmem:$0x600] =	vst v63  }
0x22d: {  	_ = 	snop  }
0x22e: {  	[hbm4b:s3+s16] =	stream.indirect.scatter [tilespmem:s25], [sflag:$0x1], $0x1, s24, s16, $0xb8;
	[tilespmem:$0x600] =	vst v63  }
0x22f: {  	_ =	swait.ge [sflag:s21], $0x80  }
0x230: {  	[sflag:s21] =	ssyncset.done $0x0  }
0x231: {  	[sflag:s21] =	ssyncadd.s32 $0xFFFFFF80  }
0x232: {  	_ =	swait.ge [sflag:s21], $0x80  }
0x233: {  	[sflag:s21] =	ssyncset.done $0x0  }
0x234: {  	[sflag:s21] =	ssyncadd.s32 $0xFFFFFF80  }
0x235: {  	[tilespmem:s4], [sflag:$0x2] =	stream.linear.gather [hbm4b:s11+s4], $0xC8, $0x38;
	[tilespmem:$0x600] =	vst v63  }
0x236: {  	_ =	swait.ge [sflag:s14], $0xC8  }
0x237: {  	[sflag:s14] =	ssyncset.done $0x0  }
0x238: {  	[sflag:s14] =	ssyncadd.s32 $0xFFFFFF38  }
0x239: {  	[tilespmem:s15], [sflag:$0x2] =	stream.linear.gather [hbm4b:s12+s4], $0x100, $0x38;
	[tilespmem:$0x600] =	vst v63  }
0x23a: {  	_ =	swait.ge [sflag:s14], $0x100  }
0x23b: {  	[sflag:s14] =	ssyncset.done $0x0  }
0x23c: {  	[sflag:s14] =	ssyncadd.s32 $0xFFFFFF00  }
0x23d: {  	v9 =	vld [tilespmem:$0xC0];
	_ =	sdelay $0x2  }
0x23e: {  	v10 =	vld [tilespmem:$0x0]  }
0x23f: {  	v11 =	vld [tilespmem:$0x10]  }
0x240: {  	[tilespmem:$0xD0] =	vst v8;
	v9 =	vnsel vm0, $0x1869F, v9  }
0x241: {  	[tilespmem:$0xC0] =	vst v9;
	v9 =	vld [tilespmem:$0x20]  }
0x242: {  	[tilespmem:$0xE0] =	vst v8  }
0x243: {  	[tilespmem:$0xF0] =	vst v8;
	v32 =	vld [tilespmem:$0x30];
	v31 =	vshll.u32 v10, $0x7;
	v10 =	vadd.s32 v7, v10  }
0x244: {  	v33 =	vshll.u32 v11, $0x7;
	v12 =	vor.u32 v6, v31;
	[tilespmem:$0x200] =	vst v10  }
0x245: {  	v34 =	vld [tilespmem:$0x40];
	v10 =	vor.u32 v6, v33;
	[tilespmem:$0x100] =	vst v12  }
0x246: {  	[tilespmem:$0x110] =	vst v10;
	v10 =	vadd.s32 v7, v11;
	v11 =	vshll.u32 v9, $0x7  }
0x247: {  	[tilespmem:$0x210] =	vst v10;
	v10 =	vor.u32 v6, v11;
	v11 =	vld [tilespmem:$0x50]  }
0x248: {  	v9 =	vadd.s32 v7, v9;
	[tilespmem:$0x120] =	vst v10;
	v10 =	vshll.u32 v32, $0x7  }
0x249: {  	[tilespmem:$0x220] =	vst v9;
	v9 =	vor.u32 v6, v10;
	v10 =	vld [tilespmem:$0x60]  }
0x24a: {  	v35 =	vshll.u32 v34, $0x7;
	[tilespmem:$0x130] =	vst v9;
	v9 =	vadd.s32 v7, v32  }
0x24b: {  	v36 =	vld [tilespmem:$0x70];
	[tilespmem:$0x230] =	vst v9;
	v9 =	vor.u32 v6, v35  }
0x24c: {  	[tilespmem:$0x140] =	vst v9;
	v9 =	vadd.s32 v7, v34;
	v37 =	vshll.u32 v11, $0x7  }
0x24d: {  	v38 =	vld [tilespmem:$0x80];
	[tilespmem:$0x240] =	vst v9;
	v9 =	vor.u32 v6, v37  }
0x24e: {  	[tilespmem:$0x150] =	vst v9;
	v9 =	vadd.s32 v7, v11;
	v11 =	vshll.u32 v10, $0x7  }
0x24f: {  	[tilespmem:$0x250] =	vst v9;
	v9 =	vor.u32 v6, v11;
	v11 =	vld [tilespmem:$0x90]  }
0x250: {  	[tilespmem:$0x160] =	vst v9;
	v9 =	vadd.s32 v7, v10;
	v10 =	vshll.u32 v36, $0x7  }
0x251: {  	[tilespmem:$0x260] =	vst v9;
	v9 =	vor.u32 v6, v10;
	v10 =	vld [tilespmem:$0xA0]  }
0x252: {  	v39 =	vshll.u32 v38, $0x7;
	[tilespmem:$0x170] =	vst v9;
	v9 =	vadd.s32 v7, v36  }
0x253: {  	v40 =	vld [tilespmem:$0xB0];
	[tilespmem:$0x270] =	vst v9;
	v9 =	vor.u32 v6, v39  }
0x254: {  	[tilespmem:$0x180] =	vst v9;
	v9 =	vadd.s32 v7, v38;
	v41 =	vshll.u32 v11, $0x7  }
0x255: {  	v42 =	vld [tilespmem:$0xC0];
	[tilespmem:$0x280] =	vst v9;
	v9 =	vor.u32 v6, v41  }
0x256: {  	[tilespmem:$0x190] =	vst v9;
	v9 =	vadd.s32 v7, v11;
	v11 =	vshll.u32 v10, $0x7  }
0x257: {  	[tilespmem:$0x290] =	vst v9;
	v9 =	vor.u32 v6, v11;
	v11 =	vld [tilespmem:$0xD0]  }
0x258: {  	[tilespmem:$0x1A0] =	vst v9;
	v9 =	vadd.s32 v7, v10;
	v10 =	vshll.u32 v40, $0x7  }
0x259: {  	[tilespmem:$0x2A0] =	vst v9;
	v9 =	vor.u32 v6, v10;
	v10 =	vld [tilespmem:$0xE0]  }
0x25a: {  	v43 =	vshll.u32 v42, $0x7;
	[tilespmem:$0x1B0] =	vst v9;
	v9 =	vadd.s32 v7, v40  }
0x25b: {  	v44 =	vld [tilespmem:$0xF0];
	[tilespmem:$0x2B0] =	vst v9;
	v9 =	vor.u32 v6, v43  }
0x25c: {  	[tilespmem:$0x1C0] =	vst v9;
	v9 =	vadd.s32 v7, v42;
	v45 =	vshll.u32 v11, $0x7  }
0x25d: {  	[tilespmem:$0x2C0] =	vst v9;
	v9 =	vor.u32 v6, v45  }
0x25e: {  	[tilespmem:$0x1D0] =	vst v9;
	v9 =	vadd.s32 v7, v11;
	v11 =	vshll.u32 v10, $0x7  }
0x25f: {  	[tilespmem:$0x2D0] =	vst v9;
	v9 =	vor.u32 v6, v11  }
0x260: {  	[tilespmem:$0x1E0] =	vst v9;
	v9 =	vadd.s32 v7, v10;
	v10 =	vshll.u32 v44, $0x7  }
0x261: {  	[tilespmem:$0x2E0] =	vst v9;
	v9 =	vor.u32 v6, v10  }
0x262: {  	[tilespmem:$0x1F0] =	vst v9;
	v9 =	vadd.s32 v7, v44  }
0x263: {  	[tilespmem:$0x2F0] =	vst v9  }
0x264: {  	[tilespmem:s18], [sflag:$0x1] =	stream.indirect.gather [hbm4b:s1+s16], $0x1, s17, s16, $0xb8;
	[tilespmem:$0x600] =	vst v63  }
0x265: {  	_ = 	snop  }
0x266: {  	[tilespmem:s20], [sflag:$0x1] =	stream.indirect.gather [hbm4b:s1+s16], $0x1, s19, s16, $0xb8;
	[tilespmem:$0x600] =	vst v63  }
0x267: {  	_ =	swait.ge [sflag:s21], $0x80  }
0x268: {  	[sflag:s21] =	ssyncset.done $0x0  }
0x269: {  	[sflag:s21] =	ssyncadd.s32 $0xFFFFFF80  }
0x26a: {  	_ =	swait.ge [sflag:s21], $0x80  }
0x26b: {  	[sflag:s21] =	ssyncset.done $0x0  }
0x26c: {  	[sflag:s21] =	ssyncadd.s32 $0xFFFFFF80  }
0x26d: {  	v9 =	vld [tilespmem:$0x500];
	_ =	sdelay $0x4  }
0x26e: {  	v9 =	vmul.f32 $4.879016430e-02, v9;
	_ =	sdelay $0x1  }
0x26f: {  	v9 =	vmul.f32 $1.442695020e+00, v9;
	_ =	sdelay $0x1  }
0x270: {  	(erf) = vpow2.f32 v9;
	_ =	sdelay $0x1  }
0x271: {  	v9 =	vld [tilespmem:$0x510];
	_ =	sdelay $0x4  }
0x272: {  	v9 =	vmul.f32 $4.879016430e-02, v9;
	_ =	sdelay $0x1  }
0x273: {  	v9 =	vmul.f32 $1.442695020e+00, v9;
	v10 =	vpop (erf)  }
0x274: {  	(erf) = vrcp.f32 v10  }
0x275: {  	(erf) = vpow2.f32 v9;
	_ =	sdelay $0x1  }
0x276: {  	v9 =	vld [tilespmem:$0x520];
	_ =	sdelay $0x4  }
0x277: {  	v9 =	vmul.f32 $4.879016430e-02, v9  }
0x278: {  	v11 =	vpop (erf)  }
0x279: {  	v9 =	vmul.f32 $1.442695020e+00, v9;
	v46 =	vpop (erf)  }
0x27a: {  	(erf) = vrcp.f32 v46  }
0x27b: {  	(erf) = vpow2.f32 v9;
	_ =	sdelay $0x1  }
0x27c: {  	v9 =	vld [tilespmem:$0x530];
	_ =	sdelay $0x4  }
0x27d: {  	v9 =	vmul.f32 $4.879016430e-02, v9  }
0x27e: {  	v47 =	vpop (erf)  }
0x27f: {  	v9 =	vmul.f32 $1.442695020e+00, v9;
	v14 =	vpop (erf)  }
0x280: {  	(erf) = vrcp.f32 v14  }
0x281: {  	(erf) = vpow2.f32 v9;
	_ =	sdelay $0x1  }
0x282: {  	v9 =	vld [tilespmem:$0x540];
	_ =	sdelay $0x4  }
0x283: {  	v9 =	vmul.f32 $4.879016430e-02, v9  }
0x284: {  	v48 =	vpop (erf)  }
0x285: {  	v9 =	vmul.f32 $1.442695020e+00, v9;
	v16 =	vpop (erf)  }
0x286: {  	(erf) = vrcp.f32 v16  }
0x287: {  	(erf) = vpow2.f32 v9;
	_ =	sdelay $0x1  }
0x288: {  	v9 =	vld [tilespmem:$0x550];
	_ =	sdelay $0x4  }
0x289: {  	v9 =	vmul.f32 $4.879016430e-02, v9  }
0x28a: {  	v49 =	vpop (erf)  }
0x28b: {  	v9 =	vmul.f32 $1.442695020e+00, v9;
	v50 =	vpop (erf)  }
0x28c: {  	(erf) = vrcp.f32 v50  }
0x28d: {  	(erf) = vpow2.f32 v9;
	_ =	sdelay $0x1  }
0x28e: {  	v9 =	vld [tilespmem:$0x560];
	_ =	sdelay $0x4  }
0x28f: {  	v9 =	vmul.f32 $4.879016430e-02, v9  }
0x290: {  	v51 =	vpop (erf)  }
0x291: {  	v9 =	vmul.f32 $1.442695020e+00, v9;
	v52 =	vpop (erf)  }
0x292: {  	(erf) = vrcp.f32 v52  }
0x293: {  	(erf) = vpow2.f32 v9;
	_ =	sdelay $0x1  }
0x294: {  	v9 =	vld [tilespmem:$0x570];
	_ =	sdelay $0x4  }
0x295: {  	v9 =	vmul.f32 $4.879016430e-02, v9  }
0x296: {  	v53 =	vpop (erf)  }
0x297: {  	v9 =	vmul.f32 $1.442695020e+00, v9;
	v54 =	vpop (erf)  }
0x298: {  	(erf) = vrcp.f32 v54  }
0x299: {  	(erf) = vpow2.f32 v9;
	_ =	sdelay $0x1  }
0x29a: {  	v9 =	vld [tilespmem:$0x580];
	_ =	sdelay $0x4  }
0x29b: {  	v9 =	vmul.f32 $4.879016430e-02, v9  }
0x29c: {  	v55 =	vpop (erf)  }
0x29d: {  	v9 =	vmul.f32 $1.442695020e+00, v9;
	v56 =	vpop (erf)  }
0x29e: {  	(erf) = vrcp.f32 v56  }
0x29f: {  	(erf) = vpow2.f32 v9;
	_ =	sdelay $0x1  }
0x2a0: {  	v9 =	vld [tilespmem:$0x590];
	_ =	sdelay $0x4  }
0x2a1: {  	v9 =	vmul.f32 $4.879016430e-02, v9  }
0x2a2: {  	v57 =	vpop (erf)  }
0x2a3: {  	v9 =	vmul.f32 $1.442695020e+00, v9;
	v58 =	vpop (erf)  }
0x2a4: {  	(erf) = vrcp.f32 v58  }
0x2a5: {  	(erf) = vpow2.f32 v9;
	_ =	sdelay $0x1  }
0x2a6: {  	v9 =	vld [tilespmem:$0x5A0];
	_ =	sdelay $0x4  }
0x2a7: {  	v9 =	vmul.f32 $4.879016430e-02, v9  }
0x2a8: {  	v59 =	vpop (erf)  }
0x2a9: {  	v9 =	vmul.f32 $1.442695020e+00, v9;
	v28 =	vpop (erf)  }
0x2aa: {  	(erf) = vrcp.f32 v28  }
0x2ab: {  	(erf) = vpow2.f32 v9;
	_ =	sdelay $0x1  }
0x2ac: {  	v9 =	vld [tilespmem:$0x5B0];
	_ =	sdelay $0x4  }
0x2ad: {  	v9 =	vmul.f32 $4.879016430e-02, v9  }
0x2ae: {  	v29 =	vpop (erf)  }
0x2af: {  	v9 =	vmul.f32 $1.442695020e+00, v9;
	v30 =	vpop (erf)  }
0x2b0: {  	(erf) = vrcp.f32 v30  }
0x2b1: {  	(erf) = vpow2.f32 v9;
	_ =	sdelay $0x1  }
0x2b2: {  	v9 =	vld [tilespmem:$0x5C0];
	_ =	sdelay $0x4  }
0x2b3: {  	v9 =	vmul.f32 $4.879016430e-02, v9  }
0x2b4: {  	v31 =	vpop (erf)  }
0x2b5: {  	v9 =	vmul.f32 $1.442695020e+00, v9;
	v32 =	vpop (erf)  }
0x2b6: {  	(erf) = vrcp.f32 v32  }
0x2b7: {  	(erf) = vpow2.f32 v9;
	_ =	sdelay $0x1  }
0x2b8: {  	v9 =	vld [tilespmem:$0x5D0];
	_ =	sdelay $0x4  }
0x2b9: {  	v9 =	vmul.f32 $4.879016430e-02, v9  }
0x2ba: {  	v33 =	vpop (erf)  }
0x2bb: {  	v9 =	vmul.f32 $1.442695020e+00, v9;
	v34 =	vpop (erf)  }
0x2bc: {  	(erf) = vrcp.f32 v34  }
0x2bd: {  	(erf) = vpow2.f32 v9;
	_ =	sdelay $0x1  }
0x2be: {  	v9 =	vld [tilespmem:$0x5E0];
	_ =	sdelay $0x4  }
0x2bf: {  	v9 =	vmul.f32 $4.879016430e-02, v9  }
0x2c0: {  	v35 =	vpop (erf)  }
0x2c1: {  	v9 =	vmul.f32 $1.442695020e+00, v9;
	v36 =	vpop (erf)  }
0x2c2: {  	(erf) = vrcp.f32 v36  }
0x2c3: {  	(erf) = vpow2.f32 v9;
	_ =	sdelay $0x1  }
0x2c4: {  	v9 =	vld [tilespmem:$0x5F0];
	_ =	sdelay $0x4  }
0x2c5: {  	v9 =	vmul.f32 $4.879016430e-02, v9  }
0x2c6: {  	v37 =	vpop (erf)  }
0x2c7: {  	v60 =	vld [tilespmem:$0x300];
	v9 =	vmul.f32 $1.442695020e+00, v9;
	v39 =	vpop (erf)  }
0x2c8: {  	v61 =	vld [tilespmem:$0x310];
	(erf) = vrcp.f32 v39  }
0x2c9: {  	v62 =	vld [tilespmem:$0x320];
	(erf) = vpow2.f32 v9  }
0x2ca: {  	v63 =	vld [tilespmem:$0x340]  }
0x2cb: {  	v9 =	vld [tilespmem:$0x330];
	_ =	sdelay $0x1  }
0x2cc: {  	v45 =	vld [tilespmem:$0x350];
	vm1 =	vlt.f32 v60, $0.0e+00;
	vm2 =	vlt.f32 v61, $0.0e+00  }
0x2cd: {  	v10 =	vsel vm1, v10, v11;
	v11 =	vsel vm2, v46, v47;
	v46 =	vld [tilespmem:$0x360]  }
0x2ce: {  	vm1 =	vlt.f32 v62, $0.0e+00;
	v10 =	vmul.f32 v10, v60;
	v47 =	vld [tilespmem:$0x370];
	vm2 =	vlt.f32 v63, $0.0e+00  }
0x2cf: {  	v11 =	vmul.f32 v11, v61;
	v14 =	vsel vm1, v14, v48;
	v48 =	vld [tilespmem:$0x380];
	vm1 =	vlt.f32 v9, $0.0e+00  }
0x2d0: {  	[tilespmem:$0x400] =	vst v10;
	v14 =	vmul.f32 v14, v62;
	v10 =	vsel vm2, v50, v51;
	v50 =	vld [tilespmem:$0x390];
	v16 =	vsel vm1, v16, v49;
	v49 =	vpop (erf)  }
0x2d1: {  	[tilespmem:$0x410] =	vst v11;
	v11 =	vld [tilespmem:$0x3A0];
	v10 =	vmul.f32 v10, v63;
	vm1 =	vlt.f32 v45, $0.0e+00;
	v9 =	vmul.f32 v16, v9;
	v51 =	vpop (erf)  }
0x2d2: {  	[tilespmem:$0x420] =	vst v14;
	v52 =	vsel vm1, v52, v53;
	vm1 =	vlt.f32 v46, $0.0e+00;
	v53 =	vld [tilespmem:$0x3B0];
	(erf) = vrcp.f32 v51  }
0x2d3: {  	v54 =	vsel vm1, v54, v55;
	vm1 =	vlt.f32 v47, $0.0e+00;
	v55 =	vld [tilespmem:$0x3C0];
	[tilespmem:$0x430] =	vst v9;
	v9 =	vmul.f32 v52, v45  }
0x2d4: {  	[tilespmem:$0x440] =	vst v10;
	v10 =	vmul.f32 v54, v46;
	v56 =	vsel vm1, v56, v57;
	vm1 =	vlt.f32 v48, $0.0e+00;
	v57 =	vld [tilespmem:$0x3D0]  }
0x2d5: {  	v58 =	vsel vm1, v58, v59;
	vm1 =	vlt.f32 v50, $0.0e+00;
	v59 =	vld [tilespmem:$0x3E0];
	[tilespmem:$0x450] =	vst v9;
	v9 =	vmul.f32 v56, v47  }
0x2d6: {  	v61 =	vld [tilespmem:$0x3F0];
	[tilespmem:$0x460] =	vst v10;
	v10 =	vmul.f32 v58, v48;
	v60 =	vsel vm1, v28, v29;
	vm1 =	vlt.f32 v11, $0.0e+00  }
0x2d7: {  	v62 =	vsel vm1, v30, v31;
	vm1 =	vlt.f32 v53, $0.0e+00;
	[tilespmem:$0x470] =	vst v9;
	v9 =	vmul.f32 v60, v50  }
0x2d8: {  	[tilespmem:$0x480] =	vst v10;
	v10 =	vmul.f32 v62, v11;
	v11 =	vsel vm1, v32, v33;
	vm1 =	vlt.f32 v55, $0.0e+00  }
0x2d9: {  	[tilespmem:$0x490] =	vst v9;
	v9 =	vmul.f32 v11, v53;
	v11 =	vsel vm1, v34, v35;
	vm1 =	vlt.f32 v57, $0.0e+00  }
0x2da: {  	[tilespmem:$0x4A0] =	vst v10;
	v10 =	vmul.f32 v11, v55;
	v11 =	vsel vm1, v36, v37;
	vm1 =	vlt.f32 v59, $0.0e+00  }
0x2db: {  	[tilespmem:$0x4B0] =	vst v9;
	v9 =	vmul.f32 v11, v57;
	v11 =	vsel vm1, v39, v49;
	vm1 =	vlt.f32 v61, $0.0e+00;
	v63 =	vpop (erf)  }
0x2dc: {  	[tilespmem:$0x4C0] =	vst v10;
	v10 =	vmul.f32 v11, v59;
	v11 =	vsel vm1, v51, v63  }
0x2dd: {  	[tilespmem:$0x4D0] =	vst v9;
	v9 =	vmul.f32 v11, v61  }
0x2de: {  	[tilespmem:$0x4E0] =	vst v10  }
0x2df: {  	[tilespmem:$0x4F0] =	vst v9  }
0x2e0: {  	[hbm4b:s3+s16] =	stream.indirect.scatter [tilespmem:s23], [sflag:$0x1], $0x1, s22, s16, $0xb8;
	[tilespmem:$0x600] =	vst v63  }
0x2e1: {  	_ = 	snop  }
0x2e2: {  	[hbm4b:s3+s16] =	stream.indirect.scatter [tilespmem:s25], [sflag:$0x1], $0x1, s24, s16, $0xb8;
	[tilespmem:$0x600] =	vst v63  }
0x2e3: {  	p0 =	sne.s32 s13, $0x1;
	_ =	swait.ge [sflag:s21], $0x80  }
.Ltmp0:
0x2e4: {  	[sflag:s21] =	ssyncset.done $0x0;
	(pc) =	sbr.rel @p0 .LBB2_1-.Ltmp0, $4  }
0x2e5: {  	[sflag:s21] =	ssyncadd.s32 $0xFFFFFF80  }
0x2e6: {  	_ =	swait.ge [sflag:s21], $0x80  }
0x2e7: {  	[sflag:s21] =	ssyncset.done $0x0  }
0x2e8: {  	s13 =	sadd.s32 $0xFFFFFFFF, s13;
	[sflag:s21] =	ssyncadd.s32 $0xFFFFFF80  }
0x2e9: {  	_ =	sfence.sel $0x180000  }
0x2ea: {  	[bflag:$0x0] =	sbarrier.arrive $0xFFFF  }
0x2eb: {  	p0 =	sne.s32 s2, $0x0;
	_ =	strace $0x90000047  }
0x2ec: {  	s0 =	sadd.s32 @!p0 $0x100000, s0;
	[bflag:$0x2] =	sbarrier.arrive $0xFFFF  }
0x2ed: {  	[sflag:s0] =	ssyncadd.tile.s32 @!p0 $0x1;
	_ =	shalt  }
.Lfunc_end2:
_tile_overlayer_lowered:
.L_overlay_start_2:
0x2ee: {  	(tag) =	ssettag $0x2  }
0x2ef: {  	s0 =	rddreg [dreg:$0x0];
	s2 =	stileid.u32  }
0x2f0: {  	s1 =	rddreg [dreg:$0x1];
	p0 =	sne.s32 s2, $0x0  }
0x2f1: {  	s3 =	rddreg [dreg:$0x2];
	[bflag:$0x3] =	sbarrier.arrive $0xFFFF;
	s2 =	simm.s32 @!p0 $0x1C02  }
0x2f2: {  	[timem:s3], [sflag:s2] =	dma.local @!p0 [hbm:s0], s1  }
0x2f3: {  	s0 =	simm.s32 @!p0 $0x2  }
0x2f4: {  	_ =	swait.ge @!p0 [sflag:s0], s1  }
0x2f5: {  	s1 =	ssub.s32 @!p0 $0x0, s1;
	[sflag:s0] =	ssyncset.done @!p0 $0x0  }
0x2f6: {  	[sflag:s0] =	ssyncadd.s32 @!p0 s1  }
0x2f7: {  	[bflag:$0x3] =	sbarrier.arrive $0xFFFF  }
0x2f8: {  	_ =	shalt  }

// kernel: sparse-core-data-format-call.cloned.1.call-start
scs
called_computation_lowered:
.L_overlay_start_0:
0x0: {  	s2 =	sld [smem:$0x3FD9]  }
0x1: {  	s3 =	sld [smem:$0x3FFE];
	_ =	sdelay $0x1  }
0x2: {  	s1 =	srdreg.scid  }
0x3: {  	s0 =	sand.u32 $0x1, s1  }
0x4: {  	s18 =	sshll.u32 s0, $0xA;
	s2 =	sadd.s32 s3, s2  }
0x5: {  	s2 =	sadd.s32 s2, s18  }
0x6: {  	[smem:$0x3FC5] =	sst s2  }
0x7: {  	_ = 	snop  }
0x8: {  	s2 =	sld [smem:$0x3FD0];
	(tm) =	ssettm $0x1  }
0x9: {  	s19 =	sld [smem:$0x3FFB];
	_ =	sdelay $0x3  }
0xa: {  	_ =	strace s19  }
0xb: {  	s3 =	sld [smem:$0x3FFC];
	_ =	sdelay $0x3  }
0xc: {  	_ =	strace s3  }
0xd: {  	s3 =	sld [smem:$0x3FFD];
	_ =	sdelay $0x3  }
0xe: {  	_ =	strace s3  }
0xf: {  	_ =	strace $0x8FFFFFFF  }
0x10: {  	s20 =	sld [smem:$0x3FDB];
	_ =	sdelay $0x1  }
0x11: {  	s4 =	simm.s32 $_scs_section_size  }
0x12: {  	s5 =	simm.s32 $_size__tile_overlayer_lowered;
	s6 =	simm.s32 $_tile_overlayer_lowered  }
0x13: {  	s23 =	simm.s32 $0x1BFF;
	s22 =	sshll.u32 s6, $0x1;
	s3 =	sadd.s32 s4, s20  }
0x14: {  	s7 =	simm.s32 $0x0;
	s21 =	sshll.u32 s5, $0x1;
	s5 =	sadd.s32 s22, s3  }
0x15: {  	[timem:s7], [sflag:s23] =	dma.local [hbm:s5], s21  }
0x16: {  	_ =	swait.ge [sflag:s23], s21  }
0x17: {  	s4 =	ssub.s32 $0x0, s21;
	[sflag:s23] =	ssyncset.done $0x0  }
0x18: {  	[sflag:s23] =	ssyncadd.s32 s4;
	_ =	sdelay $0x1  }
0x19: {  	s24 =	simm.s32 $0x1B8B  }
0x1a: {  	_ =	swait.ge [sflag:s24], $0x1  }
0x1b: {  	[sflag:s24] =	ssyncset.done $0x0  }
0x1c: {  	s26 =	simm.s32 $0x1B8E;
	s25 =	sld [smem:$0x3FFE];
	[sflag:s24] =	ssyncadd.s32 $0xFFFFFFFF  }
0x1d: {  	s27 =	simm.s32 $execute0_lowered;
	[smem:$0x3FD2] =	sst s26  }
0x1e: {  	s5 =	sshll.u32 s27, $0x1;
	_ =	strace $0x80000049;
	[dreg:$0x1] =	wrdreg $0xFFFFFFFF  }
0x1f: {  	s28 =	simm.s32 $_size_execute0_lowered;
	s3 =	sadd.s32 s3, s5;
	[dreg:$0x0] =	wrdreg $0x0  }
0x20: {  	s5 =	sshll.u32 s28, $0x1;
	[dreg:$0x2] =	wrdreg s3  }
0x21: {  	[dreg:$0x3] =	wrdreg s5  }
0x22: {  	[dreg:$0x4] =	wrdreg $0xC0  }
0x23: {  	_ =	task [dreg:s7], $0x5FFFF  }
0x24: {  	[dreg:$0x1] =	wrdreg $0xFFFFFFFF  }
0x25: {  	[dreg:$0x0] =	wrdreg $0x60  }
0x26: {  	[dreg:$0x2] =	wrdreg s25  }
0x27: {  	[dreg:$0x3] =	wrdreg s2  }
0x28: {  	[dreg:$0x4] =	wrdreg $0x9  }
0x29: {  	_ =	task.clear_ibuf [dreg:s7], $0x5FFFF;
	_ =	strace $0x90000049  }
0x2a: {  	s29 =	simm.s32 $0x9;
	_ =	strace $0x8000004B  }
0x2b: {  	_ =	swait.ge [sflag:s29], $0x1  }
0x2c: {  	[sflag:s29] =	ssyncadd.s32 $0xFFFFFFFF  }
0x2d: {  	_ =	strace $0x9000004B  }
0x2e: {  	_ =	sfence  }
0x2f: {  	s30 =	sld [smem:$0x0];
	_ =	sdelay $0x2  }
0x30: {  	s31 =	sshll.u32 s1, $0xD;
	s1 =	sshrl.u32 s1, $0x2  }
0x31: {  	s3 =	sand.u32 $0x4000, s31;
	s1 =	sadd.s32 s1, s30  }
0x32: {  	s0 =	sor.u32 s3, s0;
	s1 =	sshll.u32 s1, $0x11  }
0x33: {  	s0 =	sor.u32 s1, s0  }
0x34: {  	s0 =	sadd.s32 $0x8F2B, s0  }
0x35: {  	[sflag:s0] =	ssyncadd.remote.s32 $0x1  }
0x36: {  	_ =	sfence.sel $0xFFFF  }
0x37: {  	[dreg:$0x0] =	wrdreg $0xFFFFFFFF;
	(pc) =	sbr.abs _section_cstart, $3  }
0x38: {  	[dreg:$0x1] =	wrdreg $0xFFFFFFFF  }
0x39: {  	_ =	task.clear_ibuf [dreg:s7], $0x2FFFF;
	_ =	strace $0x9FFFFFFF  }
0x3a: {  	(tm) =	ssettm $0x7FFFFFFF  }
0x3b: {  	_ =	shalt  }
tec
execute0_lowered:
.L_overlay_start_1:
0x0: {  	(tag) =	ssettag $0x1  }
0x1: {  	s4 =	rddreg [dreg:$0x0]  }
0x2: {  	s0 =	srdreg.scid;
	s2 =	rddreg [dreg:$0x1]  }
0x3: {  	s1 =	stileid.u32;
	s5 =	simm.s32 $0x1;
	s7 =	simm.s32 $0x2  }
0x4: {  	s14 =	simm.s32 $0x0;
	p0 =	por $0x0, $0x0;
	s0 =	sshll.u32 s0, $0x4  }
0x5: {  	s13 =	simm.s32 $0x0;
	s8 =	simm.s32 $0x0;
	s3 =	sand.u32 $0x10, s0  }
.Ltmp0:
0x6: {  	s9 =	simm.s32 $0x0;
	s3 =	sor.u32 s1, s3;
	(pc) =	sbr.rel .LBB1_1-.Ltmp0, $4  }
0x7: {  	s11 =	simm.s32 $0x0;
	s12 =	simm.s32 $0x0;
	s3 =	sshll.u32 s3, $0x7  }
0x8: {  	s0 =	rddreg [dreg:$0x2];
	_ =	strace $0x8000004A;
	s6 =	ssub.s32 $0x18680, s3  }
0x9: {  	s4 =	sadd.s32 $0xC00, s4;
	[sflag:s5] =	ssyncpa.u1 $0x0;
	s6 =	sshrl.u32 s6, $0xC  }
0xa: {  	[sflag:s7] =	ssyncpa.u1 $0x0;
	s10 =	smov.u32 s3;
	s7 =	sadd.s32 $0x2, s6  }
.LBB1_5:
0xb: {  	p1 =	slt.u32 s12, $0x2  }
0xc: {  	p2 =	sgt.s32 @!p1 s14, $0x18620  }
0xd: {  	s15 =	smov.u32 s14;
	s16 =	sshra.s32 @!p1 s14, $0x1F;
	p2 =	por !p2, p1  }
0xe: {  	s14 =	sand.u32 @!p1 s16, s14;
	s15 =	simm.s32 @p2 $0x18620  }
0xf: {  	s14 =	ssub.s32 @!p1 s15, s14;
	s15 =	ssub.s32 @!p1 $0x0, s13  }
0x10: {  	s17 =	smov.u32 s11;
	s16 =	sadd.s32 @!p1 $0xFFFE79E0, s14;
	s13 =	smin.u32 @!p1 s13, s15  }
0x11: {  	s14 =	ssub.s32 @!p1 $0x186A0, s14;
	p2 =	sgt.s32 @!p1 s16, $0x7F;
	p3 =	sgt.s32 @!p1 s13, $0x7F  }
0x12: {  	s13 =	ssub.s32 @!p1 $0x80, s13;
	p2 =	por !p2, p1;
	p3 =	por !p3, p1  }
0x13: {  	s15 =	sadd.s32 $0x1000, s10;
	s14 =	simm.s32 @!p2 $0x0;
	s13 =	simm.s32 @!p3 $0x0  }
0x14: {  	p2 =	sgt.s32 s15, $0x1869F;
	s13 =	smul.u32 @!p1 s13, s14;
	s14 =	sadd.s32 $0x80, s11  }
0x15: {  	s17 =	smov.u32 @p2 s14  }
0x16: {  	s15 =	smov.u32 @p2 s3;
	p2 =	sgt.s32 s17, $0x7F  }
0x17: {  	s17 =	simm.s32 @p2 $0x0;
	p2 =	sne.s32 s12, s7  }
.Ltmp1:
0x18: {  	p0 =	por !p0, !p0;
	s16 =	simm.s32 @!p1 $0x2;
	(pc) =	sbr.rel @!p2 .LBB1_6-.Ltmp1, $4  }
0x19: {  	s14 =	smov.u32 s8;
	s8 =	smov.u32 s10;
	s13 =	sand.u32 @!p1 $0x3FFFFFFF, s13  }
0x1a: {  	s10 =	smov.u32 s15;
	_ =	swait.ge @!p1 [sflag:s16], s13;
	s18 =	ssub.s32 @!p1 $0x0, s13  }
0x1b: {  	s13 =	smov.u32 s9;
	s12 =	sadd.s32 $0x1, s12;
	[sflag:s16] =	ssyncset.done @!p1 $0x0  }
0x1c: {  	s9 =	smov.u32 s11;
	s11 =	smov.u32 s17;
	[sflag:s16] =	ssyncadd.s32 @!p1 s18  }
.LBB1_1:
0x1d: {  	p1 =	sgt.u32 s12, s6  }
0x1e: {  	s15 =	sshrl.u32 @!p1 s11, $0x3  }
0x1f: {  	s16 =	sshll.u32 @!p1 s10, $0x3;
	s15 =	smul.u32 @!p1 $0xC3800, s15  }
0x20: {  	s17 =	sshll.u32 @!p1 s11, $0x7;
	s16 =	sand.u32 @!p1 $0xFFFFFC00, s16  }
0x21: {  	s15 =	sadd.s32 @!p1 s15, s16;
	s16 =	sand.u32 @!p1 $0x380, s17  }
0x22: {  	s17 =	sand.u32 @!p1 $0x7F, s10;
	s15 =	sor.u32 @!p1 s16, s15  }
0x23: {  	s16 =	sor.u32 @!p1 s17, s15  }
0x24: {  	s17 =	smulhi.u32 @!p1 $0xA79C7B17, s16;
	_ =	sdelay $0x1  }
0x25: {  	s15 =	smulhi.u32 @!p1 $0xA79C7B17, s15;
	s17 =	sshrl.u32 @!p1 s17, $0x10  }
0x26: {  	s17 =	smul.u32 @!p1 $0x18700, s17  }
0x27: {  	s18 =	sxor.u32 @!p1 $0xFFFFFFFF, s12;
	s15 =	sshrl.u32 @!p1 s15, $0x10  }
0x28: {  	s18 =	sshll.u32 @!p1 s18, $0xE;
	s15 =	sand.u32 @!p1 $0x7F, s15;
	s16 =	ssub.s32 @!p1 s16, s17  }
0x29: {  	s15 =	smul.u32 @!p1 $0x30E0, s15;
	s17 =	sshrl.u32 @!p1 s16, $0x3;
	s16 =	sand.u32 @!p1 $0x7, s16  }
0x2a: {  	s18 =	sand.u32 @!p1 $0x4000, s18;
	s17 =	sadd.s32 @!p1 s4, s17;
	s16 =	sshll.u32 @!p1 s16, $0x12  }
0x2b: {  	s15 =	sadd.s32 @!p1 s15, s17;
	s16 =	sor.u32 @!p1 $0x400, s16;
	s17 =	simm.s32 @!p1 $0xC3800  }
0x2c: {  	[tilespmem:s18], [sflag:$0x1] =	stream.strided.gather @!p1 [hbm4b:s15+s16], $0x4000, s17, s16, $0x38;
	[tilespmem:$0x10100] =	vst v63  }
0x2d: {  	p1 =	seq.s32 s12, $0x0  }
0x2e: {  	p2 =	sge.u32 @!p1 s12, s7  }
0x2f: {  	p1 =	por p1, p2  }
.Ltmp2:
0x30: {  	_ = 	snop;
	(pc) =	sbr.rel @p1 .LBB1_5-.Ltmp2, $1  }
0x31: {  	_ =	sdelay $0x3  }
0x32: {  	s15 =	simm.s32 $0x1  }
0x33: {  	_ =	swait.ge [sflag:s5], $0x4000;
	s15 =	simm.s32 @!p0 $0x0  }
0x34: {  	[sflag:s5] =	ssyncset.done $0x0;
	s16 =	sshll.u32 s15, $0xE  }
0x35: {  	[sflag:s5] =	ssyncadd.s32 $0xFFFFC000;
	s16 =	sor.u32 $0x40, s16  }
0x36: {  	s15 =	smul.u32 $0x10200, s15;
	v0 =	vld [tilespmem:s16+$0x30]  }
0x37: {  	v1 =	vld [tilespmem:s16+$0xFFFFFFD0]  }
0x38: {  	s15 =	sshrl.u32 s15, $0x2;
	v5 =	vld [tilespmem:s16+$0xFFFFFFE0]  }
0x39: {  	v6 =	vld [tilespmem:s16+$0xFFFFFFF0];
	s18 =	sor.u32 $0x8000, s15  }
0x3a: {  	s31 =	sand.u32 $0x1, s12;
	v4 =	vld [tilespmem:s16+$0x0];
	s17 =	sadd.s32 $0x0, s18  }
0x3b: {  	v3 =	vld [tilespmem:s16+$0x10];
	s15 =	smul.u32 $0x10200, s31;
	[tilespmem:s17+$0x3870 ss:$0x81] =	vst.msk $0xffff, v0  }
0x3c: {  	v2 =	vld [tilespmem:s16+$0x20];
	[tilespmem:s17+$0x810 ss:$0x81] =	vst.msk $0xffff, v1  }
0x3d: {  	s15 =	sshrl.u32 s15, $0x2;
	v0 =	vld [tilespmem:s16+$0xFFFFFFC0];
	[tilespmem:s17+$0x1020 ss:$0x81] =	vst.msk $0xffff, v5;
	s16 =	sadd.s32 $0x80, s16  }
0x3e: {  	s19 =	simm.s32 $0x4;
	s20 =	simm.s32 $0x8;
	s15 =	sor.u32 $0x8000, s15;
	[tilespmem:s17+$0x1830 ss:$0x81] =	vst.msk $0xffff, v6;
	v1 =	vld [tilespmem:s16+$0x30]  }
.LBB1_3:
0x3f: {  	p1 =	sne.s32 s20, $0x1FC;
	v5 =	vld [tilespmem:s16+$0xFFFFFFD0];
	[tilespmem:s17+$0x2040 ss:$0x81] =	vst.msk $0xffff, v4  }
0x40: {  	v6 =	vld [tilespmem:s16+$0xFFFFFFE0];
	[tilespmem:s17+$0x2850 ss:$0x81] =	vst.msk $0xffff, v3  }
0x41: {  	s21 =	sshra.s32 s19, $0x2;
	s19 =	smov.u32 s20;
	v7 =	vld [tilespmem:s16+$0xFFFFFFF0];
	[tilespmem:s17+$0x3060 ss:$0x81] =	vst.msk $0xffff, v2  }
.Ltmp3:
0x42: {  	v4 =	vld [tilespmem:s16+$0x0];
	[tilespmem:s17+$0x0 ss:$0x81] =	vst.msk $0xffff, v0;
	s17 =	sadd.s32 s21, s18;
	(pc) =	sbr.rel @p1 .LBB1_3-.Ltmp3, $4  }
0x43: {  	v3 =	vld [tilespmem:s16+$0x10];
	[tilespmem:s17+$0x3870 ss:$0x81] =	vst.msk $0xffff, v1  }
0x44: {  	[tilespmem:s17+$0x810 ss:$0x81] =	vst.msk $0xffff, v5;
	v2 =	vld [tilespmem:s16+$0x20]  }
0x45: {  	v0 =	vld [tilespmem:s16+$0xFFFFFFC0];
	[tilespmem:s17+$0x1020 ss:$0x81] =	vst.msk $0xffff, v6;
	s16 =	sadd.s32 $0x80, s16  }
0x46: {  	s20 =	sadd.s32 $0x4, s20;
	v1 =	vld [tilespmem:s16+$0x30];
	[tilespmem:s17+$0x1830 ss:$0x81] =	vst.msk $0xffff, v7  }
0x47: {  	s20 =	sshll.u32 s8, $0x7;
	s21 =	sshll.u32 s9, $0x3;
	s19 =	sshra.s32 s19, $0x2  }
0x48: {  	v5 =	vld [tilespmem:s16+$0xFFFFFFD0];
	[tilespmem:s17+$0x2040 ss:$0x81] =	vst.msk $0xffff, v4;
	p1 =	sgt.s32 s8, $0x18620;
	s22 =	sand.u32 $0xFFFFFC00, s20;
	s21 =	sand.u32 $0xFFFFFC00, s21  }
0x49: {  	v58 =	vld [tilespmem:s16+$0xFFFFFFE0];
	s24 =	sshra.s32 s8, $0x1F;
	s20 =	sand.u32 $0x380, s20;
	[tilespmem:s17+$0x2850 ss:$0x81] =	vst.msk $0xffff, v3;
	s21 =	sadd.s32 s21, s22  }
0x4a: {  	v59 =	vld [tilespmem:s16+$0xFFFFFFF0];
	s26 =	ssub.s32 $0x0, s9;
	s18 =	sadd.s32 s19, s18;
	[tilespmem:s17+$0x3060 ss:$0x81] =	vst.msk $0xffff, v2;
	s23 =	sor.u32 s20, s21  }
0x4b: {  	v60 =	vld [tilespmem:s16+$0x0];
	s28 =	smin.u32 s9, s26;
	s20 =	smov.u32 s8;
	[tilespmem:s17+$0x0 ss:$0x81] =	vst.msk $0xffff, v0;
	s19 =	sshrl.u32 s23, $0x7  }
0x4c: {  	v61 =	vld [tilespmem:s16+$0x10];
	s21 =	sand.u32 s24, s8;
	s20 =	simm.s32 @!p1 $0x18620;
	[tilespmem:s18+$0x3870 ss:$0x81] =	vst.msk $0xffff, v1;
	s25 =	smulhi.u32 $0x14F8B59, s19  }
0x4d: {  	v62 =	vld [tilespmem:s16+$0x20];
	s29 =	sshrl.u32 s9, $0x3;
	p2 =	sgt.s32 s28, $0x7F;
	s20 =	ssub.s32 s20, s21;
	[tilespmem:s18+$0x810 ss:$0x81] =	vst.msk $0xffff, v5  }
0x4e: {  	v63 =	vld [tilespmem:s16+$0xFFFFFFC0];
	[tilespmem:s18+$0x1020 ss:$0x81] =	vst.msk $0xffff, v58;
	s21 =	sadd.s32 $0xFFFE79E0, s20;
	s20 =	ssub.s32 $0x186A0, s20;
	s17 =	sshrl.u32 s25, $0x9  }
0x4f: {  	[tilespmem:s18+$0x1830 ss:$0x81] =	vst.msk $0xffff, v59;
	p1 =	sgt.s32 s21, $0x7F;
	s27 =	smul.u32 $0x186A0, s17;
	s17 =	ssub.s32 $0x80, s28  }
.Ltmp4:
0x50: {  	[tilespmem:s18+$0x2040 ss:$0x81] =	vst.msk $0xffff, v60;
	s20 =	simm.s32 @p1 $0x0;
	s17 =	simm.s32 @p2 $0x0;
	(pc) =	sbr.rel .LBB1_5-.Ltmp4, $4  }
0x51: {  	s30 =	sand.u32 $0xF, s29;
	[tilespmem:s18+$0x2850 ss:$0x81] =	vst.msk $0xffff, v61;
	s16 =	ssub.s32 s19, s27;
	s17 =	smul.u32 s17, s20  }
0x52: {  	[tilespmem:s18+$0x3060 ss:$0x81] =	vst.msk $0xffff, v62;
	s19 =	sadd.s32 s2, s30;
	s16 =	sshll.u32 s16, $0x4  }
0x53: {  	s31 =	sand.u32 $0x7, s9;
	[tilespmem:s18+$0x0 ss:$0x81] =	vst.msk $0xffff, v63;
	s17 =	sand.u32 $0x3FFFFFFF, s17;
	s16 =	sadd.s32 s16, s19  }
0x54: {  	[hbm4b:s16+s31] =	stream.linear.scatter [tilespmem:s15], [sflag:$0x2], s17, $0x20;
	[tilespmem:$0x10100] =	vst v63  }
.LBB1_6:
0x55: {  	_ =	sfence.sel $0x180000  }
0x56: {  	s2 =	simm.s32 $0x1;
	[bflag:$0x0] =	sbarrier.arrive $0xFFFF  }
0x57: {  	s31 =	simm.s32 $0x2;
	[sflag:s2] =	ssyncpa.u1 $0x1  }
0x58: {  	[sflag:s31] =	ssyncpa.u1 $0x1  }
0x59: {  	p0 =	sne.s32 s1, $0x0;
	_ =	strace $0x9000004A  }
0x5a: {  	s0 =	sadd.s32 @!p0 $0x100000, s0;
	[bflag:$0x2] =	sbarrier.arrive $0xFFFF  }
0x5b: {  	[sflag:s0] =	ssyncadd.tile.s32 @!p0 $0x1;
	_ =	shalt  }
.Lfunc_end1:
_tile_overlayer_lowered:
.L_overlay_start_2:
0x5c: {  	(tag) =	ssettag $0x2  }
0x5d: {  	s0 =	rddreg [dreg:$0x0];
	s2 =	stileid.u32  }
0x5e: {  	s1 =	rddreg [dreg:$0x1];
	p0 =	sne.s32 s2, $0x0  }
0x5f: {  	s3 =	rddreg [dreg:$0x2];
	[bflag:$0x3] =	sbarrier.arrive $0xFFFF;
	s2 =	simm.s32 @!p0 $0x1C01  }
0x60: {  	[timem:s3], [sflag:s2] =	dma.local @!p0 [hbm:s0], s1  }
0x61: {  	s0 =	simm.s32 @!p0 $0x1  }
0x62: {  	_ =	swait.ge @!p0 [sflag:s0], s1  }
0x63: {  	s1 =	ssub.s32 @!p0 $0x0, s1;
	[sflag:s0] =	ssyncset.done @!p0 $0x0  }
0x64: {  	[sflag:s0] =	ssyncadd.s32 @!p0 s1  }
0x65: {  	[bflag:$0x3] =	sbarrier.arrive $0xFFFF  }
0x66: {  	_ =	shalt  }

</sc_bundles>
